<compile_context>
chip_gen: v7x
topology: tpu7x:2x2x1
jax: 0.10.2.dev20260603
libtpu: 0.0.44.dev20260713+nightly
codegen_flags: <defaults>
</compile_context>

<pallas_src>
import functools

import jax
import jax.numpy as jnp
from jax import lax
from jax.experimental import pallas as pl
from jax.experimental.pallas import tpu as pltpu
from jax.experimental.pallas import tpu_sc as plsc

B = 16384
D = 32
L = 16
NC = 2
NS = 16
NW = NC * NS
B_PER_W = B // NW
G = 4
NGRP = B_PER_W // G
NCG = D // 8


def _make_kernel():
    mesh = plsc.VectorSubcoreMesh(core_axis_name="c", subcore_axis_name="s")

    @functools.partial(
        pl.kernel,
        mesh=mesh,
        out_type=jax.ShapeDtypeStruct((B,), jnp.float32),
        compiler_params=pltpu.CompilerParams(
            needs_layout_passes=False, skip_device_barrier=True
        ),
        scratch_types=[
            pltpu.VMEM((B_PER_W,), jnp.int32),
            pltpu.VMEM((B_PER_W,), jnp.int32),
            pltpu.VMEM((2, G * D, 128), jnp.float32),
            pltpu.VMEM((2, G * D, 128), jnp.float32),
            pltpu.VMEM((B_PER_W * D,), jnp.float32),
            pltpu.VMEM((B_PER_W * D,), jnp.float32),
            pltpu.VMEM((B_PER_W,), jnp.float32),
            pltpu.SemaphoreType.DMA,
            pltpu.SemaphoreType.DMA,
            pltpu.SemaphoreType.DMA,
            pltpu.SemaphoreType.DMA,
        ],
    )
    def k(uidx_hbm, iidx_hbm, utab_hbm, itab_hbm, out_hbm,
          uidx_v, iidx_v, utiles_v, itiles_v,
          urows_v, irows_v, out_v,
          usem0, usem1, isem0, isem1):
        wid = lax.axis_index("s") * NC + lax.axis_index("c")
        base = wid * B_PER_W
        pltpu.sync_copy(uidx_hbm.at[pl.ds(base, B_PER_W)], uidx_v)
        pltpu.sync_copy(iidx_hbm.at[pl.ds(base, B_PER_W)], iidx_v)
        usems = [usem0, usem1]
        isems = [isem0, isem1]
        lanes = lax.iota(jnp.int32, L)

        def sread(vec_ref, j):
            chunk = vec_ref[pl.ds((j // L) * L, L)]
            return jnp.sum(jnp.where(lanes == j % L, chunk, 0))

        def fire(grp, buf):
            for g in range(G):
                b = grp * G + g
                ur = sread(uidx_v, b)
                ir = sread(iidx_v, b)
                uoff = pl.multiple_of((ur >> 7) * 128, 128)
                ioff = pl.multiple_of((ir >> 7) * 128, 128)
                pltpu.async_copy(
                    utab_hbm.at[:, pl.ds(uoff, 128)],
                    utiles_v.at[buf, pl.ds(g * D, D), :],
                    usems[buf],
                )
                pltpu.async_copy(
                    itab_hbm.at[:, pl.ds(ioff, 128)],
                    itiles_v.at[buf, pl.ds(g * D, D), :],
                    isems[buf],
                )

        def drain(buf):
            for _ in range(G):
                pltpu.make_async_copy(
                    utab_hbm.at[:, pl.ds(0, 128)],
                    utiles_v.at[buf, pl.ds(0, D), :],
                    usems[buf],
                ).wait()
                pltpu.make_async_copy(
                    itab_hbm.at[:, pl.ds(0, 128)],
                    itiles_v.at[buf, pl.ds(0, D), :],
                    isems[buf],
                ).wait()

        def extract(grp, buf):
            bufv = jnp.full((L,), buf, jnp.int32)
            for g in range(G):
                b = grp * G + g
                ul = jnp.full((L,), sread(uidx_v, b) & 127, jnp.int32)
                il = jnp.full((L,), sread(iidx_v, b) & 127, jnp.int32)
                for h in range(2):
                    rows = g * D + h * L + lanes
                    u = plsc.load_gather(utiles_v, [bufv, rows, ul])
                    iv = plsc.load_gather(itiles_v, [bufv, rows, il])
                    urows_v[pl.ds(b * D + h * L, L)] = u
                    irows_v[pl.ds(b * D + h * L, L)] = iv

        fire(0, 0)

        def pipe(kk, carry):
            fire(2 * kk + 1, 1)
            drain(0)
            extract(2 * kk, 0)

            @pl.when(kk < NGRP // 2 - 1)
            def _():
                fire(2 * kk + 2, 0)

            drain(1)
            extract(2 * kk + 1, 1)
            return carry

        lax.fori_loop(0, NGRP // 2, pipe, 0)

        def body(g, carry):
            flat0 = (g * L + lanes) * D
            acc = jnp.zeros((L,), jnp.float32)
            for d in range(D):
                u = plsc.load_gather(urows_v, [flat0 + d])
                iv = plsc.load_gather(irows_v, [flat0 + d])
                acc = acc + u * iv
            out_v[pl.ds(g * L, L)] = acc
            return carry

        lax.fori_loop(0, B_PER_W // L, body, 0)
        pltpu.sync_copy(out_v, out_hbm.at[pl.ds(base, B_PER_W)])

    return k


_pmf_kernel = _make_kernel()


def kernel(users_index, items_index, user_table, item_table):
    return _pmf_kernel(
        users_index.astype(jnp.int32),
        items_index.astype(jnp.int32),
        user_table.T,
        item_table.T,
    )

# --- scband reference (transcript-rebuilt; emitter-appended) ---
"""Pipeline reference for scband-pmf-78700980732245 (READ-ONLY COPY).

The authoritative reference and input builder live on the scoring server;
editing this copy changes nothing except your own understanding.
"""

import jax, jax.numpy as jnp
import numpy as np

N_USERS = 1000000
N_ITEMS = 1000000
N_FACTORS = 32
BATCH = 16384


def setup_inputs(seed: int = 0) -> dict:
    key = jax.random.key(seed)
    k1, k2, k3, k4 = jax.random.split(key, 4)
    users_index = jax.random.randint(k1, (BATCH,), 0, N_USERS, dtype=jnp.int64 if jax.config.jax_enable_x64 else jnp.int32)
    items_index = jax.random.randint(k2, (BATCH,), 0, N_ITEMS, dtype=jnp.int64 if jax.config.jax_enable_x64 else jnp.int32)
    # PMF initializes embeddings as 0.1 * uniform[0,1)
    user_table = 0.1 * jax.random.uniform(k3, (N_USERS, N_FACTORS), dtype=jnp.float32)
    item_table = 0.1 * jax.random.uniform(k4, (N_ITEMS, N_FACTORS), dtype=jnp.float32)
    return {
        "users_index": users_index,
        "items_index": items_index,
        "user_table": user_table,
        "item_table": item_table,
    }


def reference(users_index, items_index, user_table, item_table):
    # user_h1 = self.user_embeddings(users_index)
    user_h1 = jnp.take(user_table, users_index, axis=0)
    # item_h1 = self.item_embeddings(items_index)
    item_h1 = jnp.take(item_table, items_index, axis=0)
    # R_h = (user_h1 * item_h1).sum(1)
    R_h = (user_h1 * item_h1).sum(axis=1)
    return R_h

if __name__ == "__main__":
    import jax
    _d = setup_inputs()
    print(jax.jit(kernel)(*tuple(_d.values())))

</pallas_src>

<mosaic_0001>
#map = affine_map<(d0, d1) -> (0)>
#map1 = affine_map<(d0, d1) -> (0, 0)>
module attributes {stable_mosaic.version = 14 : i64} {
  func.func @k(%arg0: i32, %arg1: i32, %arg2: memref<16384xi32, #tpu.memory_space<hbm>>, %arg3: memref<16384xi32, #tpu.memory_space<hbm>>, %arg4: memref<32x1000000xf32, #tpu.memory_space<hbm>>, %arg5: memref<32x1000000xf32, #tpu.memory_space<hbm>>, %arg6: memref<16384xf32, #tpu.memory_space<hbm>>, %arg7: memref<512xi32, #tpu.memory_space<vmem>>, %arg8: memref<512xi32, #tpu.memory_space<vmem>>, %arg9: memref<2x128x128xf32, #tpu.memory_space<vmem>>, %arg10: memref<2x128x128xf32, #tpu.memory_space<vmem>>, %arg11: memref<16384xf32, #tpu.memory_space<vmem>>, %arg12: memref<16384xf32, #tpu.memory_space<vmem>>, %arg13: memref<512xf32, #tpu.memory_space<vmem>>, %arg14: memref<!tpu.dma_semaphore, #tpu.memory_space<semaphore_mem>>, %arg15: memref<!tpu.dma_semaphore, #tpu.memory_space<semaphore_mem>>, %arg16: memref<!tpu.dma_semaphore, #tpu.memory_space<semaphore_mem>>, %arg17: memref<!tpu.dma_semaphore, #tpu.memory_space<semaphore_mem>>) attributes {dimension_semantics = [#tpu.dimension_semantics<core_parallel>, #tpu.dimension_semantics<subcore_parallel>], iteration_bounds = array<i64: 2, 16>, scalar_prefetch = 0 : i64, scratch_operands = 11 : i64, tpu.core_type = #tpu.core_type<sc_vector_subcore>, window_params = [{transform_indices = #map}, {transform_indices = #map}, {transform_indices = #map1}, {transform_indices = #map1}, {transform_indices = #map}]} {
    %mul3A = arith.constant 2 : i32
    %mul3A_0 = arith.muli %arg1, %mul3A : i32
    %add3A = arith.addi %mul3A_0, %arg0 : i32
    %mul3A_1 = arith.constant 512 : i32
    %mul3A_2 = arith.muli %add3A, %mul3A_1 : i32
    "tpu.region"() ({
      %run_scoped3A = tpu.sem_alloc : memref<!tpu.dma_semaphore, #tpu.memory_space<semaphore_mem>>
      %dma_start3A_245 = tpu.memref_slice %arg2[%mul3A_2] : memref<16384xi32, #tpu.memory_space<hbm>> -> memref<512xi32, #tpu.memory_space<hbm>>
      %dma_start3A_246 = tpu.memref_slice %arg2[%mul3A_2] : memref<16384xi32, #tpu.memory_space<hbm>> -> memref<512xi32, #tpu.memory_space<hbm>>
      tpu.enqueue_dma source(%dma_start3A_246 : memref<512xi32, #tpu.memory_space<hbm>>) target(%arg7 : memref<512xi32, #tpu.memory_space<vmem>>) target_semaphore(%run_scoped3A : memref<!tpu.dma_semaphore, #tpu.memory_space<semaphore_mem>>)
      %dma_wait3A = tpu.memref_slice %arg2[%mul3A_2] : memref<16384xi32, #tpu.memory_space<hbm>> -> memref<512xi32, #tpu.memory_space<hbm>>
      %dma_wait3A_247 = tpu.memref_slice %arg2[%mul3A_2] : memref<16384xi32, #tpu.memory_space<hbm>> -> memref<512xi32, #tpu.memory_space<hbm>>
      tpu.wait_dma2 semaphore(%run_scoped3A : memref<!tpu.dma_semaphore, #tpu.memory_space<semaphore_mem>>) src(%dma_wait3A_247 : memref<512xi32, #tpu.memory_space<hbm>>) dst(%arg7 : memref<512xi32, #tpu.memory_space<vmem>>)
      tpu.yield
    }) : () -> ()
    "tpu.region"() ({
      %run_scoped3A = tpu.sem_alloc : memref<!tpu.dma_semaphore, #tpu.memory_space<semaphore_mem>>
      %dma_start3A_245 = tpu.memref_slice %arg3[%mul3A_2] : memref<16384xi32, #tpu.memory_space<hbm>> -> memref<512xi32, #tpu.memory_space<hbm>>
      %dma_start3A_246 = tpu.memref_slice %arg3[%mul3A_2] : memref<16384xi32, #tpu.memory_space<hbm>> -> memref<512xi32, #tpu.memory_space<hbm>>
      tpu.enqueue_dma source(%dma_start3A_246 : memref<512xi32, #tpu.memory_space<hbm>>) target(%arg8 : memref<512xi32, #tpu.memory_space<vmem>>) target_semaphore(%run_scoped3A : memref<!tpu.dma_semaphore, #tpu.memory_space<semaphore_mem>>)
      %dma_wait3A = tpu.memref_slice %arg3[%mul3A_2] : memref<16384xi32, #tpu.memory_space<hbm>> -> memref<512xi32, #tpu.memory_space<hbm>>
      %dma_wait3A_247 = tpu.memref_slice %arg3[%mul3A_2] : memref<16384xi32, #tpu.memory_space<hbm>> -> memref<512xi32, #tpu.memory_space<hbm>>
      tpu.wait_dma2 semaphore(%run_scoped3A : memref<!tpu.dma_semaphore, #tpu.memory_space<semaphore_mem>>) src(%dma_wait3A_247 : memref<512xi32, #tpu.memory_space<hbm>>) dst(%arg8 : memref<512xi32, #tpu.memory_space<vmem>>)
      tpu.yield
    }) : () -> ()
    %iota3A = tpu.iota {dimensions = array<i32: 0>} : vector<16xi32>
    %get3A = arith.constant 0 : index
    %get3A_3 = tpu.vector_load %arg7[%get3A] {strides = array<i32>} : memref<512xi32, #tpu.memory_space<vmem>>, vector<16xi32>,
    %eq3A = arith.constant 0 : i32
    %eq3A_4 = vector.broadcast %eq3A : i32 to vector<16xi32>
    %eq3A_5 = arith.cmpi eq, %iota3A, %eq3A_4 : vector<16xi32>
    %jit3A = arith.constant 0 : i32
    %broadcast_in_dim3A = vector.broadcast %jit3A : i32 to vector<16xi32>
    %select_n3A = arith.select %eq3A_5, %get3A_3, %broadcast_in_dim3A : vector<16xi1>, vector<16xi32>
    %reduce_sum3A = arith.constant true
    %reduce_sum3A_6 = vector.broadcast %reduce_sum3A : i1 to vector<16xi1>
    %reduce_sum3A_7 = tpu.scan <sum>, %select_n3A masked %reduce_sum3A_6 : vector<16xi32>, vector<16xi1> -> vector<16xi32>
    %reduce_sum3A_8 = vector.extract %reduce_sum3A_7[15] : i32 from vector<16xi32>
    %get3A_9 = arith.constant 0 : index
    %get3A_10 = tpu.vector_load %arg8[%get3A_9] {strides = array<i32>} : memref<512xi32, #tpu.memory_space<vmem>>, vector<16xi32>,
    %eq3A_11 = arith.constant 0 : i32
    %eq3A_12 = vector.broadcast %eq3A_11 : i32 to vector<16xi32>
    %eq3A_13 = arith.cmpi eq, %iota3A, %eq3A_12 : vector<16xi32>
    %jit3A_14 = arith.constant 0 : i32
    %broadcast_in_dim3A_15 = vector.broadcast %jit3A_14 : i32 to vector<16xi32>
    %select_n3A_16 = arith.select %eq3A_13, %get3A_10, %broadcast_in_dim3A_15 : vector<16xi1>, vector<16xi32>
    %reduce_sum3A_17 = arith.constant true
    %reduce_sum3A_18 = vector.broadcast %reduce_sum3A_17 : i1 to vector<16xi1>
    %reduce_sum3A_19 = tpu.scan <sum>, %select_n3A_16 masked %reduce_sum3A_18 : vector<16xi32>, vector<16xi1> -> vector<16xi32>
    %reduce_sum3A_20 = vector.extract %reduce_sum3A_19[15] : i32 from vector<16xi32>
    %shift_right_arithmetic3A = arith.constant 7 : i32
    %shift_right_arithmetic3A_21 = arith.shrsi %reduce_sum3A_8, %shift_right_arithmetic3A : i32
    %mul3A_22 = arith.constant 128 : i32
    %mul3A_23 = arith.muli %shift_right_arithmetic3A_21, %mul3A_22 : i32
    %multiple_of3A = tpu.assume_multiple %mul3A_23, 128 : i32
    %shift_right_arithmetic3A_24 = arith.constant 7 : i32
    %shift_right_arithmetic3A_25 = arith.shrsi %reduce_sum3A_20, %shift_right_arithmetic3A_24 : i32
    %mul3A_26 = arith.constant 128 : i32
    %mul3A_27 = arith.muli %shift_right_arithmetic3A_25, %mul3A_26 : i32
    %multiple_of3A_28 = tpu.assume_multiple %mul3A_27, 128 : i32
    %dma_start3A = arith.constant 0 : i32
    %dma_start3A_29 = arith.constant 0 : i32
    %dma_start3A_30 = arith.constant 0 : i32
    %dma_start3A_31 = tpu.memref_slice %arg9[%dma_start3A, %dma_start3A_29, %dma_start3A_30] : memref<2x128x128xf32, #tpu.memory_space<vmem>> -> memref<1x32x128xf32, #tpu.memory_space<vmem>>
    %dma_start3A_32 = tpu.memref_squeeze %dma_start3A_31 : memref<1x32x128xf32, #tpu.memory_space<vmem>> -> memref<32x128xf32, #tpu.memory_space<vmem>>
    %dma_start3A_33 = arith.constant 0 : i32
    %dma_start3A_34 = tpu.memref_slice %arg4[%dma_start3A_33, %multiple_of3A] : memref<32x1000000xf32, #tpu.memory_space<hbm>> -> memref<32x128xf32, #tpu.memory_space<hbm>>
    %dma_start3A_35 = arith.constant 0 : i32
    %dma_start3A_36 = arith.constant 0 : i32
    %dma_start3A_37 = tpu.memref_slice %arg9[%dma_start3A, %dma_start3A_35, %dma_start3A_36] : memref<2x128x128xf32, #tpu.memory_space<vmem>> -> memref<1x32x128xf32, #tpu.memory_space<vmem>>
    %dma_start3A_38 = tpu.memref_squeeze %dma_start3A_37 : memref<1x32x128xf32, #tpu.memory_space<vmem>> -> memref<32x128xf32, #tpu.memory_space<vmem>>
    %dma_start3A_39 = arith.constant 0 : i32
    %dma_start3A_40 = tpu.memref_slice %arg4[%dma_start3A_39, %multiple_of3A] : memref<32x1000000xf32, #tpu.memory_space<hbm>> -> memref<32x128xf32, #tpu.memory_space<hbm>>
    tpu.enqueue_dma source(%dma_start3A_40 : memref<32x128xf32, #tpu.memory_space<hbm>>) target(%dma_start3A_38 : memref<32x128xf32, #tpu.memory_space<vmem>>) target_semaphore(%arg14 : memref<!tpu.dma_semaphore, #tpu.memory_space<semaphore_mem>>)
    %dma_start3A_41 = arith.constant 0 : i32
    %dma_start3A_42 = arith.constant 0 : i32
    %dma_start3A_43 = arith.constant 0 : i32
    %dma_start3A_44 = tpu.memref_slice %arg10[%dma_start3A_41, %dma_start3A_42, %dma_start3A_43] : memref<2x128x128xf32, #tpu.memory_space<vmem>> -> memref<1x32x128xf32, #tpu.memory_space<vmem>>
    %dma_start3A_45 = tpu.memref_squeeze %dma_start3A_44 : memref<1x32x128xf32, #tpu.memory_space<vmem>> -> memref<32x128xf32, #tpu.memory_space<vmem>>
    %dma_start3A_46 = arith.constant 0 : i32
    %dma_start3A_47 = tpu.memref_slice %arg5[%dma_start3A_46, %multiple_of3A_28] : memref<32x1000000xf32, #tpu.memory_space<hbm>> -> memref<32x128xf32, #tpu.memory_space<hbm>>
    %dma_start3A_48 = arith.constant 0 : i32
    %dma_start3A_49 = arith.constant 0 : i32
    %dma_start3A_50 = tpu.memref_slice %arg10[%dma_start3A_41, %dma_start3A_48, %dma_start3A_49] : memref<2x128x128xf32, #tpu.memory_space<vmem>> -> memref<1x32x128xf32, #tpu.memory_space<vmem>>
    %dma_start3A_51 = tpu.memref_squeeze %dma_start3A_50 : memref<1x32x128xf32, #tpu.memory_space<vmem>> -> memref<32x128xf32, #tpu.memory_space<vmem>>
    %dma_start3A_52 = arith.constant 0 : i32
    %dma_start3A_53 = tpu.memref_slice %arg5[%dma_start3A_52, %multiple_of3A_28] : memref<32x1000000xf32, #tpu.memory_space<hbm>> -> memref<32x128xf32, #tpu.memory_space<hbm>>
    tpu.enqueue_dma source(%dma_start3A_53 : memref<32x128xf32, #tpu.memory_space<hbm>>) target(%dma_start3A_51 : memref<32x128xf32, #tpu.memory_space<vmem>>) target_semaphore(%arg16 : memref<!tpu.dma_semaphore, #tpu.memory_space<semaphore_mem>>)
    %get3A_54 = arith.constant 0 : index
    %get3A_55 = tpu.vector_load %arg7[%get3A_54] {strides = array<i32>} : memref<512xi32, #tpu.memory_space<vmem>>, vector<16xi32>,
    %eq3A_56 = arith.constant 1 : i32
    %eq3A_57 = vector.broadcast %eq3A_56 : i32 to vector<16xi32>
    %eq3A_58 = arith.cmpi eq, %iota3A, %eq3A_57 : vector<16xi32>
    %jit3A_59 = arith.constant 0 : i32
    %broadcast_in_dim3A_60 = vector.broadcast %jit3A_59 : i32 to vector<16xi32>
    %select_n3A_61 = arith.select %eq3A_58, %get3A_55, %broadcast_in_dim3A_60 : vector<16xi1>, vector<16xi32>
    %reduce_sum3A_62 = arith.constant true
    %reduce_sum3A_63 = vector.broadcast %reduce_sum3A_62 : i1 to vector<16xi1>
    %reduce_sum3A_64 = tpu.scan <sum>, %select_n3A_61 masked %reduce_sum3A_63 : vector<16xi32>, vector<16xi1> -> vector<16xi32>
    %reduce_sum3A_65 = vector.extract %reduce_sum3A_64[15] : i32 from vector<16xi32>
    %get3A_66 = arith.constant 0 : index
    %get3A_67 = tpu.vector_load %arg8[%get3A_66] {strides = array<i32>} : memref<512xi32, #tpu.memory_space<vmem>>, vector<16xi32>,
    %eq3A_68 = arith.constant 1 : i32
    %eq3A_69 = vector.broadcast %eq3A_68 : i32 to vector<16xi32>
    %eq3A_70 = arith.cmpi eq, %iota3A, %eq3A_69 : vector<16xi32>
    %jit3A_71 = arith.constant 0 : i32
    %broadcast_in_dim3A_72 = vector.broadcast %jit3A_71 : i32 to vector<16xi32>
    %select_n3A_73 = arith.select %eq3A_70, %get3A_67, %broadcast_in_dim3A_72 : vector<16xi1>, vector<16xi32>
    %reduce_sum3A_74 = arith.constant true
    %reduce_sum3A_75 = vector.broadcast %reduce_sum3A_74 : i1 to vector<16xi1>
    %reduce_sum3A_76 = tpu.scan <sum>, %select_n3A_73 masked %reduce_sum3A_75 : vector<16xi32>, vector<16xi1> -> vector<16xi32>
    %reduce_sum3A_77 = vector.extract %reduce_sum3A_76[15] : i32 from vector<16xi32>
    %shift_right_arithmetic3A_78 = arith.constant 7 : i32
    %shift_right_arithmetic3A_79 = arith.shrsi %reduce_sum3A_65, %shift_right_arithmetic3A_78 : i32
    %mul3A_80 = arith.constant 128 : i32
    %mul3A_81 = arith.muli %shift_right_arithmetic3A_79, %mul3A_80 : i32
    %multiple_of3A_82 = tpu.assume_multiple %mul3A_81, 128 : i32
    %shift_right_arithmetic3A_83 = arith.constant 7 : i32
    %shift_right_arithmetic3A_84 = arith.shrsi %reduce_sum3A_77, %shift_right_arithmetic3A_83 : i32
    %mul3A_85 = arith.constant 128 : i32
    %mul3A_86 = arith.muli %shift_right_arithmetic3A_84, %mul3A_85 : i32
    %multiple_of3A_87 = tpu.assume_multiple %mul3A_86, 128 : i32
    %dma_start3A_88 = arith.constant 0 : i32
    %dma_start3A_89 = arith.constant 32 : i32
    %dma_start3A_90 = arith.constant 0 : i32
    %dma_start3A_91 = tpu.memref_slice %arg9[%dma_start3A_88, %dma_start3A_89, %dma_start3A_90] : memref<2x128x128xf32, #tpu.memory_space<vmem>> -> memref<1x32x128xf32, #tpu.memory_space<vmem>>
    %dma_start3A_92 = tpu.memref_squeeze %dma_start3A_91 : memref<1x32x128xf32, #tpu.memory_space<vmem>> -> memref<32x128xf32, #tpu.memory_space<vmem>>
    %dma_start3A_93 = arith.constant 0 : i32
    %dma_start3A_94 = tpu.memref_slice %arg4[%dma_start3A_93, %multiple_of3A_82] : memref<32x1000000xf32, #tpu.memory_space<hbm>> -> memref<32x128xf32, #tpu.memory_space<hbm>>
    %dma_start3A_95 = arith.constant 32 : i32
    %dma_start3A_96 = arith.constant 0 : i32
    %dma_start3A_97 = tpu.memref_slice %arg9[%dma_start3A_88, %dma_start3A_95, %dma_start3A_96] : memref<2x128x128xf32, #tpu.memory_space<vmem>> -> memref<1x32x128xf32, #tpu.memory_space<vmem>>
    %dma_start3A_98 = tpu.memref_squeeze %dma_start3A_97 : memref<1x32x128xf32, #tpu.memory_space<vmem>> -> memref<32x128xf32, #tpu.memory_space<vmem>>
    %dma_start3A_99 = arith.constant 0 : i32
    %dma_start3A_100 = tpu.memref_slice %arg4[%dma_start3A_99, %multiple_of3A_82] : memref<32x1000000xf32, #tpu.memory_space<hbm>> -> memref<32x128xf32, #tpu.memory_space<hbm>>
    tpu.enqueue_dma source(%dma_start3A_100 : memref<32x128xf32, #tpu.memory_space<hbm>>) target(%dma_start3A_98 : memref<32x128xf32, #tpu.memory_space<vmem>>) target_semaphore(%arg14 : memref<!tpu.dma_semaphore, #tpu.memory_space<semaphore_mem>>)
    %dma_start3A_101 = arith.constant 0 : i32
    %dma_start3A_102 = arith.constant 32 : i32
    %dma_start3A_103 = arith.constant 0 : i32
    %dma_start3A_104 = tpu.memref_slice %arg10[%dma_start3A_101, %dma_start3A_102, %dma_start3A_103] : memref<2x128x128xf32, #tpu.memory_space<vmem>> -> memref<1x32x128xf32, #tpu.memory_space<vmem>>
    %dma_start3A_105 = tpu.memref_squeeze %dma_start3A_104 : memref<1x32x128xf32, #tpu.memory_space<vmem>> -> memref<32x128xf32, #tpu.memory_space<vmem>>
    %dma_start3A_106 = arith.constant 0 : i32
    %dma_start3A_107 = tpu.memref_slice %arg5[%dma_start3A_106, %multiple_of3A_87] : memref<32x1000000xf32, #tpu.memory_space<hbm>> -> memref<32x128xf32, #tpu.memory_space<hbm>>
    %dma_start3A_108 = arith.constant 32 : i32
    %dma_start3A_109 = arith.constant 0 : i32
    %dma_start3A_110 = tpu.memref_slice %arg10[%dma_start3A_101, %dma_start3A_108, %dma_start3A_109] : memref<2x128x128xf32, #tpu.memory_space<vmem>> -> memref<1x32x128xf32, #tpu.memory_space<vmem>>
    %dma_start3A_111 = tpu.memref_squeeze %dma_start3A_110 : memref<1x32x128xf32, #tpu.memory_space<vmem>> -> memref<32x128xf32, #tpu.memory_space<vmem>>
    %dma_start3A_112 = arith.constant 0 : i32
    %dma_start3A_113 = tpu.memref_slice %arg5[%dma_start3A_112, %multiple_of3A_87] : memref<32x1000000xf32, #tpu.memory_space<hbm>> -> memref<32x128xf32, #tpu.memory_space<hbm>>
    tpu.enqueue_dma source(%dma_start3A_113 : memref<32x128xf32, #tpu.memory_space<hbm>>) target(%dma_start3A_111 : memref<32x128xf32, #tpu.memory_space<vmem>>) target_semaphore(%arg16 : memref<!tpu.dma_semaphore, #tpu.memory_space<semaphore_mem>>)
    %get3A_114 = arith.constant 0 : index
    %get3A_115 = tpu.vector_load %arg7[%get3A_114] {strides = array<i32>} : memref<512xi32, #tpu.memory_space<vmem>>, vector<16xi32>,
    %eq3A_116 = arith.constant 2 : i32
    %eq3A_117 = vector.broadcast %eq3A_116 : i32 to vector<16xi32>
    %eq3A_118 = arith.cmpi eq, %iota3A, %eq3A_117 : vector<16xi32>
    %jit3A_119 = arith.constant 0 : i32
    %broadcast_in_dim3A_120 = vector.broadcast %jit3A_119 : i32 to vector<16xi32>
    %select_n3A_121 = arith.select %eq3A_118, %get3A_115, %broadcast_in_dim3A_120 : vector<16xi1>, vector<16xi32>
    %reduce_sum3A_122 = arith.constant true
    %reduce_sum3A_123 = vector.broadcast %reduce_sum3A_122 : i1 to vector<16xi1>
    %reduce_sum3A_124 = tpu.scan <sum>, %select_n3A_121 masked %reduce_sum3A_123 : vector<16xi32>, vector<16xi1> -> vector<16xi32>
    %reduce_sum3A_125 = vector.extract %reduce_sum3A_124[15] : i32 from vector<16xi32>
    %get3A_126 = arith.constant 0 : index
    %get3A_127 = tpu.vector_load %arg8[%get3A_126] {strides = array<i32>} : memref<512xi32, #tpu.memory_space<vmem>>, vector<16xi32>,
    %eq3A_128 = arith.constant 2 : i32
    %eq3A_129 = vector.broadcast %eq3A_128 : i32 to vector<16xi32>
    %eq3A_130 = arith.cmpi eq, %iota3A, %eq3A_129 : vector<16xi32>
    %jit3A_131 = arith.constant 0 : i32
    %broadcast_in_dim3A_132 = vector.broadcast %jit3A_131 : i32 to vector<16xi32>
    %select_n3A_133 = arith.select %eq3A_130, %get3A_127, %broadcast_in_dim3A_132 : vector<16xi1>, vector<16xi32>
    %reduce_sum3A_134 = arith.constant true
    %reduce_sum3A_135 = vector.broadcast %reduce_sum3A_134 : i1 to vector<16xi1>
    %reduce_sum3A_136 = tpu.scan <sum>, %select_n3A_133 masked %reduce_sum3A_135 : vector<16xi32>, vector<16xi1> -> vector<16xi32>
    %reduce_sum3A_137 = vector.extract %reduce_sum3A_136[15] : i32 from vector<16xi32>
    %shift_right_arithmetic3A_138 = arith.constant 7 : i32
    %shift_right_arithmetic3A_139 = arith.shrsi %reduce_sum3A_125, %shift_right_arithmetic3A_138 : i32
    %mul3A_140 = arith.constant 128 : i32
    %mul3A_141 = arith.muli %shift_right_arithmetic3A_139, %mul3A_140 : i32
    %multiple_of3A_142 = tpu.assume_multiple %mul3A_141, 128 : i32
    %shift_right_arithmetic3A_143 = arith.constant 7 : i32
    %shift_right_arithmetic3A_144 = arith.shrsi %reduce_sum3A_137, %shift_right_arithmetic3A_143 : i32
    %mul3A_145 = arith.constant 128 : i32
    %mul3A_146 = arith.muli %shift_right_arithmetic3A_144, %mul3A_145 : i32
    %multiple_of3A_147 = tpu.assume_multiple %mul3A_146, 128 : i32
    %dma_start3A_148 = arith.constant 0 : i32
    %dma_start3A_149 = arith.constant 64 : i32
    %dma_start3A_150 = arith.constant 0 : i32
    %dma_start3A_151 = tpu.memref_slice %arg9[%dma_start3A_148, %dma_start3A_149, %dma_start3A_150] : memref<2x128x128xf32, #tpu.memory_space<vmem>> -> memref<1x32x128xf32, #tpu.memory_space<vmem>>
    %dma_start3A_152 = tpu.memref_squeeze %dma_start3A_151 : memref<1x32x128xf32, #tpu.memory_space<vmem>> -> memref<32x128xf32, #tpu.memory_space<vmem>>
    %dma_start3A_153 = arith.constant 0 : i32
    %dma_start3A_154 = tpu.memref_slice %arg4[%dma_start3A_153, %multiple_of3A_142] : memref<32x1000000xf32, #tpu.memory_space<hbm>> -> memref<32x128xf32, #tpu.memory_space<hbm>>
    %dma_start3A_155 = arith.constant 64 : i32
    %dma_start3A_156 = arith.constant 0 : i32
    %dma_start3A_157 = tpu.memref_slice %arg9[%dma_start3A_148, %dma_start3A_155, %dma_start3A_156] : memref<2x128x128xf32, #tpu.memory_space<vmem>> -> memref<1x32x128xf32, #tpu.memory_space<vmem>>
    %dma_start3A_158 = tpu.memref_squeeze %dma_start3A_157 : memref<1x32x128xf32, #tpu.memory_space<vmem>> -> memref<32x128xf32, #tpu.memory_space<vmem>>
    %dma_start3A_159 = arith.constant 0 : i32
    %dma_start3A_160 = tpu.memref_slice %arg4[%dma_start3A_159, %multiple_of3A_142] : memref<32x1000000xf32, #tpu.memory_space<hbm>> -> memref<32x128xf32, #tpu.memory_space<hbm>>
    tpu.enqueue_dma source(%dma_start3A_160 : memref<32x128xf32, #tpu.memory_space<hbm>>) target(%dma_start3A_158 : memref<32x128xf32, #tpu.memory_space<vmem>>) target_semaphore(%arg14 : memref<!tpu.dma_semaphore, #tpu.memory_space<semaphore_mem>>)
    %dma_start3A_161 = arith.constant 0 : i32
    %dma_start3A_162 = arith.constant 64 : i32
    %dma_start3A_163 = arith.constant 0 : i32
    %dma_start3A_164 = tpu.memref_slice %arg10[%dma_start3A_161, %dma_start3A_162, %dma_start3A_163] : memref<2x128x128xf32, #tpu.memory_space<vmem>> -> memref<1x32x128xf32, #tpu.memory_space<vmem>>
    %dma_start3A_165 = tpu.memref_squeeze %dma_start3A_164 : memref<1x32x128xf32, #tpu.memory_space<vmem>> -> memref<32x128xf32, #tpu.memory_space<vmem>>
    %dma_start3A_166 = arith.constant 0 : i32
    %dma_start3A_167 = tpu.memref_slice %arg5[%dma_start3A_166, %multiple_of3A_147] : memref<32x1000000xf32, #tpu.memory_space<hbm>> -> memref<32x128xf32, #tpu.memory_space<hbm>>
    %dma_start3A_168 = arith.constant 64 : i32
    %dma_start3A_169 = arith.constant 0 : i32
    %dma_start3A_170 = tpu.memref_slice %arg10[%dma_start3A_161, %dma_start3A_168, %dma_start3A_169] : memref<2x128x128xf32, #tpu.memory_space<vmem>> -> memref<1x32x128xf32, #tpu.memory_space<vmem>>
    %dma_start3A_171 = tpu.memref_squeeze %dma_start3A_170 : memref<1x32x128xf32, #tpu.memory_space<vmem>> -> memref<32x128xf32, #tpu.memory_space<vmem>>
    %dma_start3A_172 = arith.constant 0 : i32
    %dma_start3A_173 = tpu.memref_slice %arg5[%dma_start3A_172, %multiple_of3A_147] : memref<32x1000000xf32, #tpu.memory_space<hbm>> -> memref<32x128xf32, #tpu.memory_space<hbm>>
    tpu.enqueue_dma source(%dma_start3A_173 : memref<32x128xf32, #tpu.memory_space<hbm>>) target(%dma_start3A_171 : memref<32x128xf32, #tpu.memory_space<vmem>>) target_semaphore(%arg16 : memref<!tpu.dma_semaphore, #tpu.memory_space<semaphore_mem>>)
    %get3A_174 = arith.constant 0 : index
    %get3A_175 = tpu.vector_load %arg7[%get3A_174] {strides = array<i32>} : memref<512xi32, #tpu.memory_space<vmem>>, vector<16xi32>,
    %eq3A_176 = arith.constant 3 : i32
    %eq3A_177 = vector.broadcast %eq3A_176 : i32 to vector<16xi32>
    %eq3A_178 = arith.cmpi eq, %iota3A, %eq3A_177 : vector<16xi32>
    %jit3A_179 = arith.constant 0 : i32
    %broadcast_in_dim3A_180 = vector.broadcast %jit3A_179 : i32 to vector<16xi32>
    %select_n3A_181 = arith.select %eq3A_178, %get3A_175, %broadcast_in_dim3A_180 : vector<16xi1>, vector<16xi32>
    %reduce_sum3A_182 = arith.constant true
    %reduce_sum3A_183 = vector.broadcast %reduce_sum3A_182 : i1 to vector<16xi1>
    %reduce_sum3A_184 = tpu.scan <sum>, %select_n3A_181 masked %reduce_sum3A_183 : vector<16xi32>, vector<16xi1> -> vector<16xi32>
    %reduce_sum3A_185 = vector.extract %reduce_sum3A_184[15] : i32 from vector<16xi32>
    %get3A_186 = arith.constant 0 : index
    %get3A_187 = tpu.vector_load %arg8[%get3A_186] {strides = array<i32>} : memref<512xi32, #tpu.memory_space<vmem>>, vector<16xi32>,
    %eq3A_188 = arith.constant 3 : i32
    %eq3A_189 = vector.broadcast %eq3A_188 : i32 to vector<16xi32>
    %eq3A_190 = arith.cmpi eq, %iota3A, %eq3A_189 : vector<16xi32>
    %jit3A_191 = arith.constant 0 : i32
    %broadcast_in_dim3A_192 = vector.broadcast %jit3A_191 : i32 to vector<16xi32>
    %select_n3A_193 = arith.select %eq3A_190, %get3A_187, %broadcast_in_dim3A_192 : vector<16xi1>, vector<16xi32>
    %reduce_sum3A_194 = arith.constant true
    %reduce_sum3A_195 = vector.broadcast %reduce_sum3A_194 : i1 to vector<16xi1>
    %reduce_sum3A_196 = tpu.scan <sum>, %select_n3A_193 masked %reduce_sum3A_195 : vector<16xi32>, vector<16xi1> -> vector<16xi32>
    %reduce_sum3A_197 = vector.extract %reduce_sum3A_196[15] : i32 from vector<16xi32>
    %shift_right_arithmetic3A_198 = arith.constant 7 : i32
    %shift_right_arithmetic3A_199 = arith.shrsi %reduce_sum3A_185, %shift_right_arithmetic3A_198 : i32
    %mul3A_200 = arith.constant 128 : i32
    %mul3A_201 = arith.muli %shift_right_arithmetic3A_199, %mul3A_200 : i32
    %multiple_of3A_202 = tpu.assume_multiple %mul3A_201, 128 : i32
    %shift_right_arithmetic3A_203 = arith.constant 7 : i32
    %shift_right_arithmetic3A_204 = arith.shrsi %reduce_sum3A_197, %shift_right_arithmetic3A_203 : i32
    %mul3A_205 = arith.constant 128 : i32
    %mul3A_206 = arith.muli %shift_right_arithmetic3A_204, %mul3A_205 : i32
    %multiple_of3A_207 = tpu.assume_multiple %mul3A_206, 128 : i32
    %dma_start3A_208 = arith.constant 0 : i32
    %dma_start3A_209 = arith.constant 96 : i32
    %dma_start3A_210 = arith.constant 0 : i32
    %dma_start3A_211 = tpu.memref_slice %arg9[%dma_start3A_208, %dma_start3A_209, %dma_start3A_210] : memref<2x128x128xf32, #tpu.memory_space<vmem>> -> memref<1x32x128xf32, #tpu.memory_space<vmem>>
    %dma_start3A_212 = tpu.memref_squeeze %dma_start3A_211 : memref<1x32x128xf32, #tpu.memory_space<vmem>> -> memref<32x128xf32, #tpu.memory_space<vmem>>
    %dma_start3A_213 = arith.constant 0 : i32
    %dma_start3A_214 = tpu.memref_slice %arg4[%dma_start3A_213, %multiple_of3A_202] : memref<32x1000000xf32, #tpu.memory_space<hbm>> -> memref<32x128xf32, #tpu.memory_space<hbm>>
    %dma_start3A_215 = arith.constant 96 : i32
    %dma_start3A_216 = arith.constant 0 : i32
    %dma_start3A_217 = tpu.memref_slice %arg9[%dma_start3A_208, %dma_start3A_215, %dma_start3A_216] : memref<2x128x128xf32, #tpu.memory_space<vmem>> -> memref<1x32x128xf32, #tpu.memory_space<vmem>>
    %dma_start3A_218 = tpu.memref_squeeze %dma_start3A_217 : memref<1x32x128xf32, #tpu.memory_space<vmem>> -> memref<32x128xf32, #tpu.memory_space<vmem>>
    %dma_start3A_219 = arith.constant 0 : i32
    %dma_start3A_220 = tpu.memref_slice %arg4[%dma_start3A_219, %multiple_of3A_202] : memref<32x1000000xf32, #tpu.memory_space<hbm>> -> memref<32x128xf32, #tpu.memory_space<hbm>>
    tpu.enqueue_dma source(%dma_start3A_220 : memref<32x128xf32, #tpu.memory_space<hbm>>) target(%dma_start3A_218 : memref<32x128xf32, #tpu.memory_space<vmem>>) target_semaphore(%arg14 : memref<!tpu.dma_semaphore, #tpu.memory_space<semaphore_mem>>)
    %dma_start3A_221 = arith.constant 0 : i32
    %dma_start3A_222 = arith.constant 96 : i32
    %dma_start3A_223 = arith.constant 0 : i32
    %dma_start3A_224 = tpu.memref_slice %arg10[%dma_start3A_221, %dma_start3A_222, %dma_start3A_223] : memref<2x128x128xf32, #tpu.memory_space<vmem>> -> memref<1x32x128xf32, #tpu.memory_space<vmem>>
    %dma_start3A_225 = tpu.memref_squeeze %dma_start3A_224 : memref<1x32x128xf32, #tpu.memory_space<vmem>> -> memref<32x128xf32, #tpu.memory_space<vmem>>
    %dma_start3A_226 = arith.constant 0 : i32
    %dma_start3A_227 = tpu.memref_slice %arg5[%dma_start3A_226, %multiple_of3A_207] : memref<32x1000000xf32, #tpu.memory_space<hbm>> -> memref<32x128xf32, #tpu.memory_space<hbm>>
    %dma_start3A_228 = arith.constant 96 : i32
    %dma_start3A_229 = arith.constant 0 : i32
    %dma_start3A_230 = tpu.memref_slice %arg10[%dma_start3A_221, %dma_start3A_228, %dma_start3A_229] : memref<2x128x128xf32, #tpu.memory_space<vmem>> -> memref<1x32x128xf32, #tpu.memory_space<vmem>>
    %dma_start3A_231 = tpu.memref_squeeze %dma_start3A_230 : memref<1x32x128xf32, #tpu.memory_space<vmem>> -> memref<32x128xf32, #tpu.memory_space<vmem>>
    %dma_start3A_232 = arith.constant 0 : i32
    %dma_start3A_233 = tpu.memref_slice %arg5[%dma_start3A_232, %multiple_of3A_207] : memref<32x1000000xf32, #tpu.memory_space<hbm>> -> memref<32x128xf32, #tpu.memory_space<hbm>>
    tpu.enqueue_dma source(%dma_start3A_233 : memref<32x128xf32, #tpu.memory_space<hbm>>) target(%dma_start3A_231 : memref<32x128xf32, #tpu.memory_space<vmem>>) target_semaphore(%arg16 : memref<!tpu.dma_semaphore, #tpu.memory_space<semaphore_mem>>)
    %scan3A = arith.constant 0 : i32
    %scan3A_234 = arith.constant 0 : i32
    %scan3A_235 = arith.constant 64 : i32
    %scan3A_236 = arith.addi %scan3A_234, %scan3A_235 : i32
    %scan3A_237 = arith.constant 1 : i32
    scf.for %scan3A_245 = %scan3A_234 to %scan3A_236 step %scan3A_237  : i32 {
      %mul3A_246 = arith.constant 2 : i32
      %mul3A_247 = arith.muli %mul3A_246, %scan3A_245 : i32
      %add3A_248 = arith.constant 1 : i32
      %add3A_249 = arith.addi %mul3A_247, %add3A_248 : i32
      %mul3A_250 = arith.constant 4 : i32
      %mul3A_251 = arith.muli %add3A_249, %mul3A_250 : i32
      %add3A_252 = arith.constant 0 : i32
      %add3A_253 = arith.addi %mul3A_251, %add3A_252 : i32
      %jit3A_254 = arith.constant 16 : i32
      %div3A = arith.divsi %add3A_253, %jit3A_254 : i32
      %sign3A = arith.constant 0 : i32
      %sign3A_255 = arith.cmpi sgt, %add3A_253, %sign3A : i32
      %sign3A_256 = arith.extui %sign3A_255 : i1 to i32
      %sign3A_257 = arith.constant 0 : i32
      %sign3A_258 = arith.cmpi slt, %add3A_253, %sign3A_257 : i32
      %sign3A_259 = arith.extui %sign3A_258 : i1 to i32
      %sign3A_260 = arith.subi %sign3A_256, %sign3A_259 : i32
      %sign3A_261 = arith.constant 0 : i32
      %sign3A_262 = arith.cmpi sgt, %jit3A_254, %sign3A_261 : i32
      %sign3A_263 = arith.extui %sign3A_262 : i1 to i32
      %sign3A_264 = arith.constant 0 : i32
      %sign3A_265 = arith.cmpi slt, %jit3A_254, %sign3A_264 : i32
      %sign3A_266 = arith.extui %sign3A_265 : i1 to i32
      %sign3A_267 = arith.subi %sign3A_263, %sign3A_266 : i32
      %ne3A = arith.cmpi ne, %sign3A_260, %sign3A_267 : i32
      %rem3A = arith.remsi %add3A_253, %jit3A_254 : i32
      %ne3A_268 = arith.constant 0 : i32
      %ne3A_269 = arith.cmpi ne, %rem3A, %ne3A_268 : i32
      %and3A = arith.andi %ne3A, %ne3A_269 : i1
      %sub3A = arith.constant 1 : i32
      %sub3A_270 = arith.subi %div3A, %sub3A : i32
      %select_n3A_271 = arith.select %and3A, %sub3A_270, %div3A : i32
      %mul3A_272 = arith.constant 16 : i32
      %mul3A_273 = arith.muli %select_n3A_271, %mul3A_272 : i32
      %get3A_274 = arith.index_cast %mul3A_273 : i32 to index
      %get3A_275 = tpu.vector_load %arg7[%get3A_274] {strides = array<i32>} : memref<512xi32, #tpu.memory_space<vmem>>, vector<16xi32>,
      %jit3A_276 = arith.constant 16 : i32
      %eq3A_277 = arith.constant 0 : i32
      %eq3A_278 = arith.cmpi eq, %jit3A_276, %eq3A_277 : i32
      %jit3A_279 = arith.constant 1 : i32
      %select_n3A_280 = arith.select %eq3A_278, %jit3A_279, %jit3A_276 : i32
      %rem3A_281 = arith.remsi %add3A_253, %select_n3A_280 : i32
      %ne3A_282 = arith.constant 0 : i32
      %ne3A_283 = arith.cmpi ne, %rem3A_281, %ne3A_282 : i32
      %lt3A = arith.constant 0 : i32
      %lt3A_284 = arith.cmpi slt, %rem3A_281, %lt3A : i32
      %lt3A_285 = arith.constant 0 : i32
      %lt3A_286 = arith.cmpi slt, %select_n3A_280, %lt3A_285 : i32
      %ne3A_287 = arith.xori %lt3A_284, %lt3A_286 : i1
      %and3A_288 = arith.andi %ne3A_287, %ne3A_283 : i1
      %add3A_289 = arith.addi %rem3A_281, %select_n3A_280 : i32
      %select_n3A_290 = arith.select %and3A_288, %add3A_289, %rem3A_281 : i32
      %eq3A_291 = vector.broadcast %select_n3A_290 : i32 to vector<16xi32>
      %eq3A_292 = arith.cmpi eq, %iota3A, %eq3A_291 : vector<16xi32>
      %jit3A_293 = arith.constant 0 : i32
      %broadcast_in_dim3A_294 = vector.broadcast %jit3A_293 : i32 to vector<16xi32>
      %select_n3A_295 = arith.select %eq3A_292, %get3A_275, %broadcast_in_dim3A_294 : vector<16xi1>, vector<16xi32>
      %reduce_sum3A_296 = arith.constant true
      %reduce_sum3A_297 = vector.broadcast %reduce_sum3A_296 : i1 to vector<16xi1>
      %reduce_sum3A_298 = tpu.scan <sum>, %select_n3A_295 masked %reduce_sum3A_297 : vector<16xi32>, vector<16xi1> -> vector<16xi32>
      %reduce_sum3A_299 = vector.extract %reduce_sum3A_298[15] : i32 from vector<16xi32>
      %jit3A_300 = arith.constant 16 : i32
      %div3A_301 = arith.divsi %add3A_253, %jit3A_300 : i32
      %sign3A_302 = arith.constant 0 : i32
      %sign3A_303 = arith.cmpi sgt, %add3A_253, %sign3A_302 : i32
      %sign3A_304 = arith.extui %sign3A_303 : i1 to i32
      %sign3A_305 = arith.constant 0 : i32
      %sign3A_306 = arith.cmpi slt, %add3A_253, %sign3A_305 : i32
      %sign3A_307 = arith.extui %sign3A_306 : i1 to i32
      %sign3A_308 = arith.subi %sign3A_304, %sign3A_307 : i32
      %sign3A_309 = arith.constant 0 : i32
      %sign3A_310 = arith.cmpi sgt, %jit3A_300, %sign3A_309 : i32
      %sign3A_311 = arith.extui %sign3A_310 : i1 to i32
      %sign3A_312 = arith.constant 0 : i32
      %sign3A_313 = arith.cmpi slt, %jit3A_300, %sign3A_312 : i32
      %sign3A_314 = arith.extui %sign3A_313 : i1 to i32
      %sign3A_315 = arith.subi %sign3A_311, %sign3A_314 : i32
      %ne3A_316 = arith.cmpi ne, %sign3A_308, %sign3A_315 : i32
      %rem3A_317 = arith.remsi %add3A_253, %jit3A_300 : i32
      %ne3A_318 = arith.constant 0 : i32
      %ne3A_319 = arith.cmpi ne, %rem3A_317, %ne3A_318 : i32
      %and3A_320 = arith.andi %ne3A_316, %ne3A_319 : i1
      %sub3A_321 = arith.constant 1 : i32
      %sub3A_322 = arith.subi %div3A_301, %sub3A_321 : i32
      %select_n3A_323 = arith.select %and3A_320, %sub3A_322, %div3A_301 : i32
      %mul3A_324 = arith.constant 16 : i32
      %mul3A_325 = arith.muli %select_n3A_323, %mul3A_324 : i32
      %get3A_326 = arith.index_cast %mul3A_325 : i32 to index
      %get3A_327 = tpu.vector_load %arg8[%get3A_326] {strides = array<i32>} : memref<512xi32, #tpu.memory_space<vmem>>, vector<16xi32>,
      %jit3A_328 = arith.constant 16 : i32
      %eq3A_329 = arith.constant 0 : i32
      %eq3A_330 = arith.cmpi eq, %jit3A_328, %eq3A_329 : i32
      %jit3A_331 = arith.constant 1 : i32
      %select_n3A_332 = arith.select %eq3A_330, %jit3A_331, %jit3A_328 : i32
      %rem3A_333 = arith.remsi %add3A_253, %select_n3A_332 : i32
      %ne3A_334 = arith.constant 0 : i32
      %ne3A_335 = arith.cmpi ne, %rem3A_333, %ne3A_334 : i32
      %lt3A_336 = arith.constant 0 : i32
      %lt3A_337 = arith.cmpi slt, %rem3A_333, %lt3A_336 : i32
      %lt3A_338 = arith.constant 0 : i32
      %lt3A_339 = arith.cmpi slt, %select_n3A_332, %lt3A_338 : i32
      %ne3A_340 = arith.xori %lt3A_337, %lt3A_339 : i1
      %and3A_341 = arith.andi %ne3A_340, %ne3A_335 : i1
      %add3A_342 = arith.addi %rem3A_333, %select_n3A_332 : i32
      %select_n3A_343 = arith.select %and3A_341, %add3A_342, %rem3A_333 : i32
      %eq3A_344 = vector.broadcast %select_n3A_343 : i32 to vector<16xi32>
      %eq3A_345 = arith.cmpi eq, %iota3A, %eq3A_344 : vector<16xi32>
      %jit3A_346 = arith.constant 0 : i32
      %broadcast_in_dim3A_347 = vector.broadcast %jit3A_346 : i32 to vector<16xi32>
      %select_n3A_348 = arith.select %eq3A_345, %get3A_327, %broadcast_in_dim3A_347 : vector<16xi1>, vector<16xi32>
      %reduce_sum3A_349 = arith.constant true
      %reduce_sum3A_350 = vector.broadcast %reduce_sum3A_349 : i1 to vector<16xi1>
      %reduce_sum3A_351 = tpu.scan <sum>, %select_n3A_348 masked %reduce_sum3A_350 : vector<16xi32>, vector<16xi1> -> vector<16xi32>
      %reduce_sum3A_352 = vector.extract %reduce_sum3A_351[15] : i32 from vector<16xi32>
      %shift_right_arithmetic3A_353 = arith.constant 7 : i32
      %shift_right_arithmetic3A_354 = arith.shrsi %reduce_sum3A_299, %shift_right_arithmetic3A_353 : i32
      %mul3A_355 = arith.constant 128 : i32
      %mul3A_356 = arith.muli %shift_right_arithmetic3A_354, %mul3A_355 : i32
      %multiple_of3A_357 = tpu.assume_multiple %mul3A_356, 128 : i32
      %shift_right_arithmetic3A_358 = arith.constant 7 : i32
      %shift_right_arithmetic3A_359 = arith.shrsi %reduce_sum3A_352, %shift_right_arithmetic3A_358 : i32
      %mul3A_360 = arith.constant 128 : i32
      %mul3A_361 = arith.muli %shift_right_arithmetic3A_359, %mul3A_360 : i32
      %multiple_of3A_362 = tpu.assume_multiple %mul3A_361, 128 : i32
      %dma_start3A_363 = arith.constant 1 : i32
      %dma_start3A_364 = arith.constant 0 : i32
      %dma_start3A_365 = arith.constant 0 : i32
      %dma_start3A_366 = tpu.memref_slice %arg9[%dma_start3A_363, %dma_start3A_364, %dma_start3A_365] : memref<2x128x128xf32, #tpu.memory_space<vmem>> -> memref<1x32x128xf32, #tpu.memory_space<vmem>>
      %dma_start3A_367 = tpu.memref_squeeze %dma_start3A_366 : memref<1x32x128xf32, #tpu.memory_space<vmem>> -> memref<32x128xf32, #tpu.memory_space<vmem>>
      %dma_start3A_368 = arith.constant 0 : i32
      %dma_start3A_369 = tpu.memref_slice %arg4[%dma_start3A_368, %multiple_of3A_357] : memref<32x1000000xf32, #tpu.memory_space<hbm>> -> memref<32x128xf32, #tpu.memory_space<hbm>>
      %dma_start3A_370 = arith.constant 0 : i32
      %dma_start3A_371 = arith.constant 0 : i32
      %dma_start3A_372 = tpu.memref_slice %arg9[%dma_start3A_363, %dma_start3A_370, %dma_start3A_371] : memref<2x128x128xf32, #tpu.memory_space<vmem>> -> memref<1x32x128xf32, #tpu.memory_space<vmem>>
      %dma_start3A_373 = tpu.memref_squeeze %dma_start3A_372 : memref<1x32x128xf32, #tpu.memory_space<vmem>> -> memref<32x128xf32, #tpu.memory_space<vmem>>
      %dma_start3A_374 = arith.constant 0 : i32
      %dma_start3A_375 = tpu.memref_slice %arg4[%dma_start3A_374, %multiple_of3A_357] : memref<32x1000000xf32, #tpu.memory_space<hbm>> -> memref<32x128xf32, #tpu.memory_space<hbm>>
      tpu.enqueue_dma source(%dma_start3A_375 : memref<32x128xf32, #tpu.memory_space<hbm>>) target(%dma_start3A_373 : memref<32x128xf32, #tpu.memory_space<vmem>>) target_semaphore(%arg15 : memref<!tpu.dma_semaphore, #tpu.memory_space<semaphore_mem>>)
      %dma_start3A_376 = arith.constant 1 : i32
      %dma_start3A_377 = arith.constant 0 : i32
      %dma_start3A_378 = arith.constant 0 : i32
      %dma_start3A_379 = tpu.memref_slice %arg10[%dma_start3A_376, %dma_start3A_377, %dma_start3A_378] : memref<2x128x128xf32, #tpu.memory_space<vmem>> -> memref<1x32x128xf32, #tpu.memory_space<vmem>>
      %dma_start3A_380 = tpu.memref_squeeze %dma_start3A_379 : memref<1x32x128xf32, #tpu.memory_space<vmem>> -> memref<32x128xf32, #tpu.memory_space<vmem>>
      %dma_start3A_381 = arith.constant 0 : i32
      %dma_start3A_382 = tpu.memref_slice %arg5[%dma_start3A_381, %multiple_of3A_362] : memref<32x1000000xf32, #tpu.memory_space<hbm>> -> memref<32x128xf32, #tpu.memory_space<hbm>>
      %dma_start3A_383 = arith.constant 0 : i32
      %dma_start3A_384 = arith.constant 0 : i32
      %dma_start3A_385 = tpu.memref_slice %arg10[%dma_start3A_376, %dma_start3A_383, %dma_start3A_384] : memref<2x128x128xf32, #tpu.memory_space<vmem>> -> memref<1x32x128xf32, #tpu.memory_space<vmem>>
      %dma_start3A_386 = tpu.memref_squeeze %dma_start3A_385 : memref<1x32x128xf32, #tpu.memory_space<vmem>> -> memref<32x128xf32, #tpu.memory_space<vmem>>
      %dma_start3A_387 = arith.constant 0 : i32
      %dma_start3A_388 = tpu.memref_slice %arg5[%dma_start3A_387, %multiple_of3A_362] : memref<32x1000000xf32, #tpu.memory_space<hbm>> -> memref<32x128xf32, #tpu.memory_space<hbm>>
      tpu.enqueue_dma source(%dma_start3A_388 : memref<32x128xf32, #tpu.memory_space<hbm>>) target(%dma_start3A_386 : memref<32x128xf32, #tpu.memory_space<vmem>>) target_semaphore(%arg17 : memref<!tpu.dma_semaphore, #tpu.memory_space<semaphore_mem>>)
      %mul3A_389 = arith.constant 4 : i32
      %mul3A_390 = arith.muli %add3A_249, %mul3A_389 : i32
      %add3A_391 = arith.constant 1 : i32
      %add3A_392 = arith.addi %mul3A_390, %add3A_391 : i32
      %jit3A_393 = arith.constant 16 : i32
      %div3A_394 = arith.divsi %add3A_392, %jit3A_393 : i32
      %sign3A_395 = arith.constant 0 : i32
      %sign3A_396 = arith.cmpi sgt, %add3A_392, %sign3A_395 : i32
      %sign3A_397 = arith.extui %sign3A_396 : i1 to i32
      %sign3A_398 = arith.constant 0 : i32
      %sign3A_399 = arith.cmpi slt, %add3A_392, %sign3A_398 : i32
      %sign3A_400 = arith.extui %sign3A_399 : i1 to i32
      %sign3A_401 = arith.subi %sign3A_397, %sign3A_400 : i32
      %sign3A_402 = arith.constant 0 : i32
      %sign3A_403 = arith.cmpi sgt, %jit3A_393, %sign3A_402 : i32
      %sign3A_404 = arith.extui %sign3A_403 : i1 to i32
      %sign3A_405 = arith.constant 0 : i32
      %sign3A_406 = arith.cmpi slt, %jit3A_393, %sign3A_405 : i32
      %sign3A_407 = arith.extui %sign3A_406 : i1 to i32
      %sign3A_408 = arith.subi %sign3A_404, %sign3A_407 : i32
      %ne3A_409 = arith.cmpi ne, %sign3A_401, %sign3A_408 : i32
      %rem3A_410 = arith.remsi %add3A_392, %jit3A_393 : i32
      %ne3A_411 = arith.constant 0 : i32
      %ne3A_412 = arith.cmpi ne, %rem3A_410, %ne3A_411 : i32
      %and3A_413 = arith.andi %ne3A_409, %ne3A_412 : i1
      %sub3A_414 = arith.constant 1 : i32
      %sub3A_415 = arith.subi %div3A_394, %sub3A_414 : i32
      %select_n3A_416 = arith.select %and3A_413, %sub3A_415, %div3A_394 : i32
      %mul3A_417 = arith.constant 16 : i32
      %mul3A_418 = arith.muli %select_n3A_416, %mul3A_417 : i32
      %get3A_419 = arith.index_cast %mul3A_418 : i32 to index
      %get3A_420 = tpu.vector_load %arg7[%get3A_419] {strides = array<i32>} : memref<512xi32, #tpu.memory_space<vmem>>, vector<16xi32>,
      %jit3A_421 = arith.constant 16 : i32
      %eq3A_422 = arith.constant 0 : i32
      %eq3A_423 = arith.cmpi eq, %jit3A_421, %eq3A_422 : i32
      %jit3A_424 = arith.constant 1 : i32
      %select_n3A_425 = arith.select %eq3A_423, %jit3A_424, %jit3A_421 : i32
      %rem3A_426 = arith.remsi %add3A_392, %select_n3A_425 : i32
      %ne3A_427 = arith.constant 0 : i32
      %ne3A_428 = arith.cmpi ne, %rem3A_426, %ne3A_427 : i32
      %lt3A_429 = arith.constant 0 : i32
      %lt3A_430 = arith.cmpi slt, %rem3A_426, %lt3A_429 : i32
      %lt3A_431 = arith.constant 0 : i32
      %lt3A_432 = arith.cmpi slt, %select_n3A_425, %lt3A_431 : i32
      %ne3A_433 = arith.xori %lt3A_430, %lt3A_432 : i1
      %and3A_434 = arith.andi %ne3A_433, %ne3A_428 : i1
      %add3A_435 = arith.addi %rem3A_426, %select_n3A_425 : i32
      %select_n3A_436 = arith.select %and3A_434, %add3A_435, %rem3A_426 : i32
      %eq3A_437 = vector.broadcast %select_n3A_436 : i32 to vector<16xi32>
      %eq3A_438 = arith.cmpi eq, %iota3A, %eq3A_437 : vector<16xi32>
      %jit3A_439 = arith.constant 0 : i32
      %broadcast_in_dim3A_440 = vector.broadcast %jit3A_439 : i32 to vector<16xi32>
      %select_n3A_441 = arith.select %eq3A_438, %get3A_420, %broadcast_in_dim3A_440 : vector<16xi1>, vector<16xi32>
      %reduce_sum3A_442 = arith.constant true
      %reduce_sum3A_443 = vector.broadcast %reduce_sum3A_442 : i1 to vector<16xi1>
      %reduce_sum3A_444 = tpu.scan <sum>, %select_n3A_441 masked %reduce_sum3A_443 : vector<16xi32>, vector<16xi1> -> vector<16xi32>
      %reduce_sum3A_445 = vector.extract %reduce_sum3A_444[15] : i32 from vector<16xi32>
      %jit3A_446 = arith.constant 16 : i32
      %div3A_447 = arith.divsi %add3A_392, %jit3A_446 : i32
      %sign3A_448 = arith.constant 0 : i32
      %sign3A_449 = arith.cmpi sgt, %add3A_392, %sign3A_448 : i32
      %sign3A_450 = arith.extui %sign3A_449 : i1 to i32
      %sign3A_451 = arith.constant 0 : i32
      %sign3A_452 = arith.cmpi slt, %add3A_392, %sign3A_451 : i32
      %sign3A_453 = arith.extui %sign3A_452 : i1 to i32
      %sign3A_454 = arith.subi %sign3A_450, %sign3A_453 : i32
      %sign3A_455 = arith.constant 0 : i32
      %sign3A_456 = arith.cmpi sgt, %jit3A_446, %sign3A_455 : i32
      %sign3A_457 = arith.extui %sign3A_456 : i1 to i32
      %sign3A_458 = arith.constant 0 : i32
      %sign3A_459 = arith.cmpi slt, %jit3A_446, %sign3A_458 : i32
      %sign3A_460 = arith.extui %sign3A_459 : i1 to i32
      %sign3A_461 = arith.subi %sign3A_457, %sign3A_460 : i32
      %ne3A_462 = arith.cmpi ne, %sign3A_454, %sign3A_461 : i32
      %rem3A_463 = arith.remsi %add3A_392, %jit3A_446 : i32
      %ne3A_464 = arith.constant 0 : i32
      %ne3A_465 = arith.cmpi ne, %rem3A_463, %ne3A_464 : i32
      %and3A_466 = arith.andi %ne3A_462, %ne3A_465 : i1
      %sub3A_467 = arith.constant 1 : i32
      %sub3A_468 = arith.subi %div3A_447, %sub3A_467 : i32
      %select_n3A_469 = arith.select %and3A_466, %sub3A_468, %div3A_447 : i32
      %mul3A_470 = arith.constant 16 : i32
      %mul3A_471 = arith.muli %select_n3A_469, %mul3A_470 : i32
      %get3A_472 = arith.index_cast %mul3A_471 : i32 to index
      %get3A_473 = tpu.vector_load %arg8[%get3A_472] {strides = array<i32>} : memref<512xi32, #tpu.memory_space<vmem>>, vector<16xi32>,
      %jit3A_474 = arith.constant 16 : i32
      %eq3A_475 = arith.constant 0 : i32
      %eq3A_476 = arith.cmpi eq, %jit3A_474, %eq3A_475 : i32
      %jit3A_477 = arith.constant 1 : i32
      %select_n3A_478 = arith.select %eq3A_476, %jit3A_477, %jit3A_474 : i32
      %rem3A_479 = arith.remsi %add3A_392, %select_n3A_478 : i32
      %ne3A_480 = arith.constant 0 : i32
      %ne3A_481 = arith.cmpi ne, %rem3A_479, %ne3A_480 : i32
      %lt3A_482 = arith.constant 0 : i32
      %lt3A_483 = arith.cmpi slt, %rem3A_479, %lt3A_482 : i32
      %lt3A_484 = arith.constant 0 : i32
      %lt3A_485 = arith.cmpi slt, %select_n3A_478, %lt3A_484 : i32
      %ne3A_486 = arith.xori %lt3A_483, %lt3A_485 : i1
      %and3A_487 = arith.andi %ne3A_486, %ne3A_481 : i1
      %add3A_488 = arith.addi %rem3A_479, %select_n3A_478 : i32
      %select_n3A_489 = arith.select %and3A_487, %add3A_488, %rem3A_479 : i32
      %eq3A_490 = vector.broadcast %select_n3A_489 : i32 to vector<16xi32>
      %eq3A_491 = arith.cmpi eq, %iota3A, %eq3A_490 : vector<16xi32>
      %jit3A_492 = arith.constant 0 : i32
      %broadcast_in_dim3A_493 = vector.broadcast %jit3A_492 : i32 to vector<16xi32>
      %select_n3A_494 = arith.select %eq3A_491, %get3A_473, %broadcast_in_dim3A_493 : vector<16xi1>, vector<16xi32>
      %reduce_sum3A_495 = arith.constant true
      %reduce_sum3A_496 = vector.broadcast %reduce_sum3A_495 : i1 to vector<16xi1>
      %reduce_sum3A_497 = tpu.scan <sum>, %select_n3A_494 masked %reduce_sum3A_496 : vector<16xi32>, vector<16xi1> -> vector<16xi32>
      %reduce_sum3A_498 = vector.extract %reduce_sum3A_497[15] : i32 from vector<16xi32>
      %shift_right_arithmetic3A_499 = arith.constant 7 : i32
      %shift_right_arithmetic3A_500 = arith.shrsi %reduce_sum3A_445, %shift_right_arithmetic3A_499 : i32
      %mul3A_501 = arith.constant 128 : i32
      %mul3A_502 = arith.muli %shift_right_arithmetic3A_500, %mul3A_501 : i32
      %multiple_of3A_503 = tpu.assume_multiple %mul3A_502, 128 : i32
      %shift_right_arithmetic3A_504 = arith.constant 7 : i32
      %shift_right_arithmetic3A_505 = arith.shrsi %reduce_sum3A_498, %shift_right_arithmetic3A_504 : i32
      %mul3A_506 = arith.constant 128 : i32
      %mul3A_507 = arith.muli %shift_right_arithmetic3A_505, %mul3A_506 : i32
      %multiple_of3A_508 = tpu.assume_multiple %mul3A_507, 128 : i32
      %dma_start3A_509 = arith.constant 1 : i32
      %dma_start3A_510 = arith.constant 32 : i32
      %dma_start3A_511 = arith.constant 0 : i32
      %dma_start3A_512 = tpu.memref_slice %arg9[%dma_start3A_509, %dma_start3A_510, %dma_start3A_511] : memref<2x128x128xf32, #tpu.memory_space<vmem>> -> memref<1x32x128xf32, #tpu.memory_space<vmem>>
      %dma_start3A_513 = tpu.memref_squeeze %dma_start3A_512 : memref<1x32x128xf32, #tpu.memory_space<vmem>> -> memref<32x128xf32, #tpu.memory_space<vmem>>
      %dma_start3A_514 = arith.constant 0 : i32
      %dma_start3A_515 = tpu.memref_slice %arg4[%dma_start3A_514, %multiple_of3A_503] : memref<32x1000000xf32, #tpu.memory_space<hbm>> -> memref<32x128xf32, #tpu.memory_space<hbm>>
      %dma_start3A_516 = arith.constant 32 : i32
      %dma_start3A_517 = arith.constant 0 : i32
      %dma_start3A_518 = tpu.memref_slice %arg9[%dma_start3A_509, %dma_start3A_516, %dma_start3A_517] : memref<2x128x128xf32, #tpu.memory_space<vmem>> -> memref<1x32x128xf32, #tpu.memory_space<vmem>>
      %dma_start3A_519 = tpu.memref_squeeze %dma_start3A_518 : memref<1x32x128xf32, #tpu.memory_space<vmem>> -> memref<32x128xf32, #tpu.memory_space<vmem>>
      %dma_start3A_520 = arith.constant 0 : i32
      %dma_start3A_521 = tpu.memref_slice %arg4[%dma_start3A_520, %multiple_of3A_503] : memref<32x1000000xf32, #tpu.memory_space<hbm>> -> memref<32x128xf32, #tpu.memory_space<hbm>>
      tpu.enqueue_dma source(%dma_start3A_521 : memref<32x128xf32, #tpu.memory_space<hbm>>) target(%dma_start3A_519 : memref<32x128xf32, #tpu.memory_space<vmem>>) target_semaphore(%arg15 : memref<!tpu.dma_semaphore, #tpu.memory_space<semaphore_mem>>)
      %dma_start3A_522 = arith.constant 1 : i32
      %dma_start3A_523 = arith.constant 32 : i32
      %dma_start3A_524 = arith.constant 0 : i32
      %dma_start3A_525 = tpu.memref_slice %arg10[%dma_start3A_522, %dma_start3A_523, %dma_start3A_524] : memref<2x128x128xf32, #tpu.memory_space<vmem>> -> memref<1x32x128xf32, #tpu.memory_space<vmem>>
      %dma_start3A_526 = tpu.memref_squeeze %dma_start3A_525 : memref<1x32x128xf32, #tpu.memory_space<vmem>> -> memref<32x128xf32, #tpu.memory_space<vmem>>
      %dma_start3A_527 = arith.constant 0 : i32
      %dma_start3A_528 = tpu.memref_slice %arg5[%dma_start3A_527, %multiple_of3A_508] : memref<32x1000000xf32, #tpu.memory_space<hbm>> -> memref<32x128xf32, #tpu.memory_space<hbm>>
      %dma_start3A_529 = arith.constant 32 : i32
      %dma_start3A_530 = arith.constant 0 : i32
      %dma_start3A_531 = tpu.memref_slice %arg10[%dma_start3A_522, %dma_start3A_529, %dma_start3A_530] : memref<2x128x128xf32, #tpu.memory_space<vmem>> -> memref<1x32x128xf32, #tpu.memory_space<vmem>>
      %dma_start3A_532 = tpu.memref_squeeze %dma_start3A_531 : memref<1x32x128xf32, #tpu.memory_space<vmem>> -> memref<32x128xf32, #tpu.memory_space<vmem>>
      %dma_start3A_533 = arith.constant 0 : i32
      %dma_start3A_534 = tpu.memref_slice %arg5[%dma_start3A_533, %multiple_of3A_508] : memref<32x1000000xf32, #tpu.memory_space<hbm>> -> memref<32x128xf32, #tpu.memory_space<hbm>>
      tpu.enqueue_dma source(%dma_start3A_534 : memref<32x128xf32, #tpu.memory_space<hbm>>) target(%dma_start3A_532 : memref<32x128xf32, #tpu.memory_space<vmem>>) target_semaphore(%arg17 : memref<!tpu.dma_semaphore, #tpu.memory_space<semaphore_mem>>)
      %mul3A_535 = arith.constant 4 : i32
      %mul3A_536 = arith.muli %add3A_249, %mul3A_535 : i32
      %add3A_537 = arith.constant 2 : i32
      %add3A_538 = arith.addi %mul3A_536, %add3A_537 : i32
      %jit3A_539 = arith.constant 16 : i32
      %div3A_540 = arith.divsi %add3A_538, %jit3A_539 : i32
      %sign3A_541 = arith.constant 0 : i32
      %sign3A_542 = arith.cmpi sgt, %add3A_538, %sign3A_541 : i32
      %sign3A_543 = arith.extui %sign3A_542 : i1 to i32
      %sign3A_544 = arith.constant 0 : i32
      %sign3A_545 = arith.cmpi slt, %add3A_538, %sign3A_544 : i32
      %sign3A_546 = arith.extui %sign3A_545 : i1 to i32
      %sign3A_547 = arith.subi %sign3A_543, %sign3A_546 : i32
      %sign3A_548 = arith.constant 0 : i32
      %sign3A_549 = arith.cmpi sgt, %jit3A_539, %sign3A_548 : i32
      %sign3A_550 = arith.extui %sign3A_549 : i1 to i32
      %sign3A_551 = arith.constant 0 : i32
      %sign3A_552 = arith.cmpi slt, %jit3A_539, %sign3A_551 : i32
      %sign3A_553 = arith.extui %sign3A_552 : i1 to i32
      %sign3A_554 = arith.subi %sign3A_550, %sign3A_553 : i32
      %ne3A_555 = arith.cmpi ne, %sign3A_547, %sign3A_554 : i32
      %rem3A_556 = arith.remsi %add3A_538, %jit3A_539 : i32
      %ne3A_557 = arith.constant 0 : i32
      %ne3A_558 = arith.cmpi ne, %rem3A_556, %ne3A_557 : i32
      %and3A_559 = arith.andi %ne3A_555, %ne3A_558 : i1
      %sub3A_560 = arith.constant 1 : i32
      %sub3A_561 = arith.subi %div3A_540, %sub3A_560 : i32
      %select_n3A_562 = arith.select %and3A_559, %sub3A_561, %div3A_540 : i32
      %mul3A_563 = arith.constant 16 : i32
      %mul3A_564 = arith.muli %select_n3A_562, %mul3A_563 : i32
      %get3A_565 = arith.index_cast %mul3A_564 : i32 to index
      %get3A_566 = tpu.vector_load %arg7[%get3A_565] {strides = array<i32>} : memref<512xi32, #tpu.memory_space<vmem>>, vector<16xi32>,
      %jit3A_567 = arith.constant 16 : i32
      %eq3A_568 = arith.constant 0 : i32
      %eq3A_569 = arith.cmpi eq, %jit3A_567, %eq3A_568 : i32
      %jit3A_570 = arith.constant 1 : i32
      %select_n3A_571 = arith.select %eq3A_569, %jit3A_570, %jit3A_567 : i32
      %rem3A_572 = arith.remsi %add3A_538, %select_n3A_571 : i32
      %ne3A_573 = arith.constant 0 : i32
      %ne3A_574 = arith.cmpi ne, %rem3A_572, %ne3A_573 : i32
      %lt3A_575 = arith.constant 0 : i32
      %lt3A_576 = arith.cmpi slt, %rem3A_572, %lt3A_575 : i32
      %lt3A_577 = arith.constant 0 : i32
      %lt3A_578 = arith.cmpi slt, %select_n3A_571, %lt3A_577 : i32
      %ne3A_579 = arith.xori %lt3A_576, %lt3A_578 : i1
      %and3A_580 = arith.andi %ne3A_579, %ne3A_574 : i1
      %add3A_581 = arith.addi %rem3A_572, %select_n3A_571 : i32
      %select_n3A_582 = arith.select %and3A_580, %add3A_581, %rem3A_572 : i32
      %eq3A_583 = vector.broadcast %select_n3A_582 : i32 to vector<16xi32>
      %eq3A_584 = arith.cmpi eq, %iota3A, %eq3A_583 : vector<16xi32>
      %jit3A_585 = arith.constant 0 : i32
      %broadcast_in_dim3A_586 = vector.broadcast %jit3A_585 : i32 to vector<16xi32>
      %select_n3A_587 = arith.select %eq3A_584, %get3A_566, %broadcast_in_dim3A_586 : vector<16xi1>, vector<16xi32>
      %reduce_sum3A_588 = arith.constant true
      %reduce_sum3A_589 = vector.broadcast %reduce_sum3A_588 : i1 to vector<16xi1>
      %reduce_sum3A_590 = tpu.scan <sum>, %select_n3A_587 masked %reduce_sum3A_589 : vector<16xi32>, vector<16xi1> -> vector<16xi32>
      %reduce_sum3A_591 = vector.extract %reduce_sum3A_590[15] : i32 from vector<16xi32>
      %jit3A_592 = arith.constant 16 : i32
      %div3A_593 = arith.divsi %add3A_538, %jit3A_592 : i32
      %sign3A_594 = arith.constant 0 : i32
      %sign3A_595 = arith.cmpi sgt, %add3A_538, %sign3A_594 : i32
      %sign3A_596 = arith.extui %sign3A_595 : i1 to i32
      %sign3A_597 = arith.constant 0 : i32
      %sign3A_598 = arith.cmpi slt, %add3A_538, %sign3A_597 : i32
      %sign3A_599 = arith.extui %sign3A_598 : i1 to i32
      %sign3A_600 = arith.subi %sign3A_596, %sign3A_599 : i32
      %sign3A_601 = arith.constant 0 : i32
      %sign3A_602 = arith.cmpi sgt, %jit3A_592, %sign3A_601 : i32
      %sign3A_603 = arith.extui %sign3A_602 : i1 to i32
      %sign3A_604 = arith.constant 0 : i32
      %sign3A_605 = arith.cmpi slt, %jit3A_592, %sign3A_604 : i32
      %sign3A_606 = arith.extui %sign3A_605 : i1 to i32
      %sign3A_607 = arith.subi %sign3A_603, %sign3A_606 : i32
      %ne3A_608 = arith.cmpi ne, %sign3A_600, %sign3A_607 : i32
      %rem3A_609 = arith.remsi %add3A_538, %jit3A_592 : i32
      %ne3A_610 = arith.constant 0 : i32
      %ne3A_611 = arith.cmpi ne, %rem3A_609, %ne3A_610 : i32
      %and3A_612 = arith.andi %ne3A_608, %ne3A_611 : i1
      %sub3A_613 = arith.constant 1 : i32
      %sub3A_614 = arith.subi %div3A_593, %sub3A_613 : i32
      %select_n3A_615 = arith.select %and3A_612, %sub3A_614, %div3A_593 : i32
      %mul3A_616 = arith.constant 16 : i32
      %mul3A_617 = arith.muli %select_n3A_615, %mul3A_616 : i32
      %get3A_618 = arith.index_cast %mul3A_617 : i32 to index
      %get3A_619 = tpu.vector_load %arg8[%get3A_618] {strides = array<i32>} : memref<512xi32, #tpu.memory_space<vmem>>, vector<16xi32>,
      %jit3A_620 = arith.constant 16 : i32
      %eq3A_621 = arith.constant 0 : i32
      %eq3A_622 = arith.cmpi eq, %jit3A_620, %eq3A_621 : i32
      %jit3A_623 = arith.constant 1 : i32
      %select_n3A_624 = arith.select %eq3A_622, %jit3A_623, %jit3A_620 : i32
      %rem3A_625 = arith.remsi %add3A_538, %select_n3A_624 : i32
      %ne3A_626 = arith.constant 0 : i32
      %ne3A_627 = arith.cmpi ne, %rem3A_625, %ne3A_626 : i32
      %lt3A_628 = arith.constant 0 : i32
      %lt3A_629 = arith.cmpi slt, %rem3A_625, %lt3A_628 : i32
      %lt3A_630 = arith.constant 0 : i32
      %lt3A_631 = arith.cmpi slt, %select_n3A_624, %lt3A_630 : i32
      %ne3A_632 = arith.xori %lt3A_629, %lt3A_631 : i1
      %and3A_633 = arith.andi %ne3A_632, %ne3A_627 : i1
      %add3A_634 = arith.addi %rem3A_625, %select_n3A_624 : i32
      %select_n3A_635 = arith.select %and3A_633, %add3A_634, %rem3A_625 : i32
      %eq3A_636 = vector.broadcast %select_n3A_635 : i32 to vector<16xi32>
      %eq3A_637 = arith.cmpi eq, %iota3A, %eq3A_636 : vector<16xi32>
      %jit3A_638 = arith.constant 0 : i32
      %broadcast_in_dim3A_639 = vector.broadcast %jit3A_638 : i32 to vector<16xi32>
      %select_n3A_640 = arith.select %eq3A_637, %get3A_619, %broadcast_in_dim3A_639 : vector<16xi1>, vector<16xi32>
      %reduce_sum3A_641 = arith.constant true
      %reduce_sum3A_642 = vector.broadcast %reduce_sum3A_641 : i1 to vector<16xi1>
      %reduce_sum3A_643 = tpu.scan <sum>, %select_n3A_640 masked %reduce_sum3A_642 : vector<16xi32>, vector<16xi1> -> vector<16xi32>
      %reduce_sum3A_644 = vector.extract %reduce_sum3A_643[15] : i32 from vector<16xi32>
      %shift_right_arithmetic3A_645 = arith.constant 7 : i32
      %shift_right_arithmetic3A_646 = arith.shrsi %reduce_sum3A_591, %shift_right_arithmetic3A_645 : i32
      %mul3A_647 = arith.constant 128 : i32
      %mul3A_648 = arith.muli %shift_right_arithmetic3A_646, %mul3A_647 : i32
      %multiple_of3A_649 = tpu.assume_multiple %mul3A_648, 128 : i32
      %shift_right_arithmetic3A_650 = arith.constant 7 : i32
      %shift_right_arithmetic3A_651 = arith.shrsi %reduce_sum3A_644, %shift_right_arithmetic3A_650 : i32
      %mul3A_652 = arith.constant 128 : i32
      %mul3A_653 = arith.muli %shift_right_arithmetic3A_651, %mul3A_652 : i32
      %multiple_of3A_654 = tpu.assume_multiple %mul3A_653, 128 : i32
      %dma_start3A_655 = arith.constant 1 : i32
      %dma_start3A_656 = arith.constant 64 : i32
      %dma_start3A_657 = arith.constant 0 : i32
      %dma_start3A_658 = tpu.memref_slice %arg9[%dma_start3A_655, %dma_start3A_656, %dma_start3A_657] : memref<2x128x128xf32, #tpu.memory_space<vmem>> -> memref<1x32x128xf32, #tpu.memory_space<vmem>>
      %dma_start3A_659 = tpu.memref_squeeze %dma_start3A_658 : memref<1x32x128xf32, #tpu.memory_space<vmem>> -> memref<32x128xf32, #tpu.memory_space<vmem>>
      %dma_start3A_660 = arith.constant 0 : i32
      %dma_start3A_661 = tpu.memref_slice %arg4[%dma_start3A_660, %multiple_of3A_649] : memref<32x1000000xf32, #tpu.memory_space<hbm>> -> memref<32x128xf32, #tpu.memory_space<hbm>>
      %dma_start3A_662 = arith.constant 64 : i32
      %dma_start3A_663 = arith.constant 0 : i32
      %dma_start3A_664 = tpu.memref_slice %arg9[%dma_start3A_655, %dma_start3A_662, %dma_start3A_663] : memref<2x128x128xf32, #tpu.memory_space<vmem>> -> memref<1x32x128xf32, #tpu.memory_space<vmem>>
      %dma_start3A_665 = tpu.memref_squeeze %dma_start3A_664 : memref<1x32x128xf32, #tpu.memory_space<vmem>> -> memref<32x128xf32, #tpu.memory_space<vmem>>
      %dma_start3A_666 = arith.constant 0 : i32
      %dma_start3A_667 = tpu.memref_slice %arg4[%dma_start3A_666, %multiple_of3A_649] : memref<32x1000000xf32, #tpu.memory_space<hbm>> -> memref<32x128xf32, #tpu.memory_space<hbm>>
      tpu.enqueue_dma source(%dma_start3A_667 : memref<32x128xf32, #tpu.memory_space<hbm>>) target(%dma_start3A_665 : memref<32x128xf32, #tpu.memory_space<vmem>>) target_semaphore(%arg15 : memref<!tpu.dma_semaphore, #tpu.memory_space<semaphore_mem>>)
      %dma_start3A_668 = arith.constant 1 : i32
      %dma_start3A_669 = arith.constant 64 : i32
      %dma_start3A_670 = arith.constant 0 : i32
      %dma_start3A_671 = tpu.memref_slice %arg10[%dma_start3A_668, %dma_start3A_669, %dma_start3A_670] : memref<2x128x128xf32, #tpu.memory_space<vmem>> -> memref<1x32x128xf32, #tpu.memory_space<vmem>>
      %dma_start3A_672 = tpu.memref_squeeze %dma_start3A_671 : memref<1x32x128xf32, #tpu.memory_space<vmem>> -> memref<32x128xf32, #tpu.memory_space<vmem>>
      %dma_start3A_673 = arith.constant 0 : i32
      %dma_start3A_674 = tpu.memref_slice %arg5[%dma_start3A_673, %multiple_of3A_654] : memref<32x1000000xf32, #tpu.memory_space<hbm>> -> memref<32x128xf32, #tpu.memory_space<hbm>>
      %dma_start3A_675 = arith.constant 64 : i32
      %dma_start3A_676 = arith.constant 0 : i32
      %dma_start3A_677 = tpu.memref_slice %arg10[%dma_start3A_668, %dma_start3A_675, %dma_start3A_676] : memref<2x128x128xf32, #tpu.memory_space<vmem>> -> memref<1x32x128xf32, #tpu.memory_space<vmem>>
      %dma_start3A_678 = tpu.memref_squeeze %dma_start3A_677 : memref<1x32x128xf32, #tpu.memory_space<vmem>> -> memref<32x128xf32, #tpu.memory_space<vmem>>
      %dma_start3A_679 = arith.constant 0 : i32
      %dma_start3A_680 = tpu.memref_slice %arg5[%dma_start3A_679, %multiple_of3A_654] : memref<32x1000000xf32, #tpu.memory_space<hbm>> -> memref<32x128xf32, #tpu.memory_space<hbm>>
      tpu.enqueue_dma source(%dma_start3A_680 : memref<32x128xf32, #tpu.memory_space<hbm>>) target(%dma_start3A_678 : memref<32x128xf32, #tpu.memory_space<vmem>>) target_semaphore(%arg17 : memref<!tpu.dma_semaphore, #tpu.memory_space<semaphore_mem>>)
      %mul3A_681 = arith.constant 4 : i32
      %mul3A_682 = arith.muli %add3A_249, %mul3A_681 : i32
      %add3A_683 = arith.constant 3 : i32
      %add3A_684 = arith.addi %mul3A_682, %add3A_683 : i32
      %jit3A_685 = arith.constant 16 : i32
      %div3A_686 = arith.divsi %add3A_684, %jit3A_685 : i32
      %sign3A_687 = arith.constant 0 : i32
      %sign3A_688 = arith.cmpi sgt, %add3A_684, %sign3A_687 : i32
      %sign3A_689 = arith.extui %sign3A_688 : i1 to i32
      %sign3A_690 = arith.constant 0 : i32
      %sign3A_691 = arith.cmpi slt, %add3A_684, %sign3A_690 : i32
      %sign3A_692 = arith.extui %sign3A_691 : i1 to i32
      %sign3A_693 = arith.subi %sign3A_689, %sign3A_692 : i32
      %sign3A_694 = arith.constant 0 : i32
      %sign3A_695 = arith.cmpi sgt, %jit3A_685, %sign3A_694 : i32
      %sign3A_696 = arith.extui %sign3A_695 : i1 to i32
      %sign3A_697 = arith.constant 0 : i32
      %sign3A_698 = arith.cmpi slt, %jit3A_685, %sign3A_697 : i32
      %sign3A_699 = arith.extui %sign3A_698 : i1 to i32
      %sign3A_700 = arith.subi %sign3A_696, %sign3A_699 : i32
      %ne3A_701 = arith.cmpi ne, %sign3A_693, %sign3A_700 : i32
      %rem3A_702 = arith.remsi %add3A_684, %jit3A_685 : i32
      %ne3A_703 = arith.constant 0 : i32
      %ne3A_704 = arith.cmpi ne, %rem3A_702, %ne3A_703 : i32
      %and3A_705 = arith.andi %ne3A_701, %ne3A_704 : i1
      %sub3A_706 = arith.constant 1 : i32
      %sub3A_707 = arith.subi %div3A_686, %sub3A_706 : i32
      %select_n3A_708 = arith.select %and3A_705, %sub3A_707, %div3A_686 : i32
      %mul3A_709 = arith.constant 16 : i32
      %mul3A_710 = arith.muli %select_n3A_708, %mul3A_709 : i32
      %get3A_711 = arith.index_cast %mul3A_710 : i32 to index
      %get3A_712 = tpu.vector_load %arg7[%get3A_711] {strides = array<i32>} : memref<512xi32, #tpu.memory_space<vmem>>, vector<16xi32>,
      %jit3A_713 = arith.constant 16 : i32
      %eq3A_714 = arith.constant 0 : i32
      %eq3A_715 = arith.cmpi eq, %jit3A_713, %eq3A_714 : i32
      %jit3A_716 = arith.constant 1 : i32
      %select_n3A_717 = arith.select %eq3A_715, %jit3A_716, %jit3A_713 : i32
      %rem3A_718 = arith.remsi %add3A_684, %select_n3A_717 : i32
      %ne3A_719 = arith.constant 0 : i32
      %ne3A_720 = arith.cmpi ne, %rem3A_718, %ne3A_719 : i32
      %lt3A_721 = arith.constant 0 : i32
      %lt3A_722 = arith.cmpi slt, %rem3A_718, %lt3A_721 : i32
      %lt3A_723 = arith.constant 0 : i32
      %lt3A_724 = arith.cmpi slt, %select_n3A_717, %lt3A_723 : i32
      %ne3A_725 = arith.xori %lt3A_722, %lt3A_724 : i1
      %and3A_726 = arith.andi %ne3A_725, %ne3A_720 : i1
      %add3A_727 = arith.addi %rem3A_718, %select_n3A_717 : i32
      %select_n3A_728 = arith.select %and3A_726, %add3A_727, %rem3A_718 : i32
      %eq3A_729 = vector.broadcast %select_n3A_728 : i32 to vector<16xi32>
      %eq3A_730 = arith.cmpi eq, %iota3A, %eq3A_729 : vector<16xi32>
      %jit3A_731 = arith.constant 0 : i32
      %broadcast_in_dim3A_732 = vector.broadcast %jit3A_731 : i32 to vector<16xi32>
      %select_n3A_733 = arith.select %eq3A_730, %get3A_712, %broadcast_in_dim3A_732 : vector<16xi1>, vector<16xi32>
      %reduce_sum3A_734 = arith.constant true
      %reduce_sum3A_735 = vector.broadcast %reduce_sum3A_734 : i1 to vector<16xi1>
      %reduce_sum3A_736 = tpu.scan <sum>, %select_n3A_733 masked %reduce_sum3A_735 : vector<16xi32>, vector<16xi1> -> vector<16xi32>
      %reduce_sum3A_737 = vector.extract %reduce_sum3A_736[15] : i32 from vector<16xi32>
      %jit3A_738 = arith.constant 16 : i32
      %div3A_739 = arith.divsi %add3A_684, %jit3A_738 : i32
      %sign3A_740 = arith.constant 0 : i32
      %sign3A_741 = arith.cmpi sgt, %add3A_684, %sign3A_740 : i32
      %sign3A_742 = arith.extui %sign3A_741 : i1 to i32
      %sign3A_743 = arith.constant 0 : i32
      %sign3A_744 = arith.cmpi slt, %add3A_684, %sign3A_743 : i32
      %sign3A_745 = arith.extui %sign3A_744 : i1 to i32
      %sign3A_746 = arith.subi %sign3A_742, %sign3A_745 : i32
      %sign3A_747 = arith.constant 0 : i32
      %sign3A_748 = arith.cmpi sgt, %jit3A_738, %sign3A_747 : i32
      %sign3A_749 = arith.extui %sign3A_748 : i1 to i32
      %sign3A_750 = arith.constant 0 : i32
      %sign3A_751 = arith.cmpi slt, %jit3A_738, %sign3A_750 : i32
      %sign3A_752 = arith.extui %sign3A_751 : i1 to i32
      %sign3A_753 = arith.subi %sign3A_749, %sign3A_752 : i32
      %ne3A_754 = arith.cmpi ne, %sign3A_746, %sign3A_753 : i32
      %rem3A_755 = arith.remsi %add3A_684, %jit3A_738 : i32
      %ne3A_756 = arith.constant 0 : i32
      %ne3A_757 = arith.cmpi ne, %rem3A_755, %ne3A_756 : i32
      %and3A_758 = arith.andi %ne3A_754, %ne3A_757 : i1
      %sub3A_759 = arith.constant 1 : i32
      %sub3A_760 = arith.subi %div3A_739, %sub3A_759 : i32
      %select_n3A_761 = arith.select %and3A_758, %sub3A_760, %div3A_739 : i32
      %mul3A_762 = arith.constant 16 : i32
      %mul3A_763 = arith.muli %select_n3A_761, %mul3A_762 : i32
      %get3A_764 = arith.index_cast %mul3A_763 : i32 to index
      %get3A_765 = tpu.vector_load %arg8[%get3A_764] {strides = array<i32>} : memref<512xi32, #tpu.memory_space<vmem>>, vector<16xi32>,
      %jit3A_766 = arith.constant 16 : i32
      %eq3A_767 = arith.constant 0 : i32
      %eq3A_768 = arith.cmpi eq, %jit3A_766, %eq3A_767 : i32
      %jit3A_769 = arith.constant 1 : i32
      %select_n3A_770 = arith.select %eq3A_768, %jit3A_769, %jit3A_766 : i32
      %rem3A_771 = arith.remsi %add3A_684, %select_n3A_770 : i32
      %ne3A_772 = arith.constant 0 : i32
      %ne3A_773 = arith.cmpi ne, %rem3A_771, %ne3A_772 : i32
      %lt3A_774 = arith.constant 0 : i32
      %lt3A_775 = arith.cmpi slt, %rem3A_771, %lt3A_774 : i32
      %lt3A_776 = arith.constant 0 : i32
      %lt3A_777 = arith.cmpi slt, %select_n3A_770, %lt3A_776 : i32
      %ne3A_778 = arith.xori %lt3A_775, %lt3A_777 : i1
      %and3A_779 = arith.andi %ne3A_778, %ne3A_773 : i1
      %add3A_780 = arith.addi %rem3A_771, %select_n3A_770 : i32
      %select_n3A_781 = arith.select %and3A_779, %add3A_780, %rem3A_771 : i32
      %eq3A_782 = vector.broadcast %select_n3A_781 : i32 to vector<16xi32>
      %eq3A_783 = arith.cmpi eq, %iota3A, %eq3A_782 : vector<16xi32>
      %jit3A_784 = arith.constant 0 : i32
      %broadcast_in_dim3A_785 = vector.broadcast %jit3A_784 : i32 to vector<16xi32>
      %select_n3A_786 = arith.select %eq3A_783, %get3A_765, %broadcast_in_dim3A_785 : vector<16xi1>, vector<16xi32>
      %reduce_sum3A_787 = arith.constant true
      %reduce_sum3A_788 = vector.broadcast %reduce_sum3A_787 : i1 to vector<16xi1>
      %reduce_sum3A_789 = tpu.scan <sum>, %select_n3A_786 masked %reduce_sum3A_788 : vector<16xi32>, vector<16xi1> -> vector<16xi32>
      %reduce_sum3A_790 = vector.extract %reduce_sum3A_789[15] : i32 from vector<16xi32>
      %shift_right_arithmetic3A_791 = arith.constant 7 : i32
      %shift_right_arithmetic3A_792 = arith.shrsi %reduce_sum3A_737, %shift_right_arithmetic3A_791 : i32
      %mul3A_793 = arith.constant 128 : i32
      %mul3A_794 = arith.muli %shift_right_arithmetic3A_792, %mul3A_793 : i32
      %multiple_of3A_795 = tpu.assume_multiple %mul3A_794, 128 : i32
      %shift_right_arithmetic3A_796 = arith.constant 7 : i32
      %shift_right_arithmetic3A_797 = arith.shrsi %reduce_sum3A_790, %shift_right_arithmetic3A_796 : i32
      %mul3A_798 = arith.constant 128 : i32
      %mul3A_799 = arith.muli %shift_right_arithmetic3A_797, %mul3A_798 : i32
      %multiple_of3A_800 = tpu.assume_multiple %mul3A_799, 128 : i32
      %dma_start3A_801 = arith.constant 1 : i32
      %dma_start3A_802 = arith.constant 96 : i32
      %dma_start3A_803 = arith.constant 0 : i32
      %dma_start3A_804 = tpu.memref_slice %arg9[%dma_start3A_801, %dma_start3A_802, %dma_start3A_803] : memref<2x128x128xf32, #tpu.memory_space<vmem>> -> memref<1x32x128xf32, #tpu.memory_space<vmem>>
      %dma_start3A_805 = tpu.memref_squeeze %dma_start3A_804 : memref<1x32x128xf32, #tpu.memory_space<vmem>> -> memref<32x128xf32, #tpu.memory_space<vmem>>
      %dma_start3A_806 = arith.constant 0 : i32
      %dma_start3A_807 = tpu.memref_slice %arg4[%dma_start3A_806, %multiple_of3A_795] : memref<32x1000000xf32, #tpu.memory_space<hbm>> -> memref<32x128xf32, #tpu.memory_space<hbm>>
      %dma_start3A_808 = arith.constant 96 : i32
      %dma_start3A_809 = arith.constant 0 : i32
      %dma_start3A_810 = tpu.memref_slice %arg9[%dma_start3A_801, %dma_start3A_808, %dma_start3A_809] : memref<2x128x128xf32, #tpu.memory_space<vmem>> -> memref<1x32x128xf32, #tpu.memory_space<vmem>>
      %dma_start3A_811 = tpu.memref_squeeze %dma_start3A_810 : memref<1x32x128xf32, #tpu.memory_space<vmem>> -> memref<32x128xf32, #tpu.memory_space<vmem>>
      %dma_start3A_812 = arith.constant 0 : i32
      %dma_start3A_813 = tpu.memref_slice %arg4[%dma_start3A_812, %multiple_of3A_795] : memref<32x1000000xf32, #tpu.memory_space<hbm>> -> memref<32x128xf32, #tpu.memory_space<hbm>>
      tpu.enqueue_dma source(%dma_start3A_813 : memref<32x128xf32, #tpu.memory_space<hbm>>) target(%dma_start3A_811 : memref<32x128xf32, #tpu.memory_space<vmem>>) target_semaphore(%arg15 : memref<!tpu.dma_semaphore, #tpu.memory_space<semaphore_mem>>)
      %dma_start3A_814 = arith.constant 1 : i32
      %dma_start3A_815 = arith.constant 96 : i32
      %dma_start3A_816 = arith.constant 0 : i32
      %dma_start3A_817 = tpu.memref_slice %arg10[%dma_start3A_814, %dma_start3A_815, %dma_start3A_816] : memref<2x128x128xf32, #tpu.memory_space<vmem>> -> memref<1x32x128xf32, #tpu.memory_space<vmem>>
      %dma_start3A_818 = tpu.memref_squeeze %dma_start3A_817 : memref<1x32x128xf32, #tpu.memory_space<vmem>> -> memref<32x128xf32, #tpu.memory_space<vmem>>
      %dma_start3A_819 = arith.constant 0 : i32
      %dma_start3A_820 = tpu.memref_slice %arg5[%dma_start3A_819, %multiple_of3A_800] : memref<32x1000000xf32, #tpu.memory_space<hbm>> -> memref<32x128xf32, #tpu.memory_space<hbm>>
      %dma_start3A_821 = arith.constant 96 : i32
      %dma_start3A_822 = arith.constant 0 : i32
      %dma_start3A_823 = tpu.memref_slice %arg10[%dma_start3A_814, %dma_start3A_821, %dma_start3A_822] : memref<2x128x128xf32, #tpu.memory_space<vmem>> -> memref<1x32x128xf32, #tpu.memory_space<vmem>>
      %dma_start3A_824 = tpu.memref_squeeze %dma_start3A_823 : memref<1x32x128xf32, #tpu.memory_space<vmem>> -> memref<32x128xf32, #tpu.memory_space<vmem>>
      %dma_start3A_825 = arith.constant 0 : i32
      %dma_start3A_826 = tpu.memref_slice %arg5[%dma_start3A_825, %multiple_of3A_800] : memref<32x1000000xf32, #tpu.memory_space<hbm>> -> memref<32x128xf32, #tpu.memory_space<hbm>>
      tpu.enqueue_dma source(%dma_start3A_826 : memref<32x128xf32, #tpu.memory_space<hbm>>) target(%dma_start3A_824 : memref<32x128xf32, #tpu.memory_space<vmem>>) target_semaphore(%arg17 : memref<!tpu.dma_semaphore, #tpu.memory_space<semaphore_mem>>)
      %dma_wait3A = arith.constant 0 : i32
      %dma_wait3A_827 = arith.constant 0 : i32
      %dma_wait3A_828 = arith.constant 0 : i32
      %dma_wait3A_829 = tpu.memref_slice %arg9[%dma_wait3A, %dma_wait3A_827, %dma_wait3A_828] : memref<2x128x128xf32, #tpu.memory_space<vmem>> -> memref<1x32x128xf32, #tpu.memory_space<vmem>>
      %dma_wait3A_830 = tpu.memref_squeeze %dma_wait3A_829 : memref<1x32x128xf32, #tpu.memory_space<vmem>> -> memref<32x128xf32, #tpu.memory_space<vmem>>
      %dma_wait3A_831 = arith.constant 0 : i32
      %dma_wait3A_832 = arith.constant 0 : i32
      %dma_wait3A_833 = tpu.memref_slice %arg4[%dma_wait3A_831, %dma_wait3A_832] : memref<32x1000000xf32, #tpu.memory_space<hbm>> -> memref<32x128xf32, #tpu.memory_space<hbm>>
      %dma_wait3A_834 = arith.constant 0 : i32
      %dma_wait3A_835 = arith.constant 0 : i32
      %dma_wait3A_836 = tpu.memref_slice %arg9[%dma_wait3A, %dma_wait3A_834, %dma_wait3A_835] : memref<2x128x128xf32, #tpu.memory_space<vmem>> -> memref<1x32x128xf32, #tpu.memory_space<vmem>>
      %dma_wait3A_837 = tpu.memref_squeeze %dma_wait3A_836 : memref<1x32x128xf32, #tpu.memory_space<vmem>> -> memref<32x128xf32, #tpu.memory_space<vmem>>
      %dma_wait3A_838 = arith.constant 0 : i32
      %dma_wait3A_839 = arith.constant 0 : i32
      %dma_wait3A_840 = tpu.memref_slice %arg4[%dma_wait3A_838, %dma_wait3A_839] : memref<32x1000000xf32, #tpu.memory_space<hbm>> -> memref<32x128xf32, #tpu.memory_space<hbm>>
      tpu.wait_dma2 semaphore(%arg14 : memref<!tpu.dma_semaphore, #tpu.memory_space<semaphore_mem>>) src(%dma_wait3A_840 : memref<32x128xf32, #tpu.memory_space<hbm>>) dst(%dma_wait3A_837 : memref<32x128xf32, #tpu.memory_space<vmem>>)
      %dma_wait3A_841 = arith.constant 0 : i32
      %dma_wait3A_842 = arith.constant 0 : i32
      %dma_wait3A_843 = arith.constant 0 : i32
      %dma_wait3A_844 = tpu.memref_slice %arg10[%dma_wait3A_841, %dma_wait3A_842, %dma_wait3A_843] : memref<2x128x128xf32, #tpu.memory_space<vmem>> -> memref<1x32x128xf32, #tpu.memory_space<vmem>>
      %dma_wait3A_845 = tpu.memref_squeeze %dma_wait3A_844 : memref<1x32x128xf32, #tpu.memory_space<vmem>> -> memref<32x128xf32, #tpu.memory_space<vmem>>
      %dma_wait3A_846 = arith.constant 0 : i32
      %dma_wait3A_847 = arith.constant 0 : i32
      %dma_wait3A_848 = tpu.memref_slice %arg5[%dma_wait3A_846, %dma_wait3A_847] : memref<32x1000000xf32, #tpu.memory_space<hbm>> -> memref<32x128xf32, #tpu.memory_space<hbm>>
      %dma_wait3A_849 = arith.constant 0 : i32
      %dma_wait3A_850 = arith.constant 0 : i32
      %dma_wait3A_851 = tpu.memref_slice %arg10[%dma_wait3A_841, %dma_wait3A_849, %dma_wait3A_850] : memref<2x128x128xf32, #tpu.memory_space<vmem>> -> memref<1x32x128xf32, #tpu.memory_space<vmem>>
      %dma_wait3A_852 = tpu.memref_squeeze %dma_wait3A_851 : memref<1x32x128xf32, #tpu.memory_space<vmem>> -> memref<32x128xf32, #tpu.memory_space<vmem>>
      %dma_wait3A_853 = arith.constant 0 : i32
      %dma_wait3A_854 = arith.constant 0 : i32
      %dma_wait3A_855 = tpu.memref_slice %arg5[%dma_wait3A_853, %dma_wait3A_854] : memref<32x1000000xf32, #tpu.memory_space<hbm>> -> memref<32x128xf32, #tpu.memory_space<hbm>>
      tpu.wait_dma2 semaphore(%arg16 : memref<!tpu.dma_semaphore, #tpu.memory_space<semaphore_mem>>) src(%dma_wait3A_855 : memref<32x128xf32, #tpu.memory_space<hbm>>) dst(%dma_wait3A_852 : memref<32x128xf32, #tpu.memory_space<vmem>>)
      %dma_wait3A_856 = arith.constant 0 : i32
      %dma_wait3A_857 = arith.constant 0 : i32
      %dma_wait3A_858 = arith.constant 0 : i32
      %dma_wait3A_859 = tpu.memref_slice %arg9[%dma_wait3A_856, %dma_wait3A_857, %dma_wait3A_858] : memref<2x128x128xf32, #tpu.memory_space<vmem>> -> memref<1x32x128xf32, #tpu.memory_space<vmem>>
      %dma_wait3A_860 = tpu.memref_squeeze %dma_wait3A_859 : memref<1x32x128xf32, #tpu.memory_space<vmem>> -> memref<32x128xf32, #tpu.memory_space<vmem>>
      %dma_wait3A_861 = arith.constant 0 : i32
      %dma_wait3A_862 = arith.constant 0 : i32
      %dma_wait3A_863 = tpu.memref_slice %arg4[%dma_wait3A_861, %dma_wait3A_862] : memref<32x1000000xf32, #tpu.memory_space<hbm>> -> memref<32x128xf32, #tpu.memory_space<hbm>>
      %dma_wait3A_864 = arith.constant 0 : i32
      %dma_wait3A_865 = arith.constant 0 : i32
      %dma_wait3A_866 = tpu.memref_slice %arg9[%dma_wait3A_856, %dma_wait3A_864, %dma_wait3A_865] : memref<2x128x128xf32, #tpu.memory_space<vmem>> -> memref<1x32x128xf32, #tpu.memory_space<vmem>>
      %dma_wait3A_867 = tpu.memref_squeeze %dma_wait3A_866 : memref<1x32x128xf32, #tpu.memory_space<vmem>> -> memref<32x128xf32, #tpu.memory_space<vmem>>
      %dma_wait3A_868 = arith.constant 0 : i32
      %dma_wait3A_869 = arith.constant 0 : i32
      %dma_wait3A_870 = tpu.memref_slice %arg4[%dma_wait3A_868, %dma_wait3A_869] : memref<32x1000000xf32, #tpu.memory_space<hbm>> -> memref<32x128xf32, #tpu.memory_space<hbm>>
      tpu.wait_dma2 semaphore(%arg14 : memref<!tpu.dma_semaphore, #tpu.memory_space<semaphore_mem>>) src(%dma_wait3A_870 : memref<32x128xf32, #tpu.memory_space<hbm>>) dst(%dma_wait3A_867 : memref<32x128xf32, #tpu.memory_space<vmem>>)
      %dma_wait3A_871 = arith.constant 0 : i32
      %dma_wait3A_872 = arith.constant 0 : i32
      %dma_wait3A_873 = arith.constant 0 : i32
      %dma_wait3A_874 = tpu.memref_slice %arg10[%dma_wait3A_871, %dma_wait3A_872, %dma_wait3A_873] : memref<2x128x128xf32, #tpu.memory_space<vmem>> -> memref<1x32x128xf32, #tpu.memory_space<vmem>>
      %dma_wait3A_875 = tpu.memref_squeeze %dma_wait3A_874 : memref<1x32x128xf32, #tpu.memory_space<vmem>> -> memref<32x128xf32, #tpu.memory_space<vmem>>
      %dma_wait3A_876 = arith.constant 0 : i32
      %dma_wait3A_877 = arith.constant 0 : i32
      %dma_wait3A_878 = tpu.memref_slice %arg5[%dma_wait3A_876, %dma_wait3A_877] : memref<32x1000000xf32, #tpu.memory_space<hbm>> -> memref<32x128xf32, #tpu.memory_space<hbm>>
      %dma_wait3A_879 = arith.constant 0 : i32
      %dma_wait3A_880 = arith.constant 0 : i32
      %dma_wait3A_881 = tpu.memref_slice %arg10[%dma_wait3A_871, %dma_wait3A_879, %dma_wait3A_880] : memref<2x128x128xf32, #tpu.memory_space<vmem>> -> memref<1x32x128xf32, #tpu.memory_space<vmem>>
      %dma_wait3A_882 = tpu.memref_squeeze %dma_wait3A_881 : memref<1x32x128xf32, #tpu.memory_space<vmem>> -> memref<32x128xf32, #tpu.memory_space<vmem>>
      %dma_wait3A_883 = arith.constant 0 : i32
      %dma_wait3A_884 = arith.constant 0 : i32
      %dma_wait3A_885 = tpu.memref_slice %arg5[%dma_wait3A_883, %dma_wait3A_884] : memref<32x1000000xf32, #tpu.memory_space<hbm>> -> memref<32x128xf32, #tpu.memory_space<hbm>>
      tpu.wait_dma2 semaphore(%arg16 : memref<!tpu.dma_semaphore, #tpu.memory_space<semaphore_mem>>) src(%dma_wait3A_885 : memref<32x128xf32, #tpu.memory_space<hbm>>) dst(%dma_wait3A_882 : memref<32x128xf32, #tpu.memory_space<vmem>>)
      %dma_wait3A_886 = arith.constant 0 : i32
      %dma_wait3A_887 = arith.constant 0 : i32
      %dma_wait3A_888 = arith.constant 0 : i32
      %dma_wait3A_889 = tpu.memref_slice %arg9[%dma_wait3A_886, %dma_wait3A_887, %dma_wait3A_888] : memref<2x128x128xf32, #tpu.memory_space<vmem>> -> memref<1x32x128xf32, #tpu.memory_space<vmem>>
      %dma_wait3A_890 = tpu.memref_squeeze %dma_wait3A_889 : memref<1x32x128xf32, #tpu.memory_space<vmem>> -> memref<32x128xf32, #tpu.memory_space<vmem>>
      %dma_wait3A_891 = arith.constant 0 : i32
      %dma_wait3A_892 = arith.constant 0 : i32
      %dma_wait3A_893 = tpu.memref_slice %arg4[%dma_wait3A_891, %dma_wait3A_892] : memref<32x1000000xf32, #tpu.memory_space<hbm>> -> memref<32x128xf32, #tpu.memory_space<hbm>>
      %dma_wait3A_894 = arith.constant 0 : i32
      %dma_wait3A_895 = arith.constant 0 : i32
      %dma_wait3A_896 = tpu.memref_slice %arg9[%dma_wait3A_886, %dma_wait3A_894, %dma_wait3A_895] : memref<2x128x128xf32, #tpu.memory_space<vmem>> -> memref<1x32x128xf32, #tpu.memory_space<vmem>>
      %dma_wait3A_897 = tpu.memref_squeeze %dma_wait3A_896 : memref<1x32x128xf32, #tpu.memory_space<vmem>> -> memref<32x128xf32, #tpu.memory_space<vmem>>
      %dma_wait3A_898 = arith.constant 0 : i32
      %dma_wait3A_899 = arith.constant 0 : i32
      %dma_wait3A_900 = tpu.memref_slice %arg4[%dma_wait3A_898, %dma_wait3A_899] : memref<32x1000000xf32, #tpu.memory_space<hbm>> -> memref<32x128xf32, #tpu.memory_space<hbm>>
      tpu.wait_dma2 semaphore(%arg14 : memref<!tpu.dma_semaphore, #tpu.memory_space<semaphore_mem>>) src(%dma_wait3A_900 : memref<32x128xf32, #tpu.memory_space<hbm>>) dst(%dma_wait3A_897 : memref<32x128xf32, #tpu.memory_space<vmem>>)
      %dma_wait3A_901 = arith.constant 0 : i32
      %dma_wait3A_902 = arith.constant 0 : i32
      %dma_wait3A_903 = arith.constant 0 : i32
      %dma_wait3A_904 = tpu.memref_slice %arg10[%dma_wait3A_901, %dma_wait3A_902, %dma_wait3A_903] : memref<2x128x128xf32, #tpu.memory_space<vmem>> -> memref<1x32x128xf32, #tpu.memory_space<vmem>>
      %dma_wait3A_905 = tpu.memref_squeeze %dma_wait3A_904 : memref<1x32x128xf32, #tpu.memory_space<vmem>> -> memref<32x128xf32, #tpu.memory_space<vmem>>
      %dma_wait3A_906 = arith.constant 0 : i32
      %dma_wait3A_907 = arith.constant 0 : i32
      %dma_wait3A_908 = tpu.memref_slice %arg5[%dma_wait3A_906, %dma_wait3A_907] : memref<32x1000000xf32, #tpu.memory_space<hbm>> -> memref<32x128xf32, #tpu.memory_space<hbm>>
      %dma_wait3A_909 = arith.constant 0 : i32
      %dma_wait3A_910 = arith.constant 0 : i32
      %dma_wait3A_911 = tpu.memref_slice %arg10[%dma_wait3A_901, %dma_wait3A_909, %dma_wait3A_910] : memref<2x128x128xf32, #tpu.memory_space<vmem>> -> memref<1x32x128xf32, #tpu.memory_space<vmem>>
      %dma_wait3A_912 = tpu.memref_squeeze %dma_wait3A_911 : memref<1x32x128xf32, #tpu.memory_space<vmem>> -> memref<32x128xf32, #tpu.memory_space<vmem>>
      %dma_wait3A_913 = arith.constant 0 : i32
      %dma_wait3A_914 = arith.constant 0 : i32
      %dma_wait3A_915 = tpu.memref_slice %arg5[%dma_wait3A_913, %dma_wait3A_914] : memref<32x1000000xf32, #tpu.memory_space<hbm>> -> memref<32x128xf32, #tpu.memory_space<hbm>>
      tpu.wait_dma2 semaphore(%arg16 : memref<!tpu.dma_semaphore, #tpu.memory_space<semaphore_mem>>) src(%dma_wait3A_915 : memref<32x128xf32, #tpu.memory_space<hbm>>) dst(%dma_wait3A_912 : memref<32x128xf32, #tpu.memory_space<vmem>>)
      %dma_wait3A_916 = arith.constant 0 : i32
      %dma_wait3A_917 = arith.constant 0 : i32
      %dma_wait3A_918 = arith.constant 0 : i32
      %dma_wait3A_919 = tpu.memref_slice %arg9[%dma_wait3A_916, %dma_wait3A_917, %dma_wait3A_918] : memref<2x128x128xf32, #tpu.memory_space<vmem>> -> memref<1x32x128xf32, #tpu.memory_space<vmem>>
      %dma_wait3A_920 = tpu.memref_squeeze %dma_wait3A_919 : memref<1x32x128xf32, #tpu.memory_space<vmem>> -> memref<32x128xf32, #tpu.memory_space<vmem>>
      %dma_wait3A_921 = arith.constant 0 : i32
      %dma_wait3A_922 = arith.constant 0 : i32
      %dma_wait3A_923 = tpu.memref_slice %arg4[%dma_wait3A_921, %dma_wait3A_922] : memref<32x1000000xf32, #tpu.memory_space<hbm>> -> memref<32x128xf32, #tpu.memory_space<hbm>>
      %dma_wait3A_924 = arith.constant 0 : i32
      %dma_wait3A_925 = arith.constant 0 : i32
      %dma_wait3A_926 = tpu.memref_slice %arg9[%dma_wait3A_916, %dma_wait3A_924, %dma_wait3A_925] : memref<2x128x128xf32, #tpu.memory_space<vmem>> -> memref<1x32x128xf32, #tpu.memory_space<vmem>>
      %dma_wait3A_927 = tpu.memref_squeeze %dma_wait3A_926 : memref<1x32x128xf32, #tpu.memory_space<vmem>> -> memref<32x128xf32, #tpu.memory_space<vmem>>
      %dma_wait3A_928 = arith.constant 0 : i32
      %dma_wait3A_929 = arith.constant 0 : i32
      %dma_wait3A_930 = tpu.memref_slice %arg4[%dma_wait3A_928, %dma_wait3A_929] : memref<32x1000000xf32, #tpu.memory_space<hbm>> -> memref<32x128xf32, #tpu.memory_space<hbm>>
      tpu.wait_dma2 semaphore(%arg14 : memref<!tpu.dma_semaphore, #tpu.memory_space<semaphore_mem>>) src(%dma_wait3A_930 : memref<32x128xf32, #tpu.memory_space<hbm>>) dst(%dma_wait3A_927 : memref<32x128xf32, #tpu.memory_space<vmem>>)
      %dma_wait3A_931 = arith.constant 0 : i32
      %dma_wait3A_932 = arith.constant 0 : i32
      %dma_wait3A_933 = arith.constant 0 : i32
      %dma_wait3A_934 = tpu.memref_slice %arg10[%dma_wait3A_931, %dma_wait3A_932, %dma_wait3A_933] : memref<2x128x128xf32, #tpu.memory_space<vmem>> -> memref<1x32x128xf32, #tpu.memory_space<vmem>>
      %dma_wait3A_935 = tpu.memref_squeeze %dma_wait3A_934 : memref<1x32x128xf32, #tpu.memory_space<vmem>> -> memref<32x128xf32, #tpu.memory_space<vmem>>
      %dma_wait3A_936 = arith.constant 0 : i32
      %dma_wait3A_937 = arith.constant 0 : i32
      %dma_wait3A_938 = tpu.memref_slice %arg5[%dma_wait3A_936, %dma_wait3A_937] : memref<32x1000000xf32, #tpu.memory_space<hbm>> -> memref<32x128xf32, #tpu.memory_space<hbm>>
      %dma_wait3A_939 = arith.constant 0 : i32
      %dma_wait3A_940 = arith.constant 0 : i32
      %dma_wait3A_941 = tpu.memref_slice %arg10[%dma_wait3A_931, %dma_wait3A_939, %dma_wait3A_940] : memref<2x128x128xf32, #tpu.memory_space<vmem>> -> memref<1x32x128xf32, #tpu.memory_space<vmem>>
      %dma_wait3A_942 = tpu.memref_squeeze %dma_wait3A_941 : memref<1x32x128xf32, #tpu.memory_space<vmem>> -> memref<32x128xf32, #tpu.memory_space<vmem>>
      %dma_wait3A_943 = arith.constant 0 : i32
      %dma_wait3A_944 = arith.constant 0 : i32
      %dma_wait3A_945 = tpu.memref_slice %arg5[%dma_wait3A_943, %dma_wait3A_944] : memref<32x1000000xf32, #tpu.memory_space<hbm>> -> memref<32x128xf32, #tpu.memory_space<hbm>>
      tpu.wait_dma2 semaphore(%arg16 : memref<!tpu.dma_semaphore, #tpu.memory_space<semaphore_mem>>) src(%dma_wait3A_945 : memref<32x128xf32, #tpu.memory_space<hbm>>) dst(%dma_wait3A_942 : memref<32x128xf32, #tpu.memory_space<vmem>>)
      %mul3A_946 = arith.constant 2 : i32
      %mul3A_947 = arith.muli %mul3A_946, %scan3A_245 : i32
      %broadcast_in_dim3A_948 = arith.constant 0 : i32
      %broadcast_in_dim3A_949 = vector.broadcast %broadcast_in_dim3A_948 : i32 to vector<16xi32>
      %mul3A_950 = arith.constant 4 : i32
      %mul3A_951 = arith.muli %mul3A_947, %mul3A_950 : i32
      %add3A_952 = arith.constant 0 : i32
      %add3A_953 = arith.addi %mul3A_951, %add3A_952 : i32
      %jit3A_954 = arith.constant 16 : i32
      %div3A_955 = arith.divsi %add3A_953, %jit3A_954 : i32
      %sign3A_956 = arith.constant 0 : i32
      %sign3A_957 = arith.cmpi sgt, %add3A_953, %sign3A_956 : i32
      %sign3A_958 = arith.extui %sign3A_957 : i1 to i32
      %sign3A_959 = arith.constant 0 : i32
      %sign3A_960 = arith.cmpi slt, %add3A_953, %sign3A_959 : i32
      %sign3A_961 = arith.extui %sign3A_960 : i1 to i32
      %sign3A_962 = arith.subi %sign3A_958, %sign3A_961 : i32
      %sign3A_963 = arith.constant 0 : i32
      %sign3A_964 = arith.cmpi sgt, %jit3A_954, %sign3A_963 : i32
      %sign3A_965 = arith.extui %sign3A_964 : i1 to i32
      %sign3A_966 = arith.constant 0 : i32
      %sign3A_967 = arith.cmpi slt, %jit3A_954, %sign3A_966 : i32
      %sign3A_968 = arith.extui %sign3A_967 : i1 to i32
      %sign3A_969 = arith.subi %sign3A_965, %sign3A_968 : i32
      %ne3A_970 = arith.cmpi ne, %sign3A_962, %sign3A_969 : i32
      %rem3A_971 = arith.remsi %add3A_953, %jit3A_954 : i32
      %ne3A_972 = arith.constant 0 : i32
      %ne3A_973 = arith.cmpi ne, %rem3A_971, %ne3A_972 : i32
      %and3A_974 = arith.andi %ne3A_970, %ne3A_973 : i1
      %sub3A_975 = arith.constant 1 : i32
      %sub3A_976 = arith.subi %div3A_955, %sub3A_975 : i32
      %select_n3A_977 = arith.select %and3A_974, %sub3A_976, %div3A_955 : i32
      %mul3A_978 = arith.constant 16 : i32
      %mul3A_979 = arith.muli %select_n3A_977, %mul3A_978 : i32
      %get3A_980 = arith.index_cast %mul3A_979 : i32 to index
      %get3A_981 = tpu.vector_load %arg7[%get3A_980] {strides = array<i32>} : memref<512xi32, #tpu.memory_space<vmem>>, vector<16xi32>,
      %jit3A_982 = arith.constant 16 : i32
      %eq3A_983 = arith.constant 0 : i32
      %eq3A_984 = arith.cmpi eq, %jit3A_982, %eq3A_983 : i32
      %jit3A_985 = arith.constant 1 : i32
      %select_n3A_986 = arith.select %eq3A_984, %jit3A_985, %jit3A_982 : i32
      %rem3A_987 = arith.remsi %add3A_953, %select_n3A_986 : i32
      %ne3A_988 = arith.constant 0 : i32
      %ne3A_989 = arith.cmpi ne, %rem3A_987, %ne3A_988 : i32
      %lt3A_990 = arith.constant 0 : i32
      %lt3A_991 = arith.cmpi slt, %rem3A_987, %lt3A_990 : i32
      %lt3A_992 = arith.constant 0 : i32
      %lt3A_993 = arith.cmpi slt, %select_n3A_986, %lt3A_992 : i32
      %ne3A_994 = arith.xori %lt3A_991, %lt3A_993 : i1
      %and3A_995 = arith.andi %ne3A_994, %ne3A_989 : i1
      %add3A_996 = arith.addi %rem3A_987, %select_n3A_986 : i32
      %select_n3A_997 = arith.select %and3A_995, %add3A_996, %rem3A_987 : i32
      %eq3A_998 = vector.broadcast %select_n3A_997 : i32 to vector<16xi32>
      %eq3A_999 = arith.cmpi eq, %iota3A, %eq3A_998 : vector<16xi32>
      %jit3A_1000 = arith.constant 0 : i32
      %broadcast_in_dim3A_1001 = vector.broadcast %jit3A_1000 : i32 to vector<16xi32>
      %select_n3A_1002 = arith.select %eq3A_999, %get3A_981, %broadcast_in_dim3A_1001 : vector<16xi1>, vector<16xi32>
      %reduce_sum3A_1003 = arith.constant true
      %reduce_sum3A_1004 = vector.broadcast %reduce_sum3A_1003 : i1 to vector<16xi1>
      %reduce_sum3A_1005 = tpu.scan <sum>, %select_n3A_1002 masked %reduce_sum3A_1004 : vector<16xi32>, vector<16xi1> -> vector<16xi32>
      %reduce_sum3A_1006 = vector.extract %reduce_sum3A_1005[15] : i32 from vector<16xi32>
      %and3A_1007 = arith.constant 127 : i32
      %and3A_1008 = arith.andi %reduce_sum3A_1006, %and3A_1007 : i32
      %broadcast_in_dim3A_1009 = vector.broadcast %and3A_1008 : i32 to vector<16xi32>
      %jit3A_1010 = arith.constant 16 : i32
      %div3A_1011 = arith.divsi %add3A_953, %jit3A_1010 : i32
      %sign3A_1012 = arith.constant 0 : i32
      %sign3A_1013 = arith.cmpi sgt, %add3A_953, %sign3A_1012 : i32
      %sign3A_1014 = arith.extui %sign3A_1013 : i1 to i32
      %sign3A_1015 = arith.constant 0 : i32
      %sign3A_1016 = arith.cmpi slt, %add3A_953, %sign3A_1015 : i32
      %sign3A_1017 = arith.extui %sign3A_1016 : i1 to i32
      %sign3A_1018 = arith.subi %sign3A_1014, %sign3A_1017 : i32
      %sign3A_1019 = arith.constant 0 : i32
      %sign3A_1020 = arith.cmpi sgt, %jit3A_1010, %sign3A_1019 : i32
      %sign3A_1021 = arith.extui %sign3A_1020 : i1 to i32
      %sign3A_1022 = arith.constant 0 : i32
      %sign3A_1023 = arith.cmpi slt, %jit3A_1010, %sign3A_1022 : i32
      %sign3A_1024 = arith.extui %sign3A_1023 : i1 to i32
      %sign3A_1025 = arith.subi %sign3A_1021, %sign3A_1024 : i32
      %ne3A_1026 = arith.cmpi ne, %sign3A_1018, %sign3A_1025 : i32
      %rem3A_1027 = arith.remsi %add3A_953, %jit3A_1010 : i32
      %ne3A_1028 = arith.constant 0 : i32
      %ne3A_1029 = arith.cmpi ne, %rem3A_1027, %ne3A_1028 : i32
      %and3A_1030 = arith.andi %ne3A_1026, %ne3A_1029 : i1
      %sub3A_1031 = arith.constant 1 : i32
      %sub3A_1032 = arith.subi %div3A_1011, %sub3A_1031 : i32
      %select_n3A_1033 = arith.select %and3A_1030, %sub3A_1032, %div3A_1011 : i32
      %mul3A_1034 = arith.constant 16 : i32
      %mul3A_1035 = arith.muli %select_n3A_1033, %mul3A_1034 : i32
      %get3A_1036 = arith.index_cast %mul3A_1035 : i32 to index
      %get3A_1037 = tpu.vector_load %arg8[%get3A_1036] {strides = array<i32>} : memref<512xi32, #tpu.memory_space<vmem>>, vector<16xi32>,
      %jit3A_1038 = arith.constant 16 : i32
      %eq3A_1039 = arith.constant 0 : i32
      %eq3A_1040 = arith.cmpi eq, %jit3A_1038, %eq3A_1039 : i32
      %jit3A_1041 = arith.constant 1 : i32
      %select_n3A_1042 = arith.select %eq3A_1040, %jit3A_1041, %jit3A_1038 : i32
      %rem3A_1043 = arith.remsi %add3A_953, %select_n3A_1042 : i32
      %ne3A_1044 = arith.constant 0 : i32
      %ne3A_1045 = arith.cmpi ne, %rem3A_1043, %ne3A_1044 : i32
      %lt3A_1046 = arith.constant 0 : i32
      %lt3A_1047 = arith.cmpi slt, %rem3A_1043, %lt3A_1046 : i32
      %lt3A_1048 = arith.constant 0 : i32
      %lt3A_1049 = arith.cmpi slt, %select_n3A_1042, %lt3A_1048 : i32
      %ne3A_1050 = arith.xori %lt3A_1047, %lt3A_1049 : i1
      %and3A_1051 = arith.andi %ne3A_1050, %ne3A_1045 : i1
      %add3A_1052 = arith.addi %rem3A_1043, %select_n3A_1042 : i32
      %select_n3A_1053 = arith.select %and3A_1051, %add3A_1052, %rem3A_1043 : i32
      %eq3A_1054 = vector.broadcast %select_n3A_1053 : i32 to vector<16xi32>
      %eq3A_1055 = arith.cmpi eq, %iota3A, %eq3A_1054 : vector<16xi32>
      %jit3A_1056 = arith.constant 0 : i32
      %broadcast_in_dim3A_1057 = vector.broadcast %jit3A_1056 : i32 to vector<16xi32>
      %select_n3A_1058 = arith.select %eq3A_1055, %get3A_1037, %broadcast_in_dim3A_1057 : vector<16xi1>, vector<16xi32>
      %reduce_sum3A_1059 = arith.constant true
      %reduce_sum3A_1060 = vector.broadcast %reduce_sum3A_1059 : i1 to vector<16xi1>
      %reduce_sum3A_1061 = tpu.scan <sum>, %select_n3A_1058 masked %reduce_sum3A_1060 : vector<16xi32>, vector<16xi1> -> vector<16xi32>
      %reduce_sum3A_1062 = vector.extract %reduce_sum3A_1061[15] : i32 from vector<16xi32>
      %and3A_1063 = arith.constant 127 : i32
      %and3A_1064 = arith.andi %reduce_sum3A_1062, %and3A_1063 : i32
      %broadcast_in_dim3A_1065 = vector.broadcast %and3A_1064 : i32 to vector<16xi32>
      %add3A_1066 = arith.constant 0 : i32
      %add3A_1067 = vector.broadcast %add3A_1066 : i32 to vector<16xi32>
      %add3A_1068 = arith.addi %add3A_1067, %iota3A : vector<16xi32>
      %gather3A = tpu.vector_load_idx %arg9[%broadcast_in_dim3A_949, %add3A_1068, %broadcast_in_dim3A_1009] : memref<2x128x128xf32, #tpu.memory_space<vmem>>[vector<16xi32>, vector<16xi32>, vector<16xi32>], vector<16xf32>,
      %gather3A_1069 = tpu.vector_load_idx %arg10[%broadcast_in_dim3A_949, %add3A_1068, %broadcast_in_dim3A_1065] : memref<2x128x128xf32, #tpu.memory_space<vmem>>[vector<16xi32>, vector<16xi32>, vector<16xi32>], vector<16xf32>,
      %mul3A_1070 = arith.constant 32 : i32
      %mul3A_1071 = arith.muli %add3A_953, %mul3A_1070 : i32
      %add3A_1072 = arith.constant 0 : i32
      %add3A_1073 = arith.addi %mul3A_1071, %add3A_1072 : i32
      %swap3A = arith.index_cast %add3A_1073 : i32 to index
      %swap3A_1074 = tpu.vector_load %arg11[%swap3A] {strides = array<i32>} : memref<16384xf32, #tpu.memory_space<vmem>>, vector<16xf32>,
      tpu.vector_store %arg11[%swap3A], %gather3A {strides = array<i32>} : memref<16384xf32, #tpu.memory_space<vmem>>, vector<16xf32>,
      %mul3A_1075 = arith.constant 32 : i32
      %mul3A_1076 = arith.muli %add3A_953, %mul3A_1075 : i32
      %add3A_1077 = arith.constant 0 : i32
      %add3A_1078 = arith.addi %mul3A_1076, %add3A_1077 : i32
      %swap3A_1079 = arith.index_cast %add3A_1078 : i32 to index
      %swap3A_1080 = tpu.vector_load %arg12[%swap3A_1079] {strides = array<i32>} : memref<16384xf32, #tpu.memory_space<vmem>>, vector<16xf32>,
      tpu.vector_store %arg12[%swap3A_1079], %gather3A_1069 {strides = array<i32>} : memref<16384xf32, #tpu.memory_space<vmem>>, vector<16xf32>,
      %add3A_1081 = arith.constant 16 : i32
      %add3A_1082 = vector.broadcast %add3A_1081 : i32 to vector<16xi32>
      %add3A_1083 = arith.addi %add3A_1082, %iota3A : vector<16xi32>
      %gather3A_1084 = tpu.vector_load_idx %arg9[%broadcast_in_dim3A_949, %add3A_1083, %broadcast_in_dim3A_1009] : memref<2x128x128xf32, #tpu.memory_space<vmem>>[vector<16xi32>, vector<16xi32>, vector<16xi32>], vector<16xf32>,
      %gather3A_1085 = tpu.vector_load_idx %arg10[%broadcast_in_dim3A_949, %add3A_1083, %broadcast_in_dim3A_1065] : memref<2x128x128xf32, #tpu.memory_space<vmem>>[vector<16xi32>, vector<16xi32>, vector<16xi32>], vector<16xf32>,
      %mul3A_1086 = arith.constant 32 : i32
      %mul3A_1087 = arith.muli %add3A_953, %mul3A_1086 : i32
      %add3A_1088 = arith.constant 16 : i32
      %add3A_1089 = arith.addi %mul3A_1087, %add3A_1088 : i32
      %swap3A_1090 = arith.index_cast %add3A_1089 : i32 to index
      %swap3A_1091 = tpu.vector_load %arg11[%swap3A_1090] {strides = array<i32>} : memref<16384xf32, #tpu.memory_space<vmem>>, vector<16xf32>,
      tpu.vector_store %arg11[%swap3A_1090], %gather3A_1084 {strides = array<i32>} : memref<16384xf32, #tpu.memory_space<vmem>>, vector<16xf32>,
      %mul3A_1092 = arith.constant 32 : i32
      %mul3A_1093 = arith.muli %add3A_953, %mul3A_1092 : i32
      %add3A_1094 = arith.constant 16 : i32
      %add3A_1095 = arith.addi %mul3A_1093, %add3A_1094 : i32
      %swap3A_1096 = arith.index_cast %add3A_1095 : i32 to index
      %swap3A_1097 = tpu.vector_load %arg12[%swap3A_1096] {strides = array<i32>} : memref<16384xf32, #tpu.memory_space<vmem>>, vector<16xf32>,
      tpu.vector_store %arg12[%swap3A_1096], %gather3A_1085 {strides = array<i32>} : memref<16384xf32, #tpu.memory_space<vmem>>, vector<16xf32>,
      %mul3A_1098 = arith.constant 4 : i32
      %mul3A_1099 = arith.muli %mul3A_947, %mul3A_1098 : i32
      %add3A_1100 = arith.constant 1 : i32
      %add3A_1101 = arith.addi %mul3A_1099, %add3A_1100 : i32
      %jit3A_1102 = arith.constant 16 : i32
      %div3A_1103 = arith.divsi %add3A_1101, %jit3A_1102 : i32
      %sign3A_1104 = arith.constant 0 : i32
      %sign3A_1105 = arith.cmpi sgt, %add3A_1101, %sign3A_1104 : i32
      %sign3A_1106 = arith.extui %sign3A_1105 : i1 to i32
      %sign3A_1107 = arith.constant 0 : i32
      %sign3A_1108 = arith.cmpi slt, %add3A_1101, %sign3A_1107 : i32
      %sign3A_1109 = arith.extui %sign3A_1108 : i1 to i32
      %sign3A_1110 = arith.subi %sign3A_1106, %sign3A_1109 : i32
      %sign3A_1111 = arith.constant 0 : i32
      %sign3A_1112 = arith.cmpi sgt, %jit3A_1102, %sign3A_1111 : i32
      %sign3A_1113 = arith.extui %sign3A_1112 : i1 to i32
      %sign3A_1114 = arith.constant 0 : i32
      %sign3A_1115 = arith.cmpi slt, %jit3A_1102, %sign3A_1114 : i32
      %sign3A_1116 = arith.extui %sign3A_1115 : i1 to i32
      %sign3A_1117 = arith.subi %sign3A_1113, %sign3A_1116 : i32
      %ne3A_1118 = arith.cmpi ne, %sign3A_1110, %sign3A_1117 : i32
      %rem3A_1119 = arith.remsi %add3A_1101, %jit3A_1102 : i32
      %ne3A_1120 = arith.constant 0 : i32
      %ne3A_1121 = arith.cmpi ne, %rem3A_1119, %ne3A_1120 : i32
      %and3A_1122 = arith.andi %ne3A_1118, %ne3A_1121 : i1
      %sub3A_1123 = arith.constant 1 : i32
      %sub3A_1124 = arith.subi %div3A_1103, %sub3A_1123 : i32
      %select_n3A_1125 = arith.select %and3A_1122, %sub3A_1124, %div3A_1103 : i32
      %mul3A_1126 = arith.constant 16 : i32
      %mul3A_1127 = arith.muli %select_n3A_1125, %mul3A_1126 : i32
      %get3A_1128 = arith.index_cast %mul3A_1127 : i32 to index
      %get3A_1129 = tpu.vector_load %arg7[%get3A_1128] {strides = array<i32>} : memref<512xi32, #tpu.memory_space<vmem>>, vector<16xi32>,
      %jit3A_1130 = arith.constant 16 : i32
      %eq3A_1131 = arith.constant 0 : i32
      %eq3A_1132 = arith.cmpi eq, %jit3A_1130, %eq3A_1131 : i32
      %jit3A_1133 = arith.constant 1 : i32
      %select_n3A_1134 = arith.select %eq3A_1132, %jit3A_1133, %jit3A_1130 : i32
      %rem3A_1135 = arith.remsi %add3A_1101, %select_n3A_1134 : i32
      %ne3A_1136 = arith.constant 0 : i32
      %ne3A_1137 = arith.cmpi ne, %rem3A_1135, %ne3A_1136 : i32
      %lt3A_1138 = arith.constant 0 : i32
      %lt3A_1139 = arith.cmpi slt, %rem3A_1135, %lt3A_1138 : i32
      %lt3A_1140 = arith.constant 0 : i32
      %lt3A_1141 = arith.cmpi slt, %select_n3A_1134, %lt3A_1140 : i32
      %ne3A_1142 = arith.xori %lt3A_1139, %lt3A_1141 : i1
      %and3A_1143 = arith.andi %ne3A_1142, %ne3A_1137 : i1
      %add3A_1144 = arith.addi %rem3A_1135, %select_n3A_1134 : i32
      %select_n3A_1145 = arith.select %and3A_1143, %add3A_1144, %rem3A_1135 : i32
      %eq3A_1146 = vector.broadcast %select_n3A_1145 : i32 to vector<16xi32>
      %eq3A_1147 = arith.cmpi eq, %iota3A, %eq3A_1146 : vector<16xi32>
      %jit3A_1148 = arith.constant 0 : i32
      %broadcast_in_dim3A_1149 = vector.broadcast %jit3A_1148 : i32 to vector<16xi32>
      %select_n3A_1150 = arith.select %eq3A_1147, %get3A_1129, %broadcast_in_dim3A_1149 : vector<16xi1>, vector<16xi32>
      %reduce_sum3A_1151 = arith.constant true
      %reduce_sum3A_1152 = vector.broadcast %reduce_sum3A_1151 : i1 to vector<16xi1>
      %reduce_sum3A_1153 = tpu.scan <sum>, %select_n3A_1150 masked %reduce_sum3A_1152 : vector<16xi32>, vector<16xi1> -> vector<16xi32>
      %reduce_sum3A_1154 = vector.extract %reduce_sum3A_1153[15] : i32 from vector<16xi32>
      %and3A_1155 = arith.constant 127 : i32
      %and3A_1156 = arith.andi %reduce_sum3A_1154, %and3A_1155 : i32
      %broadcast_in_dim3A_1157 = vector.broadcast %and3A_1156 : i32 to vector<16xi32>
      %jit3A_1158 = arith.constant 16 : i32
      %div3A_1159 = arith.divsi %add3A_1101, %jit3A_1158 : i32
      %sign3A_1160 = arith.constant 0 : i32
      %sign3A_1161 = arith.cmpi sgt, %add3A_1101, %sign3A_1160 : i32
      %sign3A_1162 = arith.extui %sign3A_1161 : i1 to i32
      %sign3A_1163 = arith.constant 0 : i32
      %sign3A_1164 = arith.cmpi slt, %add3A_1101, %sign3A_1163 : i32
      %sign3A_1165 = arith.extui %sign3A_1164 : i1 to i32
      %sign3A_1166 = arith.subi %sign3A_1162, %sign3A_1165 : i32
      %sign3A_1167 = arith.constant 0 : i32
      %sign3A_1168 = arith.cmpi sgt, %jit3A_1158, %sign3A_1167 : i32
      %sign3A_1169 = arith.extui %sign3A_1168 : i1 to i32
      %sign3A_1170 = arith.constant 0 : i32
      %sign3A_1171 = arith.cmpi slt, %jit3A_1158, %sign3A_1170 : i32
      %sign3A_1172 = arith.extui %sign3A_1171 : i1 to i32
      %sign3A_1173 = arith.subi %sign3A_1169, %sign3A_1172 : i32
      %ne3A_1174 = arith.cmpi ne, %sign3A_1166, %sign3A_1173 : i32
      %rem3A_1175 = arith.remsi %add3A_1101, %jit3A_1158 : i32
      %ne3A_1176 = arith.constant 0 : i32
      %ne3A_1177 = arith.cmpi ne, %rem3A_1175, %ne3A_1176 : i32
      %and3A_1178 = arith.andi %ne3A_1174, %ne3A_1177 : i1
      %sub3A_1179 = arith.constant 1 : i32
      %sub3A_1180 = arith.subi %div3A_1159, %sub3A_1179 : i32
      %select_n3A_1181 = arith.select %and3A_1178, %sub3A_1180, %div3A_1159 : i32
      %mul3A_1182 = arith.constant 16 : i32
      %mul3A_1183 = arith.muli %select_n3A_1181, %mul3A_1182 : i32
      %get3A_1184 = arith.index_cast %mul3A_1183 : i32 to index
      %get3A_1185 = tpu.vector_load %arg8[%get3A_1184] {strides = array<i32>} : memref<512xi32, #tpu.memory_space<vmem>>, vector<16xi32>,
      %jit3A_1186 = arith.constant 16 : i32
      %eq3A_1187 = arith.constant 0 : i32
      %eq3A_1188 = arith.cmpi eq, %jit3A_1186, %eq3A_1187 : i32
      %jit3A_1189 = arith.constant 1 : i32
      %select_n3A_1190 = arith.select %eq3A_1188, %jit3A_1189, %jit3A_1186 : i32
      %rem3A_1191 = arith.remsi %add3A_1101, %select_n3A_1190 : i32
      %ne3A_1192 = arith.constant 0 : i32
      %ne3A_1193 = arith.cmpi ne, %rem3A_1191, %ne3A_1192 : i32
      %lt3A_1194 = arith.constant 0 : i32
      %lt3A_1195 = arith.cmpi slt, %rem3A_1191, %lt3A_1194 : i32
      %lt3A_1196 = arith.constant 0 : i32
      %lt3A_1197 = arith.cmpi slt, %select_n3A_1190, %lt3A_1196 : i32
      %ne3A_1198 = arith.xori %lt3A_1195, %lt3A_1197 : i1
      %and3A_1199 = arith.andi %ne3A_1198, %ne3A_1193 : i1
      %add3A_1200 = arith.addi %rem3A_1191, %select_n3A_1190 : i32
      %select_n3A_1201 = arith.select %and3A_1199, %add3A_1200, %rem3A_1191 : i32
      %eq3A_1202 = vector.broadcast %select_n3A_1201 : i32 to vector<16xi32>
      %eq3A_1203 = arith.cmpi eq, %iota3A, %eq3A_1202 : vector<16xi32>
      %jit3A_1204 = arith.constant 0 : i32
      %broadcast_in_dim3A_1205 = vector.broadcast %jit3A_1204 : i32 to vector<16xi32>
      %select_n3A_1206 = arith.select %eq3A_1203, %get3A_1185, %broadcast_in_dim3A_1205 : vector<16xi1>, vector<16xi32>
      %reduce_sum3A_1207 = arith.constant true
      %reduce_sum3A_1208 = vector.broadcast %reduce_sum3A_1207 : i1 to vector<16xi1>
      %reduce_sum3A_1209 = tpu.scan <sum>, %select_n3A_1206 masked %reduce_sum3A_1208 : vector<16xi32>, vector<16xi1> -> vector<16xi32>
      %reduce_sum3A_1210 = vector.extract %reduce_sum3A_1209[15] : i32 from vector<16xi32>
      %and3A_1211 = arith.constant 127 : i32
      %and3A_1212 = arith.andi %reduce_sum3A_1210, %and3A_1211 : i32
      %broadcast_in_dim3A_1213 = vector.broadcast %and3A_1212 : i32 to vector<16xi32>
      %add3A_1214 = arith.constant 32 : i32
      %add3A_1215 = vector.broadcast %add3A_1214 : i32 to vector<16xi32>
      %add3A_1216 = arith.addi %add3A_1215, %iota3A : vector<16xi32>
      %gather3A_1217 = tpu.vector_load_idx %arg9[%broadcast_in_dim3A_949, %add3A_1216, %broadcast_in_dim3A_1157] : memref<2x128x128xf32, #tpu.memory_space<vmem>>[vector<16xi32>, vector<16xi32>, vector<16xi32>], vector<16xf32>,
      %gather3A_1218 = tpu.vector_load_idx %arg10[%broadcast_in_dim3A_949, %add3A_1216, %broadcast_in_dim3A_1213] : memref<2x128x128xf32, #tpu.memory_space<vmem>>[vector<16xi32>, vector<16xi32>, vector<16xi32>], vector<16xf32>,
      %mul3A_1219 = arith.constant 32 : i32
      %mul3A_1220 = arith.muli %add3A_1101, %mul3A_1219 : i32
      %add3A_1221 = arith.constant 0 : i32
      %add3A_1222 = arith.addi %mul3A_1220, %add3A_1221 : i32
      %swap3A_1223 = arith.index_cast %add3A_1222 : i32 to index
      %swap3A_1224 = tpu.vector_load %arg11[%swap3A_1223] {strides = array<i32>} : memref<16384xf32, #tpu.memory_space<vmem>>, vector<16xf32>,
      tpu.vector_store %arg11[%swap3A_1223], %gather3A_1217 {strides = array<i32>} : memref<16384xf32, #tpu.memory_space<vmem>>, vector<16xf32>,
      %mul3A_1225 = arith.constant 32 : i32
      %mul3A_1226 = arith.muli %add3A_1101, %mul3A_1225 : i32
      %add3A_1227 = arith.constant 0 : i32
      %add3A_1228 = arith.addi %mul3A_1226, %add3A_1227 : i32
      %swap3A_1229 = arith.index_cast %add3A_1228 : i32 to index
      %swap3A_1230 = tpu.vector_load %arg12[%swap3A_1229] {strides = array<i32>} : memref<16384xf32, #tpu.memory_space<vmem>>, vector<16xf32>,
      tpu.vector_store %arg12[%swap3A_1229], %gather3A_1218 {strides = array<i32>} : memref<16384xf32, #tpu.memory_space<vmem>>, vector<16xf32>,
      %add3A_1231 = arith.constant 48 : i32
      %add3A_1232 = vector.broadcast %add3A_1231 : i32 to vector<16xi32>
      %add3A_1233 = arith.addi %add3A_1232, %iota3A : vector<16xi32>
      %gather3A_1234 = tpu.vector_load_idx %arg9[%broadcast_in_dim3A_949, %add3A_1233, %broadcast_in_dim3A_1157] : memref<2x128x128xf32, #tpu.memory_space<vmem>>[vector<16xi32>, vector<16xi32>, vector<16xi32>], vector<16xf32>,
      %gather3A_1235 = tpu.vector_load_idx %arg10[%broadcast_in_dim3A_949, %add3A_1233, %broadcast_in_dim3A_1213] : memref<2x128x128xf32, #tpu.memory_space<vmem>>[vector<16xi32>, vector<16xi32>, vector<16xi32>], vector<16xf32>,
      %mul3A_1236 = arith.constant 32 : i32
      %mul3A_1237 = arith.muli %add3A_1101, %mul3A_1236 : i32
      %add3A_1238 = arith.constant 16 : i32
      %add3A_1239 = arith.addi %mul3A_1237, %add3A_1238 : i32
      %swap3A_1240 = arith.index_cast %add3A_1239 : i32 to index
      %swap3A_1241 = tpu.vector_load %arg11[%swap3A_1240] {strides = array<i32>} : memref<16384xf32, #tpu.memory_space<vmem>>, vector<16xf32>,
      tpu.vector_store %arg11[%swap3A_1240], %gather3A_1234 {strides = array<i32>} : memref<16384xf32, #tpu.memory_space<vmem>>, vector<16xf32>,
      %mul3A_1242 = arith.constant 32 : i32
      %mul3A_1243 = arith.muli %add3A_1101, %mul3A_1242 : i32
      %add3A_1244 = arith.constant 16 : i32
      %add3A_1245 = arith.addi %mul3A_1243, %add3A_1244 : i32
      %swap3A_1246 = arith.index_cast %add3A_1245 : i32 to index
      %swap3A_1247 = tpu.vector_load %arg12[%swap3A_1246] {strides = array<i32>} : memref<16384xf32, #tpu.memory_space<vmem>>, vector<16xf32>,
      tpu.vector_store %arg12[%swap3A_1246], %gather3A_1235 {strides = array<i32>} : memref<16384xf32, #tpu.memory_space<vmem>>, vector<16xf32>,
      %mul3A_1248 = arith.constant 4 : i32
      %mul3A_1249 = arith.muli %mul3A_947, %mul3A_1248 : i32
      %add3A_1250 = arith.constant 2 : i32
      %add3A_1251 = arith.addi %mul3A_1249, %add3A_1250 : i32
      %jit3A_1252 = arith.constant 16 : i32
      %div3A_1253 = arith.divsi %add3A_1251, %jit3A_1252 : i32
      %sign3A_1254 = arith.constant 0 : i32
      %sign3A_1255 = arith.cmpi sgt, %add3A_1251, %sign3A_1254 : i32
      %sign3A_1256 = arith.extui %sign3A_1255 : i1 to i32
      %sign3A_1257 = arith.constant 0 : i32
      %sign3A_1258 = arith.cmpi slt, %add3A_1251, %sign3A_1257 : i32
      %sign3A_1259 = arith.extui %sign3A_1258 : i1 to i32
      %sign3A_1260 = arith.subi %sign3A_1256, %sign3A_1259 : i32
      %sign3A_1261 = arith.constant 0 : i32
      %sign3A_1262 = arith.cmpi sgt, %jit3A_1252, %sign3A_1261 : i32
      %sign3A_1263 = arith.extui %sign3A_1262 : i1 to i32
      %sign3A_1264 = arith.constant 0 : i32
      %sign3A_1265 = arith.cmpi slt, %jit3A_1252, %sign3A_1264 : i32
      %sign3A_1266 = arith.extui %sign3A_1265 : i1 to i32
      %sign3A_1267 = arith.subi %sign3A_1263, %sign3A_1266 : i32
      %ne3A_1268 = arith.cmpi ne, %sign3A_1260, %sign3A_1267 : i32
      %rem3A_1269 = arith.remsi %add3A_1251, %jit3A_1252 : i32
      %ne3A_1270 = arith.constant 0 : i32
      %ne3A_1271 = arith.cmpi ne, %rem3A_1269, %ne3A_1270 : i32
      %and3A_1272 = arith.andi %ne3A_1268, %ne3A_1271 : i1
      %sub3A_1273 = arith.constant 1 : i32
      %sub3A_1274 = arith.subi %div3A_1253, %sub3A_1273 : i32
      %select_n3A_1275 = arith.select %and3A_1272, %sub3A_1274, %div3A_1253 : i32
      %mul3A_1276 = arith.constant 16 : i32
      %mul3A_1277 = arith.muli %select_n3A_1275, %mul3A_1276 : i32
      %get3A_1278 = arith.index_cast %mul3A_1277 : i32 to index
      %get3A_1279 = tpu.vector_load %arg7[%get3A_1278] {strides = array<i32>} : memref<512xi32, #tpu.memory_space<vmem>>, vector<16xi32>,
      %jit3A_1280 = arith.constant 16 : i32
      %eq3A_1281 = arith.constant 0 : i32
      %eq3A_1282 = arith.cmpi eq, %jit3A_1280, %eq3A_1281 : i32
      %jit3A_1283 = arith.constant 1 : i32
      %select_n3A_1284 = arith.select %eq3A_1282, %jit3A_1283, %jit3A_1280 : i32
      %rem3A_1285 = arith.remsi %add3A_1251, %select_n3A_1284 : i32
      %ne3A_1286 = arith.constant 0 : i32
      %ne3A_1287 = arith.cmpi ne, %rem3A_1285, %ne3A_1286 : i32
      %lt3A_1288 = arith.constant 0 : i32
      %lt3A_1289 = arith.cmpi slt, %rem3A_1285, %lt3A_1288 : i32
      %lt3A_1290 = arith.constant 0 : i32
      %lt3A_1291 = arith.cmpi slt, %select_n3A_1284, %lt3A_1290 : i32
      %ne3A_1292 = arith.xori %lt3A_1289, %lt3A_1291 : i1
      %and3A_1293 = arith.andi %ne3A_1292, %ne3A_1287 : i1
      %add3A_1294 = arith.addi %rem3A_1285, %select_n3A_1284 : i32
      %select_n3A_1295 = arith.select %and3A_1293, %add3A_1294, %rem3A_1285 : i32
      %eq3A_1296 = vector.broadcast %select_n3A_1295 : i32 to vector<16xi32>
      %eq3A_1297 = arith.cmpi eq, %iota3A, %eq3A_1296 : vector<16xi32>
      %jit3A_1298 = arith.constant 0 : i32
      %broadcast_in_dim3A_1299 = vector.broadcast %jit3A_1298 : i32 to vector<16xi32>
      %select_n3A_1300 = arith.select %eq3A_1297, %get3A_1279, %broadcast_in_dim3A_1299 : vector<16xi1>, vector<16xi32>
      %reduce_sum3A_1301 = arith.constant true
      %reduce_sum3A_1302 = vector.broadcast %reduce_sum3A_1301 : i1 to vector<16xi1>
      %reduce_sum3A_1303 = tpu.scan <sum>, %select_n3A_1300 masked %reduce_sum3A_1302 : vector<16xi32>, vector<16xi1> -> vector<16xi32>
      %reduce_sum3A_1304 = vector.extract %reduce_sum3A_1303[15] : i32 from vector<16xi32>
      %and3A_1305 = arith.constant 127 : i32
      %and3A_1306 = arith.andi %reduce_sum3A_1304, %and3A_1305 : i32
      %broadcast_in_dim3A_1307 = vector.broadcast %and3A_1306 : i32 to vector<16xi32>
      %jit3A_1308 = arith.constant 16 : i32
      %div3A_1309 = arith.divsi %add3A_1251, %jit3A_1308 : i32
      %sign3A_1310 = arith.constant 0 : i32
      %sign3A_1311 = arith.cmpi sgt, %add3A_1251, %sign3A_1310 : i32
      %sign3A_1312 = arith.extui %sign3A_1311 : i1 to i32
      %sign3A_1313 = arith.constant 0 : i32
      %sign3A_1314 = arith.cmpi slt, %add3A_1251, %sign3A_1313 : i32
      %sign3A_1315 = arith.extui %sign3A_1314 : i1 to i32
      %sign3A_1316 = arith.subi %sign3A_1312, %sign3A_1315 : i32
      %sign3A_1317 = arith.constant 0 : i32
      %sign3A_1318 = arith.cmpi sgt, %jit3A_1308, %sign3A_1317 : i32
      %sign3A_1319 = arith.extui %sign3A_1318 : i1 to i32
      %sign3A_1320 = arith.constant 0 : i32
      %sign3A_1321 = arith.cmpi slt, %jit3A_1308, %sign3A_1320 : i32
      %sign3A_1322 = arith.extui %sign3A_1321 : i1 to i32
      %sign3A_1323 = arith.subi %sign3A_1319, %sign3A_1322 : i32
      %ne3A_1324 = arith.cmpi ne, %sign3A_1316, %sign3A_1323 : i32
      %rem3A_1325 = arith.remsi %add3A_1251, %jit3A_1308 : i32
      %ne3A_1326 = arith.constant 0 : i32
      %ne3A_1327 = arith.cmpi ne, %rem3A_1325, %ne3A_1326 : i32
      %and3A_1328 = arith.andi %ne3A_1324, %ne3A_1327 : i1
      %sub3A_1329 = arith.constant 1 : i32
      %sub3A_1330 = arith.subi %div3A_1309, %sub3A_1329 : i32
      %select_n3A_1331 = arith.select %and3A_1328, %sub3A_1330, %div3A_1309 : i32
      %mul3A_1332 = arith.constant 16 : i32
      %mul3A_1333 = arith.muli %select_n3A_1331, %mul3A_1332 : i32
      %get3A_1334 = arith.index_cast %mul3A_1333 : i32 to index
      %get3A_1335 = tpu.vector_load %arg8[%get3A_1334] {strides = array<i32>} : memref<512xi32, #tpu.memory_space<vmem>>, vector<16xi32>,
      %jit3A_1336 = arith.constant 16 : i32
      %eq3A_1337 = arith.constant 0 : i32
      %eq3A_1338 = arith.cmpi eq, %jit3A_1336, %eq3A_1337 : i32
      %jit3A_1339 = arith.constant 1 : i32
      %select_n3A_1340 = arith.select %eq3A_1338, %jit3A_1339, %jit3A_1336 : i32
      %rem3A_1341 = arith.remsi %add3A_1251, %select_n3A_1340 : i32
      %ne3A_1342 = arith.constant 0 : i32
      %ne3A_1343 = arith.cmpi ne, %rem3A_1341, %ne3A_1342 : i32
      %lt3A_1344 = arith.constant 0 : i32
      %lt3A_1345 = arith.cmpi slt, %rem3A_1341, %lt3A_1344 : i32
      %lt3A_1346 = arith.constant 0 : i32
      %lt3A_1347 = arith.cmpi slt, %select_n3A_1340, %lt3A_1346 : i32
      %ne3A_1348 = arith.xori %lt3A_1345, %lt3A_1347 : i1
      %and3A_1349 = arith.andi %ne3A_1348, %ne3A_1343 : i1
      %add3A_1350 = arith.addi %rem3A_1341, %select_n3A_1340 : i32
      %select_n3A_1351 = arith.select %and3A_1349, %add3A_1350, %rem3A_1341 : i32
      %eq3A_1352 = vector.broadcast %select_n3A_1351 : i32 to vector<16xi32>
      %eq3A_1353 = arith.cmpi eq, %iota3A, %eq3A_1352 : vector<16xi32>
      %jit3A_1354 = arith.constant 0 : i32
      %broadcast_in_dim3A_1355 = vector.broadcast %jit3A_1354 : i32 to vector<16xi32>
      %select_n3A_1356 = arith.select %eq3A_1353, %get3A_1335, %broadcast_in_dim3A_1355 : vector<16xi1>, vector<16xi32>
      %reduce_sum3A_1357 = arith.constant true
      %reduce_sum3A_1358 = vector.broadcast %reduce_sum3A_1357 : i1 to vector<16xi1>
      %reduce_sum3A_1359 = tpu.scan <sum>, %select_n3A_1356 masked %reduce_sum3A_1358 : vector<16xi32>, vector<16xi1> -> vector<16xi32>
      %reduce_sum3A_1360 = vector.extract %reduce_sum3A_1359[15] : i32 from vector<16xi32>
      %and3A_1361 = arith.constant 127 : i32
      %and3A_1362 = arith.andi %reduce_sum3A_1360, %and3A_1361 : i32
      %broadcast_in_dim3A_1363 = vector.broadcast %and3A_1362 : i32 to vector<16xi32>
      %add3A_1364 = arith.constant 64 : i32
      %add3A_1365 = vector.broadcast %add3A_1364 : i32 to vector<16xi32>
      %add3A_1366 = arith.addi %add3A_1365, %iota3A : vector<16xi32>
      %gather3A_1367 = tpu.vector_load_idx %arg9[%broadcast_in_dim3A_949, %add3A_1366, %broadcast_in_dim3A_1307] : memref<2x128x128xf32, #tpu.memory_space<vmem>>[vector<16xi32>, vector<16xi32>, vector<16xi32>], vector<16xf32>,
      %gather3A_1368 = tpu.vector_load_idx %arg10[%broadcast_in_dim3A_949, %add3A_1366, %broadcast_in_dim3A_1363] : memref<2x128x128xf32, #tpu.memory_space<vmem>>[vector<16xi32>, vector<16xi32>, vector<16xi32>], vector<16xf32>,
      %mul3A_1369 = arith.constant 32 : i32
      %mul3A_1370 = arith.muli %add3A_1251, %mul3A_1369 : i32
      %add3A_1371 = arith.constant 0 : i32
      %add3A_1372 = arith.addi %mul3A_1370, %add3A_1371 : i32
      %swap3A_1373 = arith.index_cast %add3A_1372 : i32 to index
      %swap3A_1374 = tpu.vector_load %arg11[%swap3A_1373] {strides = array<i32>} : memref<16384xf32, #tpu.memory_space<vmem>>, vector<16xf32>,
      tpu.vector_store %arg11[%swap3A_1373], %gather3A_1367 {strides = array<i32>} : memref<16384xf32, #tpu.memory_space<vmem>>, vector<16xf32>,
      %mul3A_1375 = arith.constant 32 : i32
      %mul3A_1376 = arith.muli %add3A_1251, %mul3A_1375 : i32
      %add3A_1377 = arith.constant 0 : i32
      %add3A_1378 = arith.addi %mul3A_1376, %add3A_1377 : i32
      %swap3A_1379 = arith.index_cast %add3A_1378 : i32 to index
      %swap3A_1380 = tpu.vector_load %arg12[%swap3A_1379] {strides = array<i32>} : memref<16384xf32, #tpu.memory_space<vmem>>, vector<16xf32>,
      tpu.vector_store %arg12[%swap3A_1379], %gather3A_1368 {strides = array<i32>} : memref<16384xf32, #tpu.memory_space<vmem>>, vector<16xf32>,
      %add3A_1381 = arith.constant 80 : i32
      %add3A_1382 = vector.broadcast %add3A_1381 : i32 to vector<16xi32>
      %add3A_1383 = arith.addi %add3A_1382, %iota3A : vector<16xi32>
      %gather3A_1384 = tpu.vector_load_idx %arg9[%broadcast_in_dim3A_949, %add3A_1383, %broadcast_in_dim3A_1307] : memref<2x128x128xf32, #tpu.memory_space<vmem>>[vector<16xi32>, vector<16xi32>, vector<16xi32>], vector<16xf32>,
      %gather3A_1385 = tpu.vector_load_idx %arg10[%broadcast_in_dim3A_949, %add3A_1383, %broadcast_in_dim3A_1363] : memref<2x128x128xf32, #tpu.memory_space<vmem>>[vector<16xi32>, vector<16xi32>, vector<16xi32>], vector<16xf32>,
      %mul3A_1386 = arith.constant 32 : i32
      %mul3A_1387 = arith.muli %add3A_1251, %mul3A_1386 : i32
      %add3A_1388 = arith.constant 16 : i32
      %add3A_1389 = arith.addi %mul3A_1387, %add3A_1388 : i32
      %swap3A_1390 = arith.index_cast %add3A_1389 : i32 to index
      %swap3A_1391 = tpu.vector_load %arg11[%swap3A_1390] {strides = array<i32>} : memref<16384xf32, #tpu.memory_space<vmem>>, vector<16xf32>,
      tpu.vector_store %arg11[%swap3A_1390], %gather3A_1384 {strides = array<i32>} : memref<16384xf32, #tpu.memory_space<vmem>>, vector<16xf32>,
      %mul3A_1392 = arith.constant 32 : i32
      %mul3A_1393 = arith.muli %add3A_1251, %mul3A_1392 : i32
      %add3A_1394 = arith.constant 16 : i32
      %add3A_1395 = arith.addi %mul3A_1393, %add3A_1394 : i32
      %swap3A_1396 = arith.index_cast %add3A_1395 : i32 to index
      %swap3A_1397 = tpu.vector_load %arg12[%swap3A_1396] {strides = array<i32>} : memref<16384xf32, #tpu.memory_space<vmem>>, vector<16xf32>,
      tpu.vector_store %arg12[%swap3A_1396], %gather3A_1385 {strides = array<i32>} : memref<16384xf32, #tpu.memory_space<vmem>>, vector<16xf32>,
      %mul3A_1398 = arith.constant 4 : i32
      %mul3A_1399 = arith.muli %mul3A_947, %mul3A_1398 : i32
      %add3A_1400 = arith.constant 3 : i32
      %add3A_1401 = arith.addi %mul3A_1399, %add3A_1400 : i32
      %jit3A_1402 = arith.constant 16 : i32
      %div3A_1403 = arith.divsi %add3A_1401, %jit3A_1402 : i32
      %sign3A_1404 = arith.constant 0 : i32
      %sign3A_1405 = arith.cmpi sgt, %add3A_1401, %sign3A_1404 : i32
      %sign3A_1406 = arith.extui %sign3A_1405 : i1 to i32
      %sign3A_1407 = arith.constant 0 : i32
      %sign3A_1408 = arith.cmpi slt, %add3A_1401, %sign3A_1407 : i32
      %sign3A_1409 = arith.extui %sign3A_1408 : i1 to i32
      %sign3A_1410 = arith.subi %sign3A_1406, %sign3A_1409 : i32
      %sign3A_1411 = arith.constant 0 : i32
      %sign3A_1412 = arith.cmpi sgt, %jit3A_1402, %sign3A_1411 : i32
      %sign3A_1413 = arith.extui %sign3A_1412 : i1 to i32
      %sign3A_1414 = arith.constant 0 : i32
      %sign3A_1415 = arith.cmpi slt, %jit3A_1402, %sign3A_1414 : i32
      %sign3A_1416 = arith.extui %sign3A_1415 : i1 to i32
      %sign3A_1417 = arith.subi %sign3A_1413, %sign3A_1416 : i32
      %ne3A_1418 = arith.cmpi ne, %sign3A_1410, %sign3A_1417 : i32
      %rem3A_1419 = arith.remsi %add3A_1401, %jit3A_1402 : i32
      %ne3A_1420 = arith.constant 0 : i32
      %ne3A_1421 = arith.cmpi ne, %rem3A_1419, %ne3A_1420 : i32
      %and3A_1422 = arith.andi %ne3A_1418, %ne3A_1421 : i1
      %sub3A_1423 = arith.constant 1 : i32
      %sub3A_1424 = arith.subi %div3A_1403, %sub3A_1423 : i32
      %select_n3A_1425 = arith.select %and3A_1422, %sub3A_1424, %div3A_1403 : i32
      %mul3A_1426 = arith.constant 16 : i32
      %mul3A_1427 = arith.muli %select_n3A_1425, %mul3A_1426 : i32
      %get3A_1428 = arith.index_cast %mul3A_1427 : i32 to index
      %get3A_1429 = tpu.vector_load %arg7[%get3A_1428] {strides = array<i32>} : memref<512xi32, #tpu.memory_space<vmem>>, vector<16xi32>,
      %jit3A_1430 = arith.constant 16 : i32
      %eq3A_1431 = arith.constant 0 : i32
      %eq3A_1432 = arith.cmpi eq, %jit3A_1430, %eq3A_1431 : i32
      %jit3A_1433 = arith.constant 1 : i32
      %select_n3A_1434 = arith.select %eq3A_1432, %jit3A_1433, %jit3A_1430 : i32
      %rem3A_1435 = arith.remsi %add3A_1401, %select_n3A_1434 : i32
      %ne3A_1436 = arith.constant 0 : i32
      %ne3A_1437 = arith.cmpi ne, %rem3A_1435, %ne3A_1436 : i32
      %lt3A_1438 = arith.constant 0 : i32
      %lt3A_1439 = arith.cmpi slt, %rem3A_1435, %lt3A_1438 : i32
      %lt3A_1440 = arith.constant 0 : i32
      %lt3A_1441 = arith.cmpi slt, %select_n3A_1434, %lt3A_1440 : i32
      %ne3A_1442 = arith.xori %lt3A_1439, %lt3A_1441 : i1
      %and3A_1443 = arith.andi %ne3A_1442, %ne3A_1437 : i1
      %add3A_1444 = arith.addi %rem3A_1435, %select_n3A_1434 : i32
      %select_n3A_1445 = arith.select %and3A_1443, %add3A_1444, %rem3A_1435 : i32
      %eq3A_1446 = vector.broadcast %select_n3A_1445 : i32 to vector<16xi32>
      %eq3A_1447 = arith.cmpi eq, %iota3A, %eq3A_1446 : vector<16xi32>
      %jit3A_1448 = arith.constant 0 : i32
      %broadcast_in_dim3A_1449 = vector.broadcast %jit3A_1448 : i32 to vector<16xi32>
      %select_n3A_1450 = arith.select %eq3A_1447, %get3A_1429, %broadcast_in_dim3A_1449 : vector<16xi1>, vector<16xi32>
      %reduce_sum3A_1451 = arith.constant true
      %reduce_sum3A_1452 = vector.broadcast %reduce_sum3A_1451 : i1 to vector<16xi1>
      %reduce_sum3A_1453 = tpu.scan <sum>, %select_n3A_1450 masked %reduce_sum3A_1452 : vector<16xi32>, vector<16xi1> -> vector<16xi32>
      %reduce_sum3A_1454 = vector.extract %reduce_sum3A_1453[15] : i32 from vector<16xi32>
      %and3A_1455 = arith.constant 127 : i32
      %and3A_1456 = arith.andi %reduce_sum3A_1454, %and3A_1455 : i32
      %broadcast_in_dim3A_1457 = vector.broadcast %and3A_1456 : i32 to vector<16xi32>
      %jit3A_1458 = arith.constant 16 : i32
      %div3A_1459 = arith.divsi %add3A_1401, %jit3A_1458 : i32
      %sign3A_1460 = arith.constant 0 : i32
      %sign3A_1461 = arith.cmpi sgt, %add3A_1401, %sign3A_1460 : i32
      %sign3A_1462 = arith.extui %sign3A_1461 : i1 to i32
      %sign3A_1463 = arith.constant 0 : i32
      %sign3A_1464 = arith.cmpi slt, %add3A_1401, %sign3A_1463 : i32
      %sign3A_1465 = arith.extui %sign3A_1464 : i1 to i32
      %sign3A_1466 = arith.subi %sign3A_1462, %sign3A_1465 : i32
      %sign3A_1467 = arith.constant 0 : i32
      %sign3A_1468 = arith.cmpi sgt, %jit3A_1458, %sign3A_1467 : i32
      %sign3A_1469 = arith.extui %sign3A_1468 : i1 to i32
      %sign3A_1470 = arith.constant 0 : i32
      %sign3A_1471 = arith.cmpi slt, %jit3A_1458, %sign3A_1470 : i32
      %sign3A_1472 = arith.extui %sign3A_1471 : i1 to i32
      %sign3A_1473 = arith.subi %sign3A_1469, %sign3A_1472 : i32
      %ne3A_1474 = arith.cmpi ne, %sign3A_1466, %sign3A_1473 : i32
      %rem3A_1475 = arith.remsi %add3A_1401, %jit3A_1458 : i32
      %ne3A_1476 = arith.constant 0 : i32
      %ne3A_1477 = arith.cmpi ne, %rem3A_1475, %ne3A_1476 : i32
      %and3A_1478 = arith.andi %ne3A_1474, %ne3A_1477 : i1
      %sub3A_1479 = arith.constant 1 : i32
      %sub3A_1480 = arith.subi %div3A_1459, %sub3A_1479 : i32
      %select_n3A_1481 = arith.select %and3A_1478, %sub3A_1480, %div3A_1459 : i32
      %mul3A_1482 = arith.constant 16 : i32
      %mul3A_1483 = arith.muli %select_n3A_1481, %mul3A_1482 : i32
      %get3A_1484 = arith.index_cast %mul3A_1483 : i32 to index
      %get3A_1485 = tpu.vector_load %arg8[%get3A_1484] {strides = array<i32>} : memref<512xi32, #tpu.memory_space<vmem>>, vector<16xi32>,
      %jit3A_1486 = arith.constant 16 : i32
      %eq3A_1487 = arith.constant 0 : i32
      %eq3A_1488 = arith.cmpi eq, %jit3A_1486, %eq3A_1487 : i32
      %jit3A_1489 = arith.constant 1 : i32
      %select_n3A_1490 = arith.select %eq3A_1488, %jit3A_1489, %jit3A_1486 : i32
      %rem3A_1491 = arith.remsi %add3A_1401, %select_n3A_1490 : i32
      %ne3A_1492 = arith.constant 0 : i32
      %ne3A_1493 = arith.cmpi ne, %rem3A_1491, %ne3A_1492 : i32
      %lt3A_1494 = arith.constant 0 : i32
      %lt3A_1495 = arith.cmpi slt, %rem3A_1491, %lt3A_1494 : i32
      %lt3A_1496 = arith.constant 0 : i32
      %lt3A_1497 = arith.cmpi slt, %select_n3A_1490, %lt3A_1496 : i32
      %ne3A_1498 = arith.xori %lt3A_1495, %lt3A_1497 : i1
      %and3A_1499 = arith.andi %ne3A_1498, %ne3A_1493 : i1
      %add3A_1500 = arith.addi %rem3A_1491, %select_n3A_1490 : i32
      %select_n3A_1501 = arith.select %and3A_1499, %add3A_1500, %rem3A_1491 : i32
      %eq3A_1502 = vector.broadcast %select_n3A_1501 : i32 to vector<16xi32>
      %eq3A_1503 = arith.cmpi eq, %iota3A, %eq3A_1502 : vector<16xi32>
      %jit3A_1504 = arith.constant 0 : i32
      %broadcast_in_dim3A_1505 = vector.broadcast %jit3A_1504 : i32 to vector<16xi32>
      %select_n3A_1506 = arith.select %eq3A_1503, %get3A_1485, %broadcast_in_dim3A_1505 : vector<16xi1>, vector<16xi32>
      %reduce_sum3A_1507 = arith.constant true
      %reduce_sum3A_1508 = vector.broadcast %reduce_sum3A_1507 : i1 to vector<16xi1>
      %reduce_sum3A_1509 = tpu.scan <sum>, %select_n3A_1506 masked %reduce_sum3A_1508 : vector<16xi32>, vector<16xi1> -> vector<16xi32>
      %reduce_sum3A_1510 = vector.extract %reduce_sum3A_1509[15] : i32 from vector<16xi32>
      %and3A_1511 = arith.constant 127 : i32
      %and3A_1512 = arith.andi %reduce_sum3A_1510, %and3A_1511 : i32
      %broadcast_in_dim3A_1513 = vector.broadcast %and3A_1512 : i32 to vector<16xi32>
      %add3A_1514 = arith.constant 96 : i32
      %add3A_1515 = vector.broadcast %add3A_1514 : i32 to vector<16xi32>
      %add3A_1516 = arith.addi %add3A_1515, %iota3A : vector<16xi32>
      %gather3A_1517 = tpu.vector_load_idx %arg9[%broadcast_in_dim3A_949, %add3A_1516, %broadcast_in_dim3A_1457] : memref<2x128x128xf32, #tpu.memory_space<vmem>>[vector<16xi32>, vector<16xi32>, vector<16xi32>], vector<16xf32>,
      %gather3A_1518 = tpu.vector_load_idx %arg10[%broadcast_in_dim3A_949, %add3A_1516, %broadcast_in_dim3A_1513] : memref<2x128x128xf32, #tpu.memory_space<vmem>>[vector<16xi32>, vector<16xi32>, vector<16xi32>], vector<16xf32>,
      %mul3A_1519 = arith.constant 32 : i32
      %mul3A_1520 = arith.muli %add3A_1401, %mul3A_1519 : i32
      %add3A_1521 = arith.constant 0 : i32
      %add3A_1522 = arith.addi %mul3A_1520, %add3A_1521 : i32
      %swap3A_1523 = arith.index_cast %add3A_1522 : i32 to index
      %swap3A_1524 = tpu.vector_load %arg11[%swap3A_1523] {strides = array<i32>} : memref<16384xf32, #tpu.memory_space<vmem>>, vector<16xf32>,
      tpu.vector_store %arg11[%swap3A_1523], %gather3A_1517 {strides = array<i32>} : memref<16384xf32, #tpu.memory_space<vmem>>, vector<16xf32>,
      %mul3A_1525 = arith.constant 32 : i32
      %mul3A_1526 = arith.muli %add3A_1401, %mul3A_1525 : i32
      %add3A_1527 = arith.constant 0 : i32
      %add3A_1528 = arith.addi %mul3A_1526, %add3A_1527 : i32
      %swap3A_1529 = arith.index_cast %add3A_1528 : i32 to index
      %swap3A_1530 = tpu.vector_load %arg12[%swap3A_1529] {strides = array<i32>} : memref<16384xf32, #tpu.memory_space<vmem>>, vector<16xf32>,
      tpu.vector_store %arg12[%swap3A_1529], %gather3A_1518 {strides = array<i32>} : memref<16384xf32, #tpu.memory_space<vmem>>, vector<16xf32>,
      %add3A_1531 = arith.constant 112 : i32
      %add3A_1532 = vector.broadcast %add3A_1531 : i32 to vector<16xi32>
      %add3A_1533 = arith.addi %add3A_1532, %iota3A : vector<16xi32>
      %gather3A_1534 = tpu.vector_load_idx %arg9[%broadcast_in_dim3A_949, %add3A_1533, %broadcast_in_dim3A_1457] : memref<2x128x128xf32, #tpu.memory_space<vmem>>[vector<16xi32>, vector<16xi32>, vector<16xi32>], vector<16xf32>,
      %gather3A_1535 = tpu.vector_load_idx %arg10[%broadcast_in_dim3A_949, %add3A_1533, %broadcast_in_dim3A_1513] : memref<2x128x128xf32, #tpu.memory_space<vmem>>[vector<16xi32>, vector<16xi32>, vector<16xi32>], vector<16xf32>,
      %mul3A_1536 = arith.constant 32 : i32
      %mul3A_1537 = arith.muli %add3A_1401, %mul3A_1536 : i32
      %add3A_1538 = arith.constant 16 : i32
      %add3A_1539 = arith.addi %mul3A_1537, %add3A_1538 : i32
      %swap3A_1540 = arith.index_cast %add3A_1539 : i32 to index
      %swap3A_1541 = tpu.vector_load %arg11[%swap3A_1540] {strides = array<i32>} : memref<16384xf32, #tpu.memory_space<vmem>>, vector<16xf32>,
      tpu.vector_store %arg11[%swap3A_1540], %gather3A_1534 {strides = array<i32>} : memref<16384xf32, #tpu.memory_space<vmem>>, vector<16xf32>,
      %mul3A_1542 = arith.constant 32 : i32
      %mul3A_1543 = arith.muli %add3A_1401, %mul3A_1542 : i32
      %add3A_1544 = arith.constant 16 : i32
      %add3A_1545 = arith.addi %mul3A_1543, %add3A_1544 : i32
      %swap3A_1546 = arith.index_cast %add3A_1545 : i32 to index
      %swap3A_1547 = tpu.vector_load %arg12[%swap3A_1546] {strides = array<i32>} : memref<16384xf32, #tpu.memory_space<vmem>>, vector<16xf32>,
      tpu.vector_store %arg12[%swap3A_1546], %gather3A_1535 {strides = array<i32>} : memref<16384xf32, #tpu.memory_space<vmem>>, vector<16xf32>,
      %lt3A_1548 = arith.constant 63 : i32
      %lt3A_1549 = arith.cmpi slt, %scan3A_245, %lt3A_1548 : i32
      %convert_element_type3A = arith.extui %lt3A_1549 : i1 to i32
      %cond3A = arith.constant 0 : i32
      %cond3A_1550 = arith.cmpi ne, %convert_element_type3A, %cond3A : i32
      scf.if %cond3A_1550 {
        %mul3A_2277 = arith.constant 2 : i32
        %mul3A_2278 = arith.muli %mul3A_2277, %scan3A_245 : i32
        %add3A_2279 = arith.constant 2 : i32
        %add3A_2280 = arith.addi %mul3A_2278, %add3A_2279 : i32
        %mul3A_2281 = arith.constant 4 : i32
        %mul3A_2282 = arith.muli %add3A_2280, %mul3A_2281 : i32
        %add3A_2283 = arith.constant 0 : i32
        %add3A_2284 = arith.addi %mul3A_2282, %add3A_2283 : i32
        %jit3A_2285 = arith.constant 16 : i32
        %div3A_2286 = arith.divsi %add3A_2284, %jit3A_2285 : i32
        %sign3A_2287 = arith.constant 0 : i32
        %sign3A_2288 = arith.cmpi sgt, %add3A_2284, %sign3A_2287 : i32
        %sign3A_2289 = arith.extui %sign3A_2288 : i1 to i32
        %sign3A_2290 = arith.constant 0 : i32
        %sign3A_2291 = arith.cmpi slt, %add3A_2284, %sign3A_2290 : i32
        %sign3A_2292 = arith.extui %sign3A_2291 : i1 to i32
        %sign3A_2293 = arith.subi %sign3A_2289, %sign3A_2292 : i32
        %sign3A_2294 = arith.constant 0 : i32
        %sign3A_2295 = arith.cmpi sgt, %jit3A_2285, %sign3A_2294 : i32
        %sign3A_2296 = arith.extui %sign3A_2295 : i1 to i32
        %sign3A_2297 = arith.constant 0 : i32
        %sign3A_2298 = arith.cmpi slt, %jit3A_2285, %sign3A_2297 : i32
        %sign3A_2299 = arith.extui %sign3A_2298 : i1 to i32
        %sign3A_2300 = arith.subi %sign3A_2296, %sign3A_2299 : i32
        %ne3A_2301 = arith.cmpi ne, %sign3A_2293, %sign3A_2300 : i32
        %rem3A_2302 = arith.remsi %add3A_2284, %jit3A_2285 : i32
        %ne3A_2303 = arith.constant 0 : i32
        %ne3A_2304 = arith.cmpi ne, %rem3A_2302, %ne3A_2303 : i32
        %and3A_2305 = arith.andi %ne3A_2301, %ne3A_2304 : i1
        %sub3A_2306 = arith.constant 1 : i32
        %sub3A_2307 = arith.subi %div3A_2286, %sub3A_2306 : i32
        %select_n3A_2308 = arith.select %and3A_2305, %sub3A_2307, %div3A_2286 : i32
        %mul3A_2309 = arith.constant 16 : i32
        %mul3A_2310 = arith.muli %select_n3A_2308, %mul3A_2309 : i32
        %get3A_2311 = arith.index_cast %mul3A_2310 : i32 to index
        %get3A_2312 = tpu.vector_load %arg7[%get3A_2311] {strides = array<i32>} : memref<512xi32, #tpu.memory_space<vmem>>, vector<16xi32>,
        %jit3A_2313 = arith.constant 16 : i32
        %eq3A_2314 = arith.constant 0 : i32
        %eq3A_2315 = arith.cmpi eq, %jit3A_2313, %eq3A_2314 : i32
        %jit3A_2316 = arith.constant 1 : i32
        %select_n3A_2317 = arith.select %eq3A_2315, %jit3A_2316, %jit3A_2313 : i32
        %rem3A_2318 = arith.remsi %add3A_2284, %select_n3A_2317 : i32
        %ne3A_2319 = arith.constant 0 : i32
        %ne3A_2320 = arith.cmpi ne, %rem3A_2318, %ne3A_2319 : i32
        %lt3A_2321 = arith.constant 0 : i32
        %lt3A_2322 = arith.cmpi slt, %rem3A_2318, %lt3A_2321 : i32
        %lt3A_2323 = arith.constant 0 : i32
        %lt3A_2324 = arith.cmpi slt, %select_n3A_2317, %lt3A_2323 : i32
        %ne3A_2325 = arith.xori %lt3A_2322, %lt3A_2324 : i1
        %and3A_2326 = arith.andi %ne3A_2325, %ne3A_2320 : i1
        %add3A_2327 = arith.addi %rem3A_2318, %select_n3A_2317 : i32
        %select_n3A_2328 = arith.select %and3A_2326, %add3A_2327, %rem3A_2318 : i32
        %eq3A_2329 = vector.broadcast %select_n3A_2328 : i32 to vector<16xi32>
        %eq3A_2330 = arith.cmpi eq, %iota3A, %eq3A_2329 : vector<16xi32>
        %jit3A_2331 = arith.constant 0 : i32
        %broadcast_in_dim3A_2332 = vector.broadcast %jit3A_2331 : i32 to vector<16xi32>
        %select_n3A_2333 = arith.select %eq3A_2330, %get3A_2312, %broadcast_in_dim3A_2332 : vector<16xi1>, vector<16xi32>
        %reduce_sum3A_2334 = arith.constant true
        %reduce_sum3A_2335 = vector.broadcast %reduce_sum3A_2334 : i1 to vector<16xi1>
        %reduce_sum3A_2336 = tpu.scan <sum>, %select_n3A_2333 masked %reduce_sum3A_2335 : vector<16xi32>, vector<16xi1> -> vector<16xi32>
        %reduce_sum3A_2337 = vector.extract %reduce_sum3A_2336[15] : i32 from vector<16xi32>
        %jit3A_2338 = arith.constant 16 : i32
        %div3A_2339 = arith.divsi %add3A_2284, %jit3A_2338 : i32
        %sign3A_2340 = arith.constant 0 : i32
        %sign3A_2341 = arith.cmpi sgt, %add3A_2284, %sign3A_2340 : i32
        %sign3A_2342 = arith.extui %sign3A_2341 : i1 to i32
        %sign3A_2343 = arith.constant 0 : i32
        %sign3A_2344 = arith.cmpi slt, %add3A_2284, %sign3A_2343 : i32
        %sign3A_2345 = arith.extui %sign3A_2344 : i1 to i32
        %sign3A_2346 = arith.subi %sign3A_2342, %sign3A_2345 : i32
        %sign3A_2347 = arith.constant 0 : i32
        %sign3A_2348 = arith.cmpi sgt, %jit3A_2338, %sign3A_2347 : i32
        %sign3A_2349 = arith.extui %sign3A_2348 : i1 to i32
        %sign3A_2350 = arith.constant 0 : i32
        %sign3A_2351 = arith.cmpi slt, %jit3A_2338, %sign3A_2350 : i32
        %sign3A_2352 = arith.extui %sign3A_2351 : i1 to i32
        %sign3A_2353 = arith.subi %sign3A_2349, %sign3A_2352 : i32
        %ne3A_2354 = arith.cmpi ne, %sign3A_2346, %sign3A_2353 : i32
        %rem3A_2355 = arith.remsi %add3A_2284, %jit3A_2338 : i32
        %ne3A_2356 = arith.constant 0 : i32
        %ne3A_2357 = arith.cmpi ne, %rem3A_2355, %ne3A_2356 : i32
        %and3A_2358 = arith.andi %ne3A_2354, %ne3A_2357 : i1
        %sub3A_2359 = arith.constant 1 : i32
        %sub3A_2360 = arith.subi %div3A_2339, %sub3A_2359 : i32
        %select_n3A_2361 = arith.select %and3A_2358, %sub3A_2360, %div3A_2339 : i32
        %mul3A_2362 = arith.constant 16 : i32
        %mul3A_2363 = arith.muli %select_n3A_2361, %mul3A_2362 : i32
        %get3A_2364 = arith.index_cast %mul3A_2363 : i32 to index
        %get3A_2365 = tpu.vector_load %arg8[%get3A_2364] {strides = array<i32>} : memref<512xi32, #tpu.memory_space<vmem>>, vector<16xi32>,
        %jit3A_2366 = arith.constant 16 : i32
        %eq3A_2367 = arith.constant 0 : i32
        %eq3A_2368 = arith.cmpi eq, %jit3A_2366, %eq3A_2367 : i32
        %jit3A_2369 = arith.constant 1 : i32
        %select_n3A_2370 = arith.select %eq3A_2368, %jit3A_2369, %jit3A_2366 : i32
        %rem3A_2371 = arith.remsi %add3A_2284, %select_n3A_2370 : i32
        %ne3A_2372 = arith.constant 0 : i32
        %ne3A_2373 = arith.cmpi ne, %rem3A_2371, %ne3A_2372 : i32
        %lt3A_2374 = arith.constant 0 : i32
        %lt3A_2375 = arith.cmpi slt, %rem3A_2371, %lt3A_2374 : i32
        %lt3A_2376 = arith.constant 0 : i32
        %lt3A_2377 = arith.cmpi slt, %select_n3A_2370, %lt3A_2376 : i32
        %ne3A_2378 = arith.xori %lt3A_2375, %lt3A_2377 : i1
        %and3A_2379 = arith.andi %ne3A_2378, %ne3A_2373 : i1
        %add3A_2380 = arith.addi %rem3A_2371, %select_n3A_2370 : i32
        %select_n3A_2381 = arith.select %and3A_2379, %add3A_2380, %rem3A_2371 : i32
        %eq3A_2382 = vector.broadcast %select_n3A_2381 : i32 to vector<16xi32>
        %eq3A_2383 = arith.cmpi eq, %iota3A, %eq3A_2382 : vector<16xi32>
        %jit3A_2384 = arith.constant 0 : i32
        %broadcast_in_dim3A_2385 = vector.broadcast %jit3A_2384 : i32 to vector<16xi32>
        %select_n3A_2386 = arith.select %eq3A_2383, %get3A_2365, %broadcast_in_dim3A_2385 : vector<16xi1>, vector<16xi32>
        %reduce_sum3A_2387 = arith.constant true
        %reduce_sum3A_2388 = vector.broadcast %reduce_sum3A_2387 : i1 to vector<16xi1>
        %reduce_sum3A_2389 = tpu.scan <sum>, %select_n3A_2386 masked %reduce_sum3A_2388 : vector<16xi32>, vector<16xi1> -> vector<16xi32>
        %reduce_sum3A_2390 = vector.extract %reduce_sum3A_2389[15] : i32 from vector<16xi32>
        %shift_right_arithmetic3A_2391 = arith.constant 7 : i32
        %shift_right_arithmetic3A_2392 = arith.shrsi %reduce_sum3A_2337, %shift_right_arithmetic3A_2391 : i32
        %mul3A_2393 = arith.constant 128 : i32
        %mul3A_2394 = arith.muli %shift_right_arithmetic3A_2392, %mul3A_2393 : i32
        %multiple_of3A_2395 = tpu.assume_multiple %mul3A_2394, 128 : i32
        %shift_right_arithmetic3A_2396 = arith.constant 7 : i32
        %shift_right_arithmetic3A_2397 = arith.shrsi %reduce_sum3A_2390, %shift_right_arithmetic3A_2396 : i32
        %mul3A_2398 = arith.constant 128 : i32
        %mul3A_2399 = arith.muli %shift_right_arithmetic3A_2397, %mul3A_2398 : i32
        %multiple_of3A_2400 = tpu.assume_multiple %mul3A_2399, 128 : i32
        %dma_start3A_2401 = arith.constant 0 : i32
        %dma_start3A_2402 = arith.constant 0 : i32
        %dma_start3A_2403 = arith.constant 0 : i32
        %dma_start3A_2404 = tpu.memref_slice %arg9[%dma_start3A_2401, %dma_start3A_2402, %dma_start3A_2403] : memref<2x128x128xf32, #tpu.memory_space<vmem>> -> memref<1x32x128xf32, #tpu.memory_space<vmem>>
        %dma_start3A_2405 = tpu.memref_squeeze %dma_start3A_2404 : memref<1x32x128xf32, #tpu.memory_space<vmem>> -> memref<32x128xf32, #tpu.memory_space<vmem>>
        %dma_start3A_2406 = arith.constant 0 : i32
        %dma_start3A_2407 = tpu.memref_slice %arg4[%dma_start3A_2406, %multiple_of3A_2395] : memref<32x1000000xf32, #tpu.memory_space<hbm>> -> memref<32x128xf32, #tpu.memory_space<hbm>>
        %dma_start3A_2408 = arith.constant 0 : i32
        %dma_start3A_2409 = arith.constant 0 : i32
        %dma_start3A_2410 = tpu.memref_slice %arg9[%dma_start3A_2401, %dma_start3A_2408, %dma_start3A_2409] : memref<2x128x128xf32, #tpu.memory_space<vmem>> -> memref<1x32x128xf32, #tpu.memory_space<vmem>>
        %dma_start3A_2411 = tpu.memref_squeeze %dma_start3A_2410 : memref<1x32x128xf32, #tpu.memory_space<vmem>> -> memref<32x128xf32, #tpu.memory_space<vmem>>
        %dma_start3A_2412 = arith.constant 0 : i32
        %dma_start3A_2413 = tpu.memref_slice %arg4[%dma_start3A_2412, %multiple_of3A_2395] : memref<32x1000000xf32, #tpu.memory_space<hbm>> -> memref<32x128xf32, #tpu.memory_space<hbm>>
        tpu.enqueue_dma source(%dma_start3A_2413 : memref<32x128xf32, #tpu.memory_space<hbm>>) target(%dma_start3A_2411 : memref<32x128xf32, #tpu.memory_space<vmem>>) target_semaphore(%arg14 : memref<!tpu.dma_semaphore, #tpu.memory_space<semaphore_mem>>)
        %dma_start3A_2414 = arith.constant 0 : i32
        %dma_start3A_2415 = arith.constant 0 : i32
        %dma_start3A_2416 = arith.constant 0 : i32
        %dma_start3A_2417 = tpu.memref_slice %arg10[%dma_start3A_2414, %dma_start3A_2415, %dma_start3A_2416] : memref<2x128x128xf32, #tpu.memory_space<vmem>> -> memref<1x32x128xf32, #tpu.memory_space<vmem>>
        %dma_start3A_2418 = tpu.memref_squeeze %dma_start3A_2417 : memref<1x32x128xf32, #tpu.memory_space<vmem>> -> memref<32x128xf32, #tpu.memory_space<vmem>>
        %dma_start3A_2419 = arith.constant 0 : i32
        %dma_start3A_2420 = tpu.memref_slice %arg5[%dma_start3A_2419, %multiple_of3A_2400] : memref<32x1000000xf32, #tpu.memory_space<hbm>> -> memref<32x128xf32, #tpu.memory_space<hbm>>
        %dma_start3A_2421 = arith.constant 0 : i32
        %dma_start3A_2422 = arith.constant 0 : i32
        %dma_start3A_2423 = tpu.memref_slice %arg10[%dma_start3A_2414, %dma_start3A_2421, %dma_start3A_2422] : memref<2x128x128xf32, #tpu.memory_space<vmem>> -> memref<1x32x128xf32, #tpu.memory_space<vmem>>
        %dma_start3A_2424 = tpu.memref_squeeze %dma_start3A_2423 : memref<1x32x128xf32, #tpu.memory_space<vmem>> -> memref<32x128xf32, #tpu.memory_space<vmem>>
        %dma_start3A_2425 = arith.constant 0 : i32
        %dma_start3A_2426 = tpu.memref_slice %arg5[%dma_start3A_2425, %multiple_of3A_2400] : memref<32x1000000xf32, #tpu.memory_space<hbm>> -> memref<32x128xf32, #tpu.memory_space<hbm>>
        tpu.enqueue_dma source(%dma_start3A_2426 : memref<32x128xf32, #tpu.memory_space<hbm>>) target(%dma_start3A_2424 : memref<32x128xf32, #tpu.memory_space<vmem>>) target_semaphore(%arg16 : memref<!tpu.dma_semaphore, #tpu.memory_space<semaphore_mem>>)
        %mul3A_2427 = arith.constant 4 : i32
        %mul3A_2428 = arith.muli %add3A_2280, %mul3A_2427 : i32
        %add3A_2429 = arith.constant 1 : i32
        %add3A_2430 = arith.addi %mul3A_2428, %add3A_2429 : i32
        %jit3A_2431 = arith.constant 16 : i32
        %div3A_2432 = arith.divsi %add3A_2430, %jit3A_2431 : i32
        %sign3A_2433 = arith.constant 0 : i32
        %sign3A_2434 = arith.cmpi sgt, %add3A_2430, %sign3A_2433 : i32
        %sign3A_2435 = arith.extui %sign3A_2434 : i1 to i32
        %sign3A_2436 = arith.constant 0 : i32
        %sign3A_2437 = arith.cmpi slt, %add3A_2430, %sign3A_2436 : i32
        %sign3A_2438 = arith.extui %sign3A_2437 : i1 to i32
        %sign3A_2439 = arith.subi %sign3A_2435, %sign3A_2438 : i32
        %sign3A_2440 = arith.constant 0 : i32
        %sign3A_2441 = arith.cmpi sgt, %jit3A_2431, %sign3A_2440 : i32
        %sign3A_2442 = arith.extui %sign3A_2441 : i1 to i32
        %sign3A_2443 = arith.constant 0 : i32
        %sign3A_2444 = arith.cmpi slt, %jit3A_2431, %sign3A_2443 : i32
        %sign3A_2445 = arith.extui %sign3A_2444 : i1 to i32
        %sign3A_2446 = arith.subi %sign3A_2442, %sign3A_2445 : i32
        %ne3A_2447 = arith.cmpi ne, %sign3A_2439, %sign3A_2446 : i32
        %rem3A_2448 = arith.remsi %add3A_2430, %jit3A_2431 : i32
        %ne3A_2449 = arith.constant 0 : i32
        %ne3A_2450 = arith.cmpi ne, %rem3A_2448, %ne3A_2449 : i32
        %and3A_2451 = arith.andi %ne3A_2447, %ne3A_2450 : i1
        %sub3A_2452 = arith.constant 1 : i32
        %sub3A_2453 = arith.subi %div3A_2432, %sub3A_2452 : i32
        %select_n3A_2454 = arith.select %and3A_2451, %sub3A_2453, %div3A_2432 : i32
        %mul3A_2455 = arith.constant 16 : i32
        %mul3A_2456 = arith.muli %select_n3A_2454, %mul3A_2455 : i32
        %get3A_2457 = arith.index_cast %mul3A_2456 : i32 to index
        %get3A_2458 = tpu.vector_load %arg7[%get3A_2457] {strides = array<i32>} : memref<512xi32, #tpu.memory_space<vmem>>, vector<16xi32>,
        %jit3A_2459 = arith.constant 16 : i32
        %eq3A_2460 = arith.constant 0 : i32
        %eq3A_2461 = arith.cmpi eq, %jit3A_2459, %eq3A_2460 : i32
        %jit3A_2462 = arith.constant 1 : i32
        %select_n3A_2463 = arith.select %eq3A_2461, %jit3A_2462, %jit3A_2459 : i32
        %rem3A_2464 = arith.remsi %add3A_2430, %select_n3A_2463 : i32
        %ne3A_2465 = arith.constant 0 : i32
        %ne3A_2466 = arith.cmpi ne, %rem3A_2464, %ne3A_2465 : i32
        %lt3A_2467 = arith.constant 0 : i32
        %lt3A_2468 = arith.cmpi slt, %rem3A_2464, %lt3A_2467 : i32
        %lt3A_2469 = arith.constant 0 : i32
        %lt3A_2470 = arith.cmpi slt, %select_n3A_2463, %lt3A_2469 : i32
        %ne3A_2471 = arith.xori %lt3A_2468, %lt3A_2470 : i1
        %and3A_2472 = arith.andi %ne3A_2471, %ne3A_2466 : i1
        %add3A_2473 = arith.addi %rem3A_2464, %select_n3A_2463 : i32
        %select_n3A_2474 = arith.select %and3A_2472, %add3A_2473, %rem3A_2464 : i32
        %eq3A_2475 = vector.broadcast %select_n3A_2474 : i32 to vector<16xi32>
        %eq3A_2476 = arith.cmpi eq, %iota3A, %eq3A_2475 : vector<16xi32>
        %jit3A_2477 = arith.constant 0 : i32
        %broadcast_in_dim3A_2478 = vector.broadcast %jit3A_2477 : i32 to vector<16xi32>
        %select_n3A_2479 = arith.select %eq3A_2476, %get3A_2458, %broadcast_in_dim3A_2478 : vector<16xi1>, vector<16xi32>
        %reduce_sum3A_2480 = arith.constant true
        %reduce_sum3A_2481 = vector.broadcast %reduce_sum3A_2480 : i1 to vector<16xi1>
        %reduce_sum3A_2482 = tpu.scan <sum>, %select_n3A_2479 masked %reduce_sum3A_2481 : vector<16xi32>, vector<16xi1> -> vector<16xi32>
        %reduce_sum3A_2483 = vector.extract %reduce_sum3A_2482[15] : i32 from vector<16xi32>
        %jit3A_2484 = arith.constant 16 : i32
        %div3A_2485 = arith.divsi %add3A_2430, %jit3A_2484 : i32
        %sign3A_2486 = arith.constant 0 : i32
        %sign3A_2487 = arith.cmpi sgt, %add3A_2430, %sign3A_2486 : i32
        %sign3A_2488 = arith.extui %sign3A_2487 : i1 to i32
        %sign3A_2489 = arith.constant 0 : i32
        %sign3A_2490 = arith.cmpi slt, %add3A_2430, %sign3A_2489 : i32
        %sign3A_2491 = arith.extui %sign3A_2490 : i1 to i32
        %sign3A_2492 = arith.subi %sign3A_2488, %sign3A_2491 : i32
        %sign3A_2493 = arith.constant 0 : i32
        %sign3A_2494 = arith.cmpi sgt, %jit3A_2484, %sign3A_2493 : i32
        %sign3A_2495 = arith.extui %sign3A_2494 : i1 to i32
        %sign3A_2496 = arith.constant 0 : i32
        %sign3A_2497 = arith.cmpi slt, %jit3A_2484, %sign3A_2496 : i32
        %sign3A_2498 = arith.extui %sign3A_2497 : i1 to i32
        %sign3A_2499 = arith.subi %sign3A_2495, %sign3A_2498 : i32
        %ne3A_2500 = arith.cmpi ne, %sign3A_2492, %sign3A_2499 : i32
        %rem3A_2501 = arith.remsi %add3A_2430, %jit3A_2484 : i32
        %ne3A_2502 = arith.constant 0 : i32
        %ne3A_2503 = arith.cmpi ne, %rem3A_2501, %ne3A_2502 : i32
        %and3A_2504 = arith.andi %ne3A_2500, %ne3A_2503 : i1
        %sub3A_2505 = arith.constant 1 : i32
        %sub3A_2506 = arith.subi %div3A_2485, %sub3A_2505 : i32
        %select_n3A_2507 = arith.select %and3A_2504, %sub3A_2506, %div3A_2485 : i32
        %mul3A_2508 = arith.constant 16 : i32
        %mul3A_2509 = arith.muli %select_n3A_2507, %mul3A_2508 : i32
        %get3A_2510 = arith.index_cast %mul3A_2509 : i32 to index
        %get3A_2511 = tpu.vector_load %arg8[%get3A_2510] {strides = array<i32>} : memref<512xi32, #tpu.memory_space<vmem>>, vector<16xi32>,
        %jit3A_2512 = arith.constant 16 : i32
        %eq3A_2513 = arith.constant 0 : i32
        %eq3A_2514 = arith.cmpi eq, %jit3A_2512, %eq3A_2513 : i32
        %jit3A_2515 = arith.constant 1 : i32
        %select_n3A_2516 = arith.select %eq3A_2514, %jit3A_2515, %jit3A_2512 : i32
        %rem3A_2517 = arith.remsi %add3A_2430, %select_n3A_2516 : i32
        %ne3A_2518 = arith.constant 0 : i32
        %ne3A_2519 = arith.cmpi ne, %rem3A_2517, %ne3A_2518 : i32
        %lt3A_2520 = arith.constant 0 : i32
        %lt3A_2521 = arith.cmpi slt, %rem3A_2517, %lt3A_2520 : i32
        %lt3A_2522 = arith.constant 0 : i32
        %lt3A_2523 = arith.cmpi slt, %select_n3A_2516, %lt3A_2522 : i32
        %ne3A_2524 = arith.xori %lt3A_2521, %lt3A_2523 : i1
        %and3A_2525 = arith.andi %ne3A_2524, %ne3A_2519 : i1
        %add3A_2526 = arith.addi %rem3A_2517, %select_n3A_2516 : i32
        %select_n3A_2527 = arith.select %and3A_2525, %add3A_2526, %rem3A_2517 : i32
        %eq3A_2528 = vector.broadcast %select_n3A_2527 : i32 to vector<16xi32>
        %eq3A_2529 = arith.cmpi eq, %iota3A, %eq3A_2528 : vector<16xi32>
        %jit3A_2530 = arith.constant 0 : i32
        %broadcast_in_dim3A_2531 = vector.broadcast %jit3A_2530 : i32 to vector<16xi32>
        %select_n3A_2532 = arith.select %eq3A_2529, %get3A_2511, %broadcast_in_dim3A_2531 : vector<16xi1>, vector<16xi32>
        %reduce_sum3A_2533 = arith.constant true
        %reduce_sum3A_2534 = vector.broadcast %reduce_sum3A_2533 : i1 to vector<16xi1>
        %reduce_sum3A_2535 = tpu.scan <sum>, %select_n3A_2532 masked %reduce_sum3A_2534 : vector<16xi32>, vector<16xi1> -> vector<16xi32>
        %reduce_sum3A_2536 = vector.extract %reduce_sum3A_2535[15] : i32 from vector<16xi32>
        %shift_right_arithmetic3A_2537 = arith.constant 7 : i32
        %shift_right_arithmetic3A_2538 = arith.shrsi %reduce_sum3A_2483, %shift_right_arithmetic3A_2537 : i32
        %mul3A_2539 = arith.constant 128 : i32
        %mul3A_2540 = arith.muli %shift_right_arithmetic3A_2538, %mul3A_2539 : i32
        %multiple_of3A_2541 = tpu.assume_multiple %mul3A_2540, 128 : i32
        %shift_right_arithmetic3A_2542 = arith.constant 7 : i32
        %shift_right_arithmetic3A_2543 = arith.shrsi %reduce_sum3A_2536, %shift_right_arithmetic3A_2542 : i32
        %mul3A_2544 = arith.constant 128 : i32
        %mul3A_2545 = arith.muli %shift_right_arithmetic3A_2543, %mul3A_2544 : i32
        %multiple_of3A_2546 = tpu.assume_multiple %mul3A_2545, 128 : i32
        %dma_start3A_2547 = arith.constant 0 : i32
        %dma_start3A_2548 = arith.constant 32 : i32
        %dma_start3A_2549 = arith.constant 0 : i32
        %dma_start3A_2550 = tpu.memref_slice %arg9[%dma_start3A_2547, %dma_start3A_2548, %dma_start3A_2549] : memref<2x128x128xf32, #tpu.memory_space<vmem>> -> memref<1x32x128xf32, #tpu.memory_space<vmem>>
        %dma_start3A_2551 = tpu.memref_squeeze %dma_start3A_2550 : memref<1x32x128xf32, #tpu.memory_space<vmem>> -> memref<32x128xf32, #tpu.memory_space<vmem>>
        %dma_start3A_2552 = arith.constant 0 : i32
        %dma_start3A_2553 = tpu.memref_slice %arg4[%dma_start3A_2552, %multiple_of3A_2541] : memref<32x1000000xf32, #tpu.memory_space<hbm>> -> memref<32x128xf32, #tpu.memory_space<hbm>>
        %dma_start3A_2554 = arith.constant 32 : i32
        %dma_start3A_2555 = arith.constant 0 : i32
        %dma_start3A_2556 = tpu.memref_slice %arg9[%dma_start3A_2547, %dma_start3A_2554, %dma_start3A_2555] : memref<2x128x128xf32, #tpu.memory_space<vmem>> -> memref<1x32x128xf32, #tpu.memory_space<vmem>>
        %dma_start3A_2557 = tpu.memref_squeeze %dma_start3A_2556 : memref<1x32x128xf32, #tpu.memory_space<vmem>> -> memref<32x128xf32, #tpu.memory_space<vmem>>
        %dma_start3A_2558 = arith.constant 0 : i32
        %dma_start3A_2559 = tpu.memref_slice %arg4[%dma_start3A_2558, %multiple_of3A_2541] : memref<32x1000000xf32, #tpu.memory_space<hbm>> -> memref<32x128xf32, #tpu.memory_space<hbm>>
        tpu.enqueue_dma source(%dma_start3A_2559 : memref<32x128xf32, #tpu.memory_space<hbm>>) target(%dma_start3A_2557 : memref<32x128xf32, #tpu.memory_space<vmem>>) target_semaphore(%arg14 : memref<!tpu.dma_semaphore, #tpu.memory_space<semaphore_mem>>)
        %dma_start3A_2560 = arith.constant 0 : i32
        %dma_start3A_2561 = arith.constant 32 : i32
        %dma_start3A_2562 = arith.constant 0 : i32
        %dma_start3A_2563 = tpu.memref_slice %arg10[%dma_start3A_2560, %dma_start3A_2561, %dma_start3A_2562] : memref<2x128x128xf32, #tpu.memory_space<vmem>> -> memref<1x32x128xf32, #tpu.memory_space<vmem>>
        %dma_start3A_2564 = tpu.memref_squeeze %dma_start3A_2563 : memref<1x32x128xf32, #tpu.memory_space<vmem>> -> memref<32x128xf32, #tpu.memory_space<vmem>>
        %dma_start3A_2565 = arith.constant 0 : i32
        %dma_start3A_2566 = tpu.memref_slice %arg5[%dma_start3A_2565, %multiple_of3A_2546] : memref<32x1000000xf32, #tpu.memory_space<hbm>> -> memref<32x128xf32, #tpu.memory_space<hbm>>
        %dma_start3A_2567 = arith.constant 32 : i32
        %dma_start3A_2568 = arith.constant 0 : i32
        %dma_start3A_2569 = tpu.memref_slice %arg10[%dma_start3A_2560, %dma_start3A_2567, %dma_start3A_2568] : memref<2x128x128xf32, #tpu.memory_space<vmem>> -> memref<1x32x128xf32, #tpu.memory_space<vmem>>
        %dma_start3A_2570 = tpu.memref_squeeze %dma_start3A_2569 : memref<1x32x128xf32, #tpu.memory_space<vmem>> -> memref<32x128xf32, #tpu.memory_space<vmem>>
        %dma_start3A_2571 = arith.constant 0 : i32
        %dma_start3A_2572 = tpu.memref_slice %arg5[%dma_start3A_2571, %multiple_of3A_2546] : memref<32x1000000xf32, #tpu.memory_space<hbm>> -> memref<32x128xf32, #tpu.memory_space<hbm>>
        tpu.enqueue_dma source(%dma_start3A_2572 : memref<32x128xf32, #tpu.memory_space<hbm>>) target(%dma_start3A_2570 : memref<32x128xf32, #tpu.memory_space<vmem>>) target_semaphore(%arg16 : memref<!tpu.dma_semaphore, #tpu.memory_space<semaphore_mem>>)
        %mul3A_2573 = arith.constant 4 : i32
        %mul3A_2574 = arith.muli %add3A_2280, %mul3A_2573 : i32
        %add3A_2575 = arith.constant 2 : i32
        %add3A_2576 = arith.addi %mul3A_2574, %add3A_2575 : i32
        %jit3A_2577 = arith.constant 16 : i32
        %div3A_2578 = arith.divsi %add3A_2576, %jit3A_2577 : i32
        %sign3A_2579 = arith.constant 0 : i32
        %sign3A_2580 = arith.cmpi sgt, %add3A_2576, %sign3A_2579 : i32
        %sign3A_2581 = arith.extui %sign3A_2580 : i1 to i32
        %sign3A_2582 = arith.constant 0 : i32
        %sign3A_2583 = arith.cmpi slt, %add3A_2576, %sign3A_2582 : i32
        %sign3A_2584 = arith.extui %sign3A_2583 : i1 to i32
        %sign3A_2585 = arith.subi %sign3A_2581, %sign3A_2584 : i32
        %sign3A_2586 = arith.constant 0 : i32
        %sign3A_2587 = arith.cmpi sgt, %jit3A_2577, %sign3A_2586 : i32
        %sign3A_2588 = arith.extui %sign3A_2587 : i1 to i32
        %sign3A_2589 = arith.constant 0 : i32
        %sign3A_2590 = arith.cmpi slt, %jit3A_2577, %sign3A_2589 : i32
        %sign3A_2591 = arith.extui %sign3A_2590 : i1 to i32
        %sign3A_2592 = arith.subi %sign3A_2588, %sign3A_2591 : i32
        %ne3A_2593 = arith.cmpi ne, %sign3A_2585, %sign3A_2592 : i32
        %rem3A_2594 = arith.remsi %add3A_2576, %jit3A_2577 : i32
        %ne3A_2595 = arith.constant 0 : i32
        %ne3A_2596 = arith.cmpi ne, %rem3A_2594, %ne3A_2595 : i32
        %and3A_2597 = arith.andi %ne3A_2593, %ne3A_2596 : i1
        %sub3A_2598 = arith.constant 1 : i32
        %sub3A_2599 = arith.subi %div3A_2578, %sub3A_2598 : i32
        %select_n3A_2600 = arith.select %and3A_2597, %sub3A_2599, %div3A_2578 : i32
        %mul3A_2601 = arith.constant 16 : i32
        %mul3A_2602 = arith.muli %select_n3A_2600, %mul3A_2601 : i32
        %get3A_2603 = arith.index_cast %mul3A_2602 : i32 to index
        %get3A_2604 = tpu.vector_load %arg7[%get3A_2603] {strides = array<i32>} : memref<512xi32, #tpu.memory_space<vmem>>, vector<16xi32>,
        %jit3A_2605 = arith.constant 16 : i32
        %eq3A_2606 = arith.constant 0 : i32
        %eq3A_2607 = arith.cmpi eq, %jit3A_2605, %eq3A_2606 : i32
        %jit3A_2608 = arith.constant 1 : i32
        %select_n3A_2609 = arith.select %eq3A_2607, %jit3A_2608, %jit3A_2605 : i32
        %rem3A_2610 = arith.remsi %add3A_2576, %select_n3A_2609 : i32
        %ne3A_2611 = arith.constant 0 : i32
        %ne3A_2612 = arith.cmpi ne, %rem3A_2610, %ne3A_2611 : i32
        %lt3A_2613 = arith.constant 0 : i32
        %lt3A_2614 = arith.cmpi slt, %rem3A_2610, %lt3A_2613 : i32
        %lt3A_2615 = arith.constant 0 : i32
        %lt3A_2616 = arith.cmpi slt, %select_n3A_2609, %lt3A_2615 : i32
        %ne3A_2617 = arith.xori %lt3A_2614, %lt3A_2616 : i1
        %and3A_2618 = arith.andi %ne3A_2617, %ne3A_2612 : i1
        %add3A_2619 = arith.addi %rem3A_2610, %select_n3A_2609 : i32
        %select_n3A_2620 = arith.select %and3A_2618, %add3A_2619, %rem3A_2610 : i32
        %eq3A_2621 = vector.broadcast %select_n3A_2620 : i32 to vector<16xi32>
        %eq3A_2622 = arith.cmpi eq, %iota3A, %eq3A_2621 : vector<16xi32>
        %jit3A_2623 = arith.constant 0 : i32
        %broadcast_in_dim3A_2624 = vector.broadcast %jit3A_2623 : i32 to vector<16xi32>
        %select_n3A_2625 = arith.select %eq3A_2622, %get3A_2604, %broadcast_in_dim3A_2624 : vector<16xi1>, vector<16xi32>
        %reduce_sum3A_2626 = arith.constant true
        %reduce_sum3A_2627 = vector.broadcast %reduce_sum3A_2626 : i1 to vector<16xi1>
        %reduce_sum3A_2628 = tpu.scan <sum>, %select_n3A_2625 masked %reduce_sum3A_2627 : vector<16xi32>, vector<16xi1> -> vector<16xi32>
        %reduce_sum3A_2629 = vector.extract %reduce_sum3A_2628[15] : i32 from vector<16xi32>
        %jit3A_2630 = arith.constant 16 : i32
        %div3A_2631 = arith.divsi %add3A_2576, %jit3A_2630 : i32
        %sign3A_2632 = arith.constant 0 : i32
        %sign3A_2633 = arith.cmpi sgt, %add3A_2576, %sign3A_2632 : i32
        %sign3A_2634 = arith.extui %sign3A_2633 : i1 to i32
        %sign3A_2635 = arith.constant 0 : i32
        %sign3A_2636 = arith.cmpi slt, %add3A_2576, %sign3A_2635 : i32
        %sign3A_2637 = arith.extui %sign3A_2636 : i1 to i32
        %sign3A_2638 = arith.subi %sign3A_2634, %sign3A_2637 : i32
        %sign3A_2639 = arith.constant 0 : i32
        %sign3A_2640 = arith.cmpi sgt, %jit3A_2630, %sign3A_2639 : i32
        %sign3A_2641 = arith.extui %sign3A_2640 : i1 to i32
        %sign3A_2642 = arith.constant 0 : i32
        %sign3A_2643 = arith.cmpi slt, %jit3A_2630, %sign3A_2642 : i32
        %sign3A_2644 = arith.extui %sign3A_2643 : i1 to i32
        %sign3A_2645 = arith.subi %sign3A_2641, %sign3A_2644 : i32
        %ne3A_2646 = arith.cmpi ne, %sign3A_2638, %sign3A_2645 : i32
        %rem3A_2647 = arith.remsi %add3A_2576, %jit3A_2630 : i32
        %ne3A_2648 = arith.constant 0 : i32
        %ne3A_2649 = arith.cmpi ne, %rem3A_2647, %ne3A_2648 : i32
        %and3A_2650 = arith.andi %ne3A_2646, %ne3A_2649 : i1
        %sub3A_2651 = arith.constant 1 : i32
        %sub3A_2652 = arith.subi %div3A_2631, %sub3A_2651 : i32
        %select_n3A_2653 = arith.select %and3A_2650, %sub3A_2652, %div3A_2631 : i32
        %mul3A_2654 = arith.constant 16 : i32
        %mul3A_2655 = arith.muli %select_n3A_2653, %mul3A_2654 : i32
        %get3A_2656 = arith.index_cast %mul3A_2655 : i32 to index
        %get3A_2657 = tpu.vector_load %arg8[%get3A_2656] {strides = array<i32>} : memref<512xi32, #tpu.memory_space<vmem>>, vector<16xi32>,
        %jit3A_2658 = arith.constant 16 : i32
        %eq3A_2659 = arith.constant 0 : i32
        %eq3A_2660 = arith.cmpi eq, %jit3A_2658, %eq3A_2659 : i32
        %jit3A_2661 = arith.constant 1 : i32
        %select_n3A_2662 = arith.select %eq3A_2660, %jit3A_2661, %jit3A_2658 : i32
        %rem3A_2663 = arith.remsi %add3A_2576, %select_n3A_2662 : i32
        %ne3A_2664 = arith.constant 0 : i32
        %ne3A_2665 = arith.cmpi ne, %rem3A_2663, %ne3A_2664 : i32
        %lt3A_2666 = arith.constant 0 : i32
        %lt3A_2667 = arith.cmpi slt, %rem3A_2663, %lt3A_2666 : i32
        %lt3A_2668 = arith.constant 0 : i32
        %lt3A_2669 = arith.cmpi slt, %select_n3A_2662, %lt3A_2668 : i32
        %ne3A_2670 = arith.xori %lt3A_2667, %lt3A_2669 : i1
        %and3A_2671 = arith.andi %ne3A_2670, %ne3A_2665 : i1
        %add3A_2672 = arith.addi %rem3A_2663, %select_n3A_2662 : i32
        %select_n3A_2673 = arith.select %and3A_2671, %add3A_2672, %rem3A_2663 : i32
        %eq3A_2674 = vector.broadcast %select_n3A_2673 : i32 to vector<16xi32>
        %eq3A_2675 = arith.cmpi eq, %iota3A, %eq3A_2674 : vector<16xi32>
        %jit3A_2676 = arith.constant 0 : i32
        %broadcast_in_dim3A_2677 = vector.broadcast %jit3A_2676 : i32 to vector<16xi32>
        %select_n3A_2678 = arith.select %eq3A_2675, %get3A_2657, %broadcast_in_dim3A_2677 : vector<16xi1>, vector<16xi32>
        %reduce_sum3A_2679 = arith.constant true
        %reduce_sum3A_2680 = vector.broadcast %reduce_sum3A_2679 : i1 to vector<16xi1>
        %reduce_sum3A_2681 = tpu.scan <sum>, %select_n3A_2678 masked %reduce_sum3A_2680 : vector<16xi32>, vector<16xi1> -> vector<16xi32>
        %reduce_sum3A_2682 = vector.extract %reduce_sum3A_2681[15] : i32 from vector<16xi32>
        %shift_right_arithmetic3A_2683 = arith.constant 7 : i32
        %shift_right_arithmetic3A_2684 = arith.shrsi %reduce_sum3A_2629, %shift_right_arithmetic3A_2683 : i32
        %mul3A_2685 = arith.constant 128 : i32
        %mul3A_2686 = arith.muli %shift_right_arithmetic3A_2684, %mul3A_2685 : i32
        %multiple_of3A_2687 = tpu.assume_multiple %mul3A_2686, 128 : i32
        %shift_right_arithmetic3A_2688 = arith.constant 7 : i32
        %shift_right_arithmetic3A_2689 = arith.shrsi %reduce_sum3A_2682, %shift_right_arithmetic3A_2688 : i32
        %mul3A_2690 = arith.constant 128 : i32
        %mul3A_2691 = arith.muli %shift_right_arithmetic3A_2689, %mul3A_2690 : i32
        %multiple_of3A_2692 = tpu.assume_multiple %mul3A_2691, 128 : i32
        %dma_start3A_2693 = arith.constant 0 : i32
        %dma_start3A_2694 = arith.constant 64 : i32
        %dma_start3A_2695 = arith.constant 0 : i32
        %dma_start3A_2696 = tpu.memref_slice %arg9[%dma_start3A_2693, %dma_start3A_2694, %dma_start3A_2695] : memref<2x128x128xf32, #tpu.memory_space<vmem>> -> memref<1x32x128xf32, #tpu.memory_space<vmem>>
        %dma_start3A_2697 = tpu.memref_squeeze %dma_start3A_2696 : memref<1x32x128xf32, #tpu.memory_space<vmem>> -> memref<32x128xf32, #tpu.memory_space<vmem>>
        %dma_start3A_2698 = arith.constant 0 : i32
        %dma_start3A_2699 = tpu.memref_slice %arg4[%dma_start3A_2698, %multiple_of3A_2687] : memref<32x1000000xf32, #tpu.memory_space<hbm>> -> memref<32x128xf32, #tpu.memory_space<hbm>>
        %dma_start3A_2700 = arith.constant 64 : i32
        %dma_start3A_2701 = arith.constant 0 : i32
        %dma_start3A_2702 = tpu.memref_slice %arg9[%dma_start3A_2693, %dma_start3A_2700, %dma_start3A_2701] : memref<2x128x128xf32, #tpu.memory_space<vmem>> -> memref<1x32x128xf32, #tpu.memory_space<vmem>>
        %dma_start3A_2703 = tpu.memref_squeeze %dma_start3A_2702 : memref<1x32x128xf32, #tpu.memory_space<vmem>> -> memref<32x128xf32, #tpu.memory_space<vmem>>
        %dma_start3A_2704 = arith.constant 0 : i32
        %dma_start3A_2705 = tpu.memref_slice %arg4[%dma_start3A_2704, %multiple_of3A_2687] : memref<32x1000000xf32, #tpu.memory_space<hbm>> -> memref<32x128xf32, #tpu.memory_space<hbm>>
        tpu.enqueue_dma source(%dma_start3A_2705 : memref<32x128xf32, #tpu.memory_space<hbm>>) target(%dma_start3A_2703 : memref<32x128xf32, #tpu.memory_space<vmem>>) target_semaphore(%arg14 : memref<!tpu.dma_semaphore, #tpu.memory_space<semaphore_mem>>)
        %dma_start3A_2706 = arith.constant 0 : i32
        %dma_start3A_2707 = arith.constant 64 : i32
        %dma_start3A_2708 = arith.constant 0 : i32
        %dma_start3A_2709 = tpu.memref_slice %arg10[%dma_start3A_2706, %dma_start3A_2707, %dma_start3A_2708] : memref<2x128x128xf32, #tpu.memory_space<vmem>> -> memref<1x32x128xf32, #tpu.memory_space<vmem>>
        %dma_start3A_2710 = tpu.memref_squeeze %dma_start3A_2709 : memref<1x32x128xf32, #tpu.memory_space<vmem>> -> memref<32x128xf32, #tpu.memory_space<vmem>>
        %dma_start3A_2711 = arith.constant 0 : i32
        %dma_start3A_2712 = tpu.memref_slice %arg5[%dma_start3A_2711, %multiple_of3A_2692] : memref<32x1000000xf32, #tpu.memory_space<hbm>> -> memref<32x128xf32, #tpu.memory_space<hbm>>
        %dma_start3A_2713 = arith.constant 64 : i32
        %dma_start3A_2714 = arith.constant 0 : i32
        %dma_start3A_2715 = tpu.memref_slice %arg10[%dma_start3A_2706, %dma_start3A_2713, %dma_start3A_2714] : memref<2x128x128xf32, #tpu.memory_space<vmem>> -> memref<1x32x128xf32, #tpu.memory_space<vmem>>
        %dma_start3A_2716 = tpu.memref_squeeze %dma_start3A_2715 : memref<1x32x128xf32, #tpu.memory_space<vmem>> -> memref<32x128xf32, #tpu.memory_space<vmem>>
        %dma_start3A_2717 = arith.constant 0 : i32
        %dma_start3A_2718 = tpu.memref_slice %arg5[%dma_start3A_2717, %multiple_of3A_2692] : memref<32x1000000xf32, #tpu.memory_space<hbm>> -> memref<32x128xf32, #tpu.memory_space<hbm>>
        tpu.enqueue_dma source(%dma_start3A_2718 : memref<32x128xf32, #tpu.memory_space<hbm>>) target(%dma_start3A_2716 : memref<32x128xf32, #tpu.memory_space<vmem>>) target_semaphore(%arg16 : memref<!tpu.dma_semaphore, #tpu.memory_space<semaphore_mem>>)
        %mul3A_2719 = arith.constant 4 : i32
        %mul3A_2720 = arith.muli %add3A_2280, %mul3A_2719 : i32
        %add3A_2721 = arith.constant 3 : i32
        %add3A_2722 = arith.addi %mul3A_2720, %add3A_2721 : i32
        %jit3A_2723 = arith.constant 16 : i32
        %div3A_2724 = arith.divsi %add3A_2722, %jit3A_2723 : i32
        %sign3A_2725 = arith.constant 0 : i32
        %sign3A_2726 = arith.cmpi sgt, %add3A_2722, %sign3A_2725 : i32
        %sign3A_2727 = arith.extui %sign3A_2726 : i1 to i32
        %sign3A_2728 = arith.constant 0 : i32
        %sign3A_2729 = arith.cmpi slt, %add3A_2722, %sign3A_2728 : i32
        %sign3A_2730 = arith.extui %sign3A_2729 : i1 to i32
        %sign3A_2731 = arith.subi %sign3A_2727, %sign3A_2730 : i32
        %sign3A_2732 = arith.constant 0 : i32
        %sign3A_2733 = arith.cmpi sgt, %jit3A_2723, %sign3A_2732 : i32
        %sign3A_2734 = arith.extui %sign3A_2733 : i1 to i32
        %sign3A_2735 = arith.constant 0 : i32
        %sign3A_2736 = arith.cmpi slt, %jit3A_2723, %sign3A_2735 : i32
        %sign3A_2737 = arith.extui %sign3A_2736 : i1 to i32
        %sign3A_2738 = arith.subi %sign3A_2734, %sign3A_2737 : i32
        %ne3A_2739 = arith.cmpi ne, %sign3A_2731, %sign3A_2738 : i32
        %rem3A_2740 = arith.remsi %add3A_2722, %jit3A_2723 : i32
        %ne3A_2741 = arith.constant 0 : i32
        %ne3A_2742 = arith.cmpi ne, %rem3A_2740, %ne3A_2741 : i32
        %and3A_2743 = arith.andi %ne3A_2739, %ne3A_2742 : i1
        %sub3A_2744 = arith.constant 1 : i32
        %sub3A_2745 = arith.subi %div3A_2724, %sub3A_2744 : i32
        %select_n3A_2746 = arith.select %and3A_2743, %sub3A_2745, %div3A_2724 : i32
        %mul3A_2747 = arith.constant 16 : i32
        %mul3A_2748 = arith.muli %select_n3A_2746, %mul3A_2747 : i32
        %get3A_2749 = arith.index_cast %mul3A_2748 : i32 to index
        %get3A_2750 = tpu.vector_load %arg7[%get3A_2749] {strides = array<i32>} : memref<512xi32, #tpu.memory_space<vmem>>, vector<16xi32>,
        %jit3A_2751 = arith.constant 16 : i32
        %eq3A_2752 = arith.constant 0 : i32
        %eq3A_2753 = arith.cmpi eq, %jit3A_2751, %eq3A_2752 : i32
        %jit3A_2754 = arith.constant 1 : i32
        %select_n3A_2755 = arith.select %eq3A_2753, %jit3A_2754, %jit3A_2751 : i32
        %rem3A_2756 = arith.remsi %add3A_2722, %select_n3A_2755 : i32
        %ne3A_2757 = arith.constant 0 : i32
        %ne3A_2758 = arith.cmpi ne, %rem3A_2756, %ne3A_2757 : i32
        %lt3A_2759 = arith.constant 0 : i32
        %lt3A_2760 = arith.cmpi slt, %rem3A_2756, %lt3A_2759 : i32
        %lt3A_2761 = arith.constant 0 : i32
        %lt3A_2762 = arith.cmpi slt, %select_n3A_2755, %lt3A_2761 : i32
        %ne3A_2763 = arith.xori %lt3A_2760, %lt3A_2762 : i1
        %and3A_2764 = arith.andi %ne3A_2763, %ne3A_2758 : i1
        %add3A_2765 = arith.addi %rem3A_2756, %select_n3A_2755 : i32
        %select_n3A_2766 = arith.select %and3A_2764, %add3A_2765, %rem3A_2756 : i32
        %eq3A_2767 = vector.broadcast %select_n3A_2766 : i32 to vector<16xi32>
        %eq3A_2768 = arith.cmpi eq, %iota3A, %eq3A_2767 : vector<16xi32>
        %jit3A_2769 = arith.constant 0 : i32
        %broadcast_in_dim3A_2770 = vector.broadcast %jit3A_2769 : i32 to vector<16xi32>
        %select_n3A_2771 = arith.select %eq3A_2768, %get3A_2750, %broadcast_in_dim3A_2770 : vector<16xi1>, vector<16xi32>
        %reduce_sum3A_2772 = arith.constant true
        %reduce_sum3A_2773 = vector.broadcast %reduce_sum3A_2772 : i1 to vector<16xi1>
        %reduce_sum3A_2774 = tpu.scan <sum>, %select_n3A_2771 masked %reduce_sum3A_2773 : vector<16xi32>, vector<16xi1> -> vector<16xi32>
        %reduce_sum3A_2775 = vector.extract %reduce_sum3A_2774[15] : i32 from vector<16xi32>
        %jit3A_2776 = arith.constant 16 : i32
        %div3A_2777 = arith.divsi %add3A_2722, %jit3A_2776 : i32
        %sign3A_2778 = arith.constant 0 : i32
        %sign3A_2779 = arith.cmpi sgt, %add3A_2722, %sign3A_2778 : i32
        %sign3A_2780 = arith.extui %sign3A_2779 : i1 to i32
        %sign3A_2781 = arith.constant 0 : i32
        %sign3A_2782 = arith.cmpi slt, %add3A_2722, %sign3A_2781 : i32
        %sign3A_2783 = arith.extui %sign3A_2782 : i1 to i32
        %sign3A_2784 = arith.subi %sign3A_2780, %sign3A_2783 : i32
        %sign3A_2785 = arith.constant 0 : i32
        %sign3A_2786 = arith.cmpi sgt, %jit3A_2776, %sign3A_2785 : i32
        %sign3A_2787 = arith.extui %sign3A_2786 : i1 to i32
        %sign3A_2788 = arith.constant 0 : i32
        %sign3A_2789 = arith.cmpi slt, %jit3A_2776, %sign3A_2788 : i32
        %sign3A_2790 = arith.extui %sign3A_2789 : i1 to i32
        %sign3A_2791 = arith.subi %sign3A_2787, %sign3A_2790 : i32
        %ne3A_2792 = arith.cmpi ne, %sign3A_2784, %sign3A_2791 : i32
        %rem3A_2793 = arith.remsi %add3A_2722, %jit3A_2776 : i32
        %ne3A_2794 = arith.constant 0 : i32
        %ne3A_2795 = arith.cmpi ne, %rem3A_2793, %ne3A_2794 : i32
        %and3A_2796 = arith.andi %ne3A_2792, %ne3A_2795 : i1
        %sub3A_2797 = arith.constant 1 : i32
        %sub3A_2798 = arith.subi %div3A_2777, %sub3A_2797 : i32
        %select_n3A_2799 = arith.select %and3A_2796, %sub3A_2798, %div3A_2777 : i32
        %mul3A_2800 = arith.constant 16 : i32
        %mul3A_2801 = arith.muli %select_n3A_2799, %mul3A_2800 : i32
        %get3A_2802 = arith.index_cast %mul3A_2801 : i32 to index
        %get3A_2803 = tpu.vector_load %arg8[%get3A_2802] {strides = array<i32>} : memref<512xi32, #tpu.memory_space<vmem>>, vector<16xi32>,
        %jit3A_2804 = arith.constant 16 : i32
        %eq3A_2805 = arith.constant 0 : i32
        %eq3A_2806 = arith.cmpi eq, %jit3A_2804, %eq3A_2805 : i32
        %jit3A_2807 = arith.constant 1 : i32
        %select_n3A_2808 = arith.select %eq3A_2806, %jit3A_2807, %jit3A_2804 : i32
        %rem3A_2809 = arith.remsi %add3A_2722, %select_n3A_2808 : i32
        %ne3A_2810 = arith.constant 0 : i32
        %ne3A_2811 = arith.cmpi ne, %rem3A_2809, %ne3A_2810 : i32
        %lt3A_2812 = arith.constant 0 : i32
        %lt3A_2813 = arith.cmpi slt, %rem3A_2809, %lt3A_2812 : i32
        %lt3A_2814 = arith.constant 0 : i32
        %lt3A_2815 = arith.cmpi slt, %select_n3A_2808, %lt3A_2814 : i32
        %ne3A_2816 = arith.xori %lt3A_2813, %lt3A_2815 : i1
        %and3A_2817 = arith.andi %ne3A_2816, %ne3A_2811 : i1
        %add3A_2818 = arith.addi %rem3A_2809, %select_n3A_2808 : i32
        %select_n3A_2819 = arith.select %and3A_2817, %add3A_2818, %rem3A_2809 : i32
        %eq3A_2820 = vector.broadcast %select_n3A_2819 : i32 to vector<16xi32>
        %eq3A_2821 = arith.cmpi eq, %iota3A, %eq3A_2820 : vector<16xi32>
        %jit3A_2822 = arith.constant 0 : i32
        %broadcast_in_dim3A_2823 = vector.broadcast %jit3A_2822 : i32 to vector<16xi32>
        %select_n3A_2824 = arith.select %eq3A_2821, %get3A_2803, %broadcast_in_dim3A_2823 : vector<16xi1>, vector<16xi32>
        %reduce_sum3A_2825 = arith.constant true
        %reduce_sum3A_2826 = vector.broadcast %reduce_sum3A_2825 : i1 to vector<16xi1>
        %reduce_sum3A_2827 = tpu.scan <sum>, %select_n3A_2824 masked %reduce_sum3A_2826 : vector<16xi32>, vector<16xi1> -> vector<16xi32>
        %reduce_sum3A_2828 = vector.extract %reduce_sum3A_2827[15] : i32 from vector<16xi32>
        %shift_right_arithmetic3A_2829 = arith.constant 7 : i32
        %shift_right_arithmetic3A_2830 = arith.shrsi %reduce_sum3A_2775, %shift_right_arithmetic3A_2829 : i32
        %mul3A_2831 = arith.constant 128 : i32
        %mul3A_2832 = arith.muli %shift_right_arithmetic3A_2830, %mul3A_2831 : i32
        %multiple_of3A_2833 = tpu.assume_multiple %mul3A_2832, 128 : i32
        %shift_right_arithmetic3A_2834 = arith.constant 7 : i32
        %shift_right_arithmetic3A_2835 = arith.shrsi %reduce_sum3A_2828, %shift_right_arithmetic3A_2834 : i32
        %mul3A_2836 = arith.constant 128 : i32
        %mul3A_2837 = arith.muli %shift_right_arithmetic3A_2835, %mul3A_2836 : i32
        %multiple_of3A_2838 = tpu.assume_multiple %mul3A_2837, 128 : i32
        %dma_start3A_2839 = arith.constant 0 : i32
        %dma_start3A_2840 = arith.constant 96 : i32
        %dma_start3A_2841 = arith.constant 0 : i32
        %dma_start3A_2842 = tpu.memref_slice %arg9[%dma_start3A_2839, %dma_start3A_2840, %dma_start3A_2841] : memref<2x128x128xf32, #tpu.memory_space<vmem>> -> memref<1x32x128xf32, #tpu.memory_space<vmem>>
        %dma_start3A_2843 = tpu.memref_squeeze %dma_start3A_2842 : memref<1x32x128xf32, #tpu.memory_space<vmem>> -> memref<32x128xf32, #tpu.memory_space<vmem>>
        %dma_start3A_2844 = arith.constant 0 : i32
        %dma_start3A_2845 = tpu.memref_slice %arg4[%dma_start3A_2844, %multiple_of3A_2833] : memref<32x1000000xf32, #tpu.memory_space<hbm>> -> memref<32x128xf32, #tpu.memory_space<hbm>>
        %dma_start3A_2846 = arith.constant 96 : i32
        %dma_start3A_2847 = arith.constant 0 : i32
        %dma_start3A_2848 = tpu.memref_slice %arg9[%dma_start3A_2839, %dma_start3A_2846, %dma_start3A_2847] : memref<2x128x128xf32, #tpu.memory_space<vmem>> -> memref<1x32x128xf32, #tpu.memory_space<vmem>>
        %dma_start3A_2849 = tpu.memref_squeeze %dma_start3A_2848 : memref<1x32x128xf32, #tpu.memory_space<vmem>> -> memref<32x128xf32, #tpu.memory_space<vmem>>
        %dma_start3A_2850 = arith.constant 0 : i32
        %dma_start3A_2851 = tpu.memref_slice %arg4[%dma_start3A_2850, %multiple_of3A_2833] : memref<32x1000000xf32, #tpu.memory_space<hbm>> -> memref<32x128xf32, #tpu.memory_space<hbm>>
        tpu.enqueue_dma source(%dma_start3A_2851 : memref<32x128xf32, #tpu.memory_space<hbm>>) target(%dma_start3A_2849 : memref<32x128xf32, #tpu.memory_space<vmem>>) target_semaphore(%arg14 : memref<!tpu.dma_semaphore, #tpu.memory_space<semaphore_mem>>)
        %dma_start3A_2852 = arith.constant 0 : i32
        %dma_start3A_2853 = arith.constant 96 : i32
        %dma_start3A_2854 = arith.constant 0 : i32
        %dma_start3A_2855 = tpu.memref_slice %arg10[%dma_start3A_2852, %dma_start3A_2853, %dma_start3A_2854] : memref<2x128x128xf32, #tpu.memory_space<vmem>> -> memref<1x32x128xf32, #tpu.memory_space<vmem>>
        %dma_start3A_2856 = tpu.memref_squeeze %dma_start3A_2855 : memref<1x32x128xf32, #tpu.memory_space<vmem>> -> memref<32x128xf32, #tpu.memory_space<vmem>>
        %dma_start3A_2857 = arith.constant 0 : i32
        %dma_start3A_2858 = tpu.memref_slice %arg5[%dma_start3A_2857, %multiple_of3A_2838] : memref<32x1000000xf32, #tpu.memory_space<hbm>> -> memref<32x128xf32, #tpu.memory_space<hbm>>
        %dma_start3A_2859 = arith.constant 96 : i32
        %dma_start3A_2860 = arith.constant 0 : i32
        %dma_start3A_2861 = tpu.memref_slice %arg10[%dma_start3A_2852, %dma_start3A_2859, %dma_start3A_2860] : memref<2x128x128xf32, #tpu.memory_space<vmem>> -> memref<1x32x128xf32, #tpu.memory_space<vmem>>
        %dma_start3A_2862 = tpu.memref_squeeze %dma_start3A_2861 : memref<1x32x128xf32, #tpu.memory_space<vmem>> -> memref<32x128xf32, #tpu.memory_space<vmem>>
        %dma_start3A_2863 = arith.constant 0 : i32
        %dma_start3A_2864 = tpu.memref_slice %arg5[%dma_start3A_2863, %multiple_of3A_2838] : memref<32x1000000xf32, #tpu.memory_space<hbm>> -> memref<32x128xf32, #tpu.memory_space<hbm>>
        tpu.enqueue_dma source(%dma_start3A_2864 : memref<32x128xf32, #tpu.memory_space<hbm>>) target(%dma_start3A_2862 : memref<32x128xf32, #tpu.memory_space<vmem>>) target_semaphore(%arg16 : memref<!tpu.dma_semaphore, #tpu.memory_space<semaphore_mem>>)
      } else {
      }
      %dma_wait3A_1551 = arith.constant 1 : i32
      %dma_wait3A_1552 = arith.constant 0 : i32
      %dma_wait3A_1553 = arith.constant 0 : i32
      %dma_wait3A_1554 = tpu.memref_slice %arg9[%dma_wait3A_1551, %dma_wait3A_1552, %dma_wait3A_1553] : memref<2x128x128xf32, #tpu.memory_space<vmem>> -> memref<1x32x128xf32, #tpu.memory_space<vmem>>
      %dma_wait3A_1555 = tpu.memref_squeeze %dma_wait3A_1554 : memref<1x32x128xf32, #tpu.memory_space<vmem>> -> memref<32x128xf32, #tpu.memory_space<vmem>>
      %dma_wait3A_1556 = arith.constant 0 : i32
      %dma_wait3A_1557 = arith.constant 0 : i32
      %dma_wait3A_1558 = tpu.memref_slice %arg4[%dma_wait3A_1556, %dma_wait3A_1557] : memref<32x1000000xf32, #tpu.memory_space<hbm>> -> memref<32x128xf32, #tpu.memory_space<hbm>>
      %dma_wait3A_1559 = arith.constant 0 : i32
      %dma_wait3A_1560 = arith.constant 0 : i32
      %dma_wait3A_1561 = tpu.memref_slice %arg9[%dma_wait3A_1551, %dma_wait3A_1559, %dma_wait3A_1560] : memref<2x128x128xf32, #tpu.memory_space<vmem>> -> memref<1x32x128xf32, #tpu.memory_space<vmem>>
      %dma_wait3A_1562 = tpu.memref_squeeze %dma_wait3A_1561 : memref<1x32x128xf32, #tpu.memory_space<vmem>> -> memref<32x128xf32, #tpu.memory_space<vmem>>
      %dma_wait3A_1563 = arith.constant 0 : i32
      %dma_wait3A_1564 = arith.constant 0 : i32
      %dma_wait3A_1565 = tpu.memref_slice %arg4[%dma_wait3A_1563, %dma_wait3A_1564] : memref<32x1000000xf32, #tpu.memory_space<hbm>> -> memref<32x128xf32, #tpu.memory_space<hbm>>
      tpu.wait_dma2 semaphore(%arg15 : memref<!tpu.dma_semaphore, #tpu.memory_space<semaphore_mem>>) src(%dma_wait3A_1565 : memref<32x128xf32, #tpu.memory_space<hbm>>) dst(%dma_wait3A_1562 : memref<32x128xf32, #tpu.memory_space<vmem>>)
      %dma_wait3A_1566 = arith.constant 1 : i32
      %dma_wait3A_1567 = arith.constant 0 : i32
      %dma_wait3A_1568 = arith.constant 0 : i32
      %dma_wait3A_1569 = tpu.memref_slice %arg10[%dma_wait3A_1566, %dma_wait3A_1567, %dma_wait3A_1568] : memref<2x128x128xf32, #tpu.memory_space<vmem>> -> memref<1x32x128xf32, #tpu.memory_space<vmem>>
      %dma_wait3A_1570 = tpu.memref_squeeze %dma_wait3A_1569 : memref<1x32x128xf32, #tpu.memory_space<vmem>> -> memref<32x128xf32, #tpu.memory_space<vmem>>
      %dma_wait3A_1571 = arith.constant 0 : i32
      %dma_wait3A_1572 = arith.constant 0 : i32
      %dma_wait3A_1573 = tpu.memref_slice %arg5[%dma_wait3A_1571, %dma_wait3A_1572] : memref<32x1000000xf32, #tpu.memory_space<hbm>> -> memref<32x128xf32, #tpu.memory_space<hbm>>
      %dma_wait3A_1574 = arith.constant 0 : i32
      %dma_wait3A_1575 = arith.constant 0 : i32
      %dma_wait3A_1576 = tpu.memref_slice %arg10[%dma_wait3A_1566, %dma_wait3A_1574, %dma_wait3A_1575] : memref<2x128x128xf32, #tpu.memory_space<vmem>> -> memref<1x32x128xf32, #tpu.memory_space<vmem>>
      %dma_wait3A_1577 = tpu.memref_squeeze %dma_wait3A_1576 : memref<1x32x128xf32, #tpu.memory_space<vmem>> -> memref<32x128xf32, #tpu.memory_space<vmem>>
      %dma_wait3A_1578 = arith.constant 0 : i32
      %dma_wait3A_1579 = arith.constant 0 : i32
      %dma_wait3A_1580 = tpu.memref_slice %arg5[%dma_wait3A_1578, %dma_wait3A_1579] : memref<32x1000000xf32, #tpu.memory_space<hbm>> -> memref<32x128xf32, #tpu.memory_space<hbm>>
      tpu.wait_dma2 semaphore(%arg17 : memref<!tpu.dma_semaphore, #tpu.memory_space<semaphore_mem>>) src(%dma_wait3A_1580 : memref<32x128xf32, #tpu.memory_space<hbm>>) dst(%dma_wait3A_1577 : memref<32x128xf32, #tpu.memory_space<vmem>>)
      %dma_wait3A_1581 = arith.constant 1 : i32
      %dma_wait3A_1582 = arith.constant 0 : i32
      %dma_wait3A_1583 = arith.constant 0 : i32
      %dma_wait3A_1584 = tpu.memref_slice %arg9[%dma_wait3A_1581, %dma_wait3A_1582, %dma_wait3A_1583] : memref<2x128x128xf32, #tpu.memory_space<vmem>> -> memref<1x32x128xf32, #tpu.memory_space<vmem>>
      %dma_wait3A_1585 = tpu.memref_squeeze %dma_wait3A_1584 : memref<1x32x128xf32, #tpu.memory_space<vmem>> -> memref<32x128xf32, #tpu.memory_space<vmem>>
      %dma_wait3A_1586 = arith.constant 0 : i32
      %dma_wait3A_1587 = arith.constant 0 : i32
      %dma_wait3A_1588 = tpu.memref_slice %arg4[%dma_wait3A_1586, %dma_wait3A_1587] : memref<32x1000000xf32, #tpu.memory_space<hbm>> -> memref<32x128xf32, #tpu.memory_space<hbm>>
      %dma_wait3A_1589 = arith.constant 0 : i32
      %dma_wait3A_1590 = arith.constant 0 : i32
      %dma_wait3A_1591 = tpu.memref_slice %arg9[%dma_wait3A_1581, %dma_wait3A_1589, %dma_wait3A_1590] : memref<2x128x128xf32, #tpu.memory_space<vmem>> -> memref<1x32x128xf32, #tpu.memory_space<vmem>>
      %dma_wait3A_1592 = tpu.memref_squeeze %dma_wait3A_1591 : memref<1x32x128xf32, #tpu.memory_space<vmem>> -> memref<32x128xf32, #tpu.memory_space<vmem>>
      %dma_wait3A_1593 = arith.constant 0 : i32
      %dma_wait3A_1594 = arith.constant 0 : i32
      %dma_wait3A_1595 = tpu.memref_slice %arg4[%dma_wait3A_1593, %dma_wait3A_1594] : memref<32x1000000xf32, #tpu.memory_space<hbm>> -> memref<32x128xf32, #tpu.memory_space<hbm>>
      tpu.wait_dma2 semaphore(%arg15 : memref<!tpu.dma_semaphore, #tpu.memory_space<semaphore_mem>>) src(%dma_wait3A_1595 : memref<32x128xf32, #tpu.memory_space<hbm>>) dst(%dma_wait3A_1592 : memref<32x128xf32, #tpu.memory_space<vmem>>)
      %dma_wait3A_1596 = arith.constant 1 : i32
      %dma_wait3A_1597 = arith.constant 0 : i32
      %dma_wait3A_1598 = arith.constant 0 : i32
      %dma_wait3A_1599 = tpu.memref_slice %arg10[%dma_wait3A_1596, %dma_wait3A_1597, %dma_wait3A_1598] : memref<2x128x128xf32, #tpu.memory_space<vmem>> -> memref<1x32x128xf32, #tpu.memory_space<vmem>>
      %dma_wait3A_1600 = tpu.memref_squeeze %dma_wait3A_1599 : memref<1x32x128xf32, #tpu.memory_space<vmem>> -> memref<32x128xf32, #tpu.memory_space<vmem>>
      %dma_wait3A_1601 = arith.constant 0 : i32
      %dma_wait3A_1602 = arith.constant 0 : i32
      %dma_wait3A_1603 = tpu.memref_slice %arg5[%dma_wait3A_1601, %dma_wait3A_1602] : memref<32x1000000xf32, #tpu.memory_space<hbm>> -> memref<32x128xf32, #tpu.memory_space<hbm>>
      %dma_wait3A_1604 = arith.constant 0 : i32
      %dma_wait3A_1605 = arith.constant 0 : i32
      %dma_wait3A_1606 = tpu.memref_slice %arg10[%dma_wait3A_1596, %dma_wait3A_1604, %dma_wait3A_1605] : memref<2x128x128xf32, #tpu.memory_space<vmem>> -> memref<1x32x128xf32, #tpu.memory_space<vmem>>
      %dma_wait3A_1607 = tpu.memref_squeeze %dma_wait3A_1606 : memref<1x32x128xf32, #tpu.memory_space<vmem>> -> memref<32x128xf32, #tpu.memory_space<vmem>>
      %dma_wait3A_1608 = arith.constant 0 : i32
      %dma_wait3A_1609 = arith.constant 0 : i32
      %dma_wait3A_1610 = tpu.memref_slice %arg5[%dma_wait3A_1608, %dma_wait3A_1609] : memref<32x1000000xf32, #tpu.memory_space<hbm>> -> memref<32x128xf32, #tpu.memory_space<hbm>>
      tpu.wait_dma2 semaphore(%arg17 : memref<!tpu.dma_semaphore, #tpu.memory_space<semaphore_mem>>) src(%dma_wait3A_1610 : memref<32x128xf32, #tpu.memory_space<hbm>>) dst(%dma_wait3A_1607 : memref<32x128xf32, #tpu.memory_space<vmem>>)
      %dma_wait3A_1611 = arith.constant 1 : i32
      %dma_wait3A_1612 = arith.constant 0 : i32
      %dma_wait3A_1613 = arith.constant 0 : i32
      %dma_wait3A_1614 = tpu.memref_slice %arg9[%dma_wait3A_1611, %dma_wait3A_1612, %dma_wait3A_1613] : memref<2x128x128xf32, #tpu.memory_space<vmem>> -> memref<1x32x128xf32, #tpu.memory_space<vmem>>
      %dma_wait3A_1615 = tpu.memref_squeeze %dma_wait3A_1614 : memref<1x32x128xf32, #tpu.memory_space<vmem>> -> memref<32x128xf32, #tpu.memory_space<vmem>>
      %dma_wait3A_1616 = arith.constant 0 : i32
      %dma_wait3A_1617 = arith.constant 0 : i32
      %dma_wait3A_1618 = tpu.memref_slice %arg4[%dma_wait3A_1616, %dma_wait3A_1617] : memref<32x1000000xf32, #tpu.memory_space<hbm>> -> memref<32x128xf32, #tpu.memory_space<hbm>>
      %dma_wait3A_1619 = arith.constant 0 : i32
      %dma_wait3A_1620 = arith.constant 0 : i32
      %dma_wait3A_1621 = tpu.memref_slice %arg9[%dma_wait3A_1611, %dma_wait3A_1619, %dma_wait3A_1620] : memref<2x128x128xf32, #tpu.memory_space<vmem>> -> memref<1x32x128xf32, #tpu.memory_space<vmem>>
      %dma_wait3A_1622 = tpu.memref_squeeze %dma_wait3A_1621 : memref<1x32x128xf32, #tpu.memory_space<vmem>> -> memref<32x128xf32, #tpu.memory_space<vmem>>
      %dma_wait3A_1623 = arith.constant 0 : i32
      %dma_wait3A_1624 = arith.constant 0 : i32
      %dma_wait3A_1625 = tpu.memref_slice %arg4[%dma_wait3A_1623, %dma_wait3A_1624] : memref<32x1000000xf32, #tpu.memory_space<hbm>> -> memref<32x128xf32, #tpu.memory_space<hbm>>
      tpu.wait_dma2 semaphore(%arg15 : memref<!tpu.dma_semaphore, #tpu.memory_space<semaphore_mem>>) src(%dma_wait3A_1625 : memref<32x128xf32, #tpu.memory_space<hbm>>) dst(%dma_wait3A_1622 : memref<32x128xf32, #tpu.memory_space<vmem>>)
      %dma_wait3A_1626 = arith.constant 1 : i32
      %dma_wait3A_1627 = arith.constant 0 : i32
      %dma_wait3A_1628 = arith.constant 0 : i32
      %dma_wait3A_1629 = tpu.memref_slice %arg10[%dma_wait3A_1626, %dma_wait3A_1627, %dma_wait3A_1628] : memref<2x128x128xf32, #tpu.memory_space<vmem>> -> memref<1x32x128xf32, #tpu.memory_space<vmem>>
      %dma_wait3A_1630 = tpu.memref_squeeze %dma_wait3A_1629 : memref<1x32x128xf32, #tpu.memory_space<vmem>> -> memref<32x128xf32, #tpu.memory_space<vmem>>
      %dma_wait3A_1631 = arith.constant 0 : i32
      %dma_wait3A_1632 = arith.constant 0 : i32
      %dma_wait3A_1633 = tpu.memref_slice %arg5[%dma_wait3A_1631, %dma_wait3A_1632] : memref<32x1000000xf32, #tpu.memory_space<hbm>> -> memref<32x128xf32, #tpu.memory_space<hbm>>
      %dma_wait3A_1634 = arith.constant 0 : i32
      %dma_wait3A_1635 = arith.constant 0 : i32
      %dma_wait3A_1636 = tpu.memref_slice %arg10[%dma_wait3A_1626, %dma_wait3A_1634, %dma_wait3A_1635] : memref<2x128x128xf32, #tpu.memory_space<vmem>> -> memref<1x32x128xf32, #tpu.memory_space<vmem>>
      %dma_wait3A_1637 = tpu.memref_squeeze %dma_wait3A_1636 : memref<1x32x128xf32, #tpu.memory_space<vmem>> -> memref<32x128xf32, #tpu.memory_space<vmem>>
      %dma_wait3A_1638 = arith.constant 0 : i32
      %dma_wait3A_1639 = arith.constant 0 : i32
      %dma_wait3A_1640 = tpu.memref_slice %arg5[%dma_wait3A_1638, %dma_wait3A_1639] : memref<32x1000000xf32, #tpu.memory_space<hbm>> -> memref<32x128xf32, #tpu.memory_space<hbm>>
      tpu.wait_dma2 semaphore(%arg17 : memref<!tpu.dma_semaphore, #tpu.memory_space<semaphore_mem>>) src(%dma_wait3A_1640 : memref<32x128xf32, #tpu.memory_space<hbm>>) dst(%dma_wait3A_1637 : memref<32x128xf32, #tpu.memory_space<vmem>>)
      %dma_wait3A_1641 = arith.constant 1 : i32
      %dma_wait3A_1642 = arith.constant 0 : i32
      %dma_wait3A_1643 = arith.constant 0 : i32
      %dma_wait3A_1644 = tpu.memref_slice %arg9[%dma_wait3A_1641, %dma_wait3A_1642, %dma_wait3A_1643] : memref<2x128x128xf32, #tpu.memory_space<vmem>> -> memref<1x32x128xf32, #tpu.memory_space<vmem>>
      %dma_wait3A_1645 = tpu.memref_squeeze %dma_wait3A_1644 : memref<1x32x128xf32, #tpu.memory_space<vmem>> -> memref<32x128xf32, #tpu.memory_space<vmem>>
      %dma_wait3A_1646 = arith.constant 0 : i32
      %dma_wait3A_1647 = arith.constant 0 : i32
      %dma_wait3A_1648 = tpu.memref_slice %arg4[%dma_wait3A_1646, %dma_wait3A_1647] : memref<32x1000000xf32, #tpu.memory_space<hbm>> -> memref<32x128xf32, #tpu.memory_space<hbm>>
      %dma_wait3A_1649 = arith.constant 0 : i32
      %dma_wait3A_1650 = arith.constant 0 : i32
      %dma_wait3A_1651 = tpu.memref_slice %arg9[%dma_wait3A_1641, %dma_wait3A_1649, %dma_wait3A_1650] : memref<2x128x128xf32, #tpu.memory_space<vmem>> -> memref<1x32x128xf32, #tpu.memory_space<vmem>>
      %dma_wait3A_1652 = tpu.memref_squeeze %dma_wait3A_1651 : memref<1x32x128xf32, #tpu.memory_space<vmem>> -> memref<32x128xf32, #tpu.memory_space<vmem>>
      %dma_wait3A_1653 = arith.constant 0 : i32
      %dma_wait3A_1654 = arith.constant 0 : i32
      %dma_wait3A_1655 = tpu.memref_slice %arg4[%dma_wait3A_1653, %dma_wait3A_1654] : memref<32x1000000xf32, #tpu.memory_space<hbm>> -> memref<32x128xf32, #tpu.memory_space<hbm>>
      tpu.wait_dma2 semaphore(%arg15 : memref<!tpu.dma_semaphore, #tpu.memory_space<semaphore_mem>>) src(%dma_wait3A_1655 : memref<32x128xf32, #tpu.memory_space<hbm>>) dst(%dma_wait3A_1652 : memref<32x128xf32, #tpu.memory_space<vmem>>)
      %dma_wait3A_1656 = arith.constant 1 : i32
      %dma_wait3A_1657 = arith.constant 0 : i32
      %dma_wait3A_1658 = arith.constant 0 : i32
      %dma_wait3A_1659 = tpu.memref_slice %arg10[%dma_wait3A_1656, %dma_wait3A_1657, %dma_wait3A_1658] : memref<2x128x128xf32, #tpu.memory_space<vmem>> -> memref<1x32x128xf32, #tpu.memory_space<vmem>>
      %dma_wait3A_1660 = tpu.memref_squeeze %dma_wait3A_1659 : memref<1x32x128xf32, #tpu.memory_space<vmem>> -> memref<32x128xf32, #tpu.memory_space<vmem>>
      %dma_wait3A_1661 = arith.constant 0 : i32
      %dma_wait3A_1662 = arith.constant 0 : i32
      %dma_wait3A_1663 = tpu.memref_slice %arg5[%dma_wait3A_1661, %dma_wait3A_1662] : memref<32x1000000xf32, #tpu.memory_space<hbm>> -> memref<32x128xf32, #tpu.memory_space<hbm>>
      %dma_wait3A_1664 = arith.constant 0 : i32
      %dma_wait3A_1665 = arith.constant 0 : i32
      %dma_wait3A_1666 = tpu.memref_slice %arg10[%dma_wait3A_1656, %dma_wait3A_1664, %dma_wait3A_1665] : memref<2x128x128xf32, #tpu.memory_space<vmem>> -> memref<1x32x128xf32, #tpu.memory_space<vmem>>
      %dma_wait3A_1667 = tpu.memref_squeeze %dma_wait3A_1666 : memref<1x32x128xf32, #tpu.memory_space<vmem>> -> memref<32x128xf32, #tpu.memory_space<vmem>>
      %dma_wait3A_1668 = arith.constant 0 : i32
      %dma_wait3A_1669 = arith.constant 0 : i32
      %dma_wait3A_1670 = tpu.memref_slice %arg5[%dma_wait3A_1668, %dma_wait3A_1669] : memref<32x1000000xf32, #tpu.memory_space<hbm>> -> memref<32x128xf32, #tpu.memory_space<hbm>>
      tpu.wait_dma2 semaphore(%arg17 : memref<!tpu.dma_semaphore, #tpu.memory_space<semaphore_mem>>) src(%dma_wait3A_1670 : memref<32x128xf32, #tpu.memory_space<hbm>>) dst(%dma_wait3A_1667 : memref<32x128xf32, #tpu.memory_space<vmem>>)
      %mul3A_1671 = arith.constant 2 : i32
      %mul3A_1672 = arith.muli %mul3A_1671, %scan3A_245 : i32
      %add3A_1673 = arith.constant 1 : i32
      %add3A_1674 = arith.addi %mul3A_1672, %add3A_1673 : i32
      %broadcast_in_dim3A_1675 = arith.constant 1 : i32
      %broadcast_in_dim3A_1676 = vector.broadcast %broadcast_in_dim3A_1675 : i32 to vector<16xi32>
      %mul3A_1677 = arith.constant 4 : i32
      %mul3A_1678 = arith.muli %add3A_1674, %mul3A_1677 : i32
      %add3A_1679 = arith.constant 0 : i32
      %add3A_1680 = arith.addi %mul3A_1678, %add3A_1679 : i32
      %jit3A_1681 = arith.constant 16 : i32
      %div3A_1682 = arith.divsi %add3A_1680, %jit3A_1681 : i32
      %sign3A_1683 = arith.constant 0 : i32
      %sign3A_1684 = arith.cmpi sgt, %add3A_1680, %sign3A_1683 : i32
      %sign3A_1685 = arith.extui %sign3A_1684 : i1 to i32
      %sign3A_1686 = arith.constant 0 : i32
      %sign3A_1687 = arith.cmpi slt, %add3A_1680, %sign3A_1686 : i32
      %sign3A_1688 = arith.extui %sign3A_1687 : i1 to i32
      %sign3A_1689 = arith.subi %sign3A_1685, %sign3A_1688 : i32
      %sign3A_1690 = arith.constant 0 : i32
      %sign3A_1691 = arith.cmpi sgt, %jit3A_1681, %sign3A_1690 : i32
      %sign3A_1692 = arith.extui %sign3A_1691 : i1 to i32
      %sign3A_1693 = arith.constant 0 : i32
      %sign3A_1694 = arith.cmpi slt, %jit3A_1681, %sign3A_1693 : i32
      %sign3A_1695 = arith.extui %sign3A_1694 : i1 to i32
      %sign3A_1696 = arith.subi %sign3A_1692, %sign3A_1695 : i32
      %ne3A_1697 = arith.cmpi ne, %sign3A_1689, %sign3A_1696 : i32
      %rem3A_1698 = arith.remsi %add3A_1680, %jit3A_1681 : i32
      %ne3A_1699 = arith.constant 0 : i32
      %ne3A_1700 = arith.cmpi ne, %rem3A_1698, %ne3A_1699 : i32
      %and3A_1701 = arith.andi %ne3A_1697, %ne3A_1700 : i1
      %sub3A_1702 = arith.constant 1 : i32
      %sub3A_1703 = arith.subi %div3A_1682, %sub3A_1702 : i32
      %select_n3A_1704 = arith.select %and3A_1701, %sub3A_1703, %div3A_1682 : i32
      %mul3A_1705 = arith.constant 16 : i32
      %mul3A_1706 = arith.muli %select_n3A_1704, %mul3A_1705 : i32
      %get3A_1707 = arith.index_cast %mul3A_1706 : i32 to index
      %get3A_1708 = tpu.vector_load %arg7[%get3A_1707] {strides = array<i32>} : memref<512xi32, #tpu.memory_space<vmem>>, vector<16xi32>,
      %jit3A_1709 = arith.constant 16 : i32
      %eq3A_1710 = arith.constant 0 : i32
      %eq3A_1711 = arith.cmpi eq, %jit3A_1709, %eq3A_1710 : i32
      %jit3A_1712 = arith.constant 1 : i32
      %select_n3A_1713 = arith.select %eq3A_1711, %jit3A_1712, %jit3A_1709 : i32
      %rem3A_1714 = arith.remsi %add3A_1680, %select_n3A_1713 : i32
      %ne3A_1715 = arith.constant 0 : i32
      %ne3A_1716 = arith.cmpi ne, %rem3A_1714, %ne3A_1715 : i32
      %lt3A_1717 = arith.constant 0 : i32
      %lt3A_1718 = arith.cmpi slt, %rem3A_1714, %lt3A_1717 : i32
      %lt3A_1719 = arith.constant 0 : i32
      %lt3A_1720 = arith.cmpi slt, %select_n3A_1713, %lt3A_1719 : i32
      %ne3A_1721 = arith.xori %lt3A_1718, %lt3A_1720 : i1
      %and3A_1722 = arith.andi %ne3A_1721, %ne3A_1716 : i1
      %add3A_1723 = arith.addi %rem3A_1714, %select_n3A_1713 : i32
      %select_n3A_1724 = arith.select %and3A_1722, %add3A_1723, %rem3A_1714 : i32
      %eq3A_1725 = vector.broadcast %select_n3A_1724 : i32 to vector<16xi32>
      %eq3A_1726 = arith.cmpi eq, %iota3A, %eq3A_1725 : vector<16xi32>
      %jit3A_1727 = arith.constant 0 : i32
      %broadcast_in_dim3A_1728 = vector.broadcast %jit3A_1727 : i32 to vector<16xi32>
      %select_n3A_1729 = arith.select %eq3A_1726, %get3A_1708, %broadcast_in_dim3A_1728 : vector<16xi1>, vector<16xi32>
      %reduce_sum3A_1730 = arith.constant true
      %reduce_sum3A_1731 = vector.broadcast %reduce_sum3A_1730 : i1 to vector<16xi1>
      %reduce_sum3A_1732 = tpu.scan <sum>, %select_n3A_1729 masked %reduce_sum3A_1731 : vector<16xi32>, vector<16xi1> -> vector<16xi32>
      %reduce_sum3A_1733 = vector.extract %reduce_sum3A_1732[15] : i32 from vector<16xi32>
      %and3A_1734 = arith.constant 127 : i32
      %and3A_1735 = arith.andi %reduce_sum3A_1733, %and3A_1734 : i32
      %broadcast_in_dim3A_1736 = vector.broadcast %and3A_1735 : i32 to vector<16xi32>
      %jit3A_1737 = arith.constant 16 : i32
      %div3A_1738 = arith.divsi %add3A_1680, %jit3A_1737 : i32
      %sign3A_1739 = arith.constant 0 : i32
      %sign3A_1740 = arith.cmpi sgt, %add3A_1680, %sign3A_1739 : i32
      %sign3A_1741 = arith.extui %sign3A_1740 : i1 to i32
      %sign3A_1742 = arith.constant 0 : i32
      %sign3A_1743 = arith.cmpi slt, %add3A_1680, %sign3A_1742 : i32
      %sign3A_1744 = arith.extui %sign3A_1743 : i1 to i32
      %sign3A_1745 = arith.subi %sign3A_1741, %sign3A_1744 : i32
      %sign3A_1746 = arith.constant 0 : i32
      %sign3A_1747 = arith.cmpi sgt, %jit3A_1737, %sign3A_1746 : i32
      %sign3A_1748 = arith.extui %sign3A_1747 : i1 to i32
      %sign3A_1749 = arith.constant 0 : i32
      %sign3A_1750 = arith.cmpi slt, %jit3A_1737, %sign3A_1749 : i32
      %sign3A_1751 = arith.extui %sign3A_1750 : i1 to i32
      %sign3A_1752 = arith.subi %sign3A_1748, %sign3A_1751 : i32
      %ne3A_1753 = arith.cmpi ne, %sign3A_1745, %sign3A_1752 : i32
      %rem3A_1754 = arith.remsi %add3A_1680, %jit3A_1737 : i32
      %ne3A_1755 = arith.constant 0 : i32
      %ne3A_1756 = arith.cmpi ne, %rem3A_1754, %ne3A_1755 : i32
      %and3A_1757 = arith.andi %ne3A_1753, %ne3A_1756 : i1
      %sub3A_1758 = arith.constant 1 : i32
      %sub3A_1759 = arith.subi %div3A_1738, %sub3A_1758 : i32
      %select_n3A_1760 = arith.select %and3A_1757, %sub3A_1759, %div3A_1738 : i32
      %mul3A_1761 = arith.constant 16 : i32
      %mul3A_1762 = arith.muli %select_n3A_1760, %mul3A_1761 : i32
      %get3A_1763 = arith.index_cast %mul3A_1762 : i32 to index
      %get3A_1764 = tpu.vector_load %arg8[%get3A_1763] {strides = array<i32>} : memref<512xi32, #tpu.memory_space<vmem>>, vector<16xi32>,
      %jit3A_1765 = arith.constant 16 : i32
      %eq3A_1766 = arith.constant 0 : i32
      %eq3A_1767 = arith.cmpi eq, %jit3A_1765, %eq3A_1766 : i32
      %jit3A_1768 = arith.constant 1 : i32
      %select_n3A_1769 = arith.select %eq3A_1767, %jit3A_1768, %jit3A_1765 : i32
      %rem3A_1770 = arith.remsi %add3A_1680, %select_n3A_1769 : i32
      %ne3A_1771 = arith.constant 0 : i32
      %ne3A_1772 = arith.cmpi ne, %rem3A_1770, %ne3A_1771 : i32
      %lt3A_1773 = arith.constant 0 : i32
      %lt3A_1774 = arith.cmpi slt, %rem3A_1770, %lt3A_1773 : i32
      %lt3A_1775 = arith.constant 0 : i32
      %lt3A_1776 = arith.cmpi slt, %select_n3A_1769, %lt3A_1775 : i32
      %ne3A_1777 = arith.xori %lt3A_1774, %lt3A_1776 : i1
      %and3A_1778 = arith.andi %ne3A_1777, %ne3A_1772 : i1
      %add3A_1779 = arith.addi %rem3A_1770, %select_n3A_1769 : i32
      %select_n3A_1780 = arith.select %and3A_1778, %add3A_1779, %rem3A_1770 : i32
      %eq3A_1781 = vector.broadcast %select_n3A_1780 : i32 to vector<16xi32>
      %eq3A_1782 = arith.cmpi eq, %iota3A, %eq3A_1781 : vector<16xi32>
      %jit3A_1783 = arith.constant 0 : i32
      %broadcast_in_dim3A_1784 = vector.broadcast %jit3A_1783 : i32 to vector<16xi32>
      %select_n3A_1785 = arith.select %eq3A_1782, %get3A_1764, %broadcast_in_dim3A_1784 : vector<16xi1>, vector<16xi32>
      %reduce_sum3A_1786 = arith.constant true
      %reduce_sum3A_1787 = vector.broadcast %reduce_sum3A_1786 : i1 to vector<16xi1>
      %reduce_sum3A_1788 = tpu.scan <sum>, %select_n3A_1785 masked %reduce_sum3A_1787 : vector<16xi32>, vector<16xi1> -> vector<16xi32>
      %reduce_sum3A_1789 = vector.extract %reduce_sum3A_1788[15] : i32 from vector<16xi32>
      %and3A_1790 = arith.constant 127 : i32
      %and3A_1791 = arith.andi %reduce_sum3A_1789, %and3A_1790 : i32
      %broadcast_in_dim3A_1792 = vector.broadcast %and3A_1791 : i32 to vector<16xi32>
      %add3A_1793 = arith.constant 0 : i32
      %add3A_1794 = vector.broadcast %add3A_1793 : i32 to vector<16xi32>
      %add3A_1795 = arith.addi %add3A_1794, %iota3A : vector<16xi32>
      %gather3A_1796 = tpu.vector_load_idx %arg9[%broadcast_in_dim3A_1676, %add3A_1795, %broadcast_in_dim3A_1736] : memref<2x128x128xf32, #tpu.memory_space<vmem>>[vector<16xi32>, vector<16xi32>, vector<16xi32>], vector<16xf32>,
      %gather3A_1797 = tpu.vector_load_idx %arg10[%broadcast_in_dim3A_1676, %add3A_1795, %broadcast_in_dim3A_1792] : memref<2x128x128xf32, #tpu.memory_space<vmem>>[vector<16xi32>, vector<16xi32>, vector<16xi32>], vector<16xf32>,
      %mul3A_1798 = arith.constant 32 : i32
      %mul3A_1799 = arith.muli %add3A_1680, %mul3A_1798 : i32
      %add3A_1800 = arith.constant 0 : i32
      %add3A_1801 = arith.addi %mul3A_1799, %add3A_1800 : i32
      %swap3A_1802 = arith.index_cast %add3A_1801 : i32 to index
      %swap3A_1803 = tpu.vector_load %arg11[%swap3A_1802] {strides = array<i32>} : memref<16384xf32, #tpu.memory_space<vmem>>, vector<16xf32>,
      tpu.vector_store %arg11[%swap3A_1802], %gather3A_1796 {strides = array<i32>} : memref<16384xf32, #tpu.memory_space<vmem>>, vector<16xf32>,
      %mul3A_1804 = arith.constant 32 : i32
      %mul3A_1805 = arith.muli %add3A_1680, %mul3A_1804 : i32
      %add3A_1806 = arith.constant 0 : i32
      %add3A_1807 = arith.addi %mul3A_1805, %add3A_1806 : i32
      %swap3A_1808 = arith.index_cast %add3A_1807 : i32 to index
      %swap3A_1809 = tpu.vector_load %arg12[%swap3A_1808] {strides = array<i32>} : memref<16384xf32, #tpu.memory_space<vmem>>, vector<16xf32>,
      tpu.vector_store %arg12[%swap3A_1808], %gather3A_1797 {strides = array<i32>} : memref<16384xf32, #tpu.memory_space<vmem>>, vector<16xf32>,
      %add3A_1810 = arith.constant 16 : i32
      %add3A_1811 = vector.broadcast %add3A_1810 : i32 to vector<16xi32>
      %add3A_1812 = arith.addi %add3A_1811, %iota3A : vector<16xi32>
      %gather3A_1813 = tpu.vector_load_idx %arg9[%broadcast_in_dim3A_1676, %add3A_1812, %broadcast_in_dim3A_1736] : memref<2x128x128xf32, #tpu.memory_space<vmem>>[vector<16xi32>, vector<16xi32>, vector<16xi32>], vector<16xf32>,
      %gather3A_1814 = tpu.vector_load_idx %arg10[%broadcast_in_dim3A_1676, %add3A_1812, %broadcast_in_dim3A_1792] : memref<2x128x128xf32, #tpu.memory_space<vmem>>[vector<16xi32>, vector<16xi32>, vector<16xi32>], vector<16xf32>,
      %mul3A_1815 = arith.constant 32 : i32
      %mul3A_1816 = arith.muli %add3A_1680, %mul3A_1815 : i32
      %add3A_1817 = arith.constant 16 : i32
      %add3A_1818 = arith.addi %mul3A_1816, %add3A_1817 : i32
      %swap3A_1819 = arith.index_cast %add3A_1818 : i32 to index
      %swap3A_1820 = tpu.vector_load %arg11[%swap3A_1819] {strides = array<i32>} : memref<16384xf32, #tpu.memory_space<vmem>>, vector<16xf32>,
      tpu.vector_store %arg11[%swap3A_1819], %gather3A_1813 {strides = array<i32>} : memref<16384xf32, #tpu.memory_space<vmem>>, vector<16xf32>,
      %mul3A_1821 = arith.constant 32 : i32
      %mul3A_1822 = arith.muli %add3A_1680, %mul3A_1821 : i32
      %add3A_1823 = arith.constant 16 : i32
      %add3A_1824 = arith.addi %mul3A_1822, %add3A_1823 : i32
      %swap3A_1825 = arith.index_cast %add3A_1824 : i32 to index
      %swap3A_1826 = tpu.vector_load %arg12[%swap3A_1825] {strides = array<i32>} : memref<16384xf32, #tpu.memory_space<vmem>>, vector<16xf32>,
      tpu.vector_store %arg12[%swap3A_1825], %gather3A_1814 {strides = array<i32>} : memref<16384xf32, #tpu.memory_space<vmem>>, vector<16xf32>,
      %mul3A_1827 = arith.constant 4 : i32
      %mul3A_1828 = arith.muli %add3A_1674, %mul3A_1827 : i32
      %add3A_1829 = arith.constant 1 : i32
      %add3A_1830 = arith.addi %mul3A_1828, %add3A_1829 : i32
      %jit3A_1831 = arith.constant 16 : i32
      %div3A_1832 = arith.divsi %add3A_1830, %jit3A_1831 : i32
      %sign3A_1833 = arith.constant 0 : i32
      %sign3A_1834 = arith.cmpi sgt, %add3A_1830, %sign3A_1833 : i32
      %sign3A_1835 = arith.extui %sign3A_1834 : i1 to i32
      %sign3A_1836 = arith.constant 0 : i32
      %sign3A_1837 = arith.cmpi slt, %add3A_1830, %sign3A_1836 : i32
      %sign3A_1838 = arith.extui %sign3A_1837 : i1 to i32
      %sign3A_1839 = arith.subi %sign3A_1835, %sign3A_1838 : i32
      %sign3A_1840 = arith.constant 0 : i32
      %sign3A_1841 = arith.cmpi sgt, %jit3A_1831, %sign3A_1840 : i32
      %sign3A_1842 = arith.extui %sign3A_1841 : i1 to i32
      %sign3A_1843 = arith.constant 0 : i32
      %sign3A_1844 = arith.cmpi slt, %jit3A_1831, %sign3A_1843 : i32
      %sign3A_1845 = arith.extui %sign3A_1844 : i1 to i32
      %sign3A_1846 = arith.subi %sign3A_1842, %sign3A_1845 : i32
      %ne3A_1847 = arith.cmpi ne, %sign3A_1839, %sign3A_1846 : i32
      %rem3A_1848 = arith.remsi %add3A_1830, %jit3A_1831 : i32
      %ne3A_1849 = arith.constant 0 : i32
      %ne3A_1850 = arith.cmpi ne, %rem3A_1848, %ne3A_1849 : i32
      %and3A_1851 = arith.andi %ne3A_1847, %ne3A_1850 : i1
      %sub3A_1852 = arith.constant 1 : i32
      %sub3A_1853 = arith.subi %div3A_1832, %sub3A_1852 : i32
      %select_n3A_1854 = arith.select %and3A_1851, %sub3A_1853, %div3A_1832 : i32
      %mul3A_1855 = arith.constant 16 : i32
      %mul3A_1856 = arith.muli %select_n3A_1854, %mul3A_1855 : i32
      %get3A_1857 = arith.index_cast %mul3A_1856 : i32 to index
      %get3A_1858 = tpu.vector_load %arg7[%get3A_1857] {strides = array<i32>} : memref<512xi32, #tpu.memory_space<vmem>>, vector<16xi32>,
      %jit3A_1859 = arith.constant 16 : i32
      %eq3A_1860 = arith.constant 0 : i32
      %eq3A_1861 = arith.cmpi eq, %jit3A_1859, %eq3A_1860 : i32
      %jit3A_1862 = arith.constant 1 : i32
      %select_n3A_1863 = arith.select %eq3A_1861, %jit3A_1862, %jit3A_1859 : i32
      %rem3A_1864 = arith.remsi %add3A_1830, %select_n3A_1863 : i32
      %ne3A_1865 = arith.constant 0 : i32
      %ne3A_1866 = arith.cmpi ne, %rem3A_1864, %ne3A_1865 : i32
      %lt3A_1867 = arith.constant 0 : i32
      %lt3A_1868 = arith.cmpi slt, %rem3A_1864, %lt3A_1867 : i32
      %lt3A_1869 = arith.constant 0 : i32
      %lt3A_1870 = arith.cmpi slt, %select_n3A_1863, %lt3A_1869 : i32
      %ne3A_1871 = arith.xori %lt3A_1868, %lt3A_1870 : i1
      %and3A_1872 = arith.andi %ne3A_1871, %ne3A_1866 : i1
      %add3A_1873 = arith.addi %rem3A_1864, %select_n3A_1863 : i32
      %select_n3A_1874 = arith.select %and3A_1872, %add3A_1873, %rem3A_1864 : i32
      %eq3A_1875 = vector.broadcast %select_n3A_1874 : i32 to vector<16xi32>
      %eq3A_1876 = arith.cmpi eq, %iota3A, %eq3A_1875 : vector<16xi32>
      %jit3A_1877 = arith.constant 0 : i32
      %broadcast_in_dim3A_1878 = vector.broadcast %jit3A_1877 : i32 to vector<16xi32>
      %select_n3A_1879 = arith.select %eq3A_1876, %get3A_1858, %broadcast_in_dim3A_1878 : vector<16xi1>, vector<16xi32>
      %reduce_sum3A_1880 = arith.constant true
      %reduce_sum3A_1881 = vector.broadcast %reduce_sum3A_1880 : i1 to vector<16xi1>
      %reduce_sum3A_1882 = tpu.scan <sum>, %select_n3A_1879 masked %reduce_sum3A_1881 : vector<16xi32>, vector<16xi1> -> vector<16xi32>
      %reduce_sum3A_1883 = vector.extract %reduce_sum3A_1882[15] : i32 from vector<16xi32>
      %and3A_1884 = arith.constant 127 : i32
      %and3A_1885 = arith.andi %reduce_sum3A_1883, %and3A_1884 : i32
      %broadcast_in_dim3A_1886 = vector.broadcast %and3A_1885 : i32 to vector<16xi32>
      %jit3A_1887 = arith.constant 16 : i32
      %div3A_1888 = arith.divsi %add3A_1830, %jit3A_1887 : i32
      %sign3A_1889 = arith.constant 0 : i32
      %sign3A_1890 = arith.cmpi sgt, %add3A_1830, %sign3A_1889 : i32
      %sign3A_1891 = arith.extui %sign3A_1890 : i1 to i32
      %sign3A_1892 = arith.constant 0 : i32
      %sign3A_1893 = arith.cmpi slt, %add3A_1830, %sign3A_1892 : i32
      %sign3A_1894 = arith.extui %sign3A_1893 : i1 to i32
      %sign3A_1895 = arith.subi %sign3A_1891, %sign3A_1894 : i32
      %sign3A_1896 = arith.constant 0 : i32
      %sign3A_1897 = arith.cmpi sgt, %jit3A_1887, %sign3A_1896 : i32
      %sign3A_1898 = arith.extui %sign3A_1897 : i1 to i32
      %sign3A_1899 = arith.constant 0 : i32
      %sign3A_1900 = arith.cmpi slt, %jit3A_1887, %sign3A_1899 : i32
      %sign3A_1901 = arith.extui %sign3A_1900 : i1 to i32
      %sign3A_1902 = arith.subi %sign3A_1898, %sign3A_1901 : i32
      %ne3A_1903 = arith.cmpi ne, %sign3A_1895, %sign3A_1902 : i32
      %rem3A_1904 = arith.remsi %add3A_1830, %jit3A_1887 : i32
      %ne3A_1905 = arith.constant 0 : i32
      %ne3A_1906 = arith.cmpi ne, %rem3A_1904, %ne3A_1905 : i32
      %and3A_1907 = arith.andi %ne3A_1903, %ne3A_1906 : i1
      %sub3A_1908 = arith.constant 1 : i32
      %sub3A_1909 = arith.subi %div3A_1888, %sub3A_1908 : i32
      %select_n3A_1910 = arith.select %and3A_1907, %sub3A_1909, %div3A_1888 : i32
      %mul3A_1911 = arith.constant 16 : i32
      %mul3A_1912 = arith.muli %select_n3A_1910, %mul3A_1911 : i32
      %get3A_1913 = arith.index_cast %mul3A_1912 : i32 to index
      %get3A_1914 = tpu.vector_load %arg8[%get3A_1913] {strides = array<i32>} : memref<512xi32, #tpu.memory_space<vmem>>, vector<16xi32>,
      %jit3A_1915 = arith.constant 16 : i32
      %eq3A_1916 = arith.constant 0 : i32
      %eq3A_1917 = arith.cmpi eq, %jit3A_1915, %eq3A_1916 : i32
      %jit3A_1918 = arith.constant 1 : i32
      %select_n3A_1919 = arith.select %eq3A_1917, %jit3A_1918, %jit3A_1915 : i32
      %rem3A_1920 = arith.remsi %add3A_1830, %select_n3A_1919 : i32
      %ne3A_1921 = arith.constant 0 : i32
      %ne3A_1922 = arith.cmpi ne, %rem3A_1920, %ne3A_1921 : i32
      %lt3A_1923 = arith.constant 0 : i32
      %lt3A_1924 = arith.cmpi slt, %rem3A_1920, %lt3A_1923 : i32
      %lt3A_1925 = arith.constant 0 : i32
      %lt3A_1926 = arith.cmpi slt, %select_n3A_1919, %lt3A_1925 : i32
      %ne3A_1927 = arith.xori %lt3A_1924, %lt3A_1926 : i1
      %and3A_1928 = arith.andi %ne3A_1927, %ne3A_1922 : i1
      %add3A_1929 = arith.addi %rem3A_1920, %select_n3A_1919 : i32
      %select_n3A_1930 = arith.select %and3A_1928, %add3A_1929, %rem3A_1920 : i32
      %eq3A_1931 = vector.broadcast %select_n3A_1930 : i32 to vector<16xi32>
      %eq3A_1932 = arith.cmpi eq, %iota3A, %eq3A_1931 : vector<16xi32>
      %jit3A_1933 = arith.constant 0 : i32
      %broadcast_in_dim3A_1934 = vector.broadcast %jit3A_1933 : i32 to vector<16xi32>
      %select_n3A_1935 = arith.select %eq3A_1932, %get3A_1914, %broadcast_in_dim3A_1934 : vector<16xi1>, vector<16xi32>
      %reduce_sum3A_1936 = arith.constant true
      %reduce_sum3A_1937 = vector.broadcast %reduce_sum3A_1936 : i1 to vector<16xi1>
      %reduce_sum3A_1938 = tpu.scan <sum>, %select_n3A_1935 masked %reduce_sum3A_1937 : vector<16xi32>, vector<16xi1> -> vector<16xi32>
      %reduce_sum3A_1939 = vector.extract %reduce_sum3A_1938[15] : i32 from vector<16xi32>
      %and3A_1940 = arith.constant 127 : i32
      %and3A_1941 = arith.andi %reduce_sum3A_1939, %and3A_1940 : i32
      %broadcast_in_dim3A_1942 = vector.broadcast %and3A_1941 : i32 to vector<16xi32>
      %add3A_1943 = arith.constant 32 : i32
      %add3A_1944 = vector.broadcast %add3A_1943 : i32 to vector<16xi32>
      %add3A_1945 = arith.addi %add3A_1944, %iota3A : vector<16xi32>
      %gather3A_1946 = tpu.vector_load_idx %arg9[%broadcast_in_dim3A_1676, %add3A_1945, %broadcast_in_dim3A_1886] : memref<2x128x128xf32, #tpu.memory_space<vmem>>[vector<16xi32>, vector<16xi32>, vector<16xi32>], vector<16xf32>,
      %gather3A_1947 = tpu.vector_load_idx %arg10[%broadcast_in_dim3A_1676, %add3A_1945, %broadcast_in_dim3A_1942] : memref<2x128x128xf32, #tpu.memory_space<vmem>>[vector<16xi32>, vector<16xi32>, vector<16xi32>], vector<16xf32>,
      %mul3A_1948 = arith.constant 32 : i32
      %mul3A_1949 = arith.muli %add3A_1830, %mul3A_1948 : i32
      %add3A_1950 = arith.constant 0 : i32
      %add3A_1951 = arith.addi %mul3A_1949, %add3A_1950 : i32
      %swap3A_1952 = arith.index_cast %add3A_1951 : i32 to index
      %swap3A_1953 = tpu.vector_load %arg11[%swap3A_1952] {strides = array<i32>} : memref<16384xf32, #tpu.memory_space<vmem>>, vector<16xf32>,
      tpu.vector_store %arg11[%swap3A_1952], %gather3A_1946 {strides = array<i32>} : memref<16384xf32, #tpu.memory_space<vmem>>, vector<16xf32>,
      %mul3A_1954 = arith.constant 32 : i32
      %mul3A_1955 = arith.muli %add3A_1830, %mul3A_1954 : i32
      %add3A_1956 = arith.constant 0 : i32
      %add3A_1957 = arith.addi %mul3A_1955, %add3A_1956 : i32
      %swap3A_1958 = arith.index_cast %add3A_1957 : i32 to index
      %swap3A_1959 = tpu.vector_load %arg12[%swap3A_1958] {strides = array<i32>} : memref<16384xf32, #tpu.memory_space<vmem>>, vector<16xf32>,
      tpu.vector_store %arg12[%swap3A_1958], %gather3A_1947 {strides = array<i32>} : memref<16384xf32, #tpu.memory_space<vmem>>, vector<16xf32>,
      %add3A_1960 = arith.constant 48 : i32
      %add3A_1961 = vector.broadcast %add3A_1960 : i32 to vector<16xi32>
      %add3A_1962 = arith.addi %add3A_1961, %iota3A : vector<16xi32>
      %gather3A_1963 = tpu.vector_load_idx %arg9[%broadcast_in_dim3A_1676, %add3A_1962, %broadcast_in_dim3A_1886] : memref<2x128x128xf32, #tpu.memory_space<vmem>>[vector<16xi32>, vector<16xi32>, vector<16xi32>], vector<16xf32>,
      %gather3A_1964 = tpu.vector_load_idx %arg10[%broadcast_in_dim3A_1676, %add3A_1962, %broadcast_in_dim3A_1942] : memref<2x128x128xf32, #tpu.memory_space<vmem>>[vector<16xi32>, vector<16xi32>, vector<16xi32>], vector<16xf32>,
      %mul3A_1965 = arith.constant 32 : i32
      %mul3A_1966 = arith.muli %add3A_1830, %mul3A_1965 : i32
      %add3A_1967 = arith.constant 16 : i32
      %add3A_1968 = arith.addi %mul3A_1966, %add3A_1967 : i32
      %swap3A_1969 = arith.index_cast %add3A_1968 : i32 to index
      %swap3A_1970 = tpu.vector_load %arg11[%swap3A_1969] {strides = array<i32>} : memref<16384xf32, #tpu.memory_space<vmem>>, vector<16xf32>,
      tpu.vector_store %arg11[%swap3A_1969], %gather3A_1963 {strides = array<i32>} : memref<16384xf32, #tpu.memory_space<vmem>>, vector<16xf32>,
      %mul3A_1971 = arith.constant 32 : i32
      %mul3A_1972 = arith.muli %add3A_1830, %mul3A_1971 : i32
      %add3A_1973 = arith.constant 16 : i32
      %add3A_1974 = arith.addi %mul3A_1972, %add3A_1973 : i32
      %swap3A_1975 = arith.index_cast %add3A_1974 : i32 to index
      %swap3A_1976 = tpu.vector_load %arg12[%swap3A_1975] {strides = array<i32>} : memref<16384xf32, #tpu.memory_space<vmem>>, vector<16xf32>,
      tpu.vector_store %arg12[%swap3A_1975], %gather3A_1964 {strides = array<i32>} : memref<16384xf32, #tpu.memory_space<vmem>>, vector<16xf32>,
      %mul3A_1977 = arith.constant 4 : i32
      %mul3A_1978 = arith.muli %add3A_1674, %mul3A_1977 : i32
      %add3A_1979 = arith.constant 2 : i32
      %add3A_1980 = arith.addi %mul3A_1978, %add3A_1979 : i32
      %jit3A_1981 = arith.constant 16 : i32
      %div3A_1982 = arith.divsi %add3A_1980, %jit3A_1981 : i32
      %sign3A_1983 = arith.constant 0 : i32
      %sign3A_1984 = arith.cmpi sgt, %add3A_1980, %sign3A_1983 : i32
      %sign3A_1985 = arith.extui %sign3A_1984 : i1 to i32
      %sign3A_1986 = arith.constant 0 : i32
      %sign3A_1987 = arith.cmpi slt, %add3A_1980, %sign3A_1986 : i32
      %sign3A_1988 = arith.extui %sign3A_1987 : i1 to i32
      %sign3A_1989 = arith.subi %sign3A_1985, %sign3A_1988 : i32
      %sign3A_1990 = arith.constant 0 : i32
      %sign3A_1991 = arith.cmpi sgt, %jit3A_1981, %sign3A_1990 : i32
      %sign3A_1992 = arith.extui %sign3A_1991 : i1 to i32
      %sign3A_1993 = arith.constant 0 : i32
      %sign3A_1994 = arith.cmpi slt, %jit3A_1981, %sign3A_1993 : i32
      %sign3A_1995 = arith.extui %sign3A_1994 : i1 to i32
      %sign3A_1996 = arith.subi %sign3A_1992, %sign3A_1995 : i32
      %ne3A_1997 = arith.cmpi ne, %sign3A_1989, %sign3A_1996 : i32
      %rem3A_1998 = arith.remsi %add3A_1980, %jit3A_1981 : i32
      %ne3A_1999 = arith.constant 0 : i32
      %ne3A_2000 = arith.cmpi ne, %rem3A_1998, %ne3A_1999 : i32
      %and3A_2001 = arith.andi %ne3A_1997, %ne3A_2000 : i1
      %sub3A_2002 = arith.constant 1 : i32
      %sub3A_2003 = arith.subi %div3A_1982, %sub3A_2002 : i32
      %select_n3A_2004 = arith.select %and3A_2001, %sub3A_2003, %div3A_1982 : i32
      %mul3A_2005 = arith.constant 16 : i32
      %mul3A_2006 = arith.muli %select_n3A_2004, %mul3A_2005 : i32
      %get3A_2007 = arith.index_cast %mul3A_2006 : i32 to index
      %get3A_2008 = tpu.vector_load %arg7[%get3A_2007] {strides = array<i32>} : memref<512xi32, #tpu.memory_space<vmem>>, vector<16xi32>,
      %jit3A_2009 = arith.constant 16 : i32
      %eq3A_2010 = arith.constant 0 : i32
      %eq3A_2011 = arith.cmpi eq, %jit3A_2009, %eq3A_2010 : i32
      %jit3A_2012 = arith.constant 1 : i32
      %select_n3A_2013 = arith.select %eq3A_2011, %jit3A_2012, %jit3A_2009 : i32
      %rem3A_2014 = arith.remsi %add3A_1980, %select_n3A_2013 : i32
      %ne3A_2015 = arith.constant 0 : i32
      %ne3A_2016 = arith.cmpi ne, %rem3A_2014, %ne3A_2015 : i32
      %lt3A_2017 = arith.constant 0 : i32
      %lt3A_2018 = arith.cmpi slt, %rem3A_2014, %lt3A_2017 : i32
      %lt3A_2019 = arith.constant 0 : i32
      %lt3A_2020 = arith.cmpi slt, %select_n3A_2013, %lt3A_2019 : i32
      %ne3A_2021 = arith.xori %lt3A_2018, %lt3A_2020 : i1
      %and3A_2022 = arith.andi %ne3A_2021, %ne3A_2016 : i1
      %add3A_2023 = arith.addi %rem3A_2014, %select_n3A_2013 : i32
      %select_n3A_2024 = arith.select %and3A_2022, %add3A_2023, %rem3A_2014 : i32
      %eq3A_2025 = vector.broadcast %select_n3A_2024 : i32 to vector<16xi32>
      %eq3A_2026 = arith.cmpi eq, %iota3A, %eq3A_2025 : vector<16xi32>
      %jit3A_2027 = arith.constant 0 : i32
      %broadcast_in_dim3A_2028 = vector.broadcast %jit3A_2027 : i32 to vector<16xi32>
      %select_n3A_2029 = arith.select %eq3A_2026, %get3A_2008, %broadcast_in_dim3A_2028 : vector<16xi1>, vector<16xi32>
      %reduce_sum3A_2030 = arith.constant true
      %reduce_sum3A_2031 = vector.broadcast %reduce_sum3A_2030 : i1 to vector<16xi1>
      %reduce_sum3A_2032 = tpu.scan <sum>, %select_n3A_2029 masked %reduce_sum3A_2031 : vector<16xi32>, vector<16xi1> -> vector<16xi32>
      %reduce_sum3A_2033 = vector.extract %reduce_sum3A_2032[15] : i32 from vector<16xi32>
      %and3A_2034 = arith.constant 127 : i32
      %and3A_2035 = arith.andi %reduce_sum3A_2033, %and3A_2034 : i32
      %broadcast_in_dim3A_2036 = vector.broadcast %and3A_2035 : i32 to vector<16xi32>
      %jit3A_2037 = arith.constant 16 : i32
      %div3A_2038 = arith.divsi %add3A_1980, %jit3A_2037 : i32
      %sign3A_2039 = arith.constant 0 : i32
      %sign3A_2040 = arith.cmpi sgt, %add3A_1980, %sign3A_2039 : i32
      %sign3A_2041 = arith.extui %sign3A_2040 : i1 to i32
      %sign3A_2042 = arith.constant 0 : i32
      %sign3A_2043 = arith.cmpi slt, %add3A_1980, %sign3A_2042 : i32
      %sign3A_2044 = arith.extui %sign3A_2043 : i1 to i32
      %sign3A_2045 = arith.subi %sign3A_2041, %sign3A_2044 : i32
      %sign3A_2046 = arith.constant 0 : i32
      %sign3A_2047 = arith.cmpi sgt, %jit3A_2037, %sign3A_2046 : i32
      %sign3A_2048 = arith.extui %sign3A_2047 : i1 to i32
      %sign3A_2049 = arith.constant 0 : i32
      %sign3A_2050 = arith.cmpi slt, %jit3A_2037, %sign3A_2049 : i32
      %sign3A_2051 = arith.extui %sign3A_2050 : i1 to i32
      %sign3A_2052 = arith.subi %sign3A_2048, %sign3A_2051 : i32
      %ne3A_2053 = arith.cmpi ne, %sign3A_2045, %sign3A_2052 : i32
      %rem3A_2054 = arith.remsi %add3A_1980, %jit3A_2037 : i32
      %ne3A_2055 = arith.constant 0 : i32
      %ne3A_2056 = arith.cmpi ne, %rem3A_2054, %ne3A_2055 : i32
      %and3A_2057 = arith.andi %ne3A_2053, %ne3A_2056 : i1
      %sub3A_2058 = arith.constant 1 : i32
      %sub3A_2059 = arith.subi %div3A_2038, %sub3A_2058 : i32
      %select_n3A_2060 = arith.select %and3A_2057, %sub3A_2059, %div3A_2038 : i32
      %mul3A_2061 = arith.constant 16 : i32
      %mul3A_2062 = arith.muli %select_n3A_2060, %mul3A_2061 : i32
      %get3A_2063 = arith.index_cast %mul3A_2062 : i32 to index
      %get3A_2064 = tpu.vector_load %arg8[%get3A_2063] {strides = array<i32>} : memref<512xi32, #tpu.memory_space<vmem>>, vector<16xi32>,
      %jit3A_2065 = arith.constant 16 : i32
      %eq3A_2066 = arith.constant 0 : i32
      %eq3A_2067 = arith.cmpi eq, %jit3A_2065, %eq3A_2066 : i32
      %jit3A_2068 = arith.constant 1 : i32
      %select_n3A_2069 = arith.select %eq3A_2067, %jit3A_2068, %jit3A_2065 : i32
      %rem3A_2070 = arith.remsi %add3A_1980, %select_n3A_2069 : i32
      %ne3A_2071 = arith.constant 0 : i32
      %ne3A_2072 = arith.cmpi ne, %rem3A_2070, %ne3A_2071 : i32
      %lt3A_2073 = arith.constant 0 : i32
      %lt3A_2074 = arith.cmpi slt, %rem3A_2070, %lt3A_2073 : i32
      %lt3A_2075 = arith.constant 0 : i32
      %lt3A_2076 = arith.cmpi slt, %select_n3A_2069, %lt3A_2075 : i32
      %ne3A_2077 = arith.xori %lt3A_2074, %lt3A_2076 : i1
      %and3A_2078 = arith.andi %ne3A_2077, %ne3A_2072 : i1
      %add3A_2079 = arith.addi %rem3A_2070, %select_n3A_2069 : i32
      %select_n3A_2080 = arith.select %and3A_2078, %add3A_2079, %rem3A_2070 : i32
      %eq3A_2081 = vector.broadcast %select_n3A_2080 : i32 to vector<16xi32>
      %eq3A_2082 = arith.cmpi eq, %iota3A, %eq3A_2081 : vector<16xi32>
      %jit3A_2083 = arith.constant 0 : i32
      %broadcast_in_dim3A_2084 = vector.broadcast %jit3A_2083 : i32 to vector<16xi32>
      %select_n3A_2085 = arith.select %eq3A_2082, %get3A_2064, %broadcast_in_dim3A_2084 : vector<16xi1>, vector<16xi32>
      %reduce_sum3A_2086 = arith.constant true
      %reduce_sum3A_2087 = vector.broadcast %reduce_sum3A_2086 : i1 to vector<16xi1>
      %reduce_sum3A_2088 = tpu.scan <sum>, %select_n3A_2085 masked %reduce_sum3A_2087 : vector<16xi32>, vector<16xi1> -> vector<16xi32>
      %reduce_sum3A_2089 = vector.extract %reduce_sum3A_2088[15] : i32 from vector<16xi32>
      %and3A_2090 = arith.constant 127 : i32
      %and3A_2091 = arith.andi %reduce_sum3A_2089, %and3A_2090 : i32
      %broadcast_in_dim3A_2092 = vector.broadcast %and3A_2091 : i32 to vector<16xi32>
      %add3A_2093 = arith.constant 64 : i32
      %add3A_2094 = vector.broadcast %add3A_2093 : i32 to vector<16xi32>
      %add3A_2095 = arith.addi %add3A_2094, %iota3A : vector<16xi32>
      %gather3A_2096 = tpu.vector_load_idx %arg9[%broadcast_in_dim3A_1676, %add3A_2095, %broadcast_in_dim3A_2036] : memref<2x128x128xf32, #tpu.memory_space<vmem>>[vector<16xi32>, vector<16xi32>, vector<16xi32>], vector<16xf32>,
      %gather3A_2097 = tpu.vector_load_idx %arg10[%broadcast_in_dim3A_1676, %add3A_2095, %broadcast_in_dim3A_2092] : memref<2x128x128xf32, #tpu.memory_space<vmem>>[vector<16xi32>, vector<16xi32>, vector<16xi32>], vector<16xf32>,
      %mul3A_2098 = arith.constant 32 : i32
      %mul3A_2099 = arith.muli %add3A_1980, %mul3A_2098 : i32
      %add3A_2100 = arith.constant 0 : i32
      %add3A_2101 = arith.addi %mul3A_2099, %add3A_2100 : i32
      %swap3A_2102 = arith.index_cast %add3A_2101 : i32 to index
      %swap3A_2103 = tpu.vector_load %arg11[%swap3A_2102] {strides = array<i32>} : memref<16384xf32, #tpu.memory_space<vmem>>, vector<16xf32>,
      tpu.vector_store %arg11[%swap3A_2102], %gather3A_2096 {strides = array<i32>} : memref<16384xf32, #tpu.memory_space<vmem>>, vector<16xf32>,
      %mul3A_2104 = arith.constant 32 : i32
      %mul3A_2105 = arith.muli %add3A_1980, %mul3A_2104 : i32
      %add3A_2106 = arith.constant 0 : i32
      %add3A_2107 = arith.addi %mul3A_2105, %add3A_2106 : i32
      %swap3A_2108 = arith.index_cast %add3A_2107 : i32 to index
      %swap3A_2109 = tpu.vector_load %arg12[%swap3A_2108] {strides = array<i32>} : memref<16384xf32, #tpu.memory_space<vmem>>, vector<16xf32>,
      tpu.vector_store %arg12[%swap3A_2108], %gather3A_2097 {strides = array<i32>} : memref<16384xf32, #tpu.memory_space<vmem>>, vector<16xf32>,
      %add3A_2110 = arith.constant 80 : i32
      %add3A_2111 = vector.broadcast %add3A_2110 : i32 to vector<16xi32>
      %add3A_2112 = arith.addi %add3A_2111, %iota3A : vector<16xi32>
      %gather3A_2113 = tpu.vector_load_idx %arg9[%broadcast_in_dim3A_1676, %add3A_2112, %broadcast_in_dim3A_2036] : memref<2x128x128xf32, #tpu.memory_space<vmem>>[vector<16xi32>, vector<16xi32>, vector<16xi32>], vector<16xf32>,
      %gather3A_2114 = tpu.vector_load_idx %arg10[%broadcast_in_dim3A_1676, %add3A_2112, %broadcast_in_dim3A_2092] : memref<2x128x128xf32, #tpu.memory_space<vmem>>[vector<16xi32>, vector<16xi32>, vector<16xi32>], vector<16xf32>,
      %mul3A_2115 = arith.constant 32 : i32
      %mul3A_2116 = arith.muli %add3A_1980, %mul3A_2115 : i32
      %add3A_2117 = arith.constant 16 : i32
      %add3A_2118 = arith.addi %mul3A_2116, %add3A_2117 : i32
      %swap3A_2119 = arith.index_cast %add3A_2118 : i32 to index
      %swap3A_2120 = tpu.vector_load %arg11[%swap3A_2119] {strides = array<i32>} : memref<16384xf32, #tpu.memory_space<vmem>>, vector<16xf32>,
      tpu.vector_store %arg11[%swap3A_2119], %gather3A_2113 {strides = array<i32>} : memref<16384xf32, #tpu.memory_space<vmem>>, vector<16xf32>,
      %mul3A_2121 = arith.constant 32 : i32
      %mul3A_2122 = arith.muli %add3A_1980, %mul3A_2121 : i32
      %add3A_2123 = arith.constant 16 : i32
      %add3A_2124 = arith.addi %mul3A_2122, %add3A_2123 : i32
      %swap3A_2125 = arith.index_cast %add3A_2124 : i32 to index
      %swap3A_2126 = tpu.vector_load %arg12[%swap3A_2125] {strides = array<i32>} : memref<16384xf32, #tpu.memory_space<vmem>>, vector<16xf32>,
      tpu.vector_store %arg12[%swap3A_2125], %gather3A_2114 {strides = array<i32>} : memref<16384xf32, #tpu.memory_space<vmem>>, vector<16xf32>,
      %mul3A_2127 = arith.constant 4 : i32
      %mul3A_2128 = arith.muli %add3A_1674, %mul3A_2127 : i32
      %add3A_2129 = arith.constant 3 : i32
      %add3A_2130 = arith.addi %mul3A_2128, %add3A_2129 : i32
      %jit3A_2131 = arith.constant 16 : i32
      %div3A_2132 = arith.divsi %add3A_2130, %jit3A_2131 : i32
      %sign3A_2133 = arith.constant 0 : i32
      %sign3A_2134 = arith.cmpi sgt, %add3A_2130, %sign3A_2133 : i32
      %sign3A_2135 = arith.extui %sign3A_2134 : i1 to i32
      %sign3A_2136 = arith.constant 0 : i32
      %sign3A_2137 = arith.cmpi slt, %add3A_2130, %sign3A_2136 : i32
      %sign3A_2138 = arith.extui %sign3A_2137 : i1 to i32
      %sign3A_2139 = arith.subi %sign3A_2135, %sign3A_2138 : i32
      %sign3A_2140 = arith.constant 0 : i32
      %sign3A_2141 = arith.cmpi sgt, %jit3A_2131, %sign3A_2140 : i32
      %sign3A_2142 = arith.extui %sign3A_2141 : i1 to i32
      %sign3A_2143 = arith.constant 0 : i32
      %sign3A_2144 = arith.cmpi slt, %jit3A_2131, %sign3A_2143 : i32
      %sign3A_2145 = arith.extui %sign3A_2144 : i1 to i32
      %sign3A_2146 = arith.subi %sign3A_2142, %sign3A_2145 : i32
      %ne3A_2147 = arith.cmpi ne, %sign3A_2139, %sign3A_2146 : i32
      %rem3A_2148 = arith.remsi %add3A_2130, %jit3A_2131 : i32
      %ne3A_2149 = arith.constant 0 : i32
      %ne3A_2150 = arith.cmpi ne, %rem3A_2148, %ne3A_2149 : i32
      %and3A_2151 = arith.andi %ne3A_2147, %ne3A_2150 : i1
      %sub3A_2152 = arith.constant 1 : i32
      %sub3A_2153 = arith.subi %div3A_2132, %sub3A_2152 : i32
      %select_n3A_2154 = arith.select %and3A_2151, %sub3A_2153, %div3A_2132 : i32
      %mul3A_2155 = arith.constant 16 : i32
      %mul3A_2156 = arith.muli %select_n3A_2154, %mul3A_2155 : i32
      %get3A_2157 = arith.index_cast %mul3A_2156 : i32 to index
      %get3A_2158 = tpu.vector_load %arg7[%get3A_2157] {strides = array<i32>} : memref<512xi32, #tpu.memory_space<vmem>>, vector<16xi32>,
      %jit3A_2159 = arith.constant 16 : i32
      %eq3A_2160 = arith.constant 0 : i32
      %eq3A_2161 = arith.cmpi eq, %jit3A_2159, %eq3A_2160 : i32
      %jit3A_2162 = arith.constant 1 : i32
      %select_n3A_2163 = arith.select %eq3A_2161, %jit3A_2162, %jit3A_2159 : i32
      %rem3A_2164 = arith.remsi %add3A_2130, %select_n3A_2163 : i32
      %ne3A_2165 = arith.constant 0 : i32
      %ne3A_2166 = arith.cmpi ne, %rem3A_2164, %ne3A_2165 : i32
      %lt3A_2167 = arith.constant 0 : i32
      %lt3A_2168 = arith.cmpi slt, %rem3A_2164, %lt3A_2167 : i32
      %lt3A_2169 = arith.constant 0 : i32
      %lt3A_2170 = arith.cmpi slt, %select_n3A_2163, %lt3A_2169 : i32
      %ne3A_2171 = arith.xori %lt3A_2168, %lt3A_2170 : i1
      %and3A_2172 = arith.andi %ne3A_2171, %ne3A_2166 : i1
      %add3A_2173 = arith.addi %rem3A_2164, %select_n3A_2163 : i32
      %select_n3A_2174 = arith.select %and3A_2172, %add3A_2173, %rem3A_2164 : i32
      %eq3A_2175 = vector.broadcast %select_n3A_2174 : i32 to vector<16xi32>
      %eq3A_2176 = arith.cmpi eq, %iota3A, %eq3A_2175 : vector<16xi32>
      %jit3A_2177 = arith.constant 0 : i32
      %broadcast_in_dim3A_2178 = vector.broadcast %jit3A_2177 : i32 to vector<16xi32>
      %select_n3A_2179 = arith.select %eq3A_2176, %get3A_2158, %broadcast_in_dim3A_2178 : vector<16xi1>, vector<16xi32>
      %reduce_sum3A_2180 = arith.constant true
      %reduce_sum3A_2181 = vector.broadcast %reduce_sum3A_2180 : i1 to vector<16xi1>
      %reduce_sum3A_2182 = tpu.scan <sum>, %select_n3A_2179 masked %reduce_sum3A_2181 : vector<16xi32>, vector<16xi1> -> vector<16xi32>
      %reduce_sum3A_2183 = vector.extract %reduce_sum3A_2182[15] : i32 from vector<16xi32>
      %and3A_2184 = arith.constant 127 : i32
      %and3A_2185 = arith.andi %reduce_sum3A_2183, %and3A_2184 : i32
      %broadcast_in_dim3A_2186 = vector.broadcast %and3A_2185 : i32 to vector<16xi32>
      %jit3A_2187 = arith.constant 16 : i32
      %div3A_2188 = arith.divsi %add3A_2130, %jit3A_2187 : i32
      %sign3A_2189 = arith.constant 0 : i32
      %sign3A_2190 = arith.cmpi sgt, %add3A_2130, %sign3A_2189 : i32
      %sign3A_2191 = arith.extui %sign3A_2190 : i1 to i32
      %sign3A_2192 = arith.constant 0 : i32
      %sign3A_2193 = arith.cmpi slt, %add3A_2130, %sign3A_2192 : i32
      %sign3A_2194 = arith.extui %sign3A_2193 : i1 to i32
      %sign3A_2195 = arith.subi %sign3A_2191, %sign3A_2194 : i32
      %sign3A_2196 = arith.constant 0 : i32
      %sign3A_2197 = arith.cmpi sgt, %jit3A_2187, %sign3A_2196 : i32
      %sign3A_2198 = arith.extui %sign3A_2197 : i1 to i32
      %sign3A_2199 = arith.constant 0 : i32
      %sign3A_2200 = arith.cmpi slt, %jit3A_2187, %sign3A_2199 : i32
      %sign3A_2201 = arith.extui %sign3A_2200 : i1 to i32
      %sign3A_2202 = arith.subi %sign3A_2198, %sign3A_2201 : i32
      %ne3A_2203 = arith.cmpi ne, %sign3A_2195, %sign3A_2202 : i32
      %rem3A_2204 = arith.remsi %add3A_2130, %jit3A_2187 : i32
      %ne3A_2205 = arith.constant 0 : i32
      %ne3A_2206 = arith.cmpi ne, %rem3A_2204, %ne3A_2205 : i32
      %and3A_2207 = arith.andi %ne3A_2203, %ne3A_2206 : i1
      %sub3A_2208 = arith.constant 1 : i32
      %sub3A_2209 = arith.subi %div3A_2188, %sub3A_2208 : i32
      %select_n3A_2210 = arith.select %and3A_2207, %sub3A_2209, %div3A_2188 : i32
      %mul3A_2211 = arith.constant 16 : i32
      %mul3A_2212 = arith.muli %select_n3A_2210, %mul3A_2211 : i32
      %get3A_2213 = arith.index_cast %mul3A_2212 : i32 to index
      %get3A_2214 = tpu.vector_load %arg8[%get3A_2213] {strides = array<i32>} : memref<512xi32, #tpu.memory_space<vmem>>, vector<16xi32>,
      %jit3A_2215 = arith.constant 16 : i32
      %eq3A_2216 = arith.constant 0 : i32
      %eq3A_2217 = arith.cmpi eq, %jit3A_2215, %eq3A_2216 : i32
      %jit3A_2218 = arith.constant 1 : i32
      %select_n3A_2219 = arith.select %eq3A_2217, %jit3A_2218, %jit3A_2215 : i32
      %rem3A_2220 = arith.remsi %add3A_2130, %select_n3A_2219 : i32
      %ne3A_2221 = arith.constant 0 : i32
      %ne3A_2222 = arith.cmpi ne, %rem3A_2220, %ne3A_2221 : i32
      %lt3A_2223 = arith.constant 0 : i32
      %lt3A_2224 = arith.cmpi slt, %rem3A_2220, %lt3A_2223 : i32
      %lt3A_2225 = arith.constant 0 : i32
      %lt3A_2226 = arith.cmpi slt, %select_n3A_2219, %lt3A_2225 : i32
      %ne3A_2227 = arith.xori %lt3A_2224, %lt3A_2226 : i1
      %and3A_2228 = arith.andi %ne3A_2227, %ne3A_2222 : i1
      %add3A_2229 = arith.addi %rem3A_2220, %select_n3A_2219 : i32
      %select_n3A_2230 = arith.select %and3A_2228, %add3A_2229, %rem3A_2220 : i32
      %eq3A_2231 = vector.broadcast %select_n3A_2230 : i32 to vector<16xi32>
      %eq3A_2232 = arith.cmpi eq, %iota3A, %eq3A_2231 : vector<16xi32>
      %jit3A_2233 = arith.constant 0 : i32
      %broadcast_in_dim3A_2234 = vector.broadcast %jit3A_2233 : i32 to vector<16xi32>
      %select_n3A_2235 = arith.select %eq3A_2232, %get3A_2214, %broadcast_in_dim3A_2234 : vector<16xi1>, vector<16xi32>
      %reduce_sum3A_2236 = arith.constant true
      %reduce_sum3A_2237 = vector.broadcast %reduce_sum3A_2236 : i1 to vector<16xi1>
      %reduce_sum3A_2238 = tpu.scan <sum>, %select_n3A_2235 masked %reduce_sum3A_2237 : vector<16xi32>, vector<16xi1> -> vector<16xi32>
      %reduce_sum3A_2239 = vector.extract %reduce_sum3A_2238[15] : i32 from vector<16xi32>
      %and3A_2240 = arith.constant 127 : i32
      %and3A_2241 = arith.andi %reduce_sum3A_2239, %and3A_2240 : i32
      %broadcast_in_dim3A_2242 = vector.broadcast %and3A_2241 : i32 to vector<16xi32>
      %add3A_2243 = arith.constant 96 : i32
      %add3A_2244 = vector.broadcast %add3A_2243 : i32 to vector<16xi32>
      %add3A_2245 = arith.addi %add3A_2244, %iota3A : vector<16xi32>
      %gather3A_2246 = tpu.vector_load_idx %arg9[%broadcast_in_dim3A_1676, %add3A_2245, %broadcast_in_dim3A_2186] : memref<2x128x128xf32, #tpu.memory_space<vmem>>[vector<16xi32>, vector<16xi32>, vector<16xi32>], vector<16xf32>,
      %gather3A_2247 = tpu.vector_load_idx %arg10[%broadcast_in_dim3A_1676, %add3A_2245, %broadcast_in_dim3A_2242] : memref<2x128x128xf32, #tpu.memory_space<vmem>>[vector<16xi32>, vector<16xi32>, vector<16xi32>], vector<16xf32>,
      %mul3A_2248 = arith.constant 32 : i32
      %mul3A_2249 = arith.muli %add3A_2130, %mul3A_2248 : i32
      %add3A_2250 = arith.constant 0 : i32
      %add3A_2251 = arith.addi %mul3A_2249, %add3A_2250 : i32
      %swap3A_2252 = arith.index_cast %add3A_2251 : i32 to index
      %swap3A_2253 = tpu.vector_load %arg11[%swap3A_2252] {strides = array<i32>} : memref<16384xf32, #tpu.memory_space<vmem>>, vector<16xf32>,
      tpu.vector_store %arg11[%swap3A_2252], %gather3A_2246 {strides = array<i32>} : memref<16384xf32, #tpu.memory_space<vmem>>, vector<16xf32>,
      %mul3A_2254 = arith.constant 32 : i32
      %mul3A_2255 = arith.muli %add3A_2130, %mul3A_2254 : i32
      %add3A_2256 = arith.constant 0 : i32
      %add3A_2257 = arith.addi %mul3A_2255, %add3A_2256 : i32
      %swap3A_2258 = arith.index_cast %add3A_2257 : i32 to index
      %swap3A_2259 = tpu.vector_load %arg12[%swap3A_2258] {strides = array<i32>} : memref<16384xf32, #tpu.memory_space<vmem>>, vector<16xf32>,
      tpu.vector_store %arg12[%swap3A_2258], %gather3A_2247 {strides = array<i32>} : memref<16384xf32, #tpu.memory_space<vmem>>, vector<16xf32>,
      %add3A_2260 = arith.constant 112 : i32
      %add3A_2261 = vector.broadcast %add3A_2260 : i32 to vector<16xi32>
      %add3A_2262 = arith.addi %add3A_2261, %iota3A : vector<16xi32>
      %gather3A_2263 = tpu.vector_load_idx %arg9[%broadcast_in_dim3A_1676, %add3A_2262, %broadcast_in_dim3A_2186] : memref<2x128x128xf32, #tpu.memory_space<vmem>>[vector<16xi32>, vector<16xi32>, vector<16xi32>], vector<16xf32>,
      %gather3A_2264 = tpu.vector_load_idx %arg10[%broadcast_in_dim3A_1676, %add3A_2262, %broadcast_in_dim3A_2242] : memref<2x128x128xf32, #tpu.memory_space<vmem>>[vector<16xi32>, vector<16xi32>, vector<16xi32>], vector<16xf32>,
      %mul3A_2265 = arith.constant 32 : i32
      %mul3A_2266 = arith.muli %add3A_2130, %mul3A_2265 : i32
      %add3A_2267 = arith.constant 16 : i32
      %add3A_2268 = arith.addi %mul3A_2266, %add3A_2267 : i32
      %swap3A_2269 = arith.index_cast %add3A_2268 : i32 to index
      %swap3A_2270 = tpu.vector_load %arg11[%swap3A_2269] {strides = array<i32>} : memref<16384xf32, #tpu.memory_space<vmem>>, vector<16xf32>,
      tpu.vector_store %arg11[%swap3A_2269], %gather3A_2263 {strides = array<i32>} : memref<16384xf32, #tpu.memory_space<vmem>>, vector<16xf32>,
      %mul3A_2271 = arith.constant 32 : i32
      %mul3A_2272 = arith.muli %add3A_2130, %mul3A_2271 : i32
      %add3A_2273 = arith.constant 16 : i32
      %add3A_2274 = arith.addi %mul3A_2272, %add3A_2273 : i32
      %swap3A_2275 = arith.index_cast %add3A_2274 : i32 to index
      %swap3A_2276 = tpu.vector_load %arg12[%swap3A_2275] {strides = array<i32>} : memref<16384xf32, #tpu.memory_space<vmem>>, vector<16xf32>,
      tpu.vector_store %arg12[%swap3A_2275], %gather3A_2264 {strides = array<i32>} : memref<16384xf32, #tpu.memory_space<vmem>>, vector<16xf32>,
    }
    %scan3A_238 = arith.constant 64 : i32
    %scan3A_239 = arith.constant 0 : i32
    %scan3A_240 = arith.constant 0 : i32
    %scan3A_241 = arith.constant 32 : i32
    %scan3A_242 = arith.addi %scan3A_240, %scan3A_241 : i32
    %scan3A_243 = arith.constant 1 : i32
    scf.for %scan3A_245 = %scan3A_240 to %scan3A_242 step %scan3A_243  : i32 {
      %mul3A_246 = arith.constant 16 : i32
      %mul3A_247 = arith.muli %scan3A_245, %mul3A_246 : i32
      %add3A_248 = vector.broadcast %mul3A_247 : i32 to vector<16xi32>
      %add3A_249 = arith.addi %add3A_248, %iota3A : vector<16xi32>
      %mul3A_250 = arith.constant 32 : i32
      %mul3A_251 = vector.broadcast %mul3A_250 : i32 to vector<16xi32>
      %mul3A_252 = arith.muli %add3A_249, %mul3A_251 : vector<16xi32>
      %broadcast_in_dim3A_253 = arith.constant 0.000000e+00 : f32
      %broadcast_in_dim3A_254 = vector.broadcast %broadcast_in_dim3A_253 : f32 to vector<16xf32>
      %add3A_255 = arith.constant 0 : i32
      %add3A_256 = vector.broadcast %add3A_255 : i32 to vector<16xi32>
      %add3A_257 = arith.addi %mul3A_252, %add3A_256 : vector<16xi32>
      %gather3A = tpu.vector_load_idx %arg11[%add3A_257] : memref<16384xf32, #tpu.memory_space<vmem>>[vector<16xi32>], vector<16xf32>,
      %add3A_258 = arith.constant 0 : i32
      %add3A_259 = vector.broadcast %add3A_258 : i32 to vector<16xi32>
      %add3A_260 = arith.addi %mul3A_252, %add3A_259 : vector<16xi32>
      %gather3A_261 = tpu.vector_load_idx %arg12[%add3A_260] : memref<16384xf32, #tpu.memory_space<vmem>>[vector<16xi32>], vector<16xf32>,
      %mul3A_262 = arith.mulf %gather3A, %gather3A_261 : vector<16xf32>
      %add3A_263 = arith.addf %broadcast_in_dim3A_254, %mul3A_262 : vector<16xf32>
      %add3A_264 = arith.constant 1 : i32
      %add3A_265 = vector.broadcast %add3A_264 : i32 to vector<16xi32>
      %add3A_266 = arith.addi %mul3A_252, %add3A_265 : vector<16xi32>
      %gather3A_267 = tpu.vector_load_idx %arg11[%add3A_266] : memref<16384xf32, #tpu.memory_space<vmem>>[vector<16xi32>], vector<16xf32>,
      %add3A_268 = arith.constant 1 : i32
      %add3A_269 = vector.broadcast %add3A_268 : i32 to vector<16xi32>
      %add3A_270 = arith.addi %mul3A_252, %add3A_269 : vector<16xi32>
      %gather3A_271 = tpu.vector_load_idx %arg12[%add3A_270] : memref<16384xf32, #tpu.memory_space<vmem>>[vector<16xi32>], vector<16xf32>,
      %mul3A_272 = arith.mulf %gather3A_267, %gather3A_271 : vector<16xf32>
      %add3A_273 = arith.addf %add3A_263, %mul3A_272 : vector<16xf32>
      %add3A_274 = arith.constant 2 : i32
      %add3A_275 = vector.broadcast %add3A_274 : i32 to vector<16xi32>
      %add3A_276 = arith.addi %mul3A_252, %add3A_275 : vector<16xi32>
      %gather3A_277 = tpu.vector_load_idx %arg11[%add3A_276] : memref<16384xf32, #tpu.memory_space<vmem>>[vector<16xi32>], vector<16xf32>,
      %add3A_278 = arith.constant 2 : i32
      %add3A_279 = vector.broadcast %add3A_278 : i32 to vector<16xi32>
      %add3A_280 = arith.addi %mul3A_252, %add3A_279 : vector<16xi32>
      %gather3A_281 = tpu.vector_load_idx %arg12[%add3A_280] : memref<16384xf32, #tpu.memory_space<vmem>>[vector<16xi32>], vector<16xf32>,
      %mul3A_282 = arith.mulf %gather3A_277, %gather3A_281 : vector<16xf32>
      %add3A_283 = arith.addf %add3A_273, %mul3A_282 : vector<16xf32>
      %add3A_284 = arith.constant 3 : i32
      %add3A_285 = vector.broadcast %add3A_284 : i32 to vector<16xi32>
      %add3A_286 = arith.addi %mul3A_252, %add3A_285 : vector<16xi32>
      %gather3A_287 = tpu.vector_load_idx %arg11[%add3A_286] : memref<16384xf32, #tpu.memory_space<vmem>>[vector<16xi32>], vector<16xf32>,
      %add3A_288 = arith.constant 3 : i32
      %add3A_289 = vector.broadcast %add3A_288 : i32 to vector<16xi32>
      %add3A_290 = arith.addi %mul3A_252, %add3A_289 : vector<16xi32>
      %gather3A_291 = tpu.vector_load_idx %arg12[%add3A_290] : memref<16384xf32, #tpu.memory_space<vmem>>[vector<16xi32>], vector<16xf32>,
      %mul3A_292 = arith.mulf %gather3A_287, %gather3A_291 : vector<16xf32>
      %add3A_293 = arith.addf %add3A_283, %mul3A_292 : vector<16xf32>
      %add3A_294 = arith.constant 4 : i32
      %add3A_295 = vector.broadcast %add3A_294 : i32 to vector<16xi32>
      %add3A_296 = arith.addi %mul3A_252, %add3A_295 : vector<16xi32>
      %gather3A_297 = tpu.vector_load_idx %arg11[%add3A_296] : memref<16384xf32, #tpu.memory_space<vmem>>[vector<16xi32>], vector<16xf32>,
      %add3A_298 = arith.constant 4 : i32
      %add3A_299 = vector.broadcast %add3A_298 : i32 to vector<16xi32>
      %add3A_300 = arith.addi %mul3A_252, %add3A_299 : vector<16xi32>
      %gather3A_301 = tpu.vector_load_idx %arg12[%add3A_300] : memref<16384xf32, #tpu.memory_space<vmem>>[vector<16xi32>], vector<16xf32>,
      %mul3A_302 = arith.mulf %gather3A_297, %gather3A_301 : vector<16xf32>
      %add3A_303 = arith.addf %add3A_293, %mul3A_302 : vector<16xf32>
      %add3A_304 = arith.constant 5 : i32
      %add3A_305 = vector.broadcast %add3A_304 : i32 to vector<16xi32>
      %add3A_306 = arith.addi %mul3A_252, %add3A_305 : vector<16xi32>
      %gather3A_307 = tpu.vector_load_idx %arg11[%add3A_306] : memref<16384xf32, #tpu.memory_space<vmem>>[vector<16xi32>], vector<16xf32>,
      %add3A_308 = arith.constant 5 : i32
      %add3A_309 = vector.broadcast %add3A_308 : i32 to vector<16xi32>
      %add3A_310 = arith.addi %mul3A_252, %add3A_309 : vector<16xi32>
      %gather3A_311 = tpu.vector_load_idx %arg12[%add3A_310] : memref<16384xf32, #tpu.memory_space<vmem>>[vector<16xi32>], vector<16xf32>,
      %mul3A_312 = arith.mulf %gather3A_307, %gather3A_311 : vector<16xf32>
      %add3A_313 = arith.addf %add3A_303, %mul3A_312 : vector<16xf32>
      %add3A_314 = arith.constant 6 : i32
      %add3A_315 = vector.broadcast %add3A_314 : i32 to vector<16xi32>
      %add3A_316 = arith.addi %mul3A_252, %add3A_315 : vector<16xi32>
      %gather3A_317 = tpu.vector_load_idx %arg11[%add3A_316] : memref<16384xf32, #tpu.memory_space<vmem>>[vector<16xi32>], vector<16xf32>,
      %add3A_318 = arith.constant 6 : i32
      %add3A_319 = vector.broadcast %add3A_318 : i32 to vector<16xi32>
      %add3A_320 = arith.addi %mul3A_252, %add3A_319 : vector<16xi32>
      %gather3A_321 = tpu.vector_load_idx %arg12[%add3A_320] : memref<16384xf32, #tpu.memory_space<vmem>>[vector<16xi32>], vector<16xf32>,
      %mul3A_322 = arith.mulf %gather3A_317, %gather3A_321 : vector<16xf32>
      %add3A_323 = arith.addf %add3A_313, %mul3A_322 : vector<16xf32>
      %add3A_324 = arith.constant 7 : i32
      %add3A_325 = vector.broadcast %add3A_324 : i32 to vector<16xi32>
      %add3A_326 = arith.addi %mul3A_252, %add3A_325 : vector<16xi32>
      %gather3A_327 = tpu.vector_load_idx %arg11[%add3A_326] : memref<16384xf32, #tpu.memory_space<vmem>>[vector<16xi32>], vector<16xf32>,
      %add3A_328 = arith.constant 7 : i32
      %add3A_329 = vector.broadcast %add3A_328 : i32 to vector<16xi32>
      %add3A_330 = arith.addi %mul3A_252, %add3A_329 : vector<16xi32>
      %gather3A_331 = tpu.vector_load_idx %arg12[%add3A_330] : memref<16384xf32, #tpu.memory_space<vmem>>[vector<16xi32>], vector<16xf32>,
      %mul3A_332 = arith.mulf %gather3A_327, %gather3A_331 : vector<16xf32>
      %add3A_333 = arith.addf %add3A_323, %mul3A_332 : vector<16xf32>
      %add3A_334 = arith.constant 8 : i32
      %add3A_335 = vector.broadcast %add3A_334 : i32 to vector<16xi32>
      %add3A_336 = arith.addi %mul3A_252, %add3A_335 : vector<16xi32>
      %gather3A_337 = tpu.vector_load_idx %arg11[%add3A_336] : memref<16384xf32, #tpu.memory_space<vmem>>[vector<16xi32>], vector<16xf32>,
      %add3A_338 = arith.constant 8 : i32
      %add3A_339 = vector.broadcast %add3A_338 : i32 to vector<16xi32>
      %add3A_340 = arith.addi %mul3A_252, %add3A_339 : vector<16xi32>
      %gather3A_341 = tpu.vector_load_idx %arg12[%add3A_340] : memref<16384xf32, #tpu.memory_space<vmem>>[vector<16xi32>], vector<16xf32>,
      %mul3A_342 = arith.mulf %gather3A_337, %gather3A_341 : vector<16xf32>
      %add3A_343 = arith.addf %add3A_333, %mul3A_342 : vector<16xf32>
      %add3A_344 = arith.constant 9 : i32
      %add3A_345 = vector.broadcast %add3A_344 : i32 to vector<16xi32>
      %add3A_346 = arith.addi %mul3A_252, %add3A_345 : vector<16xi32>
      %gather3A_347 = tpu.vector_load_idx %arg11[%add3A_346] : memref<16384xf32, #tpu.memory_space<vmem>>[vector<16xi32>], vector<16xf32>,
      %add3A_348 = arith.constant 9 : i32
      %add3A_349 = vector.broadcast %add3A_348 : i32 to vector<16xi32>
      %add3A_350 = arith.addi %mul3A_252, %add3A_349 : vector<16xi32>
      %gather3A_351 = tpu.vector_load_idx %arg12[%add3A_350] : memref<16384xf32, #tpu.memory_space<vmem>>[vector<16xi32>], vector<16xf32>,
      %mul3A_352 = arith.mulf %gather3A_347, %gather3A_351 : vector<16xf32>
      %add3A_353 = arith.addf %add3A_343, %mul3A_352 : vector<16xf32>
      %add3A_354 = arith.constant 10 : i32
      %add3A_355 = vector.broadcast %add3A_354 : i32 to vector<16xi32>
      %add3A_356 = arith.addi %mul3A_252, %add3A_355 : vector<16xi32>
      %gather3A_357 = tpu.vector_load_idx %arg11[%add3A_356] : memref<16384xf32, #tpu.memory_space<vmem>>[vector<16xi32>], vector<16xf32>,
      %add3A_358 = arith.constant 10 : i32
      %add3A_359 = vector.broadcast %add3A_358 : i32 to vector<16xi32>
      %add3A_360 = arith.addi %mul3A_252, %add3A_359 : vector<16xi32>
      %gather3A_361 = tpu.vector_load_idx %arg12[%add3A_360] : memref<16384xf32, #tpu.memory_space<vmem>>[vector<16xi32>], vector<16xf32>,
      %mul3A_362 = arith.mulf %gather3A_357, %gather3A_361 : vector<16xf32>
      %add3A_363 = arith.addf %add3A_353, %mul3A_362 : vector<16xf32>
      %add3A_364 = arith.constant 11 : i32
      %add3A_365 = vector.broadcast %add3A_364 : i32 to vector<16xi32>
      %add3A_366 = arith.addi %mul3A_252, %add3A_365 : vector<16xi32>
      %gather3A_367 = tpu.vector_load_idx %arg11[%add3A_366] : memref<16384xf32, #tpu.memory_space<vmem>>[vector<16xi32>], vector<16xf32>,
      %add3A_368 = arith.constant 11 : i32
      %add3A_369 = vector.broadcast %add3A_368 : i32 to vector<16xi32>
      %add3A_370 = arith.addi %mul3A_252, %add3A_369 : vector<16xi32>
      %gather3A_371 = tpu.vector_load_idx %arg12[%add3A_370] : memref<16384xf32, #tpu.memory_space<vmem>>[vector<16xi32>], vector<16xf32>,
      %mul3A_372 = arith.mulf %gather3A_367, %gather3A_371 : vector<16xf32>
      %add3A_373 = arith.addf %add3A_363, %mul3A_372 : vector<16xf32>
      %add3A_374 = arith.constant 12 : i32
      %add3A_375 = vector.broadcast %add3A_374 : i32 to vector<16xi32>
      %add3A_376 = arith.addi %mul3A_252, %add3A_375 : vector<16xi32>
      %gather3A_377 = tpu.vector_load_idx %arg11[%add3A_376] : memref<16384xf32, #tpu.memory_space<vmem>>[vector<16xi32>], vector<16xf32>,
      %add3A_378 = arith.constant 12 : i32
      %add3A_379 = vector.broadcast %add3A_378 : i32 to vector<16xi32>
      %add3A_380 = arith.addi %mul3A_252, %add3A_379 : vector<16xi32>
      %gather3A_381 = tpu.vector_load_idx %arg12[%add3A_380] : memref<16384xf32, #tpu.memory_space<vmem>>[vector<16xi32>], vector<16xf32>,
      %mul3A_382 = arith.mulf %gather3A_377, %gather3A_381 : vector<16xf32>
      %add3A_383 = arith.addf %add3A_373, %mul3A_382 : vector<16xf32>
      %add3A_384 = arith.constant 13 : i32
      %add3A_385 = vector.broadcast %add3A_384 : i32 to vector<16xi32>
      %add3A_386 = arith.addi %mul3A_252, %add3A_385 : vector<16xi32>
      %gather3A_387 = tpu.vector_load_idx %arg11[%add3A_386] : memref<16384xf32, #tpu.memory_space<vmem>>[vector<16xi32>], vector<16xf32>,
      %add3A_388 = arith.constant 13 : i32
      %add3A_389 = vector.broadcast %add3A_388 : i32 to vector<16xi32>
      %add3A_390 = arith.addi %mul3A_252, %add3A_389 : vector<16xi32>
      %gather3A_391 = tpu.vector_load_idx %arg12[%add3A_390] : memref<16384xf32, #tpu.memory_space<vmem>>[vector<16xi32>], vector<16xf32>,
      %mul3A_392 = arith.mulf %gather3A_387, %gather3A_391 : vector<16xf32>
      %add3A_393 = arith.addf %add3A_383, %mul3A_392 : vector<16xf32>
      %add3A_394 = arith.constant 14 : i32
      %add3A_395 = vector.broadcast %add3A_394 : i32 to vector<16xi32>
      %add3A_396 = arith.addi %mul3A_252, %add3A_395 : vector<16xi32>
      %gather3A_397 = tpu.vector_load_idx %arg11[%add3A_396] : memref<16384xf32, #tpu.memory_space<vmem>>[vector<16xi32>], vector<16xf32>,
      %add3A_398 = arith.constant 14 : i32
      %add3A_399 = vector.broadcast %add3A_398 : i32 to vector<16xi32>
      %add3A_400 = arith.addi %mul3A_252, %add3A_399 : vector<16xi32>
      %gather3A_401 = tpu.vector_load_idx %arg12[%add3A_400] : memref<16384xf32, #tpu.memory_space<vmem>>[vector<16xi32>], vector<16xf32>,
      %mul3A_402 = arith.mulf %gather3A_397, %gather3A_401 : vector<16xf32>
      %add3A_403 = arith.addf %add3A_393, %mul3A_402 : vector<16xf32>
      %add3A_404 = arith.constant 15 : i32
      %add3A_405 = vector.broadcast %add3A_404 : i32 to vector<16xi32>
      %add3A_406 = arith.addi %mul3A_252, %add3A_405 : vector<16xi32>
      %gather3A_407 = tpu.vector_load_idx %arg11[%add3A_406] : memref<16384xf32, #tpu.memory_space<vmem>>[vector<16xi32>], vector<16xf32>,
      %add3A_408 = arith.constant 15 : i32
      %add3A_409 = vector.broadcast %add3A_408 : i32 to vector<16xi32>
      %add3A_410 = arith.addi %mul3A_252, %add3A_409 : vector<16xi32>
      %gather3A_411 = tpu.vector_load_idx %arg12[%add3A_410] : memref<16384xf32, #tpu.memory_space<vmem>>[vector<16xi32>], vector<16xf32>,
      %mul3A_412 = arith.mulf %gather3A_407, %gather3A_411 : vector<16xf32>
      %add3A_413 = arith.addf %add3A_403, %mul3A_412 : vector<16xf32>
      %add3A_414 = arith.constant 16 : i32
      %add3A_415 = vector.broadcast %add3A_414 : i32 to vector<16xi32>
      %add3A_416 = arith.addi %mul3A_252, %add3A_415 : vector<16xi32>
      %gather3A_417 = tpu.vector_load_idx %arg11[%add3A_416] : memref<16384xf32, #tpu.memory_space<vmem>>[vector<16xi32>], vector<16xf32>,
      %add3A_418 = arith.constant 16 : i32
      %add3A_419 = vector.broadcast %add3A_418 : i32 to vector<16xi32>
      %add3A_420 = arith.addi %mul3A_252, %add3A_419 : vector<16xi32>
      %gather3A_421 = tpu.vector_load_idx %arg12[%add3A_420] : memref<16384xf32, #tpu.memory_space<vmem>>[vector<16xi32>], vector<16xf32>,
      %mul3A_422 = arith.mulf %gather3A_417, %gather3A_421 : vector<16xf32>
      %add3A_423 = arith.addf %add3A_413, %mul3A_422 : vector<16xf32>
      %add3A_424 = arith.constant 17 : i32
      %add3A_425 = vector.broadcast %add3A_424 : i32 to vector<16xi32>
      %add3A_426 = arith.addi %mul3A_252, %add3A_425 : vector<16xi32>
      %gather3A_427 = tpu.vector_load_idx %arg11[%add3A_426] : memref<16384xf32, #tpu.memory_space<vmem>>[vector<16xi32>], vector<16xf32>,
      %add3A_428 = arith.constant 17 : i32
      %add3A_429 = vector.broadcast %add3A_428 : i32 to vector<16xi32>
      %add3A_430 = arith.addi %mul3A_252, %add3A_429 : vector<16xi32>
      %gather3A_431 = tpu.vector_load_idx %arg12[%add3A_430] : memref<16384xf32, #tpu.memory_space<vmem>>[vector<16xi32>], vector<16xf32>,
      %mul3A_432 = arith.mulf %gather3A_427, %gather3A_431 : vector<16xf32>
      %add3A_433 = arith.addf %add3A_423, %mul3A_432 : vector<16xf32>
      %add3A_434 = arith.constant 18 : i32
      %add3A_435 = vector.broadcast %add3A_434 : i32 to vector<16xi32>
      %add3A_436 = arith.addi %mul3A_252, %add3A_435 : vector<16xi32>
      %gather3A_437 = tpu.vector_load_idx %arg11[%add3A_436] : memref<16384xf32, #tpu.memory_space<vmem>>[vector<16xi32>], vector<16xf32>,
      %add3A_438 = arith.constant 18 : i32
      %add3A_439 = vector.broadcast %add3A_438 : i32 to vector<16xi32>
      %add3A_440 = arith.addi %mul3A_252, %add3A_439 : vector<16xi32>
      %gather3A_441 = tpu.vector_load_idx %arg12[%add3A_440] : memref<16384xf32, #tpu.memory_space<vmem>>[vector<16xi32>], vector<16xf32>,
      %mul3A_442 = arith.mulf %gather3A_437, %gather3A_441 : vector<16xf32>
      %add3A_443 = arith.addf %add3A_433, %mul3A_442 : vector<16xf32>
      %add3A_444 = arith.constant 19 : i32
      %add3A_445 = vector.broadcast %add3A_444 : i32 to vector<16xi32>
      %add3A_446 = arith.addi %mul3A_252, %add3A_445 : vector<16xi32>
      %gather3A_447 = tpu.vector_load_idx %arg11[%add3A_446] : memref<16384xf32, #tpu.memory_space<vmem>>[vector<16xi32>], vector<16xf32>,
      %add3A_448 = arith.constant 19 : i32
      %add3A_449 = vector.broadcast %add3A_448 : i32 to vector<16xi32>
      %add3A_450 = arith.addi %mul3A_252, %add3A_449 : vector<16xi32>
      %gather3A_451 = tpu.vector_load_idx %arg12[%add3A_450] : memref<16384xf32, #tpu.memory_space<vmem>>[vector<16xi32>], vector<16xf32>,
      %mul3A_452 = arith.mulf %gather3A_447, %gather3A_451 : vector<16xf32>
      %add3A_453 = arith.addf %add3A_443, %mul3A_452 : vector<16xf32>
      %add3A_454 = arith.constant 20 : i32
      %add3A_455 = vector.broadcast %add3A_454 : i32 to vector<16xi32>
      %add3A_456 = arith.addi %mul3A_252, %add3A_455 : vector<16xi32>
      %gather3A_457 = tpu.vector_load_idx %arg11[%add3A_456] : memref<16384xf32, #tpu.memory_space<vmem>>[vector<16xi32>], vector<16xf32>,
      %add3A_458 = arith.constant 20 : i32
      %add3A_459 = vector.broadcast %add3A_458 : i32 to vector<16xi32>
      %add3A_460 = arith.addi %mul3A_252, %add3A_459 : vector<16xi32>
      %gather3A_461 = tpu.vector_load_idx %arg12[%add3A_460] : memref<16384xf32, #tpu.memory_space<vmem>>[vector<16xi32>], vector<16xf32>,
      %mul3A_462 = arith.mulf %gather3A_457, %gather3A_461 : vector<16xf32>
      %add3A_463 = arith.addf %add3A_453, %mul3A_462 : vector<16xf32>
      %add3A_464 = arith.constant 21 : i32
      %add3A_465 = vector.broadcast %add3A_464 : i32 to vector<16xi32>
      %add3A_466 = arith.addi %mul3A_252, %add3A_465 : vector<16xi32>
      %gather3A_467 = tpu.vector_load_idx %arg11[%add3A_466] : memref<16384xf32, #tpu.memory_space<vmem>>[vector<16xi32>], vector<16xf32>,
      %add3A_468 = arith.constant 21 : i32
      %add3A_469 = vector.broadcast %add3A_468 : i32 to vector<16xi32>
      %add3A_470 = arith.addi %mul3A_252, %add3A_469 : vector<16xi32>
      %gather3A_471 = tpu.vector_load_idx %arg12[%add3A_470] : memref<16384xf32, #tpu.memory_space<vmem>>[vector<16xi32>], vector<16xf32>,
      %mul3A_472 = arith.mulf %gather3A_467, %gather3A_471 : vector<16xf32>
      %add3A_473 = arith.addf %add3A_463, %mul3A_472 : vector<16xf32>
      %add3A_474 = arith.constant 22 : i32
      %add3A_475 = vector.broadcast %add3A_474 : i32 to vector<16xi32>
      %add3A_476 = arith.addi %mul3A_252, %add3A_475 : vector<16xi32>
      %gather3A_477 = tpu.vector_load_idx %arg11[%add3A_476] : memref<16384xf32, #tpu.memory_space<vmem>>[vector<16xi32>], vector<16xf32>,
      %add3A_478 = arith.constant 22 : i32
      %add3A_479 = vector.broadcast %add3A_478 : i32 to vector<16xi32>
      %add3A_480 = arith.addi %mul3A_252, %add3A_479 : vector<16xi32>
      %gather3A_481 = tpu.vector_load_idx %arg12[%add3A_480] : memref<16384xf32, #tpu.memory_space<vmem>>[vector<16xi32>], vector<16xf32>,
      %mul3A_482 = arith.mulf %gather3A_477, %gather3A_481 : vector<16xf32>
      %add3A_483 = arith.addf %add3A_473, %mul3A_482 : vector<16xf32>
      %add3A_484 = arith.constant 23 : i32
      %add3A_485 = vector.broadcast %add3A_484 : i32 to vector<16xi32>
      %add3A_486 = arith.addi %mul3A_252, %add3A_485 : vector<16xi32>
      %gather3A_487 = tpu.vector_load_idx %arg11[%add3A_486] : memref<16384xf32, #tpu.memory_space<vmem>>[vector<16xi32>], vector<16xf32>,
      %add3A_488 = arith.constant 23 : i32
      %add3A_489 = vector.broadcast %add3A_488 : i32 to vector<16xi32>
      %add3A_490 = arith.addi %mul3A_252, %add3A_489 : vector<16xi32>
      %gather3A_491 = tpu.vector_load_idx %arg12[%add3A_490] : memref<16384xf32, #tpu.memory_space<vmem>>[vector<16xi32>], vector<16xf32>,
      %mul3A_492 = arith.mulf %gather3A_487, %gather3A_491 : vector<16xf32>
      %add3A_493 = arith.addf %add3A_483, %mul3A_492 : vector<16xf32>
      %add3A_494 = arith.constant 24 : i32
      %add3A_495 = vector.broadcast %add3A_494 : i32 to vector<16xi32>
      %add3A_496 = arith.addi %mul3A_252, %add3A_495 : vector<16xi32>
      %gather3A_497 = tpu.vector_load_idx %arg11[%add3A_496] : memref<16384xf32, #tpu.memory_space<vmem>>[vector<16xi32>], vector<16xf32>,
      %add3A_498 = arith.constant 24 : i32
      %add3A_499 = vector.broadcast %add3A_498 : i32 to vector<16xi32>
      %add3A_500 = arith.addi %mul3A_252, %add3A_499 : vector<16xi32>
      %gather3A_501 = tpu.vector_load_idx %arg12[%add3A_500] : memref<16384xf32, #tpu.memory_space<vmem>>[vector<16xi32>], vector<16xf32>,
      %mul3A_502 = arith.mulf %gather3A_497, %gather3A_501 : vector<16xf32>
      %add3A_503 = arith.addf %add3A_493, %mul3A_502 : vector<16xf32>
      %add3A_504 = arith.constant 25 : i32
      %add3A_505 = vector.broadcast %add3A_504 : i32 to vector<16xi32>
      %add3A_506 = arith.addi %mul3A_252, %add3A_505 : vector<16xi32>
      %gather3A_507 = tpu.vector_load_idx %arg11[%add3A_506] : memref<16384xf32, #tpu.memory_space<vmem>>[vector<16xi32>], vector<16xf32>,
      %add3A_508 = arith.constant 25 : i32
      %add3A_509 = vector.broadcast %add3A_508 : i32 to vector<16xi32>
      %add3A_510 = arith.addi %mul3A_252, %add3A_509 : vector<16xi32>
      %gather3A_511 = tpu.vector_load_idx %arg12[%add3A_510] : memref<16384xf32, #tpu.memory_space<vmem>>[vector<16xi32>], vector<16xf32>,
      %mul3A_512 = arith.mulf %gather3A_507, %gather3A_511 : vector<16xf32>
      %add3A_513 = arith.addf %add3A_503, %mul3A_512 : vector<16xf32>
      %add3A_514 = arith.constant 26 : i32
      %add3A_515 = vector.broadcast %add3A_514 : i32 to vector<16xi32>
      %add3A_516 = arith.addi %mul3A_252, %add3A_515 : vector<16xi32>
      %gather3A_517 = tpu.vector_load_idx %arg11[%add3A_516] : memref<16384xf32, #tpu.memory_space<vmem>>[vector<16xi32>], vector<16xf32>,
      %add3A_518 = arith.constant 26 : i32
      %add3A_519 = vector.broadcast %add3A_518 : i32 to vector<16xi32>
      %add3A_520 = arith.addi %mul3A_252, %add3A_519 : vector<16xi32>
      %gather3A_521 = tpu.vector_load_idx %arg12[%add3A_520] : memref<16384xf32, #tpu.memory_space<vmem>>[vector<16xi32>], vector<16xf32>,
      %mul3A_522 = arith.mulf %gather3A_517, %gather3A_521 : vector<16xf32>
      %add3A_523 = arith.addf %add3A_513, %mul3A_522 : vector<16xf32>
      %add3A_524 = arith.constant 27 : i32
      %add3A_525 = vector.broadcast %add3A_524 : i32 to vector<16xi32>
      %add3A_526 = arith.addi %mul3A_252, %add3A_525 : vector<16xi32>
      %gather3A_527 = tpu.vector_load_idx %arg11[%add3A_526] : memref<16384xf32, #tpu.memory_space<vmem>>[vector<16xi32>], vector<16xf32>,
      %add3A_528 = arith.constant 27 : i32
      %add3A_529 = vector.broadcast %add3A_528 : i32 to vector<16xi32>
      %add3A_530 = arith.addi %mul3A_252, %add3A_529 : vector<16xi32>
      %gather3A_531 = tpu.vector_load_idx %arg12[%add3A_530] : memref<16384xf32, #tpu.memory_space<vmem>>[vector<16xi32>], vector<16xf32>,
      %mul3A_532 = arith.mulf %gather3A_527, %gather3A_531 : vector<16xf32>
      %add3A_533 = arith.addf %add3A_523, %mul3A_532 : vector<16xf32>
      %add3A_534 = arith.constant 28 : i32
      %add3A_535 = vector.broadcast %add3A_534 : i32 to vector<16xi32>
      %add3A_536 = arith.addi %mul3A_252, %add3A_535 : vector<16xi32>
      %gather3A_537 = tpu.vector_load_idx %arg11[%add3A_536] : memref<16384xf32, #tpu.memory_space<vmem>>[vector<16xi32>], vector<16xf32>,
      %add3A_538 = arith.constant 28 : i32
      %add3A_539 = vector.broadcast %add3A_538 : i32 to vector<16xi32>
      %add3A_540 = arith.addi %mul3A_252, %add3A_539 : vector<16xi32>
      %gather3A_541 = tpu.vector_load_idx %arg12[%add3A_540] : memref<16384xf32, #tpu.memory_space<vmem>>[vector<16xi32>], vector<16xf32>,
      %mul3A_542 = arith.mulf %gather3A_537, %gather3A_541 : vector<16xf32>
      %add3A_543 = arith.addf %add3A_533, %mul3A_542 : vector<16xf32>
      %add3A_544 = arith.constant 29 : i32
      %add3A_545 = vector.broadcast %add3A_544 : i32 to vector<16xi32>
      %add3A_546 = arith.addi %mul3A_252, %add3A_545 : vector<16xi32>
      %gather3A_547 = tpu.vector_load_idx %arg11[%add3A_546] : memref<16384xf32, #tpu.memory_space<vmem>>[vector<16xi32>], vector<16xf32>,
      %add3A_548 = arith.constant 29 : i32
      %add3A_549 = vector.broadcast %add3A_548 : i32 to vector<16xi32>
      %add3A_550 = arith.addi %mul3A_252, %add3A_549 : vector<16xi32>
      %gather3A_551 = tpu.vector_load_idx %arg12[%add3A_550] : memref<16384xf32, #tpu.memory_space<vmem>>[vector<16xi32>], vector<16xf32>,
      %mul3A_552 = arith.mulf %gather3A_547, %gather3A_551 : vector<16xf32>
      %add3A_553 = arith.addf %add3A_543, %mul3A_552 : vector<16xf32>
      %add3A_554 = arith.constant 30 : i32
      %add3A_555 = vector.broadcast %add3A_554 : i32 to vector<16xi32>
      %add3A_556 = arith.addi %mul3A_252, %add3A_555 : vector<16xi32>
      %gather3A_557 = tpu.vector_load_idx %arg11[%add3A_556] : memref<16384xf32, #tpu.memory_space<vmem>>[vector<16xi32>], vector<16xf32>,
      %add3A_558 = arith.constant 30 : i32
      %add3A_559 = vector.broadcast %add3A_558 : i32 to vector<16xi32>
      %add3A_560 = arith.addi %mul3A_252, %add3A_559 : vector<16xi32>
      %gather3A_561 = tpu.vector_load_idx %arg12[%add3A_560] : memref<16384xf32, #tpu.memory_space<vmem>>[vector<16xi32>], vector<16xf32>,
      %mul3A_562 = arith.mulf %gather3A_557, %gather3A_561 : vector<16xf32>
      %add3A_563 = arith.addf %add3A_553, %mul3A_562 : vector<16xf32>
      %add3A_564 = arith.constant 31 : i32
      %add3A_565 = vector.broadcast %add3A_564 : i32 to vector<16xi32>
      %add3A_566 = arith.addi %mul3A_252, %add3A_565 : vector<16xi32>
      %gather3A_567 = tpu.vector_load_idx %arg11[%add3A_566] : memref<16384xf32, #tpu.memory_space<vmem>>[vector<16xi32>], vector<16xf32>,
      %add3A_568 = arith.constant 31 : i32
      %add3A_569 = vector.broadcast %add3A_568 : i32 to vector<16xi32>
      %add3A_570 = arith.addi %mul3A_252, %add3A_569 : vector<16xi32>
      %gather3A_571 = tpu.vector_load_idx %arg12[%add3A_570] : memref<16384xf32, #tpu.memory_space<vmem>>[vector<16xi32>], vector<16xf32>,
      %mul3A_572 = arith.mulf %gather3A_567, %gather3A_571 : vector<16xf32>
      %add3A_573 = arith.addf %add3A_563, %mul3A_572 : vector<16xf32>
      %mul3A_574 = arith.constant 16 : i32
      %mul3A_575 = arith.muli %scan3A_245, %mul3A_574 : i32
      %swap3A = arith.index_cast %mul3A_575 : i32 to index
      %swap3A_576 = tpu.vector_load %arg13[%swap3A] {strides = array<i32>} : memref<512xf32, #tpu.memory_space<vmem>>, vector<16xf32>,
      tpu.vector_store %arg13[%swap3A], %add3A_573 {strides = array<i32>} : memref<512xf32, #tpu.memory_space<vmem>>, vector<16xf32>,
    }
    %scan3A_244 = arith.constant 32 : i32
    "tpu.region"() ({
      %run_scoped3A = tpu.sem_alloc : memref<!tpu.dma_semaphore, #tpu.memory_space<semaphore_mem>>
      %dma_start3A_245 = tpu.memref_slice %arg6[%mul3A_2] : memref<16384xf32, #tpu.memory_space<hbm>> -> memref<512xf32, #tpu.memory_space<hbm>>
      %dma_start3A_246 = tpu.memref_slice %arg6[%mul3A_2] : memref<16384xf32, #tpu.memory_space<hbm>> -> memref<512xf32, #tpu.memory_space<hbm>>
      tpu.enqueue_dma source(%arg13 : memref<512xf32, #tpu.memory_space<vmem>>) target(%dma_start3A_246 : memref<512xf32, #tpu.memory_space<hbm>>) target_semaphore(%run_scoped3A : memref<!tpu.dma_semaphore, #tpu.memory_space<semaphore_mem>>)
      %dma_wait3A = tpu.memref_slice %arg6[%mul3A_2] : memref<16384xf32, #tpu.memory_space<hbm>> -> memref<512xf32, #tpu.memory_space<hbm>>
      %dma_wait3A_247 = tpu.memref_slice %arg6[%mul3A_2] : memref<16384xf32, #tpu.memory_space<hbm>> -> memref<512xf32, #tpu.memory_space<hbm>>
      tpu.wait_dma2 semaphore(%run_scoped3A : memref<!tpu.dma_semaphore, #tpu.memory_space<semaphore_mem>>) src(%arg13 : memref<512xf32, #tpu.memory_space<vmem>>) dst(%dma_wait3A_247 : memref<512xf32, #tpu.memory_space<hbm>>)
      tpu.yield
    }) : () -> ()
    return
  }
}

</mosaic_0001>

<sc_bundles>
// kernel: kernel.3.cloned.1.call-start
scs
__scs_entry_jumppad:
0x0: {  	(pc) =	sbr.rel $0x88, $3  }
0x1: {  	(tag) =	ssettag $0x0;
	lr =	simm.s32 $0x1  }
0x2: {  	[smem:$0x3F9D] =	sst lr;
	_ =	strace $0xD0000000  }
0x3: {  	_ = 	snop  }
0x4: {  	_ = 	snop  }
0x5: {  	_ = 	snop  }
0x6: {  	_ = 	snop  }
0x7: {  	_ = 	snop  }
__scs_overlays_trampoline_lowered:
0x8: {  	[smem:$0x3FAC] =	sst s0  }
0x9: {  	[smem:$0x3FAD] =	sst s1  }
0xa: {  	[smem:$0x3FAE] =	sst s2  }
0xb: {  	[smem:$0x3FAF] =	sst s3  }
0xc: {  	[smem:$0x3FB0] =	sst s4  }
0xd: {  	[smem:$0x3FB1] =	sst s5  }
0xe: {  	[smem:$0x3FB2] =	sst s6  }
0xf: {  	[smem:$0x3FB3] =	sst s7  }
0x10: {  	[smem:$0x3FB4] =	sst s8  }
0x11: {  	[smem:$0x3FB5] =	sst s9;
	s0 =	simm.s32 @!p0 $0x0  }
0x12: {  	s1 =	sld [smem:$0x3F9B];
	s0 =	simm.s32 @p0 $0x1  }
0x13: {  	[smem:$0x3FB6] =	sst s0;
	s0 =	simm.s32 @!p1 $0x0  }
0x14: {  	s2 =	sld [smem:$0x3F9A];
	s0 =	simm.s32 @p1 $0x1  }
0x15: {  	[smem:$0x3FB7] =	sst s0;
	s0 =	simm.s32 @!p2 $0x0  }
0x16: {  	s3 =	sld [smem:$0x3FDB];
	s0 =	simm.s32 @p2 $0x1  }
0x17: {  	s4 =	simm.s32 $0x1BF5;
	[smem:$0x3FB9] =	sst s0  }
0x18: {  	s0 =	sld [smem:$0x3F9C];
	_ =	swait.ge [sflag:s4], $0x0  }
0x19: {  	s7 =	sld [smem:$0x3F9D]  }
0x1a: {  	s8 =	sadd.s32 $0xFFFFE003, lr  }
0x1b: {  	s9 =	sadd.s32 $0xFFFFFEF7, lr;
	s5 =	simm.s32 $0xFFFFFFFF;
	p2 =	slt.u32 s8, $0xFFFFF086  }
0x1c: {  	p1 =	slt.u32 s9, $0xF7A;
	s5 =	simm.s32 @!p2 $0x0  }
0x1d: {  	s5 =	simm.s32 @p1 $0x1;
	p0 =	seq.s32 s7, s2  }
0x1e: {  	s7 =	smul.u32 @!p0 $0xF7A, s2;
	p2 =	seq.s32 @!p0 s5, $0x0  }
0x1f: {  	s9 =	smul.u32 $0xF7A, s1;
	s8 =	simm.s32 @!p0 $0x1BF5;
	p2 =	por !p2, p0  }
0x20: {  	[sflag:s8] =	ssyncset.s32 @!p0 $0xFFFFF086;
	s6 =	sadd.s32 @!p0 s3, s7;
	s7 =	simm.s32 @!p0 $0x108  }
0x21: {  	s3 =	sadd.s32 s3, s9;
	s6 =	sadd.s32 @!p0 $0x88, s6;
	s7 =	simm.s32 @p2 $0x1082  }
0x22: {  	[simem:s7], [sflag:s8] =	dma.local @!p0 [hbm:s6], $0xF7A  }
0x23: {  	s9 =	sor.u32 $0xD0000000, s2;
	s6 =	simm.s32 $0x108;
	_ =	swait.ge @!p0 [sflag:s8], $0x0  }
0x24: {  	s3 =	sadd.s32 $0x88, s3;
	s6 =	simm.s32 @!p1 $0x1082;
	[sflag:s4] =	ssyncset.s32 $0xFFFFF086  }
0x25: {  	[simem:s6], [sflag:s4] =	dma.local [hbm:s3], $0xF7A  }
0x26: {  	[smem:$0x3F9D] =	sst s1;
	(tag) =	ssettag s2;
	_ =	strace s9  }
0x27: {  	s1 =	sld [smem:$0x3FAD]  }
0x28: {  	s2 =	sld [smem:$0x3FAE]  }
0x29: {  	s4 =	sld [smem:$0x3FB0]  }
0x2a: {  	p0 =	seq.s32 s5, $0x0;
	s5 =	sld [smem:$0x3FB1]  }
0x2b: {  	s6 =	sld [smem:$0x3FB2]  }
0x2c: {  	s7 =	sld [smem:$0x3FB3]  }
0x2d: {  	s3 =	simm.s32 $0x108;
	s8 =	sld [smem:$0x3FB4]  }
0x2e: {  	s3 =	simm.s32 @!p0 $0x1082;
	s9 =	sld [smem:$0x3FB5]  }
0x2f: {  	lr =	sadd.s32 s0, s3;
	s0 =	sld [smem:$0x3FAC]  }
0x30: {  	s3 =	sld [smem:$0x3FAF]  }
0x31: {  	[smem:$0x3FB8] =	sst s10  }
0x32: {  	s10 =	sld [smem:$0x3FB6];
	_ =	sdelay $0x3  }
0x33: {  	p0 =	seq.s32 s10, $0x1;
	s10 =	sld [smem:$0x3FB8];
	_ =	sdelay $0x3  }
0x34: {  	[smem:$0x3FB8] =	sst s10  }
0x35: {  	s10 =	sld [smem:$0x3FB7];
	_ =	sdelay $0x3  }
0x36: {  	p1 =	seq.s32 s10, $0x1;
	s10 =	sld [smem:$0x3FB8];
	_ =	sdelay $0x3  }
0x37: {  	[smem:$0x3FB8] =	sst s10  }
0x38: {  	s10 =	sld [smem:$0x3FB9]  }
0x39: {  	_ = 	snop;
	(pc) =	sbr.ind lr, $3  }
0x3a: {  	_ = 	snop  }
0x3b: {  	_ = 	snop  }
0x3c: {  	p2 =	seq.s32 s10, $0x1;
	s10 =	sld [smem:$0x3FB8]  }
0x3d: {  	_ =	shalt  }
0x3e: {  	_ =	shalt  }
0x3f: {  	_ =	shalt  }
0x40: {  	_ =	shalt  }
0x41: {  	_ =	shalt  }
0x42: {  	_ =	shalt  }
0x43: {  	_ =	shalt  }
0x44: {  	_ =	shalt  }
0x45: {  	_ =	shalt  }
0x46: {  	_ =	shalt  }
0x47: {  	_ =	shalt  }
0x48: {  	_ =	shalt  }
0x49: {  	_ =	shalt  }
0x4a: {  	_ =	shalt  }
0x4b: {  	_ =	shalt  }
0x4c: {  	_ =	shalt  }
0x4d: {  	_ =	shalt  }
0x4e: {  	_ =	shalt  }
0x4f: {  	_ =	shalt  }
0x50: {  	_ =	shalt  }
0x51: {  	_ =	shalt  }
0x52: {  	_ =	shalt  }
0x53: {  	_ =	shalt  }
0x54: {  	_ =	shalt  }
0x55: {  	_ =	shalt  }
0x56: {  	_ =	shalt  }
0x57: {  	_ =	shalt  }
0x58: {  	_ =	shalt  }
0x59: {  	_ =	shalt  }
0x5a: {  	_ =	shalt  }
0x5b: {  	_ =	shalt  }
0x5c: {  	_ =	shalt  }
0x5d: {  	_ =	shalt  }
0x5e: {  	_ =	shalt  }
0x5f: {  	_ =	shalt  }
0x60: {  	_ =	shalt  }
0x61: {  	_ =	shalt  }
0x62: {  	_ =	shalt  }
0x63: {  	_ =	shalt  }
0x64: {  	_ =	shalt  }
0x65: {  	_ =	shalt  }
0x66: {  	_ =	shalt  }
0x67: {  	_ =	shalt  }
0x68: {  	_ =	shalt  }
0x69: {  	_ =	shalt  }
0x6a: {  	_ =	shalt  }
0x6b: {  	_ =	shalt  }
0x6c: {  	_ =	shalt  }
0x6d: {  	_ =	shalt  }
0x6e: {  	_ =	shalt  }
0x6f: {  	_ =	shalt  }
0x70: {  	_ =	shalt  }
0x71: {  	_ =	shalt  }
0x72: {  	_ =	shalt  }
0x73: {  	_ =	shalt  }
0x74: {  	_ =	shalt  }
0x75: {  	_ =	shalt  }
0x76: {  	_ =	shalt  }
0x77: {  	_ =	shalt  }
0x78: {  	_ =	shalt  }
0x79: {  	_ =	shalt  }
0x7a: {  	_ =	shalt  }
0x7b: {  	_ =	shalt  }
0x7c: {  	_ =	shalt  }
0x7d: {  	_ =	shalt  }
0x7e: {  	_ =	shalt  }
0x7f: {  	_ =	shalt  }
0x80: {  	_ =	shalt  }
0x81: {  	_ =	shalt  }
0x82: {  	_ =	shalt  }
0x83: {  	_ =	shalt  }
0x84: {  	_ =	shalt  }
0x85: {  	_ =	shalt  }
0x86: {  	_ =	shalt  }
0x87: {  	_ =	shalt  }
.Lfunc_end0:
.L_simem_size_0:
called_computation_lowered:
.L_overlay_start_0:
0x88: {  	s2 =	sld [smem:$0x3FD9]  }
0x89: {  	s3 =	sld [smem:$0x3FFE];
	_ =	sdelay $0x1  }
0x8a: {  	s1 =	srdreg.scid  }
0x8b: {  	s0 =	sand.u32 $0x1, s1  }
0x8c: {  	s18 =	sshll.u32 s0, $0xA;
	s2 =	sadd.s32 s3, s2  }
0x8d: {  	s2 =	sadd.s32 s2, s18  }
0x8e: {  	[smem:$0x3FC4] =	sst s2  }
0x8f: {  	_ = 	snop  }
0x90: {  	s2 =	sld [smem:$0x3FC9]  }
0x91: {  	s19 =	sld [smem:$0x3FC8]  }
0x92: {  	s4 =	sld [smem:$0x3FC7]  }
0x93: {  	s5 =	sld [smem:$0x3FC6]  }
0x94: {  	s6 =	sld [smem:$0x3FD0];
	(tm) =	ssettm $0x1  }
0x95: {  	s7 =	sld [smem:$0x3FFB];
	_ =	sdelay $0x3  }
0x96: {  	_ =	strace s7  }
0x97: {  	s7 =	sld [smem:$0x3FFC];
	_ =	sdelay $0x3  }
0x98: {  	_ =	strace s7  }
0x99: {  	s7 =	sld [smem:$0x3FFD];
	_ =	sdelay $0x3  }
0x9a: {  	_ =	strace s7  }
0x9b: {  	_ =	strace $0x8FFFFFFF  }
0x9c: {  	s20 =	sld [smem:$0x3FDB];
	_ =	sdelay $0x1  }
0x9d: {  	s8 =	simm.s32 $_scs_section_size  }
0x9e: {  	s9 =	simm.s32 $_size__tile_overlayer_lowered;
	s10 =	simm.s32 $_tile_overlayer_lowered  }
0x9f: {  	s23 =	simm.s32 $0x1BFF;
	s22 =	sshll.u32 s10, $0x1;
	s7 =	sadd.s32 s8, s20  }
0xa0: {  	s11 =	simm.s32 $0x0;
	s21 =	sshll.u32 s9, $0x1;
	s9 =	sadd.s32 s22, s7  }
0xa1: {  	[timem:s11], [sflag:s23] =	dma.local [hbm:s9], s21  }
0xa2: {  	_ =	swait.ge [sflag:s23], s21  }
0xa3: {  	s8 =	ssub.s32 $0x0, s21;
	[sflag:s23] =	ssyncset.done $0x0  }
0xa4: {  	[sflag:s23] =	ssyncadd.s32 s8;
	_ =	sdelay $0x1  }
0xa5: {  	s24 =	simm.s32 $0x1B8B  }
0xa6: {  	_ =	swait.ge [sflag:s24], $0x1  }
0xa7: {  	[sflag:s24] =	ssyncset.done $0x0  }
0xa8: {  	s25 =	simm.s32 $0x1B8E;
	[sflag:s24] =	ssyncadd.s32 $0xFFFFFFFF  }
0xa9: {  	s26 =	simm.s32 $execute0_lowered;
	[smem:$0x3FD2] =	sst s25  }
0xaa: {  	s8 =	sshll.u32 s26, $0x1;
	_ =	strace $0x80000046;
	[dreg:$0x1] =	wrdreg $0xFFFFFFFF  }
0xab: {  	s28 =	simm.s32 $_size_execute0_lowered;
	s7 =	sadd.s32 s7, s8;
	[dreg:$0x0] =	wrdreg $0x0  }
0xac: {  	s8 =	sshll.u32 s28, $0x1;
	[dreg:$0x2] =	wrdreg s7  }
0xad: {  	[dreg:$0x3] =	wrdreg s8  }
0xae: {  	[dreg:$0x4] =	wrdreg $0xC0  }
0xaf: {  	_ =	task [dreg:s11], $0x5FFFF  }
0xb0: {  	[dreg:$0x1] =	wrdreg $0xFFFFFFFF  }
0xb1: {  	[dreg:$0x0] =	wrdreg $0x60  }
0xb2: {  	[dreg:$0x2] =	wrdreg s2  }
0xb3: {  	[dreg:$0x3] =	wrdreg s19  }
0xb4: {  	[dreg:$0x4] =	wrdreg s4  }
0xb5: {  	[dreg:$0x5] =	wrdreg s5  }
0xb6: {  	[dreg:$0x6] =	wrdreg s6  }
0xb7: {  	[dreg:$0x7] =	wrdreg $0x9  }
0xb8: {  	_ =	task.clear_ibuf [dreg:s11], $0x8FFFF;
	_ =	strace $0x90000046  }
0xb9: {  	s29 =	simm.s32 $0x9;
	_ =	strace $0x80000048  }
0xba: {  	_ =	swait.ge [sflag:s29], $0x1  }
0xbb: {  	[sflag:s29] =	ssyncadd.s32 $0xFFFFFFFF  }
0xbc: {  	_ =	strace $0x90000048  }
0xbd: {  	_ =	sfence  }
0xbe: {  	s30 =	sld [smem:$0x0];
	_ =	sdelay $0x2  }
0xbf: {  	s31 =	sshll.u32 s1, $0xD;
	s1 =	sshrl.u32 s1, $0x2  }
0xc0: {  	s3 =	sand.u32 $0x4000, s31;
	s1 =	sadd.s32 s1, s30  }
0xc1: {  	s0 =	sor.u32 s3, s0;
	s1 =	sshll.u32 s1, $0x11  }
0xc2: {  	s0 =	sor.u32 s1, s0  }
0xc3: {  	s0 =	sadd.s32 $0x8F2B, s0  }
0xc4: {  	[sflag:s0] =	ssyncadd.remote.s32 $0x1  }
0xc5: {  	_ =	sfence.sel $0xFFFF  }
0xc6: {  	[dreg:$0x0] =	wrdreg $0xFFFFFFFF;
	(pc) =	sbr.abs _section_cstart, $3  }
0xc7: {  	[dreg:$0x1] =	wrdreg $0xFFFFFFFF  }
0xc8: {  	_ =	task.clear_ibuf [dreg:s11], $0x2FFFF;
	_ =	strace $0x9FFFFFFF  }
0xc9: {  	(tm) =	ssettm $0x7FFFFFFF  }
tec
execute0_lowered:
.L_overlay_start_1:
0x0: {  	(tag) =	ssettag $0x1  }
0x1: {  	s0 =	rddreg [dreg:$0x0]  }
0x2: {  	s3 =	rddreg [dreg:$0x1]  }
0x3: {  	s1 =	rddreg [dreg:$0x2]  }
0x4: {  	s2 =	rddreg [dreg:$0x3]  }
0x5: {  	s4 =	rddreg [dreg:$0x4];
	s5 =	srdreg.scid;
	s9 =	simm.s32 $0x0  }
0x6: {  	s7 =	stileid.u32;
	s11 =	simm.s32 $0x7A1400;
	s12 =	simm.s32 $0x400  }
0x7: {  	s13 =	simm.s32 $0x8400;
	s15 =	simm.s32 $0x9400;
	s16 =	simm.s32 $0x2400  }
0x8: {  	s17 =	simm.s32 $0xA400;
	s18 =	simm.s32 $0x3400;
	s19 =	simm.s32 $0xB400  }
0x9: {  	s20 =	simm.s32 $0x4400;
	s21 =	simm.s32 $0xC400;
	s22 =	simm.s32 $0x5400  }
0xa: {  	s23 =	simm.s32 $0xD400;
	s28 =	simm.s32 $0xF400;
	s29 =	simm.s32 $0x1  }
0xb: {  	s30 =	simm.s32 $0x3;
	s31 =	simm.s32 $0x2;
	s5 =	sand.u32 $0x1, s5  }
0xc: {  	v0 =	vlaneseq.u32;
	s7 =	sshll.u32 s7, $0x7;
	s6 =	ssub.s32 $0x2, s5;
	s5 =	sshll.u32 s5, $0x6  }
0xd: {  	vm0 =	vmmov $0x1;
	s10 =	simm.s32 $0x14400;
	[smem:$0x7FF] =	sst s9;
	v1 =	vmul.u32 $0x80, v0;
	s5 =	sor.u32 s5, s7  }
0xe: {  	vm1 =	vcmask $0x308;
	vm2 =	vcmask $0x70C;
	vm3 =	vcmask $0xB10;
	_ =	strace $0x80000047;
	s8 =	sshrl.u32 s6, $0x1;
	s0 =	sadd.s32 s0, s5  }
0xf: {  	v2 =	vor.u32 $0x800, v1;
	v3 =	vor.u32 $0x1000, v1;
	v4 =	vor.u32 $0x1800, v1;
	s6 =	ssub.s32 s6, s8;
	s24 =	sadd.s32 s3, s5;
	[dreg:$0x6] =	wrdreg s0  }
0x10: {  	v5 =	vor.u32 $0x2000, v1;
	v6 =	vor.u32 $0x2800, v1;
	v7 =	vor.u32 $0x3000, v1;
	s25 =	sadd.s32 s4, s5;
	s5 =	simm.s32 $0x5;
	[dreg:$0x7] =	wrdreg s24  }
0x11: {  	v8 =	vor.u32 $0x3800, v1;
	v9 =	vor.u32 $0x4000, v1;
	v10 =	vor.u32 $0x4800, v1;
	s3 =	simm.s32 $0x10400;
	[dreg:$0x8] =	wrdreg s25;
	s26 =	smax.u32 s6, $0x1  }
0x12: {  	v11 =	vor.u32 $0x5000, v1;
	v12 =	vor.u32 $0x5800, v1;
	v13 =	vor.u32 $0x6000, v1;
	s24 =	simm.s32 $0x6400;
	s25 =	simm.s32 $0xE400;
	s0 =	simm.s32 $0x4  }
0x13: {  	v14 =	vor.u32 $0x6800, v1;
	v15 =	vor.u32 $0x7000, v1;
	v16 =	vor.u32 $0x7800, v1;
	s6 =	simm.s32 $0x0;
	[dreg:$0x9] =	wrdreg s26;
	s26 =	simm.s32 $0x7400  }
.LBB2_1:
0x14: {  	[dreg:$0xa] =	wrdreg s6  }
0x15: {  	s4 =	rddreg [dreg:$0x6]  }
0x16: {  	[tilespmem:s9], [sflag:$0x5] =	stream.linear.gather [hbm4b:s4+s9], $0x200, $0x38;
	[tilespmem:$0x18600] =	vst v63  }
0x17: {  	_ =	swait.ge [sflag:s5], $0x200  }
0x18: {  	[sflag:s5] =	ssyncset.done $0x0  }
0x19: {  	s14 =	simm.s32 $0x200;
	s8 =	rddreg [dreg:$0x7];
	[sflag:s5] =	ssyncadd.s32 $0xFFFFFE00  }
0x1a: {  	[tilespmem:s14], [sflag:$0x5] =	stream.linear.gather [hbm4b:s8+s9], $0x200, $0x38;
	[tilespmem:$0x18600] =	vst v63  }
0x1b: {  	_ =	swait.ge [sflag:s5], $0x200  }
0x1c: {  	[sflag:s5] =	ssyncset.done $0x0  }
0x1d: {  	[sflag:s5] =	ssyncadd.s32 $0xFFFFFE00  }
0x1e: {  	v17 =	vld [tilespmem:$0x0];
	_ =	sdelay $0x1  }
0x1f: {  	v18 =	vld [tilespmem:$0x200];
	_ =	sdelay $0x2  }
0x20: {  	v17 =	vnsel vm0, $0x0, v17  }
0x21: {  	(xrf0) =	vadd.scan.msk.s32 $0xffff, v17  }
0x22: {  	v17 =	vnsel vm0, $0x0, v18  }
0x23: {  	(xrf0) =	vadd.scan.msk.s32 $0xffff, v17;
	_ =	sdelay $0x3  }
0x24: {  	v17, _, _ =	vpop (xrf0)  }
0x25: {  	(v2sf) =	vpush v17, $0xF  }
0x26: {  	v17, _, _ =	vpop (xrf0)  }
0x27: {  	(v2sf) =	vpush v17, $0xF;
	_ =	sdelay $0xc  }
0x28: {  	s7 =	spop (v2sf)  }
0x29: {  	s4 =	sand.u32 $0xFFFFF80, s7  }
0x2a: {  	s8 =	spop (v2sf);
	s4 =	sadd.s32 s1, s4  }
0x2b: {  	[tilespmem:s12], [sflag:$0x1] =	stream.strided.gather [hbm4b:s4+s12], $0x1000, s11, s12, $0x38;
	[tilespmem:$0x18600] =	vst v63  }
0x2c: {  	s4 =	sand.u32 $0xFFFFF80, s8  }
0x2d: {  	s4 =	sadd.s32 s2, s4  }
0x2e: {  	[tilespmem:s13], [sflag:$0x3] =	stream.strided.gather [hbm4b:s4+s12], $0x1000, s11, s12, $0x38;
	[tilespmem:$0x18600] =	vst v63  }
0x2f: {  	v17 =	vld [tilespmem:$0x0];
	_ =	sdelay $0x1  }
0x30: {  	v18 =	vld [tilespmem:$0x200];
	_ =	sdelay $0x2  }
0x31: {  	v17 =	vsel vm1, $0x0, v17  }
0x32: {  	(xrf0) =	vadd.scan.msk.s32 $0xffff, v17  }
0x33: {  	v17 =	vsel vm1, $0x0, v18  }
0x34: {  	(xrf0) =	vadd.scan.msk.s32 $0xffff, v17;
	_ =	sdelay $0x3  }
0x35: {  	v17, _, _ =	vpop (xrf0)  }
0x36: {  	(v2sf) =	vpush v17, $0xF  }
0x37: {  	v17, _, _ =	vpop (xrf0)  }
0x38: {  	(v2sf) =	vpush v17, $0xF;
	_ =	sdelay $0xc  }
0x39: {  	s9 =	spop (v2sf)  }
0x3a: {  	s4 =	sand.u32 $0xFFFFF80, s9  }
0x3b: {  	s14 =	simm.s32 $0x1400;
	s6 =	spop (v2sf);
	s4 =	sadd.s32 s1, s4  }
0x3c: {  	[tilespmem:s14], [sflag:$0x1] =	stream.strided.gather [hbm4b:s4+s12], $0x1000, s11, s12, $0x38;
	[tilespmem:$0x18600] =	vst v63  }
0x3d: {  	s4 =	sand.u32 $0xFFFFF80, s6  }
0x3e: {  	s4 =	sadd.s32 s2, s4  }
0x3f: {  	[tilespmem:s15], [sflag:$0x3] =	stream.strided.gather [hbm4b:s4+s12], $0x1000, s11, s12, $0x38;
	[tilespmem:$0x18600] =	vst v63  }
0x40: {  	v17 =	vld [tilespmem:$0x0];
	_ =	sdelay $0x1  }
0x41: {  	v18 =	vld [tilespmem:$0x200];
	_ =	sdelay $0x2  }
0x42: {  	v17 =	vsel vm2, $0x0, v17  }
0x43: {  	(xrf0) =	vadd.scan.msk.s32 $0xffff, v17  }
0x44: {  	v17 =	vsel vm2, $0x0, v18  }
0x45: {  	(xrf0) =	vadd.scan.msk.s32 $0xffff, v17;
	_ =	sdelay $0x3  }
0x46: {  	v17, _, _ =	vpop (xrf0)  }
0x47: {  	(v2sf) =	vpush v17, $0xF  }
0x48: {  	v17, _, _ =	vpop (xrf0)  }
0x49: {  	(v2sf) =	vpush v17, $0xF;
	_ =	sdelay $0xc  }
0x4a: {  	s7 =	spop (v2sf)  }
0x4b: {  	s4 =	sand.u32 $0xFFFFF80, s7  }
0x4c: {  	s8 =	spop (v2sf);
	s4 =	sadd.s32 s1, s4  }
0x4d: {  	[tilespmem:s16], [sflag:$0x1] =	stream.strided.gather [hbm4b:s4+s12], $0x1000, s11, s12, $0x38;
	[tilespmem:$0x18600] =	vst v63  }
0x4e: {  	s4 =	sand.u32 $0xFFFFF80, s8  }
0x4f: {  	s4 =	sadd.s32 s2, s4  }
0x50: {  	[tilespmem:s17], [sflag:$0x3] =	stream.strided.gather [hbm4b:s4+s12], $0x1000, s11, s12, $0x38;
	[tilespmem:$0x18600] =	vst v63  }
0x51: {  	v17 =	vld [tilespmem:$0x0];
	_ =	sdelay $0x3  }
0x52: {  	v18 =	vld [tilespmem:$0x200]  }
0x53: {  	v17 =	vsel vm3, $0x0, v17  }
0x54: {  	(xrf0) =	vadd.scan.msk.s32 $0xffff, v17;
	_ =	sdelay $0x2  }
0x55: {  	v17 =	vsel vm3, $0x0, v18  }
0x56: {  	(xrf0) =	vadd.scan.msk.s32 $0xffff, v17;
	_ =	sdelay $0x1  }
0x57: {  	v17, _, _ =	vpop (xrf0)  }
0x58: {  	(v2sf) =	vpush v17, $0xF;
	_ =	sdelay $0x2  }
0x59: {  	v17, _, _ =	vpop (xrf0)  }
0x5a: {  	(v2sf) =	vpush v17, $0xF;
	_ =	sdelay $0xa  }
0x5b: {  	s9 =	spop (v2sf)  }
0x5c: {  	s4 =	sand.u32 $0xFFFFF80, s9  }
0x5d: {  	s4 =	sadd.s32 s1, s4  }
0x5e: {  	[tilespmem:s18], [sflag:$0x1] =	stream.strided.gather [hbm4b:s4+s12], $0x1000, s11, s12, $0x38;
	[tilespmem:$0x18600] =	vst v63  }
.Ltmp0:
0x5f: {  	s14 =	spop (v2sf);
	(pc) =	sbr.rel .LBB2_2-.Ltmp0, $4  }
0x60: {  	s4 =	sand.u32 $0xFFFFF80, s14  }
0x61: {  	s6 =	simm.s32 $0xB;
	s4 =	sadd.s32 s2, s4  }
0x62: {  	[tilespmem:s19], [sflag:$0x3] =	stream.strided.gather [hbm4b:s4+s12], $0x1000, s11, s12, $0x38;
	[tilespmem:$0x18600] =	vst v63  }
0x63: {  	s7 =	simm.s32 $0xE0;
	s8 =	simm.s32 $0x14480;
	s4 =	simm.s32 $0x10480  }
.LBB2_4:
0x64: {  	_ =	swait.ge [sflag:s31], $0x1000  }
0x65: {  	[sflag:s31] =	ssyncset.done $0x0  }
0x66: {  	[sflag:s31] =	ssyncadd.s32 $0xFFFFF000  }
0x67: {  	_ =	swait.ge [sflag:s0], $0x1000  }
0x68: {  	[sflag:s0] =	ssyncset.done $0x0  }
0x69: {  	[sflag:s0] =	ssyncadd.s32 $0xFFFFF000  }
0x6a: {  	_ =	swait.ge [sflag:s31], $0x1000  }
0x6b: {  	[sflag:s31] =	ssyncset.done $0x0  }
0x6c: {  	[sflag:s31] =	ssyncadd.s32 $0xFFFFF000  }
0x6d: {  	_ =	swait.ge [sflag:s0], $0x1000  }
0x6e: {  	[sflag:s0] =	ssyncset.done $0x0  }
0x6f: {  	[sflag:s0] =	ssyncadd.s32 $0xFFFFF000  }
0x70: {  	_ =	swait.ge [sflag:s31], $0x1000  }
0x71: {  	[sflag:s31] =	ssyncset.done $0x0  }
0x72: {  	[sflag:s31] =	ssyncadd.s32 $0xFFFFF000  }
0x73: {  	_ =	swait.ge [sflag:s0], $0x1000  }
0x74: {  	[sflag:s0] =	ssyncset.done $0x0  }
0x75: {  	[sflag:s0] =	ssyncadd.s32 $0xFFFFF000  }
0x76: {  	_ =	swait.ge [sflag:s31], $0x1000  }
0x77: {  	[sflag:s31] =	ssyncset.done $0x0  }
0x78: {  	[sflag:s31] =	ssyncadd.s32 $0xFFFFF000  }
0x79: {  	_ =	swait.ge [sflag:s0], $0x1000  }
0x7a: {  	[sflag:s0] =	ssyncset.done $0x0  }
0x7b: {  	[sflag:s0] =	ssyncadd.s32 $0xFFFFF000  }
0x7c: {  	v17 =	vld [tilespmem:s9+$0x0]  }
0x7d: {  	v18 =	vld [tilespmem:s9+$0x200];
	_ =	sdelay $0x3  }
0x7e: {  	v17 =	vnsel vm7, $0x0, v17  }
0x7f: {  	(xrf0) =	vadd.scan.msk.s32 $0xffff, v17;
	v17 =	vnsel vm7, $0x0, v18  }
0x80: {  	(xrf0) =	vadd.scan.msk.s32 $0xffff, v17;
	_ =	sdelay $0x4  }
0x81: {  	v17, _, _ =	vpop (xrf0)  }
0x82: {  	(v2sf) =	vpush v17, $0xF;
	v17, _, _ =	vpop (xrf0)  }
0x83: {  	(v2sf) =	vpush v17, $0xF;
	_ =	sdelay $0xd  }
0x84: {  	s5 =	spop (v2sf)  }
0x85: {  	s5 =	sand.u32 $0x7F, s5;
	s14 =	spop (v2sf)  }
0x86: {  	s14 =	sand.u32 $0x7F, s14;
	v17 =	vor.u32 s5, v9  }
0x87: {  	v18 =	vor.u32 s14, v9;
	_ =	sdelay $0x3  }
0x88: {  	v17 =	vld.idx.msk [tilespmem:v17+s12+$0x0], $0xffff  }
0x89: {  	v18 =	vld.idx.msk [tilespmem:v18+s13+$0x0], $0xffff  }
0x8a: {  	v19 =	vor.u32 s5, v10  }
0x8b: {  	v20 =	vor.u32 s14, v10;
	_ =	sdelay $0x1  }
0x8c: {  	[tilespmem:s4+$0x0] =	vst v17  }
0x8d: {  	[tilespmem:s8+$0x0] =	vst v18  }
0x8e: {  	v17 =	vld.idx.msk [tilespmem:v19+s12+$0x0], $0xffff  }
0x8f: {  	v18 =	vld.idx.msk [tilespmem:v20+s13+$0x0], $0xffff;
	_ =	sdelay $0x3  }
0x90: {  	[tilespmem:s4+$0x10] =	vst v17  }
0x91: {  	[tilespmem:s8+$0x10] =	vst v18  }
0x92: {  	v17 =	vld [tilespmem:s9+$0x0]  }
0x93: {  	v18 =	vld [tilespmem:s9+$0x200];
	_ =	sdelay $0x3  }
0x94: {  	v17 =	vnsel vm6, $0x0, v17  }
0x95: {  	(xrf0) =	vadd.scan.msk.s32 $0xffff, v17;
	v17 =	vnsel vm6, $0x0, v18  }
0x96: {  	(xrf0) =	vadd.scan.msk.s32 $0xffff, v17;
	_ =	sdelay $0x4  }
0x97: {  	v17, _, _ =	vpop (xrf0)  }
0x98: {  	(v2sf) =	vpush v17, $0xF;
	v17, _, _ =	vpop (xrf0)  }
0x99: {  	(v2sf) =	vpush v17, $0xF;
	_ =	sdelay $0xd  }
0x9a: {  	s14 =	spop (v2sf)  }
0x9b: {  	s5 =	sand.u32 $0x7F, s14;
	s14 =	spop (v2sf)  }
0x9c: {  	s14 =	sand.u32 $0x7F, s14;
	v17 =	vor.u32 s5, v11  }
0x9d: {  	v18 =	vor.u32 s14, v11;
	_ =	sdelay $0x3  }
0x9e: {  	v17 =	vld.idx.msk [tilespmem:v17+s12+$0x0], $0xffff  }
0x9f: {  	v18 =	vld.idx.msk [tilespmem:v18+s13+$0x0], $0xffff  }
0xa0: {  	v19 =	vor.u32 s5, v12  }
0xa1: {  	v61 =	vor.u32 s14, v12;
	_ =	sdelay $0x1  }
0xa2: {  	[tilespmem:s4+$0x20] =	vst v17  }
0xa3: {  	[tilespmem:s8+$0x20] =	vst v18  }
0xa4: {  	v17 =	vld.idx.msk [tilespmem:v19+s12+$0x0], $0xffff  }
0xa5: {  	v18 =	vld.idx.msk [tilespmem:v61+s13+$0x0], $0xffff;
	_ =	sdelay $0x1  }
0xa6: {  	s14 =	sadd.s32 $0xFFFFFFC0, s7  }
0xa7: {  	s5 =	sor.u32 $0x30, s14  }
0xa8: {  	[tilespmem:s5+$0x10400] =	vst v17  }
0xa9: {  	[tilespmem:s5+$0x14400] =	vst v18  }
0xaa: {  	v17 =	vld [tilespmem:s9+$0x0]  }
0xab: {  	v18 =	vld [tilespmem:s9+$0x200];
	_ =	sdelay $0x3  }
0xac: {  	v17 =	vnsel vm5, $0x0, v17  }
0xad: {  	(xrf0) =	vadd.scan.msk.s32 $0xffff, v17;
	v17 =	vnsel vm5, $0x0, v18  }
0xae: {  	(xrf0) =	vadd.scan.msk.s32 $0xffff, v17;
	_ =	sdelay $0x4  }
0xaf: {  	v17, _, _ =	vpop (xrf0)  }
0xb0: {  	(v2sf) =	vpush v17, $0xF;
	v17, _, _ =	vpop (xrf0)  }
0xb1: {  	(v2sf) =	vpush v17, $0xF;
	_ =	sdelay $0xd  }
0xb2: {  	s14 =	spop (v2sf)  }
0xb3: {  	s5 =	sand.u32 $0x7F, s14;
	s14 =	spop (v2sf)  }
0xb4: {  	s14 =	sand.u32 $0x7F, s14;
	v17 =	vor.u32 s5, v13  }
0xb5: {  	v18 =	vor.u32 s14, v13;
	_ =	sdelay $0x3  }
0xb6: {  	v17 =	vld.idx.msk [tilespmem:v17+s12+$0x0], $0xffff  }
0xb7: {  	v18 =	vld.idx.msk [tilespmem:v18+s13+$0x0], $0xffff  }
0xb8: {  	v19 =	vor.u32 s5, v14  }
0xb9: {  	v62 =	vor.u32 s14, v14;
	_ =	sdelay $0x1  }
0xba: {  	[tilespmem:s4+$0x40] =	vst v17  }
0xbb: {  	[tilespmem:s8+$0x40] =	vst v18  }
0xbc: {  	v17 =	vld.idx.msk [tilespmem:v19+s12+$0x0], $0xffff  }
0xbd: {  	v18 =	vld.idx.msk [tilespmem:v62+s13+$0x0], $0xffff;
	_ =	sdelay $0x1  }
0xbe: {  	s14 =	sadd.s32 $0xFFFFFFE0, s7  }
0xbf: {  	s5 =	sor.u32 $0x50, s14  }
0xc0: {  	[tilespmem:s5+$0x10400] =	vst v17  }
0xc1: {  	[tilespmem:s5+$0x14400] =	vst v18  }
0xc2: {  	v17 =	vld [tilespmem:s9+$0x0]  }
0xc3: {  	v18 =	vld [tilespmem:s9+$0x200];
	_ =	sdelay $0x3  }
0xc4: {  	v17 =	vnsel vm4, $0x0, v17  }
0xc5: {  	(xrf0) =	vadd.scan.msk.s32 $0xffff, v17;
	v17 =	vnsel vm4, $0x0, v18  }
0xc6: {  	(xrf0) =	vadd.scan.msk.s32 $0xffff, v17;
	_ =	sdelay $0x4  }
0xc7: {  	v17, _, _ =	vpop (xrf0)  }
0xc8: {  	(v2sf) =	vpush v17, $0xF;
	v17, _, _ =	vpop (xrf0)  }
0xc9: {  	(v2sf) =	vpush v17, $0xF;
	_ =	sdelay $0xd  }
0xca: {  	s9 =	spop (v2sf)  }
0xcb: {  	s5 =	sand.u32 $0x7F, s9;
	s14 =	spop (v2sf)  }
0xcc: {  	s9 =	sand.u32 $0x7F, s14;
	v17 =	vor.u32 s5, v15  }
0xcd: {  	v18 =	vor.u32 s9, v15;
	_ =	sdelay $0x3  }
0xce: {  	v17 =	vld.idx.msk [tilespmem:v17+s12+$0x0], $0xffff  }
0xcf: {  	v18 =	vld.idx.msk [tilespmem:v18+s13+$0x0], $0xffff  }
0xd0: {  	v19 =	vor.u32 s5, v16  }
0xd1: {  	v63 =	vor.u32 s9, v16;
	_ =	sdelay $0x1  }
0xd2: {  	[tilespmem:s4+$0x60] =	vst v17  }
0xd3: {  	[tilespmem:s8+$0x60] =	vst v18  }
0xd4: {  	s6 =	sadd.s32 $0x8, s6;
	v17 =	vld.idx.msk [tilespmem:v19+s12+$0x0], $0xffff  }
0xd5: {  	p0 =	sne.s32 s6, $0x20B;
	v18 =	vld.idx.msk [tilespmem:v63+s13+$0x0], $0xffff  }
.Ltmp1:
0xd6: {  	_ = 	snop;
	(pc) =	sbr.rel @!p0 .LBB2_5-.Ltmp1, $4  }
0xd7: {  	_ = 	snop  }
0xd8: {  	s14 =	sor.u32 $0x70, s7  }
0xd9: {  	[tilespmem:s14+$0x10400] =	vst v17  }
0xda: {  	s7 =	sadd.s32 $0x100, s7;
	s4 =	sadd.s32 $0x100, s4;
	s8 =	sadd.s32 $0x100, s8;
	[tilespmem:s14+$0x14400] =	vst v18  }
.LBB2_2:
0xdb: {  	s5 =	sadd.s32 $0xFFFFFFF5, s6  }
0xdc: {  	s9 =	sand.u32 $0x1F0, s5  }
0xdd: {  	v17 =	vld [tilespmem:s9+$0x0]  }
0xde: {  	s14 =	sadd.s32 $0xFFFFFFF9, s6  }
0xdf: {  	s14 =	sand.u32 $0xC, s14  }
0xe0: {  	v18 =	vmov s14  }
0xe1: {  	vm7 =	veq.s32 v18, v0;
	v18 =	vld [tilespmem:s9+$0x200]  }
0xe2: {  	v17 =	vnsel vm7, $0x0, v17  }
0xe3: {  	(xrf0) =	vadd.scan.msk.s32 $0xffff, v17;
	_ =	sdelay $0x2  }
0xe4: {  	v17 =	vnsel vm7, $0x0, v18  }
0xe5: {  	(xrf0) =	vadd.scan.msk.s32 $0xffff, v17;
	_ =	sdelay $0x1  }
0xe6: {  	v17, _, _ =	vpop (xrf0)  }
0xe7: {  	(v2sf) =	vpush v17, $0xF;
	_ =	sdelay $0x2  }
0xe8: {  	v17, _, _ =	vpop (xrf0)  }
0xe9: {  	(v2sf) =	vpush v17, $0xF;
	_ =	sdelay $0xa  }
0xea: {  	s14 =	spop (v2sf)  }
0xeb: {  	s14 =	sand.u32 $0xFFFFF80, s14  }
0xec: {  	s14 =	sadd.s32 s1, s14  }
0xed: {  	[tilespmem:s20], [sflag:$0x2] =	stream.strided.gather [hbm4b:s14+s12], $0x1000, s11, s12, $0x38;
	[tilespmem:$0x18600] =	vst v63  }
0xee: {  	s14 =	spop (v2sf)  }
0xef: {  	s14 =	sand.u32 $0xFFFFF80, s14  }
0xf0: {  	s14 =	sadd.s32 s2, s14  }
0xf1: {  	[tilespmem:s21], [sflag:$0x4] =	stream.strided.gather [hbm4b:s14+s12], $0x1000, s11, s12, $0x38;
	[tilespmem:$0x18600] =	vst v63  }
0xf2: {  	v17 =	vld [tilespmem:s9+$0x0]  }
0xf3: {  	s14 =	sadd.s32 $0xFFFFFFFA, s6  }
0xf4: {  	s14 =	sand.u32 $0xD, s14  }
0xf5: {  	v18 =	vmov s14  }
0xf6: {  	vm6 =	veq.s32 v18, v0;
	v18 =	vld [tilespmem:s9+$0x200]  }
0xf7: {  	v17 =	vnsel vm6, $0x0, v17  }
0xf8: {  	(xrf0) =	vadd.scan.msk.s32 $0xffff, v17;
	_ =	sdelay $0x2  }
0xf9: {  	v17 =	vnsel vm6, $0x0, v18  }
0xfa: {  	(xrf0) =	vadd.scan.msk.s32 $0xffff, v17;
	_ =	sdelay $0x1  }
0xfb: {  	v17, _, _ =	vpop (xrf0)  }
0xfc: {  	(v2sf) =	vpush v17, $0xF;
	_ =	sdelay $0x2  }
0xfd: {  	v17, _, _ =	vpop (xrf0)  }
0xfe: {  	(v2sf) =	vpush v17, $0xF;
	_ =	sdelay $0xa  }
0xff: {  	s14 =	spop (v2sf)  }
0x100: {  	s14 =	sand.u32 $0xFFFFF80, s14  }
0x101: {  	s14 =	sadd.s32 s1, s14  }
0x102: {  	[tilespmem:s22], [sflag:$0x2] =	stream.strided.gather [hbm4b:s14+s12], $0x1000, s11, s12, $0x38;
	[tilespmem:$0x18600] =	vst v63  }
0x103: {  	s14 =	spop (v2sf)  }
0x104: {  	s14 =	sand.u32 $0xFFFFF80, s14  }
0x105: {  	s14 =	sadd.s32 s2, s14  }
0x106: {  	[tilespmem:s23], [sflag:$0x4] =	stream.strided.gather [hbm4b:s14+s12], $0x1000, s11, s12, $0x38;
	[tilespmem:$0x18600] =	vst v63  }
0x107: {  	v17 =	vld [tilespmem:s9+$0x0]  }
0x108: {  	s14 =	sadd.s32 $0xFFFFFFFB, s6  }
0x109: {  	s14 =	sand.u32 $0xE, s14  }
0x10a: {  	v18 =	vmov s14  }
0x10b: {  	vm5 =	veq.s32 v18, v0;
	v18 =	vld [tilespmem:s9+$0x200]  }
0x10c: {  	v17 =	vnsel vm5, $0x0, v17  }
0x10d: {  	(xrf0) =	vadd.scan.msk.s32 $0xffff, v17;
	_ =	sdelay $0x2  }
0x10e: {  	v17 =	vnsel vm5, $0x0, v18  }
0x10f: {  	(xrf0) =	vadd.scan.msk.s32 $0xffff, v17;
	_ =	sdelay $0x1  }
0x110: {  	v17, _, _ =	vpop (xrf0)  }
0x111: {  	(v2sf) =	vpush v17, $0xF;
	_ =	sdelay $0x2  }
0x112: {  	v17, _, _ =	vpop (xrf0)  }
0x113: {  	(v2sf) =	vpush v17, $0xF;
	_ =	sdelay $0xa  }
0x114: {  	s14 =	spop (v2sf)  }
0x115: {  	s14 =	sand.u32 $0xFFFFF80, s14  }
0x116: {  	s14 =	sadd.s32 s1, s14  }
0x117: {  	[tilespmem:s24], [sflag:$0x2] =	stream.strided.gather [hbm4b:s14+s12], $0x1000, s11, s12, $0x38;
	[tilespmem:$0x18600] =	vst v63  }
0x118: {  	s14 =	spop (v2sf)  }
0x119: {  	s14 =	sand.u32 $0xFFFFF80, s14  }
0x11a: {  	s14 =	sadd.s32 s2, s14  }
0x11b: {  	[tilespmem:s25], [sflag:$0x4] =	stream.strided.gather [hbm4b:s14+s12], $0x1000, s11, s12, $0x38;
	[tilespmem:$0x18600] =	vst v63  }
0x11c: {  	v17 =	vld [tilespmem:s9+$0x0]  }
0x11d: {  	s14 =	sadd.s32 $0xFFFFFFFC, s6  }
0x11e: {  	s14 =	sand.u32 $0xF, s14  }
0x11f: {  	v18 =	vmov s14  }
0x120: {  	vm4 =	veq.s32 v18, v0;
	v18 =	vld [tilespmem:s9+$0x200]  }
0x121: {  	v17 =	vnsel vm4, $0x0, v17  }
0x122: {  	(xrf0) =	vadd.scan.msk.s32 $0xffff, v17;
	_ =	sdelay $0x2  }
0x123: {  	v17 =	vnsel vm4, $0x0, v18  }
0x124: {  	(xrf0) =	vadd.scan.msk.s32 $0xffff, v17;
	_ =	sdelay $0x1  }
0x125: {  	v17, _, _ =	vpop (xrf0)  }
0x126: {  	(v2sf) =	vpush v17, $0xF;
	_ =	sdelay $0x2  }
0x127: {  	v17, _, _ =	vpop (xrf0)  }
0x128: {  	(v2sf) =	vpush v17, $0xF;
	_ =	sdelay $0xa  }
0x129: {  	s14 =	spop (v2sf)  }
0x12a: {  	s14 =	sand.u32 $0xFFFFF80, s14  }
0x12b: {  	s14 =	sadd.s32 s1, s14  }
0x12c: {  	[tilespmem:s26], [sflag:$0x2] =	stream.strided.gather [hbm4b:s14+s12], $0x1000, s11, s12, $0x38;
	[tilespmem:$0x18600] =	vst v63  }
0x12d: {  	s14 =	spop (v2sf)  }
0x12e: {  	s14 =	sand.u32 $0xFFFFF80, s14  }
0x12f: {  	s14 =	sadd.s32 s2, s14  }
0x130: {  	[tilespmem:s28], [sflag:$0x4] =	stream.strided.gather [hbm4b:s14+s12], $0x1000, s11, s12, $0x38;
	[tilespmem:$0x18600] =	vst v63  }
0x131: {  	_ =	swait.ge [sflag:s29], $0x1000  }
0x132: {  	[sflag:s29] =	ssyncset.done $0x0  }
0x133: {  	[sflag:s29] =	ssyncadd.s32 $0xFFFFF000  }
0x134: {  	_ =	swait.ge [sflag:s30], $0x1000  }
0x135: {  	[sflag:s30] =	ssyncset.done $0x0  }
0x136: {  	[sflag:s30] =	ssyncadd.s32 $0xFFFFF000  }
0x137: {  	_ =	swait.ge [sflag:s29], $0x1000  }
0x138: {  	[sflag:s29] =	ssyncset.done $0x0  }
0x139: {  	[sflag:s29] =	ssyncadd.s32 $0xFFFFF000  }
0x13a: {  	_ =	swait.ge [sflag:s30], $0x1000  }
0x13b: {  	[sflag:s30] =	ssyncset.done $0x0  }
0x13c: {  	[sflag:s30] =	ssyncadd.s32 $0xFFFFF000  }
0x13d: {  	_ =	swait.ge [sflag:s29], $0x1000  }
0x13e: {  	[sflag:s29] =	ssyncset.done $0x0  }
0x13f: {  	[sflag:s29] =	ssyncadd.s32 $0xFFFFF000  }
0x140: {  	_ =	swait.ge [sflag:s30], $0x1000  }
0x141: {  	[sflag:s30] =	ssyncset.done $0x0  }
0x142: {  	[sflag:s30] =	ssyncadd.s32 $0xFFFFF000  }
0x143: {  	_ =	swait.ge [sflag:s29], $0x1000  }
0x144: {  	[sflag:s29] =	ssyncset.done $0x0  }
0x145: {  	[sflag:s29] =	ssyncadd.s32 $0xFFFFF000  }
0x146: {  	_ =	swait.ge [sflag:s30], $0x1000  }
0x147: {  	[sflag:s30] =	ssyncset.done $0x0  }
0x148: {  	[sflag:s30] =	ssyncadd.s32 $0xFFFFF000  }
0x149: {  	v17 =	vld [tilespmem:s9+$0x0]  }
0x14a: {  	v18 =	vld [tilespmem:s9+$0x200]  }
0x14b: {  	s5 =	sand.u32 $0x8, s5  }
0x14c: {  	v19 =	vmov s5  }
0x14d: {  	vm8 =	veq.s32 v19, v0  }
0x14e: {  	v17 =	vnsel vm8, $0x0, v17  }
0x14f: {  	(xrf0) =	vadd.scan.msk.s32 $0xffff, v17;
	v17 =	vnsel vm8, $0x0, v18  }
0x150: {  	(xrf0) =	vadd.scan.msk.s32 $0xffff, v17;
	_ =	sdelay $0x4  }
0x151: {  	v17, _, _ =	vpop (xrf0)  }
0x152: {  	(v2sf) =	vpush v17, $0xF;
	v17, _, _ =	vpop (xrf0)  }
0x153: {  	(v2sf) =	vpush v17, $0xF;
	_ =	sdelay $0xd  }
0x154: {  	s14 =	spop (v2sf)  }
0x155: {  	s5 =	sand.u32 $0x7F, s14;
	s14 =	spop (v2sf)  }
0x156: {  	s14 =	sand.u32 $0x7F, s14;
	v17 =	vor.u32 s5, v1  }
0x157: {  	v18 =	vor.u32 s14, v1;
	_ =	sdelay $0x3  }
0x158: {  	v17 =	vld.idx.msk [tilespmem:v17+s12+$0x0], $0xffff  }
0x159: {  	v18 =	vld.idx.msk [tilespmem:v18+s13+$0x0], $0xffff  }
0x15a: {  	v19 =	vor.u32 s5, v2  }
0x15b: {  	v20 =	vor.u32 s14, v2;
	_ =	sdelay $0x1  }
0x15c: {  	[tilespmem:s4+$0xFFFFFF80] =	vst v17  }
0x15d: {  	[tilespmem:s8+$0xFFFFFF80] =	vst v18  }
0x15e: {  	v17 =	vld.idx.msk [tilespmem:v19+s12+$0x0], $0xffff  }
0x15f: {  	v18 =	vld.idx.msk [tilespmem:v20+s13+$0x0], $0xffff;
	_ =	sdelay $0x3  }
0x160: {  	[tilespmem:s4+$0xFFFFFF90] =	vst v17  }
0x161: {  	[tilespmem:s8+$0xFFFFFF90] =	vst v18  }
0x162: {  	v17 =	vld [tilespmem:s9+$0x0]  }
0x163: {  	s14 =	sadd.s32 $0xFFFFFFF6, s6;
	v18 =	vld [tilespmem:s9+$0x200]  }
0x164: {  	s5 =	sand.u32 $0x9, s14  }
0x165: {  	v19 =	vmov s5  }
0x166: {  	vm8 =	veq.s32 v19, v0  }
0x167: {  	v17 =	vnsel vm8, $0x0, v17  }
0x168: {  	(xrf0) =	vadd.scan.msk.s32 $0xffff, v17;
	v17 =	vnsel vm8, $0x0, v18  }
0x169: {  	(xrf0) =	vadd.scan.msk.s32 $0xffff, v17;
	_ =	sdelay $0x4  }
0x16a: {  	v17, _, _ =	vpop (xrf0)  }
0x16b: {  	(v2sf) =	vpush v17, $0xF;
	v17, _, _ =	vpop (xrf0)  }
0x16c: {  	(v2sf) =	vpush v17, $0xF;
	_ =	sdelay $0xd  }
0x16d: {  	s14 =	spop (v2sf)  }
0x16e: {  	s5 =	sand.u32 $0x7F, s14;
	s14 =	spop (v2sf)  }
0x16f: {  	s14 =	sand.u32 $0x7F, s14;
	v17 =	vor.u32 s5, v3  }
0x170: {  	v18 =	vor.u32 s14, v3;
	_ =	sdelay $0x3  }
0x171: {  	v17 =	vld.idx.msk [tilespmem:v17+s12+$0x0], $0xffff  }
0x172: {  	v18 =	vld.idx.msk [tilespmem:v18+s13+$0x0], $0xffff  }
0x173: {  	v19 =	vor.u32 s5, v4  }
0x174: {  	v61 =	vor.u32 s14, v4;
	_ =	sdelay $0x1  }
0x175: {  	[tilespmem:s4+$0xFFFFFFA0] =	vst v17  }
0x176: {  	[tilespmem:s8+$0xFFFFFFA0] =	vst v18  }
0x177: {  	v17 =	vld.idx.msk [tilespmem:v19+s12+$0x0], $0xffff  }
0x178: {  	v18 =	vld.idx.msk [tilespmem:v61+s13+$0x0], $0xffff;
	_ =	sdelay $0x1  }
0x179: {  	s14 =	sadd.s32 $0xFFFFFF40, s7  }
0x17a: {  	s5 =	sor.u32 $0x30, s14  }
0x17b: {  	[tilespmem:s5+$0x10400] =	vst v17  }
0x17c: {  	[tilespmem:s5+$0x14400] =	vst v18  }
0x17d: {  	v17 =	vld [tilespmem:s9+$0x0]  }
0x17e: {  	s14 =	sadd.s32 $0xFFFFFFF7, s6;
	v18 =	vld [tilespmem:s9+$0x200]  }
0x17f: {  	s5 =	sand.u32 $0xA, s14  }
0x180: {  	v19 =	vmov s5  }
0x181: {  	vm8 =	veq.s32 v19, v0  }
0x182: {  	v17 =	vnsel vm8, $0x0, v17  }
0x183: {  	(xrf0) =	vadd.scan.msk.s32 $0xffff, v17;
	v17 =	vnsel vm8, $0x0, v18  }
0x184: {  	(xrf0) =	vadd.scan.msk.s32 $0xffff, v17;
	_ =	sdelay $0x4  }
0x185: {  	v17, _, _ =	vpop (xrf0)  }
0x186: {  	(v2sf) =	vpush v17, $0xF;
	v17, _, _ =	vpop (xrf0)  }
0x187: {  	(v2sf) =	vpush v17, $0xF;
	_ =	sdelay $0xd  }
0x188: {  	s14 =	spop (v2sf)  }
0x189: {  	s5 =	sand.u32 $0x7F, s14;
	s14 =	spop (v2sf)  }
0x18a: {  	s14 =	sand.u32 $0x7F, s14;
	v17 =	vor.u32 s5, v5  }
0x18b: {  	v18 =	vor.u32 s14, v5;
	_ =	sdelay $0x3  }
0x18c: {  	v17 =	vld.idx.msk [tilespmem:v17+s12+$0x0], $0xffff  }
0x18d: {  	v18 =	vld.idx.msk [tilespmem:v18+s13+$0x0], $0xffff  }
0x18e: {  	v19 =	vor.u32 s5, v6  }
0x18f: {  	v62 =	vor.u32 s14, v6;
	_ =	sdelay $0x1  }
0x190: {  	[tilespmem:s4+$0xFFFFFFC0] =	vst v17  }
0x191: {  	[tilespmem:s8+$0xFFFFFFC0] =	vst v18  }
0x192: {  	v17 =	vld.idx.msk [tilespmem:v19+s12+$0x0], $0xffff  }
0x193: {  	v18 =	vld.idx.msk [tilespmem:v62+s13+$0x0], $0xffff;
	_ =	sdelay $0x1  }
0x194: {  	s14 =	sadd.s32 $0xFFFFFF60, s7  }
0x195: {  	s5 =	sor.u32 $0x50, s14  }
0x196: {  	[tilespmem:s5+$0x10400] =	vst v17  }
0x197: {  	[tilespmem:s5+$0x14400] =	vst v18  }
0x198: {  	v17 =	vld [tilespmem:s9+$0x0]  }
0x199: {  	s14 =	sadd.s32 $0xFFFFFFF8, s6;
	v18 =	vld [tilespmem:s9+$0x200]  }
0x19a: {  	s5 =	sand.u32 $0xB, s14  }
0x19b: {  	v19 =	vmov s5  }
0x19c: {  	vm8 =	veq.s32 v19, v0  }
0x19d: {  	v17 =	vnsel vm8, $0x0, v17  }
0x19e: {  	(xrf0) =	vadd.scan.msk.s32 $0xffff, v17;
	v17 =	vnsel vm8, $0x0, v18  }
0x19f: {  	(xrf0) =	vadd.scan.msk.s32 $0xffff, v17;
	_ =	sdelay $0x4  }
0x1a0: {  	v17, _, _ =	vpop (xrf0)  }
0x1a1: {  	(v2sf) =	vpush v17, $0xF;
	v17, _, _ =	vpop (xrf0)  }
0x1a2: {  	(v2sf) =	vpush v17, $0xF;
	_ =	sdelay $0xd  }
0x1a3: {  	s14 =	spop (v2sf)  }
0x1a4: {  	s5 =	sand.u32 $0x7F, s14;
	s14 =	spop (v2sf)  }
0x1a5: {  	s14 =	sand.u32 $0x7F, s14;
	v17 =	vor.u32 s5, v7  }
0x1a6: {  	v18 =	vor.u32 s14, v7;
	_ =	sdelay $0x3  }
0x1a7: {  	v17 =	vld.idx.msk [tilespmem:v17+s12+$0x0], $0xffff  }
0x1a8: {  	v18 =	vld.idx.msk [tilespmem:v18+s13+$0x0], $0xffff  }
0x1a9: {  	v19 =	vor.u32 s5, v8  }
0x1aa: {  	v63 =	vor.u32 s14, v8;
	_ =	sdelay $0x1  }
0x1ab: {  	[tilespmem:s4+$0xFFFFFFE0] =	vst v17  }
0x1ac: {  	[tilespmem:s8+$0xFFFFFFE0] =	vst v18  }
0x1ad: {  	v17 =	vld.idx.msk [tilespmem:v19+s12+$0x0], $0xffff  }
0x1ae: {  	p0 =	seq.s32 s6, $0x203;
	v18 =	vld.idx.msk [tilespmem:v63+s13+$0x0], $0xffff  }
.Ltmp2:
0x1af: {  	_ = 	snop;
	(pc) =	sbr.rel @p0 .LBB2_4-.Ltmp2, $4  }
0x1b0: {  	s14 =	sadd.s32 $0xFFFFFF80, s7  }
0x1b1: {  	s5 =	sor.u32 $0x70, s14  }
0x1b2: {  	[tilespmem:s5+$0x10400] =	vst v17  }
0x1b3: {  	[tilespmem:s5+$0x14400] =	vst v18  }
0x1b4: {  	s5 =	sadd.s32 $0xFFFFFFFD, s6  }
0x1b5: {  	s14 =	sand.u32 $0x3F0, s5  }
0x1b6: {  	s5 =	sand.u32 $0x8, s5;
	v17 =	vld [tilespmem:s14+$0x0]  }
0x1b7: {  	v18 =	vmov s5  }
0x1b8: {  	vm8 =	veq.s32 v18, v0;
	v18 =	vld [tilespmem:s14+$0x200];
	_ =	sdelay $0x2  }
0x1b9: {  	v17 =	vnsel vm8, $0x0, v17  }
0x1ba: {  	(xrf0) =	vadd.scan.msk.s32 $0xffff, v17  }
0x1bb: {  	v17 =	vnsel vm8, $0x0, v18  }
0x1bc: {  	(xrf0) =	vadd.scan.msk.s32 $0xffff, v17;
	_ =	sdelay $0x3  }
0x1bd: {  	v17, _, _ =	vpop (xrf0)  }
0x1be: {  	(v2sf) =	vpush v17, $0xF  }
0x1bf: {  	v17, _, _ =	vpop (xrf0)  }
0x1c0: {  	(v2sf) =	vpush v17, $0xF;
	_ =	sdelay $0xc  }
0x1c1: {  	s14 =	spop (v2sf)  }
0x1c2: {  	s5 =	sand.u32 $0xFFFFF80, s14  }
0x1c3: {  	s14 =	spop (v2sf);
	s5 =	sadd.s32 s1, s5  }
0x1c4: {  	[tilespmem:s12], [sflag:$0x1] =	stream.strided.gather [hbm4b:s5+s12], $0x1000, s11, s12, $0x38;
	[tilespmem:$0x18600] =	vst v63  }
0x1c5: {  	s5 =	sand.u32 $0xFFFFF80, s14  }
0x1c6: {  	s5 =	sadd.s32 s2, s5  }
0x1c7: {  	[tilespmem:s13], [sflag:$0x3] =	stream.strided.gather [hbm4b:s5+s12], $0x1000, s11, s12, $0x38;
	[tilespmem:$0x18600] =	vst v63  }
0x1c8: {  	s5 =	sadd.s32 $0xFFFFFFFE, s6  }
0x1c9: {  	s14 =	sand.u32 $0x3F0, s5  }
0x1ca: {  	v17 =	vld [tilespmem:s14+$0x0];
	_ =	sdelay $0x1  }
0x1cb: {  	s5 =	sand.u32 $0x9, s5  }
0x1cc: {  	v18 =	vmov s5  }
0x1cd: {  	vm8 =	veq.s32 v18, v0;
	v18 =	vld [tilespmem:s14+$0x200]  }
0x1ce: {  	v17 =	vnsel vm8, $0x0, v17  }
0x1cf: {  	(xrf0) =	vadd.scan.msk.s32 $0xffff, v17;
	_ =	sdelay $0x2  }
0x1d0: {  	v17 =	vnsel vm8, $0x0, v18  }
0x1d1: {  	(xrf0) =	vadd.scan.msk.s32 $0xffff, v17;
	_ =	sdelay $0x1  }
0x1d2: {  	v17, _, _ =	vpop (xrf0)  }
0x1d3: {  	(v2sf) =	vpush v17, $0xF;
	_ =	sdelay $0x2  }
0x1d4: {  	v17, _, _ =	vpop (xrf0)  }
0x1d5: {  	(v2sf) =	vpush v17, $0xF;
	_ =	sdelay $0xa  }
0x1d6: {  	s14 =	spop (v2sf)  }
0x1d7: {  	s5 =	sand.u32 $0xFFFFF80, s14  }
0x1d8: {  	s14 =	simm.s32 $0x1400;
	s5 =	sadd.s32 s1, s5  }
0x1d9: {  	[tilespmem:s14], [sflag:$0x1] =	stream.strided.gather [hbm4b:s5+s12], $0x1000, s11, s12, $0x38;
	[tilespmem:$0x18600] =	vst v63  }
0x1da: {  	s14 =	spop (v2sf)  }
0x1db: {  	s5 =	sand.u32 $0xFFFFF80, s14  }
0x1dc: {  	s5 =	sadd.s32 s2, s5  }
0x1dd: {  	[tilespmem:s15], [sflag:$0x3] =	stream.strided.gather [hbm4b:s5+s12], $0x1000, s11, s12, $0x38;
	[tilespmem:$0x18600] =	vst v63  }
0x1de: {  	s5 =	sadd.s32 $0xFFFFFFFF, s6  }
0x1df: {  	s14 =	sand.u32 $0x3F0, s5  }
0x1e0: {  	s5 =	sand.u32 $0xA, s5;
	v17 =	vld [tilespmem:s14+$0x0]  }
0x1e1: {  	v18 =	vmov s5  }
0x1e2: {  	vm8 =	veq.s32 v18, v0;
	v18 =	vld [tilespmem:s14+$0x200];
	_ =	sdelay $0x2  }
0x1e3: {  	v17 =	vnsel vm8, $0x0, v17  }
0x1e4: {  	(xrf0) =	vadd.scan.msk.s32 $0xffff, v17  }
0x1e5: {  	v17 =	vnsel vm8, $0x0, v18  }
0x1e6: {  	(xrf0) =	vadd.scan.msk.s32 $0xffff, v17;
	_ =	sdelay $0x3  }
0x1e7: {  	v17, _, _ =	vpop (xrf0)  }
0x1e8: {  	(v2sf) =	vpush v17, $0xF  }
0x1e9: {  	v17, _, _ =	vpop (xrf0)  }
0x1ea: {  	(v2sf) =	vpush v17, $0xF;
	_ =	sdelay $0xc  }
0x1eb: {  	s14 =	spop (v2sf)  }
0x1ec: {  	s5 =	sand.u32 $0xFFFFF80, s14  }
0x1ed: {  	s14 =	spop (v2sf);
	s5 =	sadd.s32 s1, s5  }
0x1ee: {  	[tilespmem:s16], [sflag:$0x1] =	stream.strided.gather [hbm4b:s5+s12], $0x1000, s11, s12, $0x38;
	[tilespmem:$0x18600] =	vst v63  }
0x1ef: {  	s5 =	sand.u32 $0xFFFFF80, s14  }
0x1f0: {  	s5 =	sadd.s32 s2, s5  }
0x1f1: {  	[tilespmem:s17], [sflag:$0x3] =	stream.strided.gather [hbm4b:s5+s12], $0x1000, s11, s12, $0x38;
	[tilespmem:$0x18600] =	vst v63  }
0x1f2: {  	s5 =	sand.u32 $0x3F0, s6  }
0x1f3: {  	s14 =	sand.u32 $0xB, s6;
	v17 =	vld [tilespmem:s5+$0x0]  }
0x1f4: {  	v18 =	vmov s14  }
0x1f5: {  	vm8 =	veq.s32 v18, v0;
	v18 =	vld [tilespmem:s5+$0x200];
	_ =	sdelay $0x2  }
0x1f6: {  	v17 =	vnsel vm8, $0x0, v17  }
0x1f7: {  	(xrf0) =	vadd.scan.msk.s32 $0xffff, v17  }
0x1f8: {  	v17 =	vnsel vm8, $0x0, v18  }
0x1f9: {  	(xrf0) =	vadd.scan.msk.s32 $0xffff, v17;
	_ =	sdelay $0x3  }
0x1fa: {  	v17, _, _ =	vpop (xrf0)  }
0x1fb: {  	(v2sf) =	vpush v17, $0xF  }
0x1fc: {  	v17, _, _ =	vpop (xrf0)  }
0x1fd: {  	(v2sf) =	vpush v17, $0xF;
	_ =	sdelay $0xc  }
0x1fe: {  	s14 =	spop (v2sf)  }
0x1ff: {  	s5 =	sand.u32 $0xFFFFF80, s14  }
.Ltmp3:
0x200: {  	s14 =	spop (v2sf);
	s5 =	sadd.s32 s1, s5;
	(pc) =	sbr.rel .LBB2_4-.Ltmp3, $4  }
0x201: {  	[tilespmem:s18], [sflag:$0x1] =	stream.strided.gather [hbm4b:s5+s12], $0x1000, s11, s12, $0x38;
	[tilespmem:$0x18600] =	vst v63  }
0x202: {  	s5 =	sand.u32 $0xFFFFF80, s14  }
0x203: {  	s5 =	sadd.s32 s2, s5  }
0x204: {  	[tilespmem:s19], [sflag:$0x3] =	stream.strided.gather [hbm4b:s5+s12], $0x1000, s11, s12, $0x38;
	[tilespmem:$0x18600] =	vst v63  }
.LBB2_5:
0x205: {  	s4 =	simm.s32 $0x0  }
0x206: {  	v17 =	vmul.u32 $0x20, v0;
	v18 =	vmov s4  }
0x207: {  	v18 =	vshll.u32 v18, $0x5  }
0x208: {  	v18 =	vor.u32 v17, v18;
	_ =	sdelay $0x1  }
0x209: {  	v19 =	vor.u32 $0x1, v18;
	_ =	sdelay $0x1  }
0x20a: {  	v20 =	vor.u32 $0x2, v18  }
0x20b: {  	v21 =	vld.idx.msk [tilespmem:v18+s10+$0x0], $0xffff  }
0x20c: {  	v23 =	vor.u32 $0x3, v18;
	v22 =	vld.idx.msk [tilespmem:v18+s3+$0x0], $0xffff  }
0x20d: {  	v24 =	vld.idx.msk [tilespmem:v19+s3+$0x0], $0xffff  }
0x20e: {  	v25 =	vor.u32 $0x4, v18;
	v19 =	vld.idx.msk [tilespmem:v19+s10+$0x0], $0xffff  }
0x20f: {  	v26 =	vld.idx.msk [tilespmem:v20+s3+$0x0], $0xffff  }
0x210: {  	v27 =	vor.u32 $0x5, v18;
	v20 =	vld.idx.msk [tilespmem:v20+s10+$0x0], $0xffff  }
0x211: {  	v28 =	vld.idx.msk [tilespmem:v23+s3+$0x0], $0xffff;
	v21 =	vmul.f32 v21, v22  }
0x212: {  	v22 =	vld.idx.msk [tilespmem:v23+s10+$0x0], $0xffff;
	v23 =	vor.u32 $0x6, v18  }
0x213: {  	v29 =	vld.idx.msk [tilespmem:v25+s3+$0x0], $0xffff;
	v19 =	vmul.f32 v19, v24;
	v21 =	vadd.f32 $0.0e+00, v21  }
0x214: {  	v50 =	vor.u32 $0x7, v18;
	v49 =	vld.idx.msk [tilespmem:v25+s10+$0x0], $0xffff  }
0x215: {  	v30 =	vld.idx.msk [tilespmem:v27+s3+$0x0], $0xffff;
	v20 =	vmul.f32 v20, v26;
	v19 =	vadd.f32 v19, v21  }
0x216: {  	v51 =	vor.u32 $0x8, v18;
	v21 =	vld.idx.msk [tilespmem:v27+s10+$0x0], $0xffff  }
0x217: {  	v52 =	vld.idx.msk [tilespmem:v23+s3+$0x0], $0xffff;
	v19 =	vadd.f32 v20, v19;
	v20 =	vmul.f32 v22, v28  }
0x218: {  	v22 =	vld.idx.msk [tilespmem:v23+s10+$0x0], $0xffff;
	v23 =	vor.u32 $0x9, v18  }
0x219: {  	v53 =	vld.idx.msk [tilespmem:v50+s3+$0x0], $0xffff;
	v19 =	vadd.f32 v20, v19;
	v20 =	vmul.f32 v49, v29  }
0x21a: {  	v55 =	vor.u32 $0xA, v18;
	v54 =	vld.idx.msk [tilespmem:v50+s10+$0x0], $0xffff  }
0x21b: {  	v56 =	vld.idx.msk [tilespmem:v51+s3+$0x0], $0xffff;
	v19 =	vadd.f32 v20, v19;
	v20 =	vmul.f32 v21, v30  }
0x21c: {  	v57 =	vor.u32 $0xB, v18;
	v21 =	vld.idx.msk [tilespmem:v51+s10+$0x0], $0xffff  }
0x21d: {  	v58 =	vld.idx.msk [tilespmem:v23+s3+$0x0], $0xffff;
	v19 =	vadd.f32 v20, v19;
	v20 =	vmul.f32 v22, v52  }
0x21e: {  	v22 =	vld.idx.msk [tilespmem:v23+s10+$0x0], $0xffff;
	v23 =	vor.u32 $0xC, v18  }
0x21f: {  	v59 =	vld.idx.msk [tilespmem:v55+s3+$0x0], $0xffff;
	v19 =	vadd.f32 v20, v19;
	v20 =	vmul.f32 v54, v53  }
0x220: {  	v61 =	vor.u32 $0xD, v18;
	v60 =	vld.idx.msk [tilespmem:v55+s10+$0x0], $0xffff  }
0x221: {  	v62 =	vld.idx.msk [tilespmem:v57+s3+$0x0], $0xffff;
	v19 =	vadd.f32 v20, v19;
	v20 =	vmul.f32 v21, v56  }
0x222: {  	v63 =	vor.u32 $0xE, v18;
	v21 =	vld.idx.msk [tilespmem:v57+s10+$0x0], $0xffff  }
0x223: {  	v33 =	vld.idx.msk [tilespmem:v23+s3+$0x0], $0xffff;
	v19 =	vadd.f32 v20, v19;
	v20 =	vmul.f32 v22, v58  }
0x224: {  	v22 =	vld.idx.msk [tilespmem:v23+s10+$0x0], $0xffff;
	v23 =	vor.u32 $0xF, v18  }
0x225: {  	v34 =	vld.idx.msk [tilespmem:v61+s3+$0x0], $0xffff;
	v19 =	vadd.f32 v20, v19;
	v20 =	vmul.f32 v60, v59  }
0x226: {  	v36 =	vor.u32 $0x10, v18;
	v35 =	vld.idx.msk [tilespmem:v61+s10+$0x0], $0xffff  }
0x227: {  	v37 =	vld.idx.msk [tilespmem:v63+s3+$0x0], $0xffff;
	v19 =	vadd.f32 v20, v19;
	v20 =	vmul.f32 v21, v62  }
0x228: {  	v38 =	vor.u32 $0x11, v18;
	v21 =	vld.idx.msk [tilespmem:v63+s10+$0x0], $0xffff  }
0x229: {  	v39 =	vld.idx.msk [tilespmem:v23+s3+$0x0], $0xffff;
	v19 =	vadd.f32 v20, v19;
	v20 =	vmul.f32 v22, v33  }
0x22a: {  	v22 =	vld.idx.msk [tilespmem:v23+s10+$0x0], $0xffff;
	v23 =	vor.u32 $0x12, v18  }
0x22b: {  	v40 =	vld.idx.msk [tilespmem:v36+s3+$0x0], $0xffff;
	v19 =	vadd.f32 v20, v19;
	v20 =	vmul.f32 v35, v34  }
0x22c: {  	v42 =	vor.u32 $0x13, v18;
	v41 =	vld.idx.msk [tilespmem:v36+s10+$0x0], $0xffff  }
0x22d: {  	v43 =	vld.idx.msk [tilespmem:v38+s3+$0x0], $0xffff;
	v19 =	vadd.f32 v20, v19;
	v20 =	vmul.f32 v21, v37  }
0x22e: {  	v44 =	vor.u32 $0x14, v18;
	v21 =	vld.idx.msk [tilespmem:v38+s10+$0x0], $0xffff  }
0x22f: {  	v45 =	vld.idx.msk [tilespmem:v23+s3+$0x0], $0xffff;
	v19 =	vadd.f32 v20, v19;
	v20 =	vmul.f32 v22, v39  }
0x230: {  	v22 =	vld.idx.msk [tilespmem:v23+s10+$0x0], $0xffff;
	v23 =	vor.u32 $0x15, v18  }
0x231: {  	v46 =	vld.idx.msk [tilespmem:v42+s3+$0x0], $0xffff;
	v19 =	vadd.f32 v20, v19;
	v20 =	vmul.f32 v41, v40  }
0x232: {  	v48 =	vor.u32 $0x16, v18;
	v47 =	vld.idx.msk [tilespmem:v42+s10+$0x0], $0xffff  }
0x233: {  	v49 =	vld.idx.msk [tilespmem:v44+s3+$0x0], $0xffff;
	v19 =	vadd.f32 v20, v19;
	v20 =	vmul.f32 v21, v43  }
0x234: {  	v50 =	vor.u32 $0x17, v18;
	v21 =	vld.idx.msk [tilespmem:v44+s10+$0x0], $0xffff  }
0x235: {  	v51 =	vld.idx.msk [tilespmem:v23+s3+$0x0], $0xffff;
	v19 =	vadd.f32 v20, v19;
	v20 =	vmul.f32 v22, v45  }
0x236: {  	v22 =	vld.idx.msk [tilespmem:v23+s10+$0x0], $0xffff;
	v23 =	vor.u32 $0x18, v18  }
0x237: {  	v52 =	vld.idx.msk [tilespmem:v48+s3+$0x0], $0xffff;
	v19 =	vadd.f32 v20, v19;
	v20 =	vmul.f32 v47, v46  }
0x238: {  	v53 =	vld.idx.msk [tilespmem:v48+s10+$0x0], $0xffff;
	v54 =	vor.u32 $0x19, v18  }
0x239: {  	v55 =	vld.idx.msk [tilespmem:v50+s3+$0x0], $0xffff;
	v19 =	vadd.f32 v20, v19;
	v20 =	vmul.f32 v21, v49  }
0x23a: {  	v56 =	vor.u32 $0x1A, v18;
	v21 =	vld.idx.msk [tilespmem:v50+s10+$0x0], $0xffff  }
0x23b: {  	v57 =	vld.idx.msk [tilespmem:v23+s3+$0x0], $0xffff;
	v19 =	vadd.f32 v20, v19;
	v20 =	vmul.f32 v22, v51  }
0x23c: {  	v22 =	vld.idx.msk [tilespmem:v23+s10+$0x0], $0xffff;
	v23 =	vor.u32 $0x1B, v18  }
0x23d: {  	v58 =	vld.idx.msk [tilespmem:v54+s3+$0x0], $0xffff;
	v19 =	vadd.f32 v20, v19;
	v20 =	vmul.f32 v53, v52  }
0x23e: {  	v59 =	vld.idx.msk [tilespmem:v54+s10+$0x0], $0xffff;
	v60 =	vor.u32 $0x1C, v18  }
0x23f: {  	v61 =	vld.idx.msk [tilespmem:v56+s3+$0x0], $0xffff;
	v19 =	vadd.f32 v20, v19;
	v20 =	vmul.f32 v21, v55  }
0x240: {  	v62 =	vor.u32 $0x1D, v18;
	v21 =	vld.idx.msk [tilespmem:v56+s10+$0x0], $0xffff  }
0x241: {  	v63 =	vld.idx.msk [tilespmem:v23+s3+$0x0], $0xffff;
	v19 =	vadd.f32 v20, v19;
	v20 =	vmul.f32 v22, v57  }
0x242: {  	v22 =	vld.idx.msk [tilespmem:v23+s10+$0x0], $0xffff;
	v23 =	vor.u32 $0x1E, v18  }
0x243: {  	v32 =	vld.idx.msk [tilespmem:v60+s3+$0x0], $0xffff;
	v19 =	vadd.f32 v20, v19;
	v20 =	vmul.f32 v59, v58  }
0x244: {  	v33 =	vld.idx.msk [tilespmem:v60+s10+$0x0], $0xffff;
	v18 =	vor.u32 $0x1F, v18  }
0x245: {  	v34 =	vld.idx.msk [tilespmem:v62+s3+$0x0], $0xffff;
	v19 =	vadd.f32 v20, v19;
	v20 =	vmul.f32 v21, v61  }
0x246: {  	v21 =	vld.idx.msk [tilespmem:v62+s10+$0x0], $0xffff  }
0x247: {  	v35 =	vld.idx.msk [tilespmem:v23+s3+$0x0], $0xffff;
	v19 =	vadd.f32 v20, v19;
	v20 =	vmul.f32 v22, v63  }
0x248: {  	v22 =	vld.idx.msk [tilespmem:v23+s10+$0x0], $0xffff  }
0x249: {  	v36 =	vld.idx.msk [tilespmem:v18+s10+$0x0], $0xffff;
	v19 =	vadd.f32 v20, v19;
	v20 =	vmul.f32 v33, v32  }
0x24a: {  	v23 =	vld.idx.msk [tilespmem:v18+s3+$0x0], $0xffff  }
0x24b: {  	v18 =	vadd.f32 v20, v19;
	v19 =	vmul.f32 v21, v34  }
0x24c: {  	s14 =	simm.s32 $0x10  }
0x24d: {  	v20 =	vmov s14;
	v21 =	vmul.f32 v22, v35;
	v19 =	vadd.f32 v19, v18  }
0x24e: {  	v18 =	vshll.u32 v20, $0x5  }
0x24f: {  	v20 =	vmul.f32 v36, v23;
	v18 =	vor.u32 v17, v18;
	v19 =	vadd.f32 v21, v19;
	_ =	sdelay $0x1  }
0x250: {  	v21 =	vor.u32 $0x1, v18;
	v19 =	vadd.f32 v20, v19  }
0x251: {  	s4 =	simm.s32 $0x18400  }
0x252: {  	v20 =	vor.u32 $0x2, v18;
	[tilespmem:s4+$0x0] =	vst v19  }
0x253: {  	v19 =	vld.idx.msk [tilespmem:v18+s10+$0x0], $0xffff  }
0x254: {  	v23 =	vor.u32 $0x3, v18;
	v22 =	vld.idx.msk [tilespmem:v18+s3+$0x0], $0xffff  }
0x255: {  	v37 =	vld.idx.msk [tilespmem:v21+s3+$0x0], $0xffff  }
0x256: {  	v38 =	vor.u32 $0x4, v18;
	v21 =	vld.idx.msk [tilespmem:v21+s10+$0x0], $0xffff  }
0x257: {  	v39 =	vld.idx.msk [tilespmem:v20+s3+$0x0], $0xffff  }
0x258: {  	v40 =	vor.u32 $0x5, v18;
	v20 =	vld.idx.msk [tilespmem:v20+s10+$0x0], $0xffff  }
0x259: {  	v41 =	vld.idx.msk [tilespmem:v23+s3+$0x0], $0xffff;
	v19 =	vmul.f32 v19, v22  }
0x25a: {  	v22 =	vld.idx.msk [tilespmem:v23+s10+$0x0], $0xffff;
	v23 =	vor.u32 $0x6, v18  }
0x25b: {  	v42 =	vld.idx.msk [tilespmem:v38+s3+$0x0], $0xffff;
	v21 =	vmul.f32 v21, v37;
	v19 =	vadd.f32 $0.0e+00, v19  }
0x25c: {  	v44 =	vor.u32 $0x7, v18;
	v43 =	vld.idx.msk [tilespmem:v38+s10+$0x0], $0xffff  }
0x25d: {  	v45 =	vld.idx.msk [tilespmem:v40+s3+$0x0], $0xffff;
	v20 =	vmul.f32 v20, v39;
	v19 =	vadd.f32 v21, v19  }
0x25e: {  	v46 =	vor.u32 $0x8, v18;
	v21 =	vld.idx.msk [tilespmem:v40+s10+$0x0], $0xffff  }
0x25f: {  	v47 =	vld.idx.msk [tilespmem:v23+s3+$0x0], $0xffff;
	v19 =	vadd.f32 v20, v19;
	v20 =	vmul.f32 v22, v41  }
0x260: {  	v22 =	vld.idx.msk [tilespmem:v23+s10+$0x0], $0xffff;
	v23 =	vor.u32 $0x9, v18  }
0x261: {  	v48 =	vld.idx.msk [tilespmem:v44+s3+$0x0], $0xffff;
	v19 =	vadd.f32 v20, v19;
	v20 =	vmul.f32 v43, v42  }
0x262: {  	v50 =	vor.u32 $0xA, v18;
	v49 =	vld.idx.msk [tilespmem:v44+s10+$0x0], $0xffff  }
0x263: {  	v51 =	vld.idx.msk [tilespmem:v46+s3+$0x0], $0xffff;
	v19 =	vadd.f32 v20, v19;
	v20 =	vmul.f32 v21, v45  }
0x264: {  	v52 =	vor.u32 $0xB, v18;
	v21 =	vld.idx.msk [tilespmem:v46+s10+$0x0], $0xffff  }
0x265: {  	v53 =	vld.idx.msk [tilespmem:v23+s3+$0x0], $0xffff;
	v19 =	vadd.f32 v20, v19;
	v20 =	vmul.f32 v22, v47  }
0x266: {  	v22 =	vld.idx.msk [tilespmem:v23+s10+$0x0], $0xffff;
	v23 =	vor.u32 $0xC, v18  }
0x267: {  	v54 =	vld.idx.msk [tilespmem:v50+s3+$0x0], $0xffff;
	v19 =	vadd.f32 v20, v19;
	v20 =	vmul.f32 v49, v48  }
0x268: {  	v56 =	vor.u32 $0xD, v18;
	v55 =	vld.idx.msk [tilespmem:v50+s10+$0x0], $0xffff  }
0x269: {  	v57 =	vld.idx.msk [tilespmem:v52+s3+$0x0], $0xffff;
	v19 =	vadd.f32 v20, v19;
	v20 =	vmul.f32 v21, v51  }
0x26a: {  	v58 =	vor.u32 $0xE, v18;
	v21 =	vld.idx.msk [tilespmem:v52+s10+$0x0], $0xffff  }
0x26b: {  	v59 =	vld.idx.msk [tilespmem:v23+s3+$0x0], $0xffff;
	v19 =	vadd.f32 v20, v19;
	v20 =	vmul.f32 v22, v53  }
0x26c: {  	v22 =	vld.idx.msk [tilespmem:v23+s10+$0x0], $0xffff;
	v23 =	vor.u32 $0xF, v18  }
0x26d: {  	v60 =	vld.idx.msk [tilespmem:v56+s3+$0x0], $0xffff;
	v19 =	vadd.f32 v20, v19;
	v20 =	vmul.f32 v55, v54  }
0x26e: {  	v62 =	vor.u32 $0x10, v18;
	v61 =	vld.idx.msk [tilespmem:v56+s10+$0x0], $0xffff  }
0x26f: {  	v63 =	vld.idx.msk [tilespmem:v58+s3+$0x0], $0xffff;
	v19 =	vadd.f32 v20, v19;
	v20 =	vmul.f32 v21, v57  }
0x270: {  	v33 =	vor.u32 $0x11, v18;
	v21 =	vld.idx.msk [tilespmem:v58+s10+$0x0], $0xffff  }
0x271: {  	v34 =	vld.idx.msk [tilespmem:v23+s3+$0x0], $0xffff;
	v19 =	vadd.f32 v20, v19;
	v20 =	vmul.f32 v22, v59  }
0x272: {  	v22 =	vld.idx.msk [tilespmem:v23+s10+$0x0], $0xffff;
	v23 =	vor.u32 $0x12, v18  }
0x273: {  	v35 =	vld.idx.msk [tilespmem:v62+s3+$0x0], $0xffff;
	v19 =	vadd.f32 v20, v19;
	v20 =	vmul.f32 v61, v60  }
0x274: {  	v36 =	vld.idx.msk [tilespmem:v62+s10+$0x0], $0xffff;
	v37 =	vor.u32 $0x13, v18  }
0x275: {  	v38 =	vld.idx.msk [tilespmem:v33+s3+$0x0], $0xffff;
	v19 =	vadd.f32 v20, v19;
	v20 =	vmul.f32 v21, v63  }
0x276: {  	v39 =	vor.u32 $0x14, v18;
	v21 =	vld.idx.msk [tilespmem:v33+s10+$0x0], $0xffff  }
0x277: {  	v40 =	vld.idx.msk [tilespmem:v23+s3+$0x0], $0xffff;
	v19 =	vadd.f32 v20, v19;
	v20 =	vmul.f32 v22, v34  }
0x278: {  	v22 =	vld.idx.msk [tilespmem:v23+s10+$0x0], $0xffff;
	v23 =	vor.u32 $0x15, v18  }
0x279: {  	v41 =	vld.idx.msk [tilespmem:v37+s3+$0x0], $0xffff;
	v19 =	vadd.f32 v20, v19;
	v20 =	vmul.f32 v36, v35  }
0x27a: {  	v42 =	vld.idx.msk [tilespmem:v37+s10+$0x0], $0xffff;
	v43 =	vor.u32 $0x16, v18  }
0x27b: {  	v44 =	vld.idx.msk [tilespmem:v39+s3+$0x0], $0xffff;
	v19 =	vadd.f32 v20, v19;
	v20 =	vmul.f32 v21, v38  }
0x27c: {  	v45 =	vor.u32 $0x17, v18;
	v21 =	vld.idx.msk [tilespmem:v39+s10+$0x0], $0xffff  }
0x27d: {  	v46 =	vld.idx.msk [tilespmem:v23+s3+$0x0], $0xffff;
	v19 =	vadd.f32 v20, v19;
	v20 =	vmul.f32 v22, v40  }
0x27e: {  	v22 =	vld.idx.msk [tilespmem:v23+s10+$0x0], $0xffff;
	v23 =	vor.u32 $0x18, v18  }
0x27f: {  	v47 =	vld.idx.msk [tilespmem:v43+s3+$0x0], $0xffff;
	v19 =	vadd.f32 v20, v19;
	v20 =	vmul.f32 v42, v41  }
0x280: {  	v48 =	vld.idx.msk [tilespmem:v43+s10+$0x0], $0xffff;
	v49 =	vor.u32 $0x19, v18  }
0x281: {  	v50 =	vld.idx.msk [tilespmem:v45+s3+$0x0], $0xffff;
	v19 =	vadd.f32 v20, v19;
	v20 =	vmul.f32 v21, v44  }
0x282: {  	v51 =	vor.u32 $0x1A, v18;
	v21 =	vld.idx.msk [tilespmem:v45+s10+$0x0], $0xffff  }
0x283: {  	v52 =	vld.idx.msk [tilespmem:v23+s3+$0x0], $0xffff;
	v19 =	vadd.f32 v20, v19;
	v20 =	vmul.f32 v22, v46  }
0x284: {  	v22 =	vld.idx.msk [tilespmem:v23+s10+$0x0], $0xffff;
	v23 =	vor.u32 $0x1B, v18  }
0x285: {  	v53 =	vld.idx.msk [tilespmem:v49+s3+$0x0], $0xffff;
	v19 =	vadd.f32 v20, v19;
	v20 =	vmul.f32 v48, v47  }
0x286: {  	v54 =	vld.idx.msk [tilespmem:v49+s10+$0x0], $0xffff;
	v55 =	vor.u32 $0x1C, v18  }
0x287: {  	v56 =	vld.idx.msk [tilespmem:v51+s3+$0x0], $0xffff;
	v19 =	vadd.f32 v20, v19;
	v20 =	vmul.f32 v21, v50  }
0x288: {  	v21 =	vld.idx.msk [tilespmem:v51+s10+$0x0], $0xffff  }
0x289: {  	v58 =	vld.idx.msk [tilespmem:v23+s3+$0x0], $0xffff;
	v19 =	vadd.f32 v20, v19;
	v20 =	vmul.f32 v22, v52  }
0x28a: {  	v57 =	vor.u32 $0x1D, v18;
	v22 =	vld.idx.msk [tilespmem:v23+s10+$0x0], $0xffff  }
0x28b: {  	v59 =	vld.idx.msk [tilespmem:v55+s3+$0x0], $0xffff;
	v19 =	vadd.f32 v20, v19;
	v20 =	vmul.f32 v54, v53  }
0x28c: {  	v60 =	vld.idx.msk [tilespmem:v55+s10+$0x0], $0xffff;
	v23 =	vor.u32 $0x1E, v18  }
0x28d: {  	v19 =	vadd.f32 v20, v19;
	v20 =	vmul.f32 v21, v56  }
0x28e: {  	v18 =	vor.u32 $0x1F, v18  }
0x28f: {  	v61 =	vld.idx.msk [tilespmem:v57+s3+$0x0], $0xffff;
	v19 =	vadd.f32 v20, v19;
	v20 =	vmul.f32 v22, v58  }
0x290: {  	v21 =	vld.idx.msk [tilespmem:v57+s10+$0x0], $0xffff  }
0x291: {  	v62 =	vld.idx.msk [tilespmem:v23+s3+$0x0], $0xffff;
	v19 =	vadd.f32 v20, v19;
	v20 =	vmul.f32 v60, v59  }
0x292: {  	v22 =	vld.idx.msk [tilespmem:v23+s10+$0x0], $0xffff  }
0x293: {  	v23 =	vadd.f32 v20, v19;
	v19 =	vld.idx.msk [tilespmem:v18+s3+$0x0], $0xffff  }
0x294: {  	v20 =	vld.idx.msk [tilespmem:v18+s10+$0x0], $0xffff  }
0x295: {  	v21 =	vmul.f32 v21, v61  }
0x296: {  	s5 =	simm.s32 $0x20  }
0x297: {  	v63 =	vmov s5;
	v22 =	vmul.f32 v22, v62;
	v21 =	vadd.f32 v21, v23  }
0x298: {  	s6 =	simm.s32 $0x30;
	v18 =	vshll.u32 v63, $0x5  }
.LBB2_6:
0x299: {  	p0 =	sne.s32 s6, $0x1F0;
	v18 =	vor.u32 v17, v18;
	v21 =	vadd.f32 v22, v21;
	v19 =	vmul.f32 v20, v19;
	_ =	sdelay $0x1  }
0x29a: {  	v20 =	vor.u32 $0x1, v18;
	v19 =	vadd.f32 v19, v21  }
0x29b: {  	s4 =	sadd.s32 $0x10, s4  }
0x29c: {  	v21 =	vor.u32 $0x2, v18;
	[tilespmem:s4+$0x0] =	vst v19  }
0x29d: {  	v19 =	vld.idx.msk [tilespmem:v18+s10+$0x0], $0xffff  }
0x29e: {  	v23 =	vor.u32 $0x3, v18;
	v22 =	vld.idx.msk [tilespmem:v18+s3+$0x0], $0xffff  }
0x29f: {  	v24 =	vld.idx.msk [tilespmem:v20+s3+$0x0], $0xffff  }
0x2a0: {  	v25 =	vor.u32 $0x4, v18;
	v20 =	vld.idx.msk [tilespmem:v20+s10+$0x0], $0xffff  }
0x2a1: {  	v26 =	vld.idx.msk [tilespmem:v21+s3+$0x0], $0xffff  }
0x2a2: {  	v27 =	vor.u32 $0x5, v18;
	v21 =	vld.idx.msk [tilespmem:v21+s10+$0x0], $0xffff  }
0x2a3: {  	v28 =	vld.idx.msk [tilespmem:v23+s3+$0x0], $0xffff  }
0x2a4: {  	v19 =	vmul.f32 v19, v22;
	v22 =	vld.idx.msk [tilespmem:v23+s10+$0x0], $0xffff;
	v23 =	vor.u32 $0x6, v18  }
0x2a5: {  	v29 =	vld.idx.msk [tilespmem:v25+s3+$0x0], $0xffff  }
0x2a6: {  	v19 =	vadd.f32 $0.0e+00, v19;
	v20 =	vmul.f32 v20, v24;
	v24 =	vld.idx.msk [tilespmem:v25+s10+$0x0], $0xffff;
	v25 =	vor.u32 $0x7, v18  }
0x2a7: {  	v30 =	vld.idx.msk [tilespmem:v27+s3+$0x0], $0xffff  }
0x2a8: {  	v19 =	vadd.f32 v20, v19;
	v20 =	vmul.f32 v21, v26;
	v26 =	vor.u32 $0x8, v18;
	v21 =	vld.idx.msk [tilespmem:v27+s10+$0x0], $0xffff  }
0x2a9: {  	v27 =	vld.idx.msk [tilespmem:v23+s3+$0x0], $0xffff  }
0x2aa: {  	v19 =	vadd.f32 v20, v19;
	v20 =	vmul.f32 v22, v28;
	v22 =	vld.idx.msk [tilespmem:v23+s10+$0x0], $0xffff;
	v23 =	vor.u32 $0x9, v18  }
0x2ab: {  	v28 =	vld.idx.msk [tilespmem:v25+s3+$0x0], $0xffff  }
0x2ac: {  	v19 =	vadd.f32 v20, v19;
	v20 =	vmul.f32 v24, v29;
	v24 =	vld.idx.msk [tilespmem:v25+s10+$0x0], $0xffff;
	v25 =	vor.u32 $0xA, v18  }
0x2ad: {  	v29 =	vld.idx.msk [tilespmem:v26+s3+$0x0], $0xffff  }
0x2ae: {  	v19 =	vadd.f32 v20, v19;
	v20 =	vmul.f32 v21, v30;
	v21 =	vld.idx.msk [tilespmem:v26+s10+$0x0], $0xffff;
	v26 =	vor.u32 $0xB, v18  }
0x2af: {  	v30 =	vld.idx.msk [tilespmem:v23+s3+$0x0], $0xffff  }
0x2b0: {  	v19 =	vadd.f32 v20, v19;
	v20 =	vmul.f32 v22, v27;
	v22 =	vld.idx.msk [tilespmem:v23+s10+$0x0], $0xffff;
	v23 =	vor.u32 $0xC, v18  }
0x2b1: {  	v27 =	vld.idx.msk [tilespmem:v25+s3+$0x0], $0xffff  }
0x2b2: {  	v19 =	vadd.f32 v20, v19;
	v20 =	vmul.f32 v24, v28;
	v24 =	vld.idx.msk [tilespmem:v25+s10+$0x0], $0xffff;
	v25 =	vor.u32 $0xD, v18  }
0x2b3: {  	v28 =	vld.idx.msk [tilespmem:v26+s3+$0x0], $0xffff  }
0x2b4: {  	v19 =	vadd.f32 v20, v19;
	v20 =	vmul.f32 v21, v29;
	v21 =	vld.idx.msk [tilespmem:v26+s10+$0x0], $0xffff;
	v26 =	vor.u32 $0xE, v18  }
0x2b5: {  	v29 =	vld.idx.msk [tilespmem:v23+s3+$0x0], $0xffff  }
0x2b6: {  	v19 =	vadd.f32 v20, v19;
	v20 =	vmul.f32 v22, v30;
	v22 =	vld.idx.msk [tilespmem:v23+s10+$0x0], $0xffff;
	v23 =	vor.u32 $0xF, v18  }
0x2b7: {  	v30 =	vld.idx.msk [tilespmem:v25+s3+$0x0], $0xffff  }
0x2b8: {  	v19 =	vadd.f32 v20, v19;
	v20 =	vmul.f32 v24, v27;
	v24 =	vld.idx.msk [tilespmem:v25+s10+$0x0], $0xffff;
	v25 =	vor.u32 $0x10, v18  }
0x2b9: {  	v27 =	vld.idx.msk [tilespmem:v26+s3+$0x0], $0xffff  }
0x2ba: {  	v19 =	vadd.f32 v20, v19;
	v20 =	vmul.f32 v21, v28;
	v21 =	vld.idx.msk [tilespmem:v26+s10+$0x0], $0xffff;
	v26 =	vor.u32 $0x11, v18  }
0x2bb: {  	v28 =	vld.idx.msk [tilespmem:v23+s3+$0x0], $0xffff  }
0x2bc: {  	v19 =	vadd.f32 v20, v19;
	v20 =	vmul.f32 v22, v29;
	v22 =	vld.idx.msk [tilespmem:v23+s10+$0x0], $0xffff;
	v23 =	vor.u32 $0x12, v18  }
0x2bd: {  	v29 =	vld.idx.msk [tilespmem:v25+s3+$0x0], $0xffff  }
0x2be: {  	v19 =	vadd.f32 v20, v19;
	v20 =	vmul.f32 v24, v30;
	v24 =	vld.idx.msk [tilespmem:v25+s10+$0x0], $0xffff;
	v25 =	vor.u32 $0x13, v18  }
0x2bf: {  	v30 =	vld.idx.msk [tilespmem:v26+s3+$0x0], $0xffff  }
0x2c0: {  	v19 =	vadd.f32 v20, v19;
	v20 =	vmul.f32 v21, v27;
	v21 =	vld.idx.msk [tilespmem:v26+s10+$0x0], $0xffff;
	v26 =	vor.u32 $0x14, v18  }
0x2c1: {  	v27 =	vld.idx.msk [tilespmem:v23+s3+$0x0], $0xffff  }
0x2c2: {  	v19 =	vadd.f32 v20, v19;
	v20 =	vmul.f32 v22, v28;
	v22 =	vld.idx.msk [tilespmem:v23+s10+$0x0], $0xffff;
	v23 =	vor.u32 $0x15, v18  }
0x2c3: {  	v28 =	vld.idx.msk [tilespmem:v25+s3+$0x0], $0xffff  }
0x2c4: {  	v19 =	vadd.f32 v20, v19;
	v20 =	vmul.f32 v24, v29;
	v24 =	vld.idx.msk [tilespmem:v25+s10+$0x0], $0xffff;
	v25 =	vor.u32 $0x16, v18  }
0x2c5: {  	v29 =	vld.idx.msk [tilespmem:v26+s3+$0x0], $0xffff  }
0x2c6: {  	v19 =	vadd.f32 v20, v19;
	v20 =	vmul.f32 v21, v30;
	v21 =	vld.idx.msk [tilespmem:v26+s10+$0x0], $0xffff;
	v26 =	vor.u32 $0x17, v18  }
0x2c7: {  	v30 =	vld.idx.msk [tilespmem:v23+s3+$0x0], $0xffff  }
0x2c8: {  	v19 =	vadd.f32 v20, v19;
	v20 =	vmul.f32 v22, v27;
	v22 =	vld.idx.msk [tilespmem:v23+s10+$0x0], $0xffff;
	v23 =	vor.u32 $0x18, v18  }
0x2c9: {  	v27 =	vld.idx.msk [tilespmem:v25+s3+$0x0], $0xffff  }
0x2ca: {  	v19 =	vadd.f32 v20, v19;
	v20 =	vmul.f32 v24, v28;
	v24 =	vld.idx.msk [tilespmem:v25+s10+$0x0], $0xffff;
	v25 =	vor.u32 $0x19, v18  }
0x2cb: {  	v28 =	vld.idx.msk [tilespmem:v26+s3+$0x0], $0xffff  }
0x2cc: {  	v19 =	vadd.f32 v20, v19;
	v20 =	vmul.f32 v21, v29;
	v21 =	vld.idx.msk [tilespmem:v26+s10+$0x0], $0xffff;
	v26 =	vor.u32 $0x1A, v18  }
0x2cd: {  	v29 =	vld.idx.msk [tilespmem:v23+s3+$0x0], $0xffff  }
0x2ce: {  	v19 =	vadd.f32 v20, v19;
	v20 =	vmul.f32 v22, v30;
	v22 =	vld.idx.msk [tilespmem:v23+s10+$0x0], $0xffff;
	v23 =	vor.u32 $0x1B, v18  }
0x2cf: {  	v30 =	vld.idx.msk [tilespmem:v25+s3+$0x0], $0xffff  }
0x2d0: {  	v19 =	vadd.f32 v20, v19;
	v20 =	vmul.f32 v24, v27;
	v24 =	vld.idx.msk [tilespmem:v25+s10+$0x0], $0xffff;
	v25 =	vor.u32 $0x1C, v18  }
0x2d1: {  	v27 =	vld.idx.msk [tilespmem:v26+s3+$0x0], $0xffff  }
0x2d2: {  	v19 =	vadd.f32 v20, v19;
	v20 =	vmul.f32 v21, v28;
	v21 =	vld.idx.msk [tilespmem:v26+s10+$0x0], $0xffff;
	v26 =	vor.u32 $0x1D, v18  }
0x2d3: {  	v28 =	vld.idx.msk [tilespmem:v23+s3+$0x0], $0xffff  }
0x2d4: {  	v19 =	vadd.f32 v20, v19;
	v20 =	vmul.f32 v22, v29;
	v22 =	vld.idx.msk [tilespmem:v23+s10+$0x0], $0xffff;
	v23 =	vor.u32 $0x1E, v18  }
0x2d5: {  	v29 =	vld.idx.msk [tilespmem:v25+s3+$0x0], $0xffff  }
0x2d6: {  	v18 =	vor.u32 $0x1F, v18;
	v19 =	vadd.f32 v20, v19;
	v20 =	vmul.f32 v24, v30;
	v24 =	vld.idx.msk [tilespmem:v25+s10+$0x0], $0xffff  }
0x2d7: {  	v25 =	vld.idx.msk [tilespmem:v26+s3+$0x0], $0xffff  }
0x2d8: {  	v19 =	vadd.f32 v20, v19;
	v20 =	vmul.f32 v21, v27;
	v21 =	vld.idx.msk [tilespmem:v26+s10+$0x0], $0xffff  }
0x2d9: {  	v26 =	vld.idx.msk [tilespmem:v23+s3+$0x0], $0xffff  }
0x2da: {  	v20 =	vadd.f32 v20, v19;
	v22 =	vmul.f32 v22, v28;
	v23 =	vld.idx.msk [tilespmem:v23+s10+$0x0], $0xffff  }
0x2db: {  	v19 =	vld.idx.msk [tilespmem:v18+s3+$0x0], $0xffff  }
0x2dc: {  	v22 =	vadd.f32 v22, v20;
	v24 =	vmul.f32 v24, v29;
	v20 =	vld.idx.msk [tilespmem:v18+s10+$0x0], $0xffff  }
.Ltmp4:
0x2dd: {  	(pc) =	sbr.rel @p0 .LBB2_6-.Ltmp4, $4  }
0x2de: {  	v18 =	vadd.f32 v24, v22;
	v21 =	vmul.f32 v21, v25  }
0x2df: {  	v24 =	vmov s6  }
0x2e0: {  	v21 =	vadd.f32 v21, v18;
	v22 =	vmul.f32 v23, v26  }
0x2e1: {  	s6 =	sadd.s32 $0x10, s6;
	v18 =	vshll.u32 v24, $0x5  }
0x2e2: {  	v17 =	vor.u32 v17, v18;
	v18 =	vadd.f32 v22, v21;
	v19 =	vmul.f32 v20, v19;
	_ =	sdelay $0x1  }
0x2e3: {  	v46 =	vor.u32 $0x1, v17;
	v18 =	vadd.f32 v19, v18  }
0x2e4: {  	s4 =	sadd.s32 $0x10, s4  }
0x2e5: {  	v19 =	vor.u32 $0x2, v17;
	[tilespmem:s4+$0x0] =	vst v18  }
0x2e6: {  	v18 =	vld.idx.msk [tilespmem:v17+s10+$0x0], $0xffff  }
0x2e7: {  	v48 =	vor.u32 $0x3, v17;
	v47 =	vld.idx.msk [tilespmem:v17+s3+$0x0], $0xffff  }
0x2e8: {  	v23 =	vld.idx.msk [tilespmem:v46+s3+$0x0], $0xffff  }
0x2e9: {  	v24 =	vor.u32 $0x4, v17;
	v20 =	vld.idx.msk [tilespmem:v46+s10+$0x0], $0xffff  }
0x2ea: {  	v25 =	vld.idx.msk [tilespmem:v19+s3+$0x0], $0xffff  }
0x2eb: {  	v26 =	vor.u32 $0x5, v17;
	v19 =	vld.idx.msk [tilespmem:v19+s10+$0x0], $0xffff  }
0x2ec: {  	v27 =	vld.idx.msk [tilespmem:v48+s3+$0x0], $0xffff;
	v18 =	vmul.f32 v18, v47  }
0x2ed: {  	v50 =	vor.u32 $0x6, v17;
	v49 =	vld.idx.msk [tilespmem:v48+s10+$0x0], $0xffff  }
0x2ee: {  	v28 =	vld.idx.msk [tilespmem:v24+s3+$0x0], $0xffff;
	v20 =	vmul.f32 v20, v23;
	v18 =	vadd.f32 $0.0e+00, v18  }
0x2ef: {  	v52 =	vor.u32 $0x7, v17;
	v51 =	vld.idx.msk [tilespmem:v24+s10+$0x0], $0xffff  }
0x2f0: {  	v29 =	vld.idx.msk [tilespmem:v26+s3+$0x0], $0xffff;
	v19 =	vmul.f32 v19, v25;
	v18 =	vadd.f32 v20, v18  }
0x2f1: {  	v54 =	vor.u32 $0x8, v17;
	v53 =	vld.idx.msk [tilespmem:v26+s10+$0x0], $0xffff  }
0x2f2: {  	v55 =	vld.idx.msk [tilespmem:v50+s3+$0x0], $0xffff;
	v18 =	vadd.f32 v19, v18;
	v19 =	vmul.f32 v49, v27  }
0x2f3: {  	v57 =	vor.u32 $0x9, v17;
	v56 =	vld.idx.msk [tilespmem:v50+s10+$0x0], $0xffff  }
0x2f4: {  	v58 =	vld.idx.msk [tilespmem:v52+s3+$0x0], $0xffff;
	v18 =	vadd.f32 v19, v18;
	v19 =	vmul.f32 v51, v28  }
0x2f5: {  	v60 =	vor.u32 $0xA, v17;
	v59 =	vld.idx.msk [tilespmem:v52+s10+$0x0], $0xffff  }
0x2f6: {  	v61 =	vld.idx.msk [tilespmem:v54+s3+$0x0], $0xffff;
	v18 =	vadd.f32 v19, v18;
	v19 =	vmul.f32 v53, v29  }
0x2f7: {  	v63 =	vor.u32 $0xB, v17;
	v62 =	vld.idx.msk [tilespmem:v54+s10+$0x0], $0xffff  }
0x2f8: {  	v32 =	vld.idx.msk [tilespmem:v57+s3+$0x0], $0xffff;
	v18 =	vadd.f32 v19, v18;
	v19 =	vmul.f32 v56, v55  }
0x2f9: {  	v34 =	vor.u32 $0xC, v17;
	v33 =	vld.idx.msk [tilespmem:v57+s10+$0x0], $0xffff  }
0x2fa: {  	v35 =	vld.idx.msk [tilespmem:v60+s3+$0x0], $0xffff;
	v18 =	vadd.f32 v19, v18;
	v19 =	vmul.f32 v59, v58  }
0x2fb: {  	v37 =	vor.u32 $0xD, v17;
	v36 =	vld.idx.msk [tilespmem:v60+s10+$0x0], $0xffff  }
0x2fc: {  	v38 =	vld.idx.msk [tilespmem:v63+s3+$0x0], $0xffff;
	v18 =	vadd.f32 v19, v18;
	v19 =	vmul.f32 v62, v61  }
0x2fd: {  	v40 =	vor.u32 $0xE, v17;
	v39 =	vld.idx.msk [tilespmem:v63+s10+$0x0], $0xffff  }
0x2fe: {  	v41 =	vld.idx.msk [tilespmem:v34+s3+$0x0], $0xffff;
	v18 =	vadd.f32 v19, v18;
	v19 =	vmul.f32 v33, v32  }
0x2ff: {  	v43 =	vor.u32 $0xF, v17;
	v42 =	vld.idx.msk [tilespmem:v34+s10+$0x0], $0xffff  }
0x300: {  	v44 =	vld.idx.msk [tilespmem:v37+s3+$0x0], $0xffff;
	v18 =	vadd.f32 v19, v18;
	v19 =	vmul.f32 v36, v35  }
0x301: {  	v45 =	vld.idx.msk [tilespmem:v37+s10+$0x0], $0xffff;
	v46 =	vor.u32 $0x10, v17  }
0x302: {  	v48 =	vld.idx.msk [tilespmem:v40+s10+$0x0], $0xffff;
	v18 =	vadd.f32 v19, v18;
	v19 =	vmul.f32 v39, v38  }
0x303: {  	v47 =	vld.idx.msk [tilespmem:v40+s3+$0x0], $0xffff;
	v49 =	vor.u32 $0x11, v17  }
0x304: {  	v50 =	vld.idx.msk [tilespmem:v43+s3+$0x0], $0xffff;
	v18 =	vadd.f32 v19, v18;
	v19 =	vmul.f32 v42, v41  }
0x305: {  	v52 =	vor.u32 $0x12, v17;
	v51 =	vld.idx.msk [tilespmem:v43+s10+$0x0], $0xffff  }
0x306: {  	v54 =	vld.idx.msk [tilespmem:v46+s10+$0x0], $0xffff;
	v18 =	vadd.f32 v19, v18;
	v19 =	vmul.f32 v45, v44  }
0x307: {  	v53 =	vld.idx.msk [tilespmem:v46+s3+$0x0], $0xffff;
	v55 =	vor.u32 $0x13, v17  }
0x308: {  	v57 =	vld.idx.msk [tilespmem:v49+s10+$0x0], $0xffff;
	v18 =	vadd.f32 v19, v18;
	v19 =	vmul.f32 v48, v47  }
0x309: {  	v56 =	vld.idx.msk [tilespmem:v49+s3+$0x0], $0xffff;
	v58 =	vor.u32 $0x14, v17  }
0x30a: {  	v60 =	vld.idx.msk [tilespmem:v52+s10+$0x0], $0xffff;
	v18 =	vadd.f32 v19, v18;
	v19 =	vmul.f32 v51, v50  }
0x30b: {  	v59 =	vld.idx.msk [tilespmem:v52+s3+$0x0], $0xffff;
	v61 =	vor.u32 $0x15, v17  }
0x30c: {  	v62 =	vld.idx.msk [tilespmem:v55+s3+$0x0], $0xffff;
	v18 =	vadd.f32 v19, v18;
	v19 =	vmul.f32 v54, v53  }
0x30d: {  	v63 =	vld.idx.msk [tilespmem:v55+s10+$0x0], $0xffff;
	v32 =	vor.u32 $0x16, v17  }
0x30e: {  	v33 =	vld.idx.msk [tilespmem:v58+s3+$0x0], $0xffff;
	v18 =	vadd.f32 v19, v18;
	v19 =	vmul.f32 v57, v56  }
0x30f: {  	v34 =	vld.idx.msk [tilespmem:v58+s10+$0x0], $0xffff;
	v35 =	vor.u32 $0x17, v17  }
0x310: {  	v36 =	vld.idx.msk [tilespmem:v61+s3+$0x0], $0xffff;
	v18 =	vadd.f32 v19, v18;
	v19 =	vmul.f32 v60, v59  }
0x311: {  	v37 =	vld.idx.msk [tilespmem:v61+s10+$0x0], $0xffff;
	v38 =	vor.u32 $0x18, v17  }
0x312: {  	v39 =	vld.idx.msk [tilespmem:v32+s3+$0x0], $0xffff;
	v18 =	vadd.f32 v19, v18;
	v19 =	vmul.f32 v63, v62  }
0x313: {  	v40 =	vld.idx.msk [tilespmem:v32+s10+$0x0], $0xffff;
	v41 =	vor.u32 $0x19, v17  }
0x314: {  	v42 =	vld.idx.msk [tilespmem:v35+s3+$0x0], $0xffff;
	v18 =	vadd.f32 v19, v18;
	v19 =	vmul.f32 v34, v33  }
0x315: {  	v43 =	vld.idx.msk [tilespmem:v35+s10+$0x0], $0xffff;
	v44 =	vor.u32 $0x1A, v17  }
0x316: {  	v45 =	vld.idx.msk [tilespmem:v38+s3+$0x0], $0xffff;
	v18 =	vadd.f32 v19, v18;
	v19 =	vmul.f32 v37, v36  }
0x317: {  	v46 =	vld.idx.msk [tilespmem:v38+s10+$0x0], $0xffff;
	v47 =	vor.u32 $0x1B, v17  }
0x318: {  	v48 =	vld.idx.msk [tilespmem:v41+s3+$0x0], $0xffff;
	v18 =	vadd.f32 v19, v18;
	v19 =	vmul.f32 v40, v39  }
0x319: {  	v49 =	vld.idx.msk [tilespmem:v41+s10+$0x0], $0xffff;
	v50 =	vor.u32 $0x1C, v17  }
0x31a: {  	v51 =	vld.idx.msk [tilespmem:v44+s3+$0x0], $0xffff;
	v18 =	vadd.f32 v19, v18;
	v19 =	vmul.f32 v43, v42  }
0x31b: {  	v52 =	vld.idx.msk [tilespmem:v44+s10+$0x0], $0xffff;
	v53 =	vor.u32 $0x1D, v17  }
0x31c: {  	v54 =	vld.idx.msk [tilespmem:v47+s3+$0x0], $0xffff;
	v18 =	vadd.f32 v19, v18;
	v19 =	vmul.f32 v46, v45  }
0x31d: {  	v55 =	vld.idx.msk [tilespmem:v47+s10+$0x0], $0xffff;
	v56 =	vor.u32 $0x1E, v17  }
0x31e: {  	v57 =	vld.idx.msk [tilespmem:v50+s3+$0x0], $0xffff;
	v18 =	vadd.f32 v19, v18;
	v19 =	vmul.f32 v49, v48  }
0x31f: {  	v17 =	vor.u32 $0x1F, v17;
	v58 =	vld.idx.msk [tilespmem:v50+s10+$0x0], $0xffff  }
0x320: {  	v59 =	vld.idx.msk [tilespmem:v53+s3+$0x0], $0xffff;
	v18 =	vadd.f32 v19, v18;
	v19 =	vmul.f32 v52, v51  }
0x321: {  	v60 =	vld.idx.msk [tilespmem:v53+s10+$0x0], $0xffff  }
0x322: {  	v61 =	vld.idx.msk [tilespmem:v56+s3+$0x0], $0xffff;
	v18 =	vadd.f32 v19, v18;
	v19 =	vmul.f32 v55, v54  }
0x323: {  	v62 =	vld.idx.msk [tilespmem:v56+s10+$0x0], $0xffff  }
0x324: {  	v63 =	vld.idx.msk [tilespmem:v17+s3+$0x0], $0xffff;
	v18 =	vadd.f32 v19, v18;
	v19 =	vmul.f32 v58, v57  }
0x325: {  	v17 =	vld.idx.msk [tilespmem:v17+s10+$0x0], $0xffff  }
0x326: {  	v18 =	vadd.f32 v19, v18;
	v19 =	vmul.f32 v60, v59;
	_ =	sdelay $0x1  }
0x327: {  	v18 =	vadd.f32 v19, v18;
	v19 =	vmul.f32 v62, v61;
	_ =	sdelay $0x1  }
0x328: {  	v17 =	vmul.f32 v17, v63;
	v18 =	vadd.f32 v19, v18;
	_ =	sdelay $0x1  }
0x329: {  	v17 =	vadd.f32 v17, v18  }
0x32a: {  	s4 =	sadd.s32 $0x10, s4  }
0x32b: {  	s9 =	simm.s32 $0x0;
	s8 =	rddreg [dreg:$0x8];
	s5 =	simm.s32 $0x18400;
	[tilespmem:s4+$0x0] =	vst v17  }
0x32c: {  	[hbm4b:s8+s9] =	stream.linear.scatter [tilespmem:s5], [sflag:$0x5], $0x200, $0x38;
	[tilespmem:$0x18600] =	vst v63  }
0x32d: {  	s5 =	simm.s32 $0x5  }
0x32e: {  	_ =	swait.ge [sflag:s5], $0x200  }
0x32f: {  	s6 =	rddreg [dreg:$0xa]  }
0x330: {  	s14 =	rddreg [dreg:$0x9];
	s6 =	sadd.s32 $0x1, s6  }
0x331: {  	p0 =	sne.s32 s6, s14  }
.Ltmp5:
0x332: {  	_ = 	snop;
	(pc) =	sbr.rel @p0 .LBB2_1-.Ltmp5, $3  }
0x333: {  	_ =	sdelay $0x1  }
0x334: {  	[sflag:s5] =	ssyncset.done $0x0  }
0x335: {  	[sflag:s5] =	ssyncadd.s32 $0xFFFFFE00  }
0x336: {  	_ =	sfence.sel $0x180000  }
0x337: {  	[bflag:$0x0] =	sbarrier.arrive $0xFFFF  }
0x338: {  	_ =	strace $0x90000047  }
0x339: {  	s0 =	stileid.u32;
	[bflag:$0x2] =	sbarrier.arrive $0xFFFF  }
0x33a: {  	p0 =	sne.s32 s0, $0x0;
	s0 =	rddreg [dreg:$0x5]  }
0x33b: {  	s0 =	sadd.s32 @!p0 $0x100000, s0  }
0x33c: {  	[sflag:s0] =	ssyncadd.tile.s32 @!p0 $0x1;
	_ =	shalt  }
.Lfunc_end2:
_tile_overlayer_lowered:
.L_overlay_start_2:
0x33d: {  	(tag) =	ssettag $0x2  }
0x33e: {  	s0 =	rddreg [dreg:$0x0];
	s2 =	stileid.u32  }
0x33f: {  	s1 =	rddreg [dreg:$0x1];
	p0 =	sne.s32 s2, $0x0  }
0x340: {  	s3 =	rddreg [dreg:$0x2];
	[bflag:$0x3] =	sbarrier.arrive $0xFFFF;
	s2 =	simm.s32 @!p0 $0x1C05  }
0x341: {  	[timem:s3], [sflag:s2] =	dma.local @!p0 [hbm:s0], s1  }
0x342: {  	s0 =	simm.s32 @!p0 $0x5  }
0x343: {  	_ =	swait.ge @!p0 [sflag:s0], s1  }
0x344: {  	s1 =	ssub.s32 @!p0 $0x0, s1;
	[sflag:s0] =	ssyncset.done @!p0 $0x0  }
0x345: {  	[sflag:s0] =	ssyncadd.s32 @!p0 s1  }
0x346: {  	[bflag:$0x3] =	sbarrier.arrive $0xFFFF  }
0x347: {  	_ =	shalt  }

</sc_bundles>
